<compile_context>
chip_gen: v7x
topology: tpu7x:2x2x1
jax: 0.10.2.dev20260603
libtpu: 0.0.44.dev20260713+nightly
codegen_flags: <defaults>
</compile_context>

<pallas_src>
import functools

import jax
import jax.numpy as jnp
from jax import lax
from jax.experimental import pallas as pl
from jax.experimental.pallas import tpu as pltpu
from jax.experimental.pallas import tpu_sc as plsc

EMBEDDING_DIM = 32
NUM_CORES = 2
NUM_SUBCORES = 16
NUM_WORKERS = NUM_CORES * NUM_SUBCORES
CHUNK_B = 16
NBUF = 2
LANES = 16


@functools.partial(jax.jit, static_argnums=(2, 3))
def _gather_rows(table, x, batch, hist):
    mesh = plsc.VectorSubcoreMesh(core_axis_name="c", subcore_axis_name="s")
    bpw = batch // NUM_WORKERS
    n_chunks = bpw // CHUNK_B
    d8 = EMBEDDING_DIM // 8
    bt = batch // 128

    @functools.partial(
        pl.kernel,
        mesh=mesh,
        out_type=jax.ShapeDtypeStruct((hist, d8, bt, 8, 128), jnp.float32),
        scratch_types=[
            pltpu.VMEM((bpw, hist), jnp.int32),
            pltpu.VMEM((CHUNK_B, hist, EMBEDDING_DIM), jnp.float32),
            pltpu.VMEM((CHUNK_B, hist, EMBEDDING_DIM), jnp.float32),
            pltpu.VMEM((hist, d8, 8, CHUNK_B), jnp.float32),
            pltpu.VMEM((hist, d8, 8, CHUNK_B), jnp.float32),
            pltpu.SemaphoreType.DMA,
            pltpu.SemaphoreType.DMA,
            pltpu.SemaphoreType.DMA,
            pltpu.SemaphoreType.DMA,
        ],
        compiler_params=pltpu.CompilerParams(use_tc_tiling_on_sc=False, needs_layout_passes=False),
    )
    def k(table_hbm, x_hbm, out_hbm, idx_v, rows0, rows1, t0, t1, g0, g1, w0, w1):
        wid = lax.axis_index("s") * NUM_CORES + lax.axis_index("c")
        base = wid * bpw
        rows = (rows0, rows1)
        tbuf = (t0, t1)
        gsem = (g0, g1)
        wsem = (w0, w1)

        pltpu.sync_copy(x_hbm.at[pl.ds(base, bpw)], idx_v)

        iot = lax.iota(jnp.int32, LANES)
        ti_lo = iot // 8
        ti_hi = ti_lo + 2
        dlo = lax.rem(iot, 8)

        def row_gather_desc(i, j, b):
            return pltpu.make_async_copy(
                table_hbm.at[idx_v.at[i * CHUNK_B + j]],
                rows[b].at[j],
                gsem[b],
            )

        def fire_gathers(i, b):
            def fj(j, c):
                row_gather_desc(i, j, b).start()
                return c

            lax.fori_loop(0, CHUNK_B, fj, 0)

        def drain_gathers(i, b):
            def fj(j, c):
                row_gather_desc(i, j, b).wait()
                return c

            lax.fori_loop(0, CHUNK_B, fj, 0)

        HU = 10

        def transpose_chunk(b):
            def fb(j, c):
                jv = jnp.full((LANES,), j, jnp.int32)

                def fh(h5, c2):
                    h0 = h5 * HU
                    for u in range(HU):
                        h = h0 + u
                        lo = rows[b][j, h, pl.ds(0, LANES)]
                        hi = rows[b][j, h, pl.ds(LANES, LANES)]
                        plsc.store_scatter(tbuf[b].at[h], [ti_lo, dlo, jv], lo)
                        plsc.store_scatter(tbuf[b].at[h], [ti_hi, dlo, jv], hi)
                    return c2

                lax.fori_loop(0, hist // HU, fh, 0)
                return c

            lax.fori_loop(0, CHUNK_B, fb, 0)

        def write_desc(i, b):
            gb = base + i * CHUNK_B
            tj = gb // 128
            bl0 = gb % 128
            return pltpu.make_async_copy(
                tbuf[b],
                out_hbm.at[pl.ds(0, hist), pl.ds(0, d8), tj, pl.ds(0, 8),
                           pl.ds(bl0, CHUNK_B)],
                wsem[b],
            )

        for b in range(NBUF):
            fire_gathers(b, b)

        def body(g, carry):
            for b in range(NBUF):
                i = g * NBUF + b

                @pl.when(i >= NBUF)
                def _(i=i, b=b):
                    write_desc(i - NBUF, b).wait()

                drain_gathers(i, b)
                transpose_chunk(b)
                write_desc(i, b).start()
                fire_gathers(i + NBUF, b)
            return carry

        lax.fori_loop(0, n_chunks // NBUF - 1, body, 0)

        for b in range(NBUF):
            i = n_chunks - NBUF + b

            @pl.when(i >= NBUF)
            def _(i=i, b=b):
                write_desc(i - NBUF, b).wait()

            drain_gathers(i, b)
            transpose_chunk(b)
            write_desc(i, b).start()
        for b in range(NBUF):
            i = n_chunks - NBUF + b
            write_desc(i, b).wait()

    return k(table, x)


def kernel(x, table):
    b, h = x.shape
    out5 = _gather_rows(table, x.astype(jnp.int32), b, h)
    return out5.transpose(2, 4, 0, 1, 3).reshape(b, h, EMBEDDING_DIM)

# --- scband reference (transcript-rebuilt; emitter-appended) ---
"""Pipeline reference for scband-packed-embedder-12695923327679 (READ-ONLY COPY).

The authoritative reference and input builder live on the scoring server;
editing this copy changes nothing except your own understanding.
"""

import jax, jax.numpy as jnp
import numpy as np

NUM_EMBEDDINGS = 1000000
EMBEDDING_DIM = 32
BATCH = 16384
HIST_LEN = 50

def setup_inputs(seed: int = 0) -> dict:
    key = jax.random.key(seed)
    k1, k2 = jax.random.split(key)
    x = jax.random.randint(k1, (BATCH, HIST_LEN), 0, NUM_EMBEDDINGS, dtype=jnp.int64 if jax.config.read('jax_enable_x64') else jnp.int32)
    table = jax.random.normal(k2, (NUM_EMBEDDINGS, EMBEDDING_DIM), dtype=jnp.float32) * 0.02
    # padding_idx=0: row 0 is zeroed, matching nn.Embedding(padding_idx=0)
    table = table.at[0].set(0.0)
    return {"x": x, "table": table}

def reference(x, table):
    # PackedEmbedder forward with a plain tensor input: just the embedding lookup.
    # gather -> jnp.take(table, idx, axis=0), maps to SparseCore embedding gather.
    return jnp.take(table, x, axis=0)

if __name__ == "__main__":
    import jax
    _d = setup_inputs()
    print(jax.jit(kernel)(*tuple(_d.values())))

</pallas_src>

<mosaic_0001>
#map = affine_map<(d0, d1) -> (0, 0)>
#map1 = affine_map<(d0, d1) -> (0, 0, 0, 0, 0)>
module attributes {stable_mosaic.version = 14 : i64} {
  func.func @k(%arg0: i32, %arg1: i32, %arg2: memref<1000000x32xf32, #tpu.memory_space<hbm>>, %arg3: memref<16384x50xi32, #tpu.memory_space<hbm>>, %arg4: memref<50x4x128x8x128xf32, #tpu.memory_space<hbm>>, %arg5: memref<512x50xi32, #tpu.memory_space<vmem>>, %arg6: memref<16x50x32xf32, #tpu.memory_space<vmem>>, %arg7: memref<16x50x32xf32, #tpu.memory_space<vmem>>, %arg8: memref<50x4x8x16xf32, #tpu.memory_space<vmem>>, %arg9: memref<50x4x8x16xf32, #tpu.memory_space<vmem>>, %arg10: memref<!tpu.dma_semaphore, #tpu.memory_space<semaphore_mem>>, %arg11: memref<!tpu.dma_semaphore, #tpu.memory_space<semaphore_mem>>, %arg12: memref<!tpu.dma_semaphore, #tpu.memory_space<semaphore_mem>>, %arg13: memref<!tpu.dma_semaphore, #tpu.memory_space<semaphore_mem>>) attributes {dimension_semantics = [#tpu.dimension_semantics<core_parallel>, #tpu.dimension_semantics<subcore_parallel>], iteration_bounds = array<i64: 2, 16>, scalar_prefetch = 0 : i64, scratch_operands = 9 : i64, tpu.core_type = #tpu.core_type<sc_vector_subcore>, window_params = [{transform_indices = #map}, {transform_indices = #map}, {transform_indices = #map1}]} {
    %mul3A = arith.constant 2 : i32
    %mul3A_0 = arith.muli %arg1, %mul3A : i32
    %add3A = arith.addi %mul3A_0, %arg0 : i32
    %mul3A_1 = arith.constant 512 : i32
    %mul3A_2 = arith.muli %add3A, %mul3A_1 : i32
    "tpu.region"() ({
      %run_scoped3A = tpu.sem_alloc : memref<!tpu.dma_semaphore, #tpu.memory_space<semaphore_mem>>
      %dma_start3A_381 = arith.constant 0 : i32
      %dma_start3A_382 = tpu.memref_slice %arg3[%mul3A_2, %dma_start3A_381] : memref<16384x50xi32, #tpu.memory_space<hbm>> -> memref<512x50xi32, #tpu.memory_space<hbm>>
      %dma_start3A_383 = arith.constant 0 : i32
      %dma_start3A_384 = tpu.memref_slice %arg3[%mul3A_2, %dma_start3A_383] : memref<16384x50xi32, #tpu.memory_space<hbm>> -> memref<512x50xi32, #tpu.memory_space<hbm>>
      tpu.enqueue_dma source(%dma_start3A_384 : memref<512x50xi32, #tpu.memory_space<hbm>>) target(%arg5 : memref<512x50xi32, #tpu.memory_space<vmem>>) target_semaphore(%run_scoped3A : memref<!tpu.dma_semaphore, #tpu.memory_space<semaphore_mem>>)
      %dma_wait3A_385 = arith.constant 0 : i32
      %dma_wait3A_386 = tpu.memref_slice %arg3[%mul3A_2, %dma_wait3A_385] : memref<16384x50xi32, #tpu.memory_space<hbm>> -> memref<512x50xi32, #tpu.memory_space<hbm>>
      %dma_wait3A_387 = arith.constant 0 : i32
      %dma_wait3A_388 = tpu.memref_slice %arg3[%mul3A_2, %dma_wait3A_387] : memref<16384x50xi32, #tpu.memory_space<hbm>> -> memref<512x50xi32, #tpu.memory_space<hbm>>
      tpu.wait_dma2 semaphore(%run_scoped3A : memref<!tpu.dma_semaphore, #tpu.memory_space<semaphore_mem>>) src(%dma_wait3A_388 : memref<512x50xi32, #tpu.memory_space<hbm>>) dst(%arg5 : memref<512x50xi32, #tpu.memory_space<vmem>>)
      tpu.yield
    }) : () -> ()
    %iota3A = tpu.iota {dimensions = array<i32: 0>} : vector<16xi32>
    %jit3A = arith.constant 8 : i32
    %div3A = vector.broadcast %jit3A : i32 to vector<16xi32>
    %div3A_3 = arith.divsi %iota3A, %div3A : vector<16xi32>
    %sign3A = arith.constant 0 : i32
    %sign3A_4 = vector.broadcast %sign3A : i32 to vector<16xi32>
    %sign3A_5 = arith.cmpi sgt, %iota3A, %sign3A_4 : vector<16xi32>
    %sign3A_6 = arith.extui %sign3A_5 : vector<16xi1> to vector<16xi32>
    %sign3A_7 = arith.constant 0 : i32
    %sign3A_8 = vector.broadcast %sign3A_7 : i32 to vector<16xi32>
    %sign3A_9 = arith.cmpi slt, %iota3A, %sign3A_8 : vector<16xi32>
    %sign3A_10 = arith.extui %sign3A_9 : vector<16xi1> to vector<16xi32>
    %sign3A_11 = arith.subi %sign3A_6, %sign3A_10 : vector<16xi32>
    %sign3A_12 = arith.constant 0 : i32
    %sign3A_13 = arith.cmpi sgt, %jit3A, %sign3A_12 : i32
    %sign3A_14 = arith.extui %sign3A_13 : i1 to i32
    %sign3A_15 = arith.constant 0 : i32
    %sign3A_16 = arith.cmpi slt, %jit3A, %sign3A_15 : i32
    %sign3A_17 = arith.extui %sign3A_16 : i1 to i32
    %sign3A_18 = arith.subi %sign3A_14, %sign3A_17 : i32
    %ne3A = vector.broadcast %sign3A_18 : i32 to vector<16xi32>
    %ne3A_19 = arith.cmpi ne, %sign3A_11, %ne3A : vector<16xi32>
    %rem3A = vector.broadcast %jit3A : i32 to vector<16xi32>
    %rem3A_20 = arith.remsi %iota3A, %rem3A : vector<16xi32>
    %ne3A_21 = arith.constant 0 : i32
    %ne3A_22 = vector.broadcast %ne3A_21 : i32 to vector<16xi32>
    %ne3A_23 = arith.cmpi ne, %rem3A_20, %ne3A_22 : vector<16xi32>
    %and3A = arith.andi %ne3A_19, %ne3A_23 : vector<16xi1>
    %sub3A = arith.constant 1 : i32
    %sub3A_24 = vector.broadcast %sub3A : i32 to vector<16xi32>
    %sub3A_25 = arith.subi %div3A_3, %sub3A_24 : vector<16xi32>
    %select_n3A = arith.select %and3A, %sub3A_25, %div3A_3 : vector<16xi1>, vector<16xi32>
    %add3A_26 = arith.constant 2 : i32
    %add3A_27 = vector.broadcast %add3A_26 : i32 to vector<16xi32>
    %add3A_28 = arith.addi %select_n3A, %add3A_27 : vector<16xi32>
    %rem3A_29 = arith.constant 8 : i32
    %rem3A_30 = vector.broadcast %rem3A_29 : i32 to vector<16xi32>
    %rem3A_31 = arith.remsi %iota3A, %rem3A_30 : vector<16xi32>
    %scan3A = arith.constant 0 : i32
    %scan3A_32 = arith.constant 0 : i32
    %scan3A_33 = arith.constant 16 : i32
    %scan3A_34 = arith.addi %scan3A_32, %scan3A_33 : i32
    %scan3A_35 = arith.constant 1 : i32
    scf.for %scan3A_381 = %scan3A_32 to %scan3A_34 step %scan3A_35  : i32 {
      %add3A_382 = arith.constant 0 : i32
      %add3A_383 = arith.addi %add3A_382, %scan3A_381 : i32
      %dma_start3A_384 = arith.constant 0 : i32
      %dma_start3A_385 = arith.constant 0 : i32
      %dma_start3A_386 = tpu.memref_slice %arg6[%scan3A_381, %dma_start3A_384, %dma_start3A_385] : memref<16x50x32xf32, #tpu.memory_space<vmem>> -> memref<1x50x32xf32, #tpu.memory_space<vmem>>
      %dma_start3A_387 = tpu.memref_squeeze %dma_start3A_386 : memref<1x50x32xf32, #tpu.memory_space<vmem>> -> memref<50x32xf32, #tpu.memory_space<vmem>>
      %dma_start3A_388 = arith.constant 0 : i32
      %dma_start3A_389 = tpu.memref_slice %arg5[%add3A_383, %dma_start3A_388] : memref<512x50xi32, #tpu.memory_space<vmem>> -> memref<1x50xi32, #tpu.memory_space<vmem>>
      %dma_start3A_390 = tpu.memref_squeeze %dma_start3A_389 : memref<1x50xi32, #tpu.memory_space<vmem>> -> memref<50xi32, #tpu.memory_space<vmem>>
      %dma_start3A_391 = arith.constant 0 : i32
      %dma_start3A_392 = arith.constant 0 : i32
      %dma_start3A_393 = tpu.memref_slice %arg2[%dma_start3A_391, %dma_start3A_392] : memref<1000000x32xf32, #tpu.memory_space<hbm>> -> memref<1000000x32xf32, #tpu.memory_space<hbm>>
      tpu.enqueue_indirect_dma source(%dma_start3A_393 : memref<1000000x32xf32, #tpu.memory_space<hbm>>) target(%dma_start3A_387 : memref<50x32xf32, #tpu.memory_space<vmem>>) offsets(%dma_start3A_390 : memref<50xi32, #tpu.memory_space<vmem>>) semaphore(%arg10 : memref<!tpu.dma_semaphore, #tpu.memory_space<semaphore_mem>>)
    }
    %scan3A_36 = arith.constant 16 : i32
    %scan3A_37 = arith.constant 0 : i32
    %scan3A_38 = arith.constant 0 : i32
    %scan3A_39 = arith.constant 16 : i32
    %scan3A_40 = arith.addi %scan3A_38, %scan3A_39 : i32
    %scan3A_41 = arith.constant 1 : i32
    scf.for %scan3A_381 = %scan3A_38 to %scan3A_40 step %scan3A_41  : i32 {
      %add3A_382 = arith.constant 16 : i32
      %add3A_383 = arith.addi %add3A_382, %scan3A_381 : i32
      %dma_start3A_384 = arith.constant 0 : i32
      %dma_start3A_385 = arith.constant 0 : i32
      %dma_start3A_386 = tpu.memref_slice %arg7[%scan3A_381, %dma_start3A_384, %dma_start3A_385] : memref<16x50x32xf32, #tpu.memory_space<vmem>> -> memref<1x50x32xf32, #tpu.memory_space<vmem>>
      %dma_start3A_387 = tpu.memref_squeeze %dma_start3A_386 : memref<1x50x32xf32, #tpu.memory_space<vmem>> -> memref<50x32xf32, #tpu.memory_space<vmem>>
      %dma_start3A_388 = arith.constant 0 : i32
      %dma_start3A_389 = tpu.memref_slice %arg5[%add3A_383, %dma_start3A_388] : memref<512x50xi32, #tpu.memory_space<vmem>> -> memref<1x50xi32, #tpu.memory_space<vmem>>
      %dma_start3A_390 = tpu.memref_squeeze %dma_start3A_389 : memref<1x50xi32, #tpu.memory_space<vmem>> -> memref<50xi32, #tpu.memory_space<vmem>>
      %dma_start3A_391 = arith.constant 0 : i32
      %dma_start3A_392 = arith.constant 0 : i32
      %dma_start3A_393 = tpu.memref_slice %arg2[%dma_start3A_391, %dma_start3A_392] : memref<1000000x32xf32, #tpu.memory_space<hbm>> -> memref<1000000x32xf32, #tpu.memory_space<hbm>>
      tpu.enqueue_indirect_dma source(%dma_start3A_393 : memref<1000000x32xf32, #tpu.memory_space<hbm>>) target(%dma_start3A_387 : memref<50x32xf32, #tpu.memory_space<vmem>>) offsets(%dma_start3A_390 : memref<50xi32, #tpu.memory_space<vmem>>) semaphore(%arg11 : memref<!tpu.dma_semaphore, #tpu.memory_space<semaphore_mem>>)
    }
    %scan3A_42 = arith.constant 16 : i32
    %scan3A_43 = arith.constant 0 : i32
    %scan3A_44 = arith.constant 0 : i32
    %scan3A_45 = arith.constant 15 : i32
    %scan3A_46 = arith.addi %scan3A_44, %scan3A_45 : i32
    %scan3A_47 = arith.constant 1 : i32
    scf.for %scan3A_381 = %scan3A_44 to %scan3A_46 step %scan3A_47  : i32 {
      %mul3A_382 = arith.constant 2 : i32
      %mul3A_383 = arith.muli %scan3A_381, %mul3A_382 : i32
      %add3A_384 = arith.constant 0 : i32
      %add3A_385 = arith.addi %mul3A_383, %add3A_384 : i32
      %ge3A = arith.constant 2 : i32
      %ge3A_386 = arith.cmpi sge, %add3A_385, %ge3A : i32
      %convert_element_type3A = arith.extui %ge3A_386 : i1 to i32
      %cond3A = arith.constant 0 : i32
      %cond3A_387 = arith.cmpi ne, %convert_element_type3A, %cond3A : i32
      scf.if %cond3A_387 {
        %sub3A_543 = arith.constant 2 : i32
        %sub3A_544 = arith.subi %add3A_385, %sub3A_543 : i32
        %mul3A_545 = arith.constant 16 : i32
        %mul3A_546 = arith.muli %sub3A_544, %mul3A_545 : i32
        %add3A_547 = arith.addi %mul3A_2, %mul3A_546 : i32
        %jit3A_548 = arith.constant 128 : i32
        %div3A_549 = arith.divsi %add3A_547, %jit3A_548 : i32
        %sign3A_550 = arith.constant 0 : i32
        %sign3A_551 = arith.cmpi sgt, %add3A_547, %sign3A_550 : i32
        %sign3A_552 = arith.extui %sign3A_551 : i1 to i32
        %sign3A_553 = arith.constant 0 : i32
        %sign3A_554 = arith.cmpi slt, %add3A_547, %sign3A_553 : i32
        %sign3A_555 = arith.extui %sign3A_554 : i1 to i32
        %sign3A_556 = arith.subi %sign3A_552, %sign3A_555 : i32
        %sign3A_557 = arith.constant 0 : i32
        %sign3A_558 = arith.cmpi sgt, %jit3A_548, %sign3A_557 : i32
        %sign3A_559 = arith.extui %sign3A_558 : i1 to i32
        %sign3A_560 = arith.constant 0 : i32
        %sign3A_561 = arith.cmpi slt, %jit3A_548, %sign3A_560 : i32
        %sign3A_562 = arith.extui %sign3A_561 : i1 to i32
        %sign3A_563 = arith.subi %sign3A_559, %sign3A_562 : i32
        %ne3A_564 = arith.cmpi ne, %sign3A_556, %sign3A_563 : i32
        %rem3A_565 = arith.remsi %add3A_547, %jit3A_548 : i32
        %ne3A_566 = arith.constant 0 : i32
        %ne3A_567 = arith.cmpi ne, %rem3A_565, %ne3A_566 : i32
        %and3A_568 = arith.andi %ne3A_564, %ne3A_567 : i1
        %sub3A_569 = arith.constant 1 : i32
        %sub3A_570 = arith.subi %div3A_549, %sub3A_569 : i32
        %select_n3A_571 = arith.select %and3A_568, %sub3A_570, %div3A_549 : i32
        %jit3A_572 = arith.constant 128 : i32
        %eq3A_573 = arith.constant 0 : i32
        %eq3A_574 = arith.cmpi eq, %jit3A_572, %eq3A_573 : i32
        %jit3A_575 = arith.constant 1 : i32
        %select_n3A_576 = arith.select %eq3A_574, %jit3A_575, %jit3A_572 : i32
        %rem3A_577 = arith.remsi %add3A_547, %select_n3A_576 : i32
        %ne3A_578 = arith.constant 0 : i32
        %ne3A_579 = arith.cmpi ne, %rem3A_577, %ne3A_578 : i32
        %lt3A_580 = arith.constant 0 : i32
        %lt3A_581 = arith.cmpi slt, %rem3A_577, %lt3A_580 : i32
        %lt3A_582 = arith.constant 0 : i32
        %lt3A_583 = arith.cmpi slt, %select_n3A_576, %lt3A_582 : i32
        %ne3A_584 = arith.xori %lt3A_581, %lt3A_583 : i1
        %and3A_585 = arith.andi %ne3A_584, %ne3A_579 : i1
        %add3A_586 = arith.addi %rem3A_577, %select_n3A_576 : i32
        %select_n3A_587 = arith.select %and3A_585, %add3A_586, %rem3A_577 : i32
        %dma_wait3A_588 = arith.constant 0 : i32
        %dma_wait3A_589 = arith.constant 0 : i32
        %dma_wait3A_590 = arith.constant 0 : i32
        %dma_wait3A_591 = tpu.memref_slice %arg4[%dma_wait3A_588, %dma_wait3A_589, %select_n3A_571, %dma_wait3A_590, %select_n3A_587] : memref<50x4x128x8x128xf32, #tpu.memory_space<hbm>> -> memref<50x4x1x8x16xf32, #tpu.memory_space<hbm>>
        %dma_wait3A_592 = tpu.memref_squeeze %dma_wait3A_591 : memref<50x4x1x8x16xf32, #tpu.memory_space<hbm>> -> memref<50x4x8x16xf32, #tpu.memory_space<hbm>>
        %dma_wait3A_593 = arith.constant 0 : i32
        %dma_wait3A_594 = arith.constant 0 : i32
        %dma_wait3A_595 = arith.constant 0 : i32
        %dma_wait3A_596 = tpu.memref_slice %arg4[%dma_wait3A_593, %dma_wait3A_594, %select_n3A_571, %dma_wait3A_595, %select_n3A_587] : memref<50x4x128x8x128xf32, #tpu.memory_space<hbm>> -> memref<50x4x1x8x16xf32, #tpu.memory_space<hbm>>
        %dma_wait3A_597 = tpu.memref_squeeze %dma_wait3A_596 : memref<50x4x1x8x16xf32, #tpu.memory_space<hbm>> -> memref<50x4x8x16xf32, #tpu.memory_space<hbm>>
        tpu.wait_dma2 semaphore(%arg12 : memref<!tpu.dma_semaphore, #tpu.memory_space<semaphore_mem>>) src(%arg8 : memref<50x4x8x16xf32, #tpu.memory_space<vmem>>) dst(%dma_wait3A_597 : memref<50x4x8x16xf32, #tpu.memory_space<hbm>>)
      } else {
      }
      %scan3A_388 = arith.constant 0 : i32
      %scan3A_389 = arith.constant 0 : i32
      %scan3A_390 = arith.constant 16 : i32
      %scan3A_391 = arith.addi %scan3A_389, %scan3A_390 : i32
      %scan3A_392 = arith.constant 1 : i32
      scf.for %scan3A_543 = %scan3A_389 to %scan3A_391 step %scan3A_392  : i32 {
        %mul3A_544 = arith.constant 16 : i32
        %mul3A_545 = arith.muli %add3A_385, %mul3A_544 : i32
        %add3A_546 = arith.addi %mul3A_545, %scan3A_543 : i32
        %dma_wait3A_547 = arith.constant 0 : i32
        %dma_wait3A_548 = arith.constant 0 : i32
        %dma_wait3A_549 = tpu.memref_slice %arg6[%scan3A_543, %dma_wait3A_547, %dma_wait3A_548] : memref<16x50x32xf32, #tpu.memory_space<vmem>> -> memref<1x50x32xf32, #tpu.memory_space<vmem>>
        %dma_wait3A_550 = tpu.memref_squeeze %dma_wait3A_549 : memref<1x50x32xf32, #tpu.memory_space<vmem>> -> memref<50x32xf32, #tpu.memory_space<vmem>>
        %dma_wait3A_551 = arith.constant 0 : i32
        %dma_wait3A_552 = tpu.memref_slice %arg5[%add3A_546, %dma_wait3A_551] : memref<512x50xi32, #tpu.memory_space<vmem>> -> memref<1x50xi32, #tpu.memory_space<vmem>>
        %dma_wait3A_553 = tpu.memref_squeeze %dma_wait3A_552 : memref<1x50xi32, #tpu.memory_space<vmem>> -> memref<50xi32, #tpu.memory_space<vmem>>
        %dma_wait3A_554 = arith.constant 0 : i32
        %dma_wait3A_555 = arith.constant 0 : i32
        %dma_wait3A_556 = tpu.memref_slice %arg2[%dma_wait3A_554, %dma_wait3A_555] : memref<1000000x32xf32, #tpu.memory_space<hbm>> -> memref<1000000x32xf32, #tpu.memory_space<hbm>>
        tpu.wait_indirect_dma semaphore(%arg10 : memref<!tpu.dma_semaphore, #tpu.memory_space<semaphore_mem>>) src(%dma_wait3A_556 : memref<1000000x32xf32, #tpu.memory_space<hbm>>) dst(%dma_wait3A_550 : memref<50x32xf32, #tpu.memory_space<vmem>>)
      }
      %scan3A_393 = arith.constant 16 : i32
      %scan3A_394 = arith.constant 0 : i32
      %scan3A_395 = arith.constant 0 : i32
      %scan3A_396 = arith.constant 16 : i32
      %scan3A_397 = arith.addi %scan3A_395, %scan3A_396 : i32
      %scan3A_398 = arith.constant 1 : i32
      scf.for %scan3A_543 = %scan3A_395 to %scan3A_397 step %scan3A_398  : i32 {
        %broadcast_in_dim3A = vector.broadcast %scan3A_543 : i32 to vector<16xi32>
        %scan3A_544 = arith.constant 0 : i32
        %scan3A_545 = arith.constant 0 : i32
        %scan3A_546 = arith.constant 5 : i32
        %scan3A_547 = arith.addi %scan3A_545, %scan3A_546 : i32
        %scan3A_548 = arith.constant 1 : i32
        scf.for %scan3A_550 = %scan3A_545 to %scan3A_547 step %scan3A_548  : i32 {
          %mul3A_551 = arith.constant 10 : i32
          %mul3A_552 = arith.muli %scan3A_550, %mul3A_551 : i32
          %add3A_553 = arith.constant 0 : i32
          %add3A_554 = arith.addi %mul3A_552, %add3A_553 : i32
          %get3A = arith.index_cast %scan3A_543 : i32 to index
          %get3A_555 = arith.index_cast %add3A_554 : i32 to index
          %get3A_556 = arith.constant 0 : index
          %get3A_557 = tpu.vector_load %arg6[%get3A, %get3A_555, %get3A_556] {strides = array<i32>} : memref<16x50x32xf32, #tpu.memory_space<vmem>>, vector<16xf32>,
          %get3A_558 = arith.index_cast %scan3A_543 : i32 to index
          %get3A_559 = arith.index_cast %add3A_554 : i32 to index
          %get3A_560 = arith.constant 16 : index
          %get3A_561 = tpu.vector_load %arg6[%get3A_558, %get3A_559, %get3A_560] {strides = array<i32>} : memref<16x50x32xf32, #tpu.memory_space<vmem>>, vector<16xf32>,
          %scatter3A = arith.constant 0 : i32
          %scatter3A_562 = arith.constant 0 : i32
          %scatter3A_563 = arith.constant 0 : i32
          %scatter3A_564 = tpu.memref_slice %arg8[%add3A_554, %scatter3A, %scatter3A_562, %scatter3A_563] : memref<50x4x8x16xf32, #tpu.memory_space<vmem>> -> memref<1x4x8x16xf32, #tpu.memory_space<vmem>>
          %scatter3A_565 = tpu.memref_squeeze %scatter3A_564 : memref<1x4x8x16xf32, #tpu.memory_space<vmem>> -> memref<4x8x16xf32, #tpu.memory_space<vmem>>
          tpu.vector_store_idx %scatter3A_565[%select_n3A, %rem3A_31, %broadcast_in_dim3A], %get3A_557 : memref<4x8x16xf32, #tpu.memory_space<vmem>>[vector<16xi32>, vector<16xi32>, vector<16xi32>], vector<16xf32>,
          %scatter3A_566 = arith.constant 0 : i32
          %scatter3A_567 = arith.constant 0 : i32
          %scatter3A_568 = arith.constant 0 : i32
          %scatter3A_569 = tpu.memref_slice %arg8[%add3A_554, %scatter3A_566, %scatter3A_567, %scatter3A_568] : memref<50x4x8x16xf32, #tpu.memory_space<vmem>> -> memref<1x4x8x16xf32, #tpu.memory_space<vmem>>
          %scatter3A_570 = tpu.memref_squeeze %scatter3A_569 : memref<1x4x8x16xf32, #tpu.memory_space<vmem>> -> memref<4x8x16xf32, #tpu.memory_space<vmem>>
          tpu.vector_store_idx %scatter3A_570[%add3A_28, %rem3A_31, %broadcast_in_dim3A], %get3A_561 : memref<4x8x16xf32, #tpu.memory_space<vmem>>[vector<16xi32>, vector<16xi32>, vector<16xi32>], vector<16xf32>,
          %add3A_571 = arith.constant 1 : i32
          %add3A_572 = arith.addi %mul3A_552, %add3A_571 : i32
          %get3A_573 = arith.index_cast %scan3A_543 : i32 to index
          %get3A_574 = arith.index_cast %add3A_572 : i32 to index
          %get3A_575 = arith.constant 0 : index
          %get3A_576 = tpu.vector_load %arg6[%get3A_573, %get3A_574, %get3A_575] {strides = array<i32>} : memref<16x50x32xf32, #tpu.memory_space<vmem>>, vector<16xf32>,
          %get3A_577 = arith.index_cast %scan3A_543 : i32 to index
          %get3A_578 = arith.index_cast %add3A_572 : i32 to index
          %get3A_579 = arith.constant 16 : index
          %get3A_580 = tpu.vector_load %arg6[%get3A_577, %get3A_578, %get3A_579] {strides = array<i32>} : memref<16x50x32xf32, #tpu.memory_space<vmem>>, vector<16xf32>,
          %scatter3A_581 = arith.constant 0 : i32
          %scatter3A_582 = arith.constant 0 : i32
          %scatter3A_583 = arith.constant 0 : i32
          %scatter3A_584 = tpu.memref_slice %arg8[%add3A_572, %scatter3A_581, %scatter3A_582, %scatter3A_583] : memref<50x4x8x16xf32, #tpu.memory_space<vmem>> -> memref<1x4x8x16xf32, #tpu.memory_space<vmem>>
          %scatter3A_585 = tpu.memref_squeeze %scatter3A_584 : memref<1x4x8x16xf32, #tpu.memory_space<vmem>> -> memref<4x8x16xf32, #tpu.memory_space<vmem>>
          tpu.vector_store_idx %scatter3A_585[%select_n3A, %rem3A_31, %broadcast_in_dim3A], %get3A_576 : memref<4x8x16xf32, #tpu.memory_space<vmem>>[vector<16xi32>, vector<16xi32>, vector<16xi32>], vector<16xf32>,
          %scatter3A_586 = arith.constant 0 : i32
          %scatter3A_587 = arith.constant 0 : i32
          %scatter3A_588 = arith.constant 0 : i32
          %scatter3A_589 = tpu.memref_slice %arg8[%add3A_572, %scatter3A_586, %scatter3A_587, %scatter3A_588] : memref<50x4x8x16xf32, #tpu.memory_space<vmem>> -> memref<1x4x8x16xf32, #tpu.memory_space<vmem>>
          %scatter3A_590 = tpu.memref_squeeze %scatter3A_589 : memref<1x4x8x16xf32, #tpu.memory_space<vmem>> -> memref<4x8x16xf32, #tpu.memory_space<vmem>>
          tpu.vector_store_idx %scatter3A_590[%add3A_28, %rem3A_31, %broadcast_in_dim3A], %get3A_580 : memref<4x8x16xf32, #tpu.memory_space<vmem>>[vector<16xi32>, vector<16xi32>, vector<16xi32>], vector<16xf32>,
          %add3A_591 = arith.constant 2 : i32
          %add3A_592 = arith.addi %mul3A_552, %add3A_591 : i32
          %get3A_593 = arith.index_cast %scan3A_543 : i32 to index
          %get3A_594 = arith.index_cast %add3A_592 : i32 to index
          %get3A_595 = arith.constant 0 : index
          %get3A_596 = tpu.vector_load %arg6[%get3A_593, %get3A_594, %get3A_595] {strides = array<i32>} : memref<16x50x32xf32, #tpu.memory_space<vmem>>, vector<16xf32>,
          %get3A_597 = arith.index_cast %scan3A_543 : i32 to index
          %get3A_598 = arith.index_cast %add3A_592 : i32 to index
          %get3A_599 = arith.constant 16 : index
          %get3A_600 = tpu.vector_load %arg6[%get3A_597, %get3A_598, %get3A_599] {strides = array<i32>} : memref<16x50x32xf32, #tpu.memory_space<vmem>>, vector<16xf32>,
          %scatter3A_601 = arith.constant 0 : i32
          %scatter3A_602 = arith.constant 0 : i32
          %scatter3A_603 = arith.constant 0 : i32
          %scatter3A_604 = tpu.memref_slice %arg8[%add3A_592, %scatter3A_601, %scatter3A_602, %scatter3A_603] : memref<50x4x8x16xf32, #tpu.memory_space<vmem>> -> memref<1x4x8x16xf32, #tpu.memory_space<vmem>>
          %scatter3A_605 = tpu.memref_squeeze %scatter3A_604 : memref<1x4x8x16xf32, #tpu.memory_space<vmem>> -> memref<4x8x16xf32, #tpu.memory_space<vmem>>
          tpu.vector_store_idx %scatter3A_605[%select_n3A, %rem3A_31, %broadcast_in_dim3A], %get3A_596 : memref<4x8x16xf32, #tpu.memory_space<vmem>>[vector<16xi32>, vector<16xi32>, vector<16xi32>], vector<16xf32>,
          %scatter3A_606 = arith.constant 0 : i32
          %scatter3A_607 = arith.constant 0 : i32
          %scatter3A_608 = arith.constant 0 : i32
          %scatter3A_609 = tpu.memref_slice %arg8[%add3A_592, %scatter3A_606, %scatter3A_607, %scatter3A_608] : memref<50x4x8x16xf32, #tpu.memory_space<vmem>> -> memref<1x4x8x16xf32, #tpu.memory_space<vmem>>
          %scatter3A_610 = tpu.memref_squeeze %scatter3A_609 : memref<1x4x8x16xf32, #tpu.memory_space<vmem>> -> memref<4x8x16xf32, #tpu.memory_space<vmem>>
          tpu.vector_store_idx %scatter3A_610[%add3A_28, %rem3A_31, %broadcast_in_dim3A], %get3A_600 : memref<4x8x16xf32, #tpu.memory_space<vmem>>[vector<16xi32>, vector<16xi32>, vector<16xi32>], vector<16xf32>,
          %add3A_611 = arith.constant 3 : i32
          %add3A_612 = arith.addi %mul3A_552, %add3A_611 : i32
          %get3A_613 = arith.index_cast %scan3A_543 : i32 to index
          %get3A_614 = arith.index_cast %add3A_612 : i32 to index
          %get3A_615 = arith.constant 0 : index
          %get3A_616 = tpu.vector_load %arg6[%get3A_613, %get3A_614, %get3A_615] {strides = array<i32>} : memref<16x50x32xf32, #tpu.memory_space<vmem>>, vector<16xf32>,
          %get3A_617 = arith.index_cast %scan3A_543 : i32 to index
          %get3A_618 = arith.index_cast %add3A_612 : i32 to index
          %get3A_619 = arith.constant 16 : index
          %get3A_620 = tpu.vector_load %arg6[%get3A_617, %get3A_618, %get3A_619] {strides = array<i32>} : memref<16x50x32xf32, #tpu.memory_space<vmem>>, vector<16xf32>,
          %scatter3A_621 = arith.constant 0 : i32
          %scatter3A_622 = arith.constant 0 : i32
          %scatter3A_623 = arith.constant 0 : i32
          %scatter3A_624 = tpu.memref_slice %arg8[%add3A_612, %scatter3A_621, %scatter3A_622, %scatter3A_623] : memref<50x4x8x16xf32, #tpu.memory_space<vmem>> -> memref<1x4x8x16xf32, #tpu.memory_space<vmem>>
          %scatter3A_625 = tpu.memref_squeeze %scatter3A_624 : memref<1x4x8x16xf32, #tpu.memory_space<vmem>> -> memref<4x8x16xf32, #tpu.memory_space<vmem>>
          tpu.vector_store_idx %scatter3A_625[%select_n3A, %rem3A_31, %broadcast_in_dim3A], %get3A_616 : memref<4x8x16xf32, #tpu.memory_space<vmem>>[vector<16xi32>, vector<16xi32>, vector<16xi32>], vector<16xf32>,
          %scatter3A_626 = arith.constant 0 : i32
          %scatter3A_627 = arith.constant 0 : i32
          %scatter3A_628 = arith.constant 0 : i32
          %scatter3A_629 = tpu.memref_slice %arg8[%add3A_612, %scatter3A_626, %scatter3A_627, %scatter3A_628] : memref<50x4x8x16xf32, #tpu.memory_space<vmem>> -> memref<1x4x8x16xf32, #tpu.memory_space<vmem>>
          %scatter3A_630 = tpu.memref_squeeze %scatter3A_629 : memref<1x4x8x16xf32, #tpu.memory_space<vmem>> -> memref<4x8x16xf32, #tpu.memory_space<vmem>>
          tpu.vector_store_idx %scatter3A_630[%add3A_28, %rem3A_31, %broadcast_in_dim3A], %get3A_620 : memref<4x8x16xf32, #tpu.memory_space<vmem>>[vector<16xi32>, vector<16xi32>, vector<16xi32>], vector<16xf32>,
          %add3A_631 = arith.constant 4 : i32
          %add3A_632 = arith.addi %mul3A_552, %add3A_631 : i32
          %get3A_633 = arith.index_cast %scan3A_543 : i32 to index
          %get3A_634 = arith.index_cast %add3A_632 : i32 to index
          %get3A_635 = arith.constant 0 : index
          %get3A_636 = tpu.vector_load %arg6[%get3A_633, %get3A_634, %get3A_635] {strides = array<i32>} : memref<16x50x32xf32, #tpu.memory_space<vmem>>, vector<16xf32>,
          %get3A_637 = arith.index_cast %scan3A_543 : i32 to index
          %get3A_638 = arith.index_cast %add3A_632 : i32 to index
          %get3A_639 = arith.constant 16 : index
          %get3A_640 = tpu.vector_load %arg6[%get3A_637, %get3A_638, %get3A_639] {strides = array<i32>} : memref<16x50x32xf32, #tpu.memory_space<vmem>>, vector<16xf32>,
          %scatter3A_641 = arith.constant 0 : i32
          %scatter3A_642 = arith.constant 0 : i32
          %scatter3A_643 = arith.constant 0 : i32
          %scatter3A_644 = tpu.memref_slice %arg8[%add3A_632, %scatter3A_641, %scatter3A_642, %scatter3A_643] : memref<50x4x8x16xf32, #tpu.memory_space<vmem>> -> memref<1x4x8x16xf32, #tpu.memory_space<vmem>>
          %scatter3A_645 = tpu.memref_squeeze %scatter3A_644 : memref<1x4x8x16xf32, #tpu.memory_space<vmem>> -> memref<4x8x16xf32, #tpu.memory_space<vmem>>
          tpu.vector_store_idx %scatter3A_645[%select_n3A, %rem3A_31, %broadcast_in_dim3A], %get3A_636 : memref<4x8x16xf32, #tpu.memory_space<vmem>>[vector<16xi32>, vector<16xi32>, vector<16xi32>], vector<16xf32>,
          %scatter3A_646 = arith.constant 0 : i32
          %scatter3A_647 = arith.constant 0 : i32
          %scatter3A_648 = arith.constant 0 : i32
          %scatter3A_649 = tpu.memref_slice %arg8[%add3A_632, %scatter3A_646, %scatter3A_647, %scatter3A_648] : memref<50x4x8x16xf32, #tpu.memory_space<vmem>> -> memref<1x4x8x16xf32, #tpu.memory_space<vmem>>
          %scatter3A_650 = tpu.memref_squeeze %scatter3A_649 : memref<1x4x8x16xf32, #tpu.memory_space<vmem>> -> memref<4x8x16xf32, #tpu.memory_space<vmem>>
          tpu.vector_store_idx %scatter3A_650[%add3A_28, %rem3A_31, %broadcast_in_dim3A], %get3A_640 : memref<4x8x16xf32, #tpu.memory_space<vmem>>[vector<16xi32>, vector<16xi32>, vector<16xi32>], vector<16xf32>,
          %add3A_651 = arith.constant 5 : i32
          %add3A_652 = arith.addi %mul3A_552, %add3A_651 : i32
          %get3A_653 = arith.index_cast %scan3A_543 : i32 to index
          %get3A_654 = arith.index_cast %add3A_652 : i32 to index
          %get3A_655 = arith.constant 0 : index
          %get3A_656 = tpu.vector_load %arg6[%get3A_653, %get3A_654, %get3A_655] {strides = array<i32>} : memref<16x50x32xf32, #tpu.memory_space<vmem>>, vector<16xf32>,
          %get3A_657 = arith.index_cast %scan3A_543 : i32 to index
          %get3A_658 = arith.index_cast %add3A_652 : i32 to index
          %get3A_659 = arith.constant 16 : index
          %get3A_660 = tpu.vector_load %arg6[%get3A_657, %get3A_658, %get3A_659] {strides = array<i32>} : memref<16x50x32xf32, #tpu.memory_space<vmem>>, vector<16xf32>,
          %scatter3A_661 = arith.constant 0 : i32
          %scatter3A_662 = arith.constant 0 : i32
          %scatter3A_663 = arith.constant 0 : i32
          %scatter3A_664 = tpu.memref_slice %arg8[%add3A_652, %scatter3A_661, %scatter3A_662, %scatter3A_663] : memref<50x4x8x16xf32, #tpu.memory_space<vmem>> -> memref<1x4x8x16xf32, #tpu.memory_space<vmem>>
          %scatter3A_665 = tpu.memref_squeeze %scatter3A_664 : memref<1x4x8x16xf32, #tpu.memory_space<vmem>> -> memref<4x8x16xf32, #tpu.memory_space<vmem>>
          tpu.vector_store_idx %scatter3A_665[%select_n3A, %rem3A_31, %broadcast_in_dim3A], %get3A_656 : memref<4x8x16xf32, #tpu.memory_space<vmem>>[vector<16xi32>, vector<16xi32>, vector<16xi32>], vector<16xf32>,
          %scatter3A_666 = arith.constant 0 : i32
          %scatter3A_667 = arith.constant 0 : i32
          %scatter3A_668 = arith.constant 0 : i32
          %scatter3A_669 = tpu.memref_slice %arg8[%add3A_652, %scatter3A_666, %scatter3A_667, %scatter3A_668] : memref<50x4x8x16xf32, #tpu.memory_space<vmem>> -> memref<1x4x8x16xf32, #tpu.memory_space<vmem>>
          %scatter3A_670 = tpu.memref_squeeze %scatter3A_669 : memref<1x4x8x16xf32, #tpu.memory_space<vmem>> -> memref<4x8x16xf32, #tpu.memory_space<vmem>>
          tpu.vector_store_idx %scatter3A_670[%add3A_28, %rem3A_31, %broadcast_in_dim3A], %get3A_660 : memref<4x8x16xf32, #tpu.memory_space<vmem>>[vector<16xi32>, vector<16xi32>, vector<16xi32>], vector<16xf32>,
          %add3A_671 = arith.constant 6 : i32
          %add3A_672 = arith.addi %mul3A_552, %add3A_671 : i32
          %get3A_673 = arith.index_cast %scan3A_543 : i32 to index
          %get3A_674 = arith.index_cast %add3A_672 : i32 to index
          %get3A_675 = arith.constant 0 : index
          %get3A_676 = tpu.vector_load %arg6[%get3A_673, %get3A_674, %get3A_675] {strides = array<i32>} : memref<16x50x32xf32, #tpu.memory_space<vmem>>, vector<16xf32>,
          %get3A_677 = arith.index_cast %scan3A_543 : i32 to index
          %get3A_678 = arith.index_cast %add3A_672 : i32 to index
          %get3A_679 = arith.constant 16 : index
          %get3A_680 = tpu.vector_load %arg6[%get3A_677, %get3A_678, %get3A_679] {strides = array<i32>} : memref<16x50x32xf32, #tpu.memory_space<vmem>>, vector<16xf32>,
          %scatter3A_681 = arith.constant 0 : i32
          %scatter3A_682 = arith.constant 0 : i32
          %scatter3A_683 = arith.constant 0 : i32
          %scatter3A_684 = tpu.memref_slice %arg8[%add3A_672, %scatter3A_681, %scatter3A_682, %scatter3A_683] : memref<50x4x8x16xf32, #tpu.memory_space<vmem>> -> memref<1x4x8x16xf32, #tpu.memory_space<vmem>>
          %scatter3A_685 = tpu.memref_squeeze %scatter3A_684 : memref<1x4x8x16xf32, #tpu.memory_space<vmem>> -> memref<4x8x16xf32, #tpu.memory_space<vmem>>
          tpu.vector_store_idx %scatter3A_685[%select_n3A, %rem3A_31, %broadcast_in_dim3A], %get3A_676 : memref<4x8x16xf32, #tpu.memory_space<vmem>>[vector<16xi32>, vector<16xi32>, vector<16xi32>], vector<16xf32>,
          %scatter3A_686 = arith.constant 0 : i32
          %scatter3A_687 = arith.constant 0 : i32
          %scatter3A_688 = arith.constant 0 : i32
          %scatter3A_689 = tpu.memref_slice %arg8[%add3A_672, %scatter3A_686, %scatter3A_687, %scatter3A_688] : memref<50x4x8x16xf32, #tpu.memory_space<vmem>> -> memref<1x4x8x16xf32, #tpu.memory_space<vmem>>
          %scatter3A_690 = tpu.memref_squeeze %scatter3A_689 : memref<1x4x8x16xf32, #tpu.memory_space<vmem>> -> memref<4x8x16xf32, #tpu.memory_space<vmem>>
          tpu.vector_store_idx %scatter3A_690[%add3A_28, %rem3A_31, %broadcast_in_dim3A], %get3A_680 : memref<4x8x16xf32, #tpu.memory_space<vmem>>[vector<16xi32>, vector<16xi32>, vector<16xi32>], vector<16xf32>,
          %add3A_691 = arith.constant 7 : i32
          %add3A_692 = arith.addi %mul3A_552, %add3A_691 : i32
          %get3A_693 = arith.index_cast %scan3A_543 : i32 to index
          %get3A_694 = arith.index_cast %add3A_692 : i32 to index
          %get3A_695 = arith.constant 0 : index
          %get3A_696 = tpu.vector_load %arg6[%get3A_693, %get3A_694, %get3A_695] {strides = array<i32>} : memref<16x50x32xf32, #tpu.memory_space<vmem>>, vector<16xf32>,
          %get3A_697 = arith.index_cast %scan3A_543 : i32 to index
          %get3A_698 = arith.index_cast %add3A_692 : i32 to index
          %get3A_699 = arith.constant 16 : index
          %get3A_700 = tpu.vector_load %arg6[%get3A_697, %get3A_698, %get3A_699] {strides = array<i32>} : memref<16x50x32xf32, #tpu.memory_space<vmem>>, vector<16xf32>,
          %scatter3A_701 = arith.constant 0 : i32
          %scatter3A_702 = arith.constant 0 : i32
          %scatter3A_703 = arith.constant 0 : i32
          %scatter3A_704 = tpu.memref_slice %arg8[%add3A_692, %scatter3A_701, %scatter3A_702, %scatter3A_703] : memref<50x4x8x16xf32, #tpu.memory_space<vmem>> -> memref<1x4x8x16xf32, #tpu.memory_space<vmem>>
          %scatter3A_705 = tpu.memref_squeeze %scatter3A_704 : memref<1x4x8x16xf32, #tpu.memory_space<vmem>> -> memref<4x8x16xf32, #tpu.memory_space<vmem>>
          tpu.vector_store_idx %scatter3A_705[%select_n3A, %rem3A_31, %broadcast_in_dim3A], %get3A_696 : memref<4x8x16xf32, #tpu.memory_space<vmem>>[vector<16xi32>, vector<16xi32>, vector<16xi32>], vector<16xf32>,
          %scatter3A_706 = arith.constant 0 : i32
          %scatter3A_707 = arith.constant 0 : i32
          %scatter3A_708 = arith.constant 0 : i32
          %scatter3A_709 = tpu.memref_slice %arg8[%add3A_692, %scatter3A_706, %scatter3A_707, %scatter3A_708] : memref<50x4x8x16xf32, #tpu.memory_space<vmem>> -> memref<1x4x8x16xf32, #tpu.memory_space<vmem>>
          %scatter3A_710 = tpu.memref_squeeze %scatter3A_709 : memref<1x4x8x16xf32, #tpu.memory_space<vmem>> -> memref<4x8x16xf32, #tpu.memory_space<vmem>>
          tpu.vector_store_idx %scatter3A_710[%add3A_28, %rem3A_31, %broadcast_in_dim3A], %get3A_700 : memref<4x8x16xf32, #tpu.memory_space<vmem>>[vector<16xi32>, vector<16xi32>, vector<16xi32>], vector<16xf32>,
          %add3A_711 = arith.constant 8 : i32
          %add3A_712 = arith.addi %mul3A_552, %add3A_711 : i32
          %get3A_713 = arith.index_cast %scan3A_543 : i32 to index
          %get3A_714 = arith.index_cast %add3A_712 : i32 to index
          %get3A_715 = arith.constant 0 : index
          %get3A_716 = tpu.vector_load %arg6[%get3A_713, %get3A_714, %get3A_715] {strides = array<i32>} : memref<16x50x32xf32, #tpu.memory_space<vmem>>, vector<16xf32>,
          %get3A_717 = arith.index_cast %scan3A_543 : i32 to index
          %get3A_718 = arith.index_cast %add3A_712 : i32 to index
          %get3A_719 = arith.constant 16 : index
          %get3A_720 = tpu.vector_load %arg6[%get3A_717, %get3A_718, %get3A_719] {strides = array<i32>} : memref<16x50x32xf32, #tpu.memory_space<vmem>>, vector<16xf32>,
          %scatter3A_721 = arith.constant 0 : i32
          %scatter3A_722 = arith.constant 0 : i32
          %scatter3A_723 = arith.constant 0 : i32
          %scatter3A_724 = tpu.memref_slice %arg8[%add3A_712, %scatter3A_721, %scatter3A_722, %scatter3A_723] : memref<50x4x8x16xf32, #tpu.memory_space<vmem>> -> memref<1x4x8x16xf32, #tpu.memory_space<vmem>>
          %scatter3A_725 = tpu.memref_squeeze %scatter3A_724 : memref<1x4x8x16xf32, #tpu.memory_space<vmem>> -> memref<4x8x16xf32, #tpu.memory_space<vmem>>
          tpu.vector_store_idx %scatter3A_725[%select_n3A, %rem3A_31, %broadcast_in_dim3A], %get3A_716 : memref<4x8x16xf32, #tpu.memory_space<vmem>>[vector<16xi32>, vector<16xi32>, vector<16xi32>], vector<16xf32>,
          %scatter3A_726 = arith.constant 0 : i32
          %scatter3A_727 = arith.constant 0 : i32
          %scatter3A_728 = arith.constant 0 : i32
          %scatter3A_729 = tpu.memref_slice %arg8[%add3A_712, %scatter3A_726, %scatter3A_727, %scatter3A_728] : memref<50x4x8x16xf32, #tpu.memory_space<vmem>> -> memref<1x4x8x16xf32, #tpu.memory_space<vmem>>
          %scatter3A_730 = tpu.memref_squeeze %scatter3A_729 : memref<1x4x8x16xf32, #tpu.memory_space<vmem>> -> memref<4x8x16xf32, #tpu.memory_space<vmem>>
          tpu.vector_store_idx %scatter3A_730[%add3A_28, %rem3A_31, %broadcast_in_dim3A], %get3A_720 : memref<4x8x16xf32, #tpu.memory_space<vmem>>[vector<16xi32>, vector<16xi32>, vector<16xi32>], vector<16xf32>,
          %add3A_731 = arith.constant 9 : i32
          %add3A_732 = arith.addi %mul3A_552, %add3A_731 : i32
          %get3A_733 = arith.index_cast %scan3A_543 : i32 to index
          %get3A_734 = arith.index_cast %add3A_732 : i32 to index
          %get3A_735 = arith.constant 0 : index
          %get3A_736 = tpu.vector_load %arg6[%get3A_733, %get3A_734, %get3A_735] {strides = array<i32>} : memref<16x50x32xf32, #tpu.memory_space<vmem>>, vector<16xf32>,
          %get3A_737 = arith.index_cast %scan3A_543 : i32 to index
          %get3A_738 = arith.index_cast %add3A_732 : i32 to index
          %get3A_739 = arith.constant 16 : index
          %get3A_740 = tpu.vector_load %arg6[%get3A_737, %get3A_738, %get3A_739] {strides = array<i32>} : memref<16x50x32xf32, #tpu.memory_space<vmem>>, vector<16xf32>,
          %scatter3A_741 = arith.constant 0 : i32
          %scatter3A_742 = arith.constant 0 : i32
          %scatter3A_743 = arith.constant 0 : i32
          %scatter3A_744 = tpu.memref_slice %arg8[%add3A_732, %scatter3A_741, %scatter3A_742, %scatter3A_743] : memref<50x4x8x16xf32, #tpu.memory_space<vmem>> -> memref<1x4x8x16xf32, #tpu.memory_space<vmem>>
          %scatter3A_745 = tpu.memref_squeeze %scatter3A_744 : memref<1x4x8x16xf32, #tpu.memory_space<vmem>> -> memref<4x8x16xf32, #tpu.memory_space<vmem>>
          tpu.vector_store_idx %scatter3A_745[%select_n3A, %rem3A_31, %broadcast_in_dim3A], %get3A_736 : memref<4x8x16xf32, #tpu.memory_space<vmem>>[vector<16xi32>, vector<16xi32>, vector<16xi32>], vector<16xf32>,
          %scatter3A_746 = arith.constant 0 : i32
          %scatter3A_747 = arith.constant 0 : i32
          %scatter3A_748 = arith.constant 0 : i32
          %scatter3A_749 = tpu.memref_slice %arg8[%add3A_732, %scatter3A_746, %scatter3A_747, %scatter3A_748] : memref<50x4x8x16xf32, #tpu.memory_space<vmem>> -> memref<1x4x8x16xf32, #tpu.memory_space<vmem>>
          %scatter3A_750 = tpu.memref_squeeze %scatter3A_749 : memref<1x4x8x16xf32, #tpu.memory_space<vmem>> -> memref<4x8x16xf32, #tpu.memory_space<vmem>>
          tpu.vector_store_idx %scatter3A_750[%add3A_28, %rem3A_31, %broadcast_in_dim3A], %get3A_740 : memref<4x8x16xf32, #tpu.memory_space<vmem>>[vector<16xi32>, vector<16xi32>, vector<16xi32>], vector<16xf32>,
        }
        %scan3A_549 = arith.constant 5 : i32
      }
      %scan3A_399 = arith.constant 16 : i32
      %mul3A_400 = arith.constant 16 : i32
      %mul3A_401 = arith.muli %add3A_385, %mul3A_400 : i32
      %add3A_402 = arith.addi %mul3A_2, %mul3A_401 : i32
      %jit3A_403 = arith.constant 128 : i32
      %div3A_404 = arith.divsi %add3A_402, %jit3A_403 : i32
      %sign3A_405 = arith.constant 0 : i32
      %sign3A_406 = arith.cmpi sgt, %add3A_402, %sign3A_405 : i32
      %sign3A_407 = arith.extui %sign3A_406 : i1 to i32
      %sign3A_408 = arith.constant 0 : i32
      %sign3A_409 = arith.cmpi slt, %add3A_402, %sign3A_408 : i32
      %sign3A_410 = arith.extui %sign3A_409 : i1 to i32
      %sign3A_411 = arith.subi %sign3A_407, %sign3A_410 : i32
      %sign3A_412 = arith.constant 0 : i32
      %sign3A_413 = arith.cmpi sgt, %jit3A_403, %sign3A_412 : i32
      %sign3A_414 = arith.extui %sign3A_413 : i1 to i32
      %sign3A_415 = arith.constant 0 : i32
      %sign3A_416 = arith.cmpi slt, %jit3A_403, %sign3A_415 : i32
      %sign3A_417 = arith.extui %sign3A_416 : i1 to i32
      %sign3A_418 = arith.subi %sign3A_414, %sign3A_417 : i32
      %ne3A_419 = arith.cmpi ne, %sign3A_411, %sign3A_418 : i32
      %rem3A_420 = arith.remsi %add3A_402, %jit3A_403 : i32
      %ne3A_421 = arith.constant 0 : i32
      %ne3A_422 = arith.cmpi ne, %rem3A_420, %ne3A_421 : i32
      %and3A_423 = arith.andi %ne3A_419, %ne3A_422 : i1
      %sub3A_424 = arith.constant 1 : i32
      %sub3A_425 = arith.subi %div3A_404, %sub3A_424 : i32
      %select_n3A_426 = arith.select %and3A_423, %sub3A_425, %div3A_404 : i32
      %jit3A_427 = arith.constant 128 : i32
      %eq3A_428 = arith.constant 0 : i32
      %eq3A_429 = arith.cmpi eq, %jit3A_427, %eq3A_428 : i32
      %jit3A_430 = arith.constant 1 : i32
      %select_n3A_431 = arith.select %eq3A_429, %jit3A_430, %jit3A_427 : i32
      %rem3A_432 = arith.remsi %add3A_402, %select_n3A_431 : i32
      %ne3A_433 = arith.constant 0 : i32
      %ne3A_434 = arith.cmpi ne, %rem3A_432, %ne3A_433 : i32
      %lt3A_435 = arith.constant 0 : i32
      %lt3A_436 = arith.cmpi slt, %rem3A_432, %lt3A_435 : i32
      %lt3A_437 = arith.constant 0 : i32
      %lt3A_438 = arith.cmpi slt, %select_n3A_431, %lt3A_437 : i32
      %ne3A_439 = arith.xori %lt3A_436, %lt3A_438 : i1
      %and3A_440 = arith.andi %ne3A_439, %ne3A_434 : i1
      %add3A_441 = arith.addi %rem3A_432, %select_n3A_431 : i32
      %select_n3A_442 = arith.select %and3A_440, %add3A_441, %rem3A_432 : i32
      %dma_start3A_443 = arith.constant 0 : i32
      %dma_start3A_444 = arith.constant 0 : i32
      %dma_start3A_445 = arith.constant 0 : i32
      %dma_start3A_446 = tpu.memref_slice %arg4[%dma_start3A_443, %dma_start3A_444, %select_n3A_426, %dma_start3A_445, %select_n3A_442] : memref<50x4x128x8x128xf32, #tpu.memory_space<hbm>> -> memref<50x4x1x8x16xf32, #tpu.memory_space<hbm>>
      %dma_start3A_447 = tpu.memref_squeeze %dma_start3A_446 : memref<50x4x1x8x16xf32, #tpu.memory_space<hbm>> -> memref<50x4x8x16xf32, #tpu.memory_space<hbm>>
      %dma_start3A_448 = arith.constant 0 : i32
      %dma_start3A_449 = arith.constant 0 : i32
      %dma_start3A_450 = arith.constant 0 : i32
      %dma_start3A_451 = tpu.memref_slice %arg4[%dma_start3A_448, %dma_start3A_449, %select_n3A_426, %dma_start3A_450, %select_n3A_442] : memref<50x4x128x8x128xf32, #tpu.memory_space<hbm>> -> memref<50x4x1x8x16xf32, #tpu.memory_space<hbm>>
      %dma_start3A_452 = tpu.memref_squeeze %dma_start3A_451 : memref<50x4x1x8x16xf32, #tpu.memory_space<hbm>> -> memref<50x4x8x16xf32, #tpu.memory_space<hbm>>
      tpu.enqueue_dma source(%arg8 : memref<50x4x8x16xf32, #tpu.memory_space<vmem>>) target(%dma_start3A_452 : memref<50x4x8x16xf32, #tpu.memory_space<hbm>>) target_semaphore(%arg12 : memref<!tpu.dma_semaphore, #tpu.memory_space<semaphore_mem>>)
      %add3A_453 = arith.constant 2 : i32
      %add3A_454 = arith.addi %add3A_385, %add3A_453 : i32
      %scan3A_455 = arith.constant 0 : i32
      %scan3A_456 = arith.constant 0 : i32
      %scan3A_457 = arith.constant 16 : i32
      %scan3A_458 = arith.addi %scan3A_456, %scan3A_457 : i32
      %scan3A_459 = arith.constant 1 : i32
      scf.for %scan3A_543 = %scan3A_456 to %scan3A_458 step %scan3A_459  : i32 {
        %mul3A_544 = arith.constant 16 : i32
        %mul3A_545 = arith.muli %add3A_454, %mul3A_544 : i32
        %add3A_546 = arith.addi %mul3A_545, %scan3A_543 : i32
        %dma_start3A_547 = arith.constant 0 : i32
        %dma_start3A_548 = arith.constant 0 : i32
        %dma_start3A_549 = tpu.memref_slice %arg6[%scan3A_543, %dma_start3A_547, %dma_start3A_548] : memref<16x50x32xf32, #tpu.memory_space<vmem>> -> memref<1x50x32xf32, #tpu.memory_space<vmem>>
        %dma_start3A_550 = tpu.memref_squeeze %dma_start3A_549 : memref<1x50x32xf32, #tpu.memory_space<vmem>> -> memref<50x32xf32, #tpu.memory_space<vmem>>
        %dma_start3A_551 = arith.constant 0 : i32
        %dma_start3A_552 = tpu.memref_slice %arg5[%add3A_546, %dma_start3A_551] : memref<512x50xi32, #tpu.memory_space<vmem>> -> memref<1x50xi32, #tpu.memory_space<vmem>>
        %dma_start3A_553 = tpu.memref_squeeze %dma_start3A_552 : memref<1x50xi32, #tpu.memory_space<vmem>> -> memref<50xi32, #tpu.memory_space<vmem>>
        %dma_start3A_554 = arith.constant 0 : i32
        %dma_start3A_555 = arith.constant 0 : i32
        %dma_start3A_556 = tpu.memref_slice %arg2[%dma_start3A_554, %dma_start3A_555] : memref<1000000x32xf32, #tpu.memory_space<hbm>> -> memref<1000000x32xf32, #tpu.memory_space<hbm>>
        tpu.enqueue_indirect_dma source(%dma_start3A_556 : memref<1000000x32xf32, #tpu.memory_space<hbm>>) target(%dma_start3A_550 : memref<50x32xf32, #tpu.memory_space<vmem>>) offsets(%dma_start3A_553 : memref<50xi32, #tpu.memory_space<vmem>>) semaphore(%arg10 : memref<!tpu.dma_semaphore, #tpu.memory_space<semaphore_mem>>)
      }
      %scan3A_460 = arith.constant 16 : i32
      %mul3A_461 = arith.constant 2 : i32
      %mul3A_462 = arith.muli %scan3A_381, %mul3A_461 : i32
      %add3A_463 = arith.constant 1 : i32
      %add3A_464 = arith.addi %mul3A_462, %add3A_463 : i32
      %ge3A_465 = arith.constant 2 : i32
      %ge3A_466 = arith.cmpi sge, %add3A_464, %ge3A_465 : i32
      %convert_element_type3A_467 = arith.extui %ge3A_466 : i1 to i32
      %cond3A_468 = arith.constant 0 : i32
      %cond3A_469 = arith.cmpi ne, %convert_element_type3A_467, %cond3A_468 : i32
      scf.if %cond3A_469 {
        %sub3A_543 = arith.constant 2 : i32
        %sub3A_544 = arith.subi %add3A_464, %sub3A_543 : i32
        %mul3A_545 = arith.constant 16 : i32
        %mul3A_546 = arith.muli %sub3A_544, %mul3A_545 : i32
        %add3A_547 = arith.addi %mul3A_2, %mul3A_546 : i32
        %jit3A_548 = arith.constant 128 : i32
        %div3A_549 = arith.divsi %add3A_547, %jit3A_548 : i32
        %sign3A_550 = arith.constant 0 : i32
        %sign3A_551 = arith.cmpi sgt, %add3A_547, %sign3A_550 : i32
        %sign3A_552 = arith.extui %sign3A_551 : i1 to i32
        %sign3A_553 = arith.constant 0 : i32
        %sign3A_554 = arith.cmpi slt, %add3A_547, %sign3A_553 : i32
        %sign3A_555 = arith.extui %sign3A_554 : i1 to i32
        %sign3A_556 = arith.subi %sign3A_552, %sign3A_555 : i32
        %sign3A_557 = arith.constant 0 : i32
        %sign3A_558 = arith.cmpi sgt, %jit3A_548, %sign3A_557 : i32
        %sign3A_559 = arith.extui %sign3A_558 : i1 to i32
        %sign3A_560 = arith.constant 0 : i32
        %sign3A_561 = arith.cmpi slt, %jit3A_548, %sign3A_560 : i32
        %sign3A_562 = arith.extui %sign3A_561 : i1 to i32
        %sign3A_563 = arith.subi %sign3A_559, %sign3A_562 : i32
        %ne3A_564 = arith.cmpi ne, %sign3A_556, %sign3A_563 : i32
        %rem3A_565 = arith.remsi %add3A_547, %jit3A_548 : i32
        %ne3A_566 = arith.constant 0 : i32
        %ne3A_567 = arith.cmpi ne, %rem3A_565, %ne3A_566 : i32
        %and3A_568 = arith.andi %ne3A_564, %ne3A_567 : i1
        %sub3A_569 = arith.constant 1 : i32
        %sub3A_570 = arith.subi %div3A_549, %sub3A_569 : i32
        %select_n3A_571 = arith.select %and3A_568, %sub3A_570, %div3A_549 : i32
        %jit3A_572 = arith.constant 128 : i32
        %eq3A_573 = arith.constant 0 : i32
        %eq3A_574 = arith.cmpi eq, %jit3A_572, %eq3A_573 : i32
        %jit3A_575 = arith.constant 1 : i32
        %select_n3A_576 = arith.select %eq3A_574, %jit3A_575, %jit3A_572 : i32
        %rem3A_577 = arith.remsi %add3A_547, %select_n3A_576 : i32
        %ne3A_578 = arith.constant 0 : i32
        %ne3A_579 = arith.cmpi ne, %rem3A_577, %ne3A_578 : i32
        %lt3A_580 = arith.constant 0 : i32
        %lt3A_581 = arith.cmpi slt, %rem3A_577, %lt3A_580 : i32
        %lt3A_582 = arith.constant 0 : i32
        %lt3A_583 = arith.cmpi slt, %select_n3A_576, %lt3A_582 : i32
        %ne3A_584 = arith.xori %lt3A_581, %lt3A_583 : i1
        %and3A_585 = arith.andi %ne3A_584, %ne3A_579 : i1
        %add3A_586 = arith.addi %rem3A_577, %select_n3A_576 : i32
        %select_n3A_587 = arith.select %and3A_585, %add3A_586, %rem3A_577 : i32
        %dma_wait3A_588 = arith.constant 0 : i32
        %dma_wait3A_589 = arith.constant 0 : i32
        %dma_wait3A_590 = arith.constant 0 : i32
        %dma_wait3A_591 = tpu.memref_slice %arg4[%dma_wait3A_588, %dma_wait3A_589, %select_n3A_571, %dma_wait3A_590, %select_n3A_587] : memref<50x4x128x8x128xf32, #tpu.memory_space<hbm>> -> memref<50x4x1x8x16xf32, #tpu.memory_space<hbm>>
        %dma_wait3A_592 = tpu.memref_squeeze %dma_wait3A_591 : memref<50x4x1x8x16xf32, #tpu.memory_space<hbm>> -> memref<50x4x8x16xf32, #tpu.memory_space<hbm>>
        %dma_wait3A_593 = arith.constant 0 : i32
        %dma_wait3A_594 = arith.constant 0 : i32
        %dma_wait3A_595 = arith.constant 0 : i32
        %dma_wait3A_596 = tpu.memref_slice %arg4[%dma_wait3A_593, %dma_wait3A_594, %select_n3A_571, %dma_wait3A_595, %select_n3A_587] : memref<50x4x128x8x128xf32, #tpu.memory_space<hbm>> -> memref<50x4x1x8x16xf32, #tpu.memory_space<hbm>>
        %dma_wait3A_597 = tpu.memref_squeeze %dma_wait3A_596 : memref<50x4x1x8x16xf32, #tpu.memory_space<hbm>> -> memref<50x4x8x16xf32, #tpu.memory_space<hbm>>
        tpu.wait_dma2 semaphore(%arg13 : memref<!tpu.dma_semaphore, #tpu.memory_space<semaphore_mem>>) src(%arg9 : memref<50x4x8x16xf32, #tpu.memory_space<vmem>>) dst(%dma_wait3A_597 : memref<50x4x8x16xf32, #tpu.memory_space<hbm>>)
      } else {
      }
      %scan3A_470 = arith.constant 0 : i32
      %scan3A_471 = arith.constant 0 : i32
      %scan3A_472 = arith.constant 16 : i32
      %scan3A_473 = arith.addi %scan3A_471, %scan3A_472 : i32
      %scan3A_474 = arith.constant 1 : i32
      scf.for %scan3A_543 = %scan3A_471 to %scan3A_473 step %scan3A_474  : i32 {
        %mul3A_544 = arith.constant 16 : i32
        %mul3A_545 = arith.muli %add3A_464, %mul3A_544 : i32
        %add3A_546 = arith.addi %mul3A_545, %scan3A_543 : i32
        %dma_wait3A_547 = arith.constant 0 : i32
        %dma_wait3A_548 = arith.constant 0 : i32
        %dma_wait3A_549 = tpu.memref_slice %arg7[%scan3A_543, %dma_wait3A_547, %dma_wait3A_548] : memref<16x50x32xf32, #tpu.memory_space<vmem>> -> memref<1x50x32xf32, #tpu.memory_space<vmem>>
        %dma_wait3A_550 = tpu.memref_squeeze %dma_wait3A_549 : memref<1x50x32xf32, #tpu.memory_space<vmem>> -> memref<50x32xf32, #tpu.memory_space<vmem>>
        %dma_wait3A_551 = arith.constant 0 : i32
        %dma_wait3A_552 = tpu.memref_slice %arg5[%add3A_546, %dma_wait3A_551] : memref<512x50xi32, #tpu.memory_space<vmem>> -> memref<1x50xi32, #tpu.memory_space<vmem>>
        %dma_wait3A_553 = tpu.memref_squeeze %dma_wait3A_552 : memref<1x50xi32, #tpu.memory_space<vmem>> -> memref<50xi32, #tpu.memory_space<vmem>>
        %dma_wait3A_554 = arith.constant 0 : i32
        %dma_wait3A_555 = arith.constant 0 : i32
        %dma_wait3A_556 = tpu.memref_slice %arg2[%dma_wait3A_554, %dma_wait3A_555] : memref<1000000x32xf32, #tpu.memory_space<hbm>> -> memref<1000000x32xf32, #tpu.memory_space<hbm>>
        tpu.wait_indirect_dma semaphore(%arg11 : memref<!tpu.dma_semaphore, #tpu.memory_space<semaphore_mem>>) src(%dma_wait3A_556 : memref<1000000x32xf32, #tpu.memory_space<hbm>>) dst(%dma_wait3A_550 : memref<50x32xf32, #tpu.memory_space<vmem>>)
      }
      %scan3A_475 = arith.constant 16 : i32
      %scan3A_476 = arith.constant 0 : i32
      %scan3A_477 = arith.constant 0 : i32
      %scan3A_478 = arith.constant 16 : i32
      %scan3A_479 = arith.addi %scan3A_477, %scan3A_478 : i32
      %scan3A_480 = arith.constant 1 : i32
      scf.for %scan3A_543 = %scan3A_477 to %scan3A_479 step %scan3A_480  : i32 {
        %broadcast_in_dim3A = vector.broadcast %scan3A_543 : i32 to vector<16xi32>
        %scan3A_544 = arith.constant 0 : i32
        %scan3A_545 = arith.constant 0 : i32
        %scan3A_546 = arith.constant 5 : i32
        %scan3A_547 = arith.addi %scan3A_545, %scan3A_546 : i32
        %scan3A_548 = arith.constant 1 : i32
        scf.for %scan3A_550 = %scan3A_545 to %scan3A_547 step %scan3A_548  : i32 {
          %mul3A_551 = arith.constant 10 : i32
          %mul3A_552 = arith.muli %scan3A_550, %mul3A_551 : i32
          %add3A_553 = arith.constant 0 : i32
          %add3A_554 = arith.addi %mul3A_552, %add3A_553 : i32
          %get3A = arith.index_cast %scan3A_543 : i32 to index
          %get3A_555 = arith.index_cast %add3A_554 : i32 to index
          %get3A_556 = arith.constant 0 : index
          %get3A_557 = tpu.vector_load %arg7[%get3A, %get3A_555, %get3A_556] {strides = array<i32>} : memref<16x50x32xf32, #tpu.memory_space<vmem>>, vector<16xf32>,
          %get3A_558 = arith.index_cast %scan3A_543 : i32 to index
          %get3A_559 = arith.index_cast %add3A_554 : i32 to index
          %get3A_560 = arith.constant 16 : index
          %get3A_561 = tpu.vector_load %arg7[%get3A_558, %get3A_559, %get3A_560] {strides = array<i32>} : memref<16x50x32xf32, #tpu.memory_space<vmem>>, vector<16xf32>,
          %scatter3A = arith.constant 0 : i32
          %scatter3A_562 = arith.constant 0 : i32
          %scatter3A_563 = arith.constant 0 : i32
          %scatter3A_564 = tpu.memref_slice %arg9[%add3A_554, %scatter3A, %scatter3A_562, %scatter3A_563] : memref<50x4x8x16xf32, #tpu.memory_space<vmem>> -> memref<1x4x8x16xf32, #tpu.memory_space<vmem>>
          %scatter3A_565 = tpu.memref_squeeze %scatter3A_564 : memref<1x4x8x16xf32, #tpu.memory_space<vmem>> -> memref<4x8x16xf32, #tpu.memory_space<vmem>>
          tpu.vector_store_idx %scatter3A_565[%select_n3A, %rem3A_31, %broadcast_in_dim3A], %get3A_557 : memref<4x8x16xf32, #tpu.memory_space<vmem>>[vector<16xi32>, vector<16xi32>, vector<16xi32>], vector<16xf32>,
          %scatter3A_566 = arith.constant 0 : i32
          %scatter3A_567 = arith.constant 0 : i32
          %scatter3A_568 = arith.constant 0 : i32
          %scatter3A_569 = tpu.memref_slice %arg9[%add3A_554, %scatter3A_566, %scatter3A_567, %scatter3A_568] : memref<50x4x8x16xf32, #tpu.memory_space<vmem>> -> memref<1x4x8x16xf32, #tpu.memory_space<vmem>>
          %scatter3A_570 = tpu.memref_squeeze %scatter3A_569 : memref<1x4x8x16xf32, #tpu.memory_space<vmem>> -> memref<4x8x16xf32, #tpu.memory_space<vmem>>
          tpu.vector_store_idx %scatter3A_570[%add3A_28, %rem3A_31, %broadcast_in_dim3A], %get3A_561 : memref<4x8x16xf32, #tpu.memory_space<vmem>>[vector<16xi32>, vector<16xi32>, vector<16xi32>], vector<16xf32>,
          %add3A_571 = arith.constant 1 : i32
          %add3A_572 = arith.addi %mul3A_552, %add3A_571 : i32
          %get3A_573 = arith.index_cast %scan3A_543 : i32 to index
          %get3A_574 = arith.index_cast %add3A_572 : i32 to index
          %get3A_575 = arith.constant 0 : index
          %get3A_576 = tpu.vector_load %arg7[%get3A_573, %get3A_574, %get3A_575] {strides = array<i32>} : memref<16x50x32xf32, #tpu.memory_space<vmem>>, vector<16xf32>,
          %get3A_577 = arith.index_cast %scan3A_543 : i32 to index
          %get3A_578 = arith.index_cast %add3A_572 : i32 to index
          %get3A_579 = arith.constant 16 : index
          %get3A_580 = tpu.vector_load %arg7[%get3A_577, %get3A_578, %get3A_579] {strides = array<i32>} : memref<16x50x32xf32, #tpu.memory_space<vmem>>, vector<16xf32>,
          %scatter3A_581 = arith.constant 0 : i32
          %scatter3A_582 = arith.constant 0 : i32
          %scatter3A_583 = arith.constant 0 : i32
          %scatter3A_584 = tpu.memref_slice %arg9[%add3A_572, %scatter3A_581, %scatter3A_582, %scatter3A_583] : memref<50x4x8x16xf32, #tpu.memory_space<vmem>> -> memref<1x4x8x16xf32, #tpu.memory_space<vmem>>
          %scatter3A_585 = tpu.memref_squeeze %scatter3A_584 : memref<1x4x8x16xf32, #tpu.memory_space<vmem>> -> memref<4x8x16xf32, #tpu.memory_space<vmem>>
          tpu.vector_store_idx %scatter3A_585[%select_n3A, %rem3A_31, %broadcast_in_dim3A], %get3A_576 : memref<4x8x16xf32, #tpu.memory_space<vmem>>[vector<16xi32>, vector<16xi32>, vector<16xi32>], vector<16xf32>,
          %scatter3A_586 = arith.constant 0 : i32
          %scatter3A_587 = arith.constant 0 : i32
          %scatter3A_588 = arith.constant 0 : i32
          %scatter3A_589 = tpu.memref_slice %arg9[%add3A_572, %scatter3A_586, %scatter3A_587, %scatter3A_588] : memref<50x4x8x16xf32, #tpu.memory_space<vmem>> -> memref<1x4x8x16xf32, #tpu.memory_space<vmem>>
          %scatter3A_590 = tpu.memref_squeeze %scatter3A_589 : memref<1x4x8x16xf32, #tpu.memory_space<vmem>> -> memref<4x8x16xf32, #tpu.memory_space<vmem>>
          tpu.vector_store_idx %scatter3A_590[%add3A_28, %rem3A_31, %broadcast_in_dim3A], %get3A_580 : memref<4x8x16xf32, #tpu.memory_space<vmem>>[vector<16xi32>, vector<16xi32>, vector<16xi32>], vector<16xf32>,
          %add3A_591 = arith.constant 2 : i32
          %add3A_592 = arith.addi %mul3A_552, %add3A_591 : i32
          %get3A_593 = arith.index_cast %scan3A_543 : i32 to index
          %get3A_594 = arith.index_cast %add3A_592 : i32 to index
          %get3A_595 = arith.constant 0 : index
          %get3A_596 = tpu.vector_load %arg7[%get3A_593, %get3A_594, %get3A_595] {strides = array<i32>} : memref<16x50x32xf32, #tpu.memory_space<vmem>>, vector<16xf32>,
          %get3A_597 = arith.index_cast %scan3A_543 : i32 to index
          %get3A_598 = arith.index_cast %add3A_592 : i32 to index
          %get3A_599 = arith.constant 16 : index
          %get3A_600 = tpu.vector_load %arg7[%get3A_597, %get3A_598, %get3A_599] {strides = array<i32>} : memref<16x50x32xf32, #tpu.memory_space<vmem>>, vector<16xf32>,
          %scatter3A_601 = arith.constant 0 : i32
          %scatter3A_602 = arith.constant 0 : i32
          %scatter3A_603 = arith.constant 0 : i32
          %scatter3A_604 = tpu.memref_slice %arg9[%add3A_592, %scatter3A_601, %scatter3A_602, %scatter3A_603] : memref<50x4x8x16xf32, #tpu.memory_space<vmem>> -> memref<1x4x8x16xf32, #tpu.memory_space<vmem>>
          %scatter3A_605 = tpu.memref_squeeze %scatter3A_604 : memref<1x4x8x16xf32, #tpu.memory_space<vmem>> -> memref<4x8x16xf32, #tpu.memory_space<vmem>>
          tpu.vector_store_idx %scatter3A_605[%select_n3A, %rem3A_31, %broadcast_in_dim3A], %get3A_596 : memref<4x8x16xf32, #tpu.memory_space<vmem>>[vector<16xi32>, vector<16xi32>, vector<16xi32>], vector<16xf32>,
          %scatter3A_606 = arith.constant 0 : i32
          %scatter3A_607 = arith.constant 0 : i32
          %scatter3A_608 = arith.constant 0 : i32
          %scatter3A_609 = tpu.memref_slice %arg9[%add3A_592, %scatter3A_606, %scatter3A_607, %scatter3A_608] : memref<50x4x8x16xf32, #tpu.memory_space<vmem>> -> memref<1x4x8x16xf32, #tpu.memory_space<vmem>>
          %scatter3A_610 = tpu.memref_squeeze %scatter3A_609 : memref<1x4x8x16xf32, #tpu.memory_space<vmem>> -> memref<4x8x16xf32, #tpu.memory_space<vmem>>
          tpu.vector_store_idx %scatter3A_610[%add3A_28, %rem3A_31, %broadcast_in_dim3A], %get3A_600 : memref<4x8x16xf32, #tpu.memory_space<vmem>>[vector<16xi32>, vector<16xi32>, vector<16xi32>], vector<16xf32>,
          %add3A_611 = arith.constant 3 : i32
          %add3A_612 = arith.addi %mul3A_552, %add3A_611 : i32
          %get3A_613 = arith.index_cast %scan3A_543 : i32 to index
          %get3A_614 = arith.index_cast %add3A_612 : i32 to index
          %get3A_615 = arith.constant 0 : index
          %get3A_616 = tpu.vector_load %arg7[%get3A_613, %get3A_614, %get3A_615] {strides = array<i32>} : memref<16x50x32xf32, #tpu.memory_space<vmem>>, vector<16xf32>,
          %get3A_617 = arith.index_cast %scan3A_543 : i32 to index
          %get3A_618 = arith.index_cast %add3A_612 : i32 to index
          %get3A_619 = arith.constant 16 : index
          %get3A_620 = tpu.vector_load %arg7[%get3A_617, %get3A_618, %get3A_619] {strides = array<i32>} : memref<16x50x32xf32, #tpu.memory_space<vmem>>, vector<16xf32>,
          %scatter3A_621 = arith.constant 0 : i32
          %scatter3A_622 = arith.constant 0 : i32
          %scatter3A_623 = arith.constant 0 : i32
          %scatter3A_624 = tpu.memref_slice %arg9[%add3A_612, %scatter3A_621, %scatter3A_622, %scatter3A_623] : memref<50x4x8x16xf32, #tpu.memory_space<vmem>> -> memref<1x4x8x16xf32, #tpu.memory_space<vmem>>
          %scatter3A_625 = tpu.memref_squeeze %scatter3A_624 : memref<1x4x8x16xf32, #tpu.memory_space<vmem>> -> memref<4x8x16xf32, #tpu.memory_space<vmem>>
          tpu.vector_store_idx %scatter3A_625[%select_n3A, %rem3A_31, %broadcast_in_dim3A], %get3A_616 : memref<4x8x16xf32, #tpu.memory_space<vmem>>[vector<16xi32>, vector<16xi32>, vector<16xi32>], vector<16xf32>,
          %scatter3A_626 = arith.constant 0 : i32
          %scatter3A_627 = arith.constant 0 : i32
          %scatter3A_628 = arith.constant 0 : i32
          %scatter3A_629 = tpu.memref_slice %arg9[%add3A_612, %scatter3A_626, %scatter3A_627, %scatter3A_628] : memref<50x4x8x16xf32, #tpu.memory_space<vmem>> -> memref<1x4x8x16xf32, #tpu.memory_space<vmem>>
          %scatter3A_630 = tpu.memref_squeeze %scatter3A_629 : memref<1x4x8x16xf32, #tpu.memory_space<vmem>> -> memref<4x8x16xf32, #tpu.memory_space<vmem>>
          tpu.vector_store_idx %scatter3A_630[%add3A_28, %rem3A_31, %broadcast_in_dim3A], %get3A_620 : memref<4x8x16xf32, #tpu.memory_space<vmem>>[vector<16xi32>, vector<16xi32>, vector<16xi32>], vector<16xf32>,
          %add3A_631 = arith.constant 4 : i32
          %add3A_632 = arith.addi %mul3A_552, %add3A_631 : i32
          %get3A_633 = arith.index_cast %scan3A_543 : i32 to index
          %get3A_634 = arith.index_cast %add3A_632 : i32 to index
          %get3A_635 = arith.constant 0 : index
          %get3A_636 = tpu.vector_load %arg7[%get3A_633, %get3A_634, %get3A_635] {strides = array<i32>} : memref<16x50x32xf32, #tpu.memory_space<vmem>>, vector<16xf32>,
          %get3A_637 = arith.index_cast %scan3A_543 : i32 to index
          %get3A_638 = arith.index_cast %add3A_632 : i32 to index
          %get3A_639 = arith.constant 16 : index
          %get3A_640 = tpu.vector_load %arg7[%get3A_637, %get3A_638, %get3A_639] {strides = array<i32>} : memref<16x50x32xf32, #tpu.memory_space<vmem>>, vector<16xf32>,
          %scatter3A_641 = arith.constant 0 : i32
          %scatter3A_642 = arith.constant 0 : i32
          %scatter3A_643 = arith.constant 0 : i32
          %scatter3A_644 = tpu.memref_slice %arg9[%add3A_632, %scatter3A_641, %scatter3A_642, %scatter3A_643] : memref<50x4x8x16xf32, #tpu.memory_space<vmem>> -> memref<1x4x8x16xf32, #tpu.memory_space<vmem>>
          %scatter3A_645 = tpu.memref_squeeze %scatter3A_644 : memref<1x4x8x16xf32, #tpu.memory_space<vmem>> -> memref<4x8x16xf32, #tpu.memory_space<vmem>>
          tpu.vector_store_idx %scatter3A_645[%select_n3A, %rem3A_31, %broadcast_in_dim3A], %get3A_636 : memref<4x8x16xf32, #tpu.memory_space<vmem>>[vector<16xi32>, vector<16xi32>, vector<16xi32>], vector<16xf32>,
          %scatter3A_646 = arith.constant 0 : i32
          %scatter3A_647 = arith.constant 0 : i32
          %scatter3A_648 = arith.constant 0 : i32
          %scatter3A_649 = tpu.memref_slice %arg9[%add3A_632, %scatter3A_646, %scatter3A_647, %scatter3A_648] : memref<50x4x8x16xf32, #tpu.memory_space<vmem>> -> memref<1x4x8x16xf32, #tpu.memory_space<vmem>>
          %scatter3A_650 = tpu.memref_squeeze %scatter3A_649 : memref<1x4x8x16xf32, #tpu.memory_space<vmem>> -> memref<4x8x16xf32, #tpu.memory_space<vmem>>
          tpu.vector_store_idx %scatter3A_650[%add3A_28, %rem3A_31, %broadcast_in_dim3A], %get3A_640 : memref<4x8x16xf32, #tpu.memory_space<vmem>>[vector<16xi32>, vector<16xi32>, vector<16xi32>], vector<16xf32>,
          %add3A_651 = arith.constant 5 : i32
          %add3A_652 = arith.addi %mul3A_552, %add3A_651 : i32
          %get3A_653 = arith.index_cast %scan3A_543 : i32 to index
          %get3A_654 = arith.index_cast %add3A_652 : i32 to index
          %get3A_655 = arith.constant 0 : index
          %get3A_656 = tpu.vector_load %arg7[%get3A_653, %get3A_654, %get3A_655] {strides = array<i32>} : memref<16x50x32xf32, #tpu.memory_space<vmem>>, vector<16xf32>,
          %get3A_657 = arith.index_cast %scan3A_543 : i32 to index
          %get3A_658 = arith.index_cast %add3A_652 : i32 to index
          %get3A_659 = arith.constant 16 : index
          %get3A_660 = tpu.vector_load %arg7[%get3A_657, %get3A_658, %get3A_659] {strides = array<i32>} : memref<16x50x32xf32, #tpu.memory_space<vmem>>, vector<16xf32>,
          %scatter3A_661 = arith.constant 0 : i32
          %scatter3A_662 = arith.constant 0 : i32
          %scatter3A_663 = arith.constant 0 : i32
          %scatter3A_664 = tpu.memref_slice %arg9[%add3A_652, %scatter3A_661, %scatter3A_662, %scatter3A_663] : memref<50x4x8x16xf32, #tpu.memory_space<vmem>> -> memref<1x4x8x16xf32, #tpu.memory_space<vmem>>
          %scatter3A_665 = tpu.memref_squeeze %scatter3A_664 : memref<1x4x8x16xf32, #tpu.memory_space<vmem>> -> memref<4x8x16xf32, #tpu.memory_space<vmem>>
          tpu.vector_store_idx %scatter3A_665[%select_n3A, %rem3A_31, %broadcast_in_dim3A], %get3A_656 : memref<4x8x16xf32, #tpu.memory_space<vmem>>[vector<16xi32>, vector<16xi32>, vector<16xi32>], vector<16xf32>,
          %scatter3A_666 = arith.constant 0 : i32
          %scatter3A_667 = arith.constant 0 : i32
          %scatter3A_668 = arith.constant 0 : i32
          %scatter3A_669 = tpu.memref_slice %arg9[%add3A_652, %scatter3A_666, %scatter3A_667, %scatter3A_668] : memref<50x4x8x16xf32, #tpu.memory_space<vmem>> -> memref<1x4x8x16xf32, #tpu.memory_space<vmem>>
          %scatter3A_670 = tpu.memref_squeeze %scatter3A_669 : memref<1x4x8x16xf32, #tpu.memory_space<vmem>> -> memref<4x8x16xf32, #tpu.memory_space<vmem>>
          tpu.vector_store_idx %scatter3A_670[%add3A_28, %rem3A_31, %broadcast_in_dim3A], %get3A_660 : memref<4x8x16xf32, #tpu.memory_space<vmem>>[vector<16xi32>, vector<16xi32>, vector<16xi32>], vector<16xf32>,
          %add3A_671 = arith.constant 6 : i32
          %add3A_672 = arith.addi %mul3A_552, %add3A_671 : i32
          %get3A_673 = arith.index_cast %scan3A_543 : i32 to index
          %get3A_674 = arith.index_cast %add3A_672 : i32 to index
          %get3A_675 = arith.constant 0 : index
          %get3A_676 = tpu.vector_load %arg7[%get3A_673, %get3A_674, %get3A_675] {strides = array<i32>} : memref<16x50x32xf32, #tpu.memory_space<vmem>>, vector<16xf32>,
          %get3A_677 = arith.index_cast %scan3A_543 : i32 to index
          %get3A_678 = arith.index_cast %add3A_672 : i32 to index
          %get3A_679 = arith.constant 16 : index
          %get3A_680 = tpu.vector_load %arg7[%get3A_677, %get3A_678, %get3A_679] {strides = array<i32>} : memref<16x50x32xf32, #tpu.memory_space<vmem>>, vector<16xf32>,
          %scatter3A_681 = arith.constant 0 : i32
          %scatter3A_682 = arith.constant 0 : i32
          %scatter3A_683 = arith.constant 0 : i32
          %scatter3A_684 = tpu.memref_slice %arg9[%add3A_672, %scatter3A_681, %scatter3A_682, %scatter3A_683] : memref<50x4x8x16xf32, #tpu.memory_space<vmem>> -> memref<1x4x8x16xf32, #tpu.memory_space<vmem>>
          %scatter3A_685 = tpu.memref_squeeze %scatter3A_684 : memref<1x4x8x16xf32, #tpu.memory_space<vmem>> -> memref<4x8x16xf32, #tpu.memory_space<vmem>>
          tpu.vector_store_idx %scatter3A_685[%select_n3A, %rem3A_31, %broadcast_in_dim3A], %get3A_676 : memref<4x8x16xf32, #tpu.memory_space<vmem>>[vector<16xi32>, vector<16xi32>, vector<16xi32>], vector<16xf32>,
          %scatter3A_686 = arith.constant 0 : i32
          %scatter3A_687 = arith.constant 0 : i32
          %scatter3A_688 = arith.constant 0 : i32
          %scatter3A_689 = tpu.memref_slice %arg9[%add3A_672, %scatter3A_686, %scatter3A_687, %scatter3A_688] : memref<50x4x8x16xf32, #tpu.memory_space<vmem>> -> memref<1x4x8x16xf32, #tpu.memory_space<vmem>>
          %scatter3A_690 = tpu.memref_squeeze %scatter3A_689 : memref<1x4x8x16xf32, #tpu.memory_space<vmem>> -> memref<4x8x16xf32, #tpu.memory_space<vmem>>
          tpu.vector_store_idx %scatter3A_690[%add3A_28, %rem3A_31, %broadcast_in_dim3A], %get3A_680 : memref<4x8x16xf32, #tpu.memory_space<vmem>>[vector<16xi32>, vector<16xi32>, vector<16xi32>], vector<16xf32>,
          %add3A_691 = arith.constant 7 : i32
          %add3A_692 = arith.addi %mul3A_552, %add3A_691 : i32
          %get3A_693 = arith.index_cast %scan3A_543 : i32 to index
          %get3A_694 = arith.index_cast %add3A_692 : i32 to index
          %get3A_695 = arith.constant 0 : index
          %get3A_696 = tpu.vector_load %arg7[%get3A_693, %get3A_694, %get3A_695] {strides = array<i32>} : memref<16x50x32xf32, #tpu.memory_space<vmem>>, vector<16xf32>,
          %get3A_697 = arith.index_cast %scan3A_543 : i32 to index
          %get3A_698 = arith.index_cast %add3A_692 : i32 to index
          %get3A_699 = arith.constant 16 : index
          %get3A_700 = tpu.vector_load %arg7[%get3A_697, %get3A_698, %get3A_699] {strides = array<i32>} : memref<16x50x32xf32, #tpu.memory_space<vmem>>, vector<16xf32>,
          %scatter3A_701 = arith.constant 0 : i32
          %scatter3A_702 = arith.constant 0 : i32
          %scatter3A_703 = arith.constant 0 : i32
          %scatter3A_704 = tpu.memref_slice %arg9[%add3A_692, %scatter3A_701, %scatter3A_702, %scatter3A_703] : memref<50x4x8x16xf32, #tpu.memory_space<vmem>> -> memref<1x4x8x16xf32, #tpu.memory_space<vmem>>
          %scatter3A_705 = tpu.memref_squeeze %scatter3A_704 : memref<1x4x8x16xf32, #tpu.memory_space<vmem>> -> memref<4x8x16xf32, #tpu.memory_space<vmem>>
          tpu.vector_store_idx %scatter3A_705[%select_n3A, %rem3A_31, %broadcast_in_dim3A], %get3A_696 : memref<4x8x16xf32, #tpu.memory_space<vmem>>[vector<16xi32>, vector<16xi32>, vector<16xi32>], vector<16xf32>,
          %scatter3A_706 = arith.constant 0 : i32
          %scatter3A_707 = arith.constant 0 : i32
          %scatter3A_708 = arith.constant 0 : i32
          %scatter3A_709 = tpu.memref_slice %arg9[%add3A_692, %scatter3A_706, %scatter3A_707, %scatter3A_708] : memref<50x4x8x16xf32, #tpu.memory_space<vmem>> -> memref<1x4x8x16xf32, #tpu.memory_space<vmem>>
          %scatter3A_710 = tpu.memref_squeeze %scatter3A_709 : memref<1x4x8x16xf32, #tpu.memory_space<vmem>> -> memref<4x8x16xf32, #tpu.memory_space<vmem>>
          tpu.vector_store_idx %scatter3A_710[%add3A_28, %rem3A_31, %broadcast_in_dim3A], %get3A_700 : memref<4x8x16xf32, #tpu.memory_space<vmem>>[vector<16xi32>, vector<16xi32>, vector<16xi32>], vector<16xf32>,
          %add3A_711 = arith.constant 8 : i32
          %add3A_712 = arith.addi %mul3A_552, %add3A_711 : i32
          %get3A_713 = arith.index_cast %scan3A_543 : i32 to index
          %get3A_714 = arith.index_cast %add3A_712 : i32 to index
          %get3A_715 = arith.constant 0 : index
          %get3A_716 = tpu.vector_load %arg7[%get3A_713, %get3A_714, %get3A_715] {strides = array<i32>} : memref<16x50x32xf32, #tpu.memory_space<vmem>>, vector<16xf32>,
          %get3A_717 = arith.index_cast %scan3A_543 : i32 to index
          %get3A_718 = arith.index_cast %add3A_712 : i32 to index
          %get3A_719 = arith.constant 16 : index
          %get3A_720 = tpu.vector_load %arg7[%get3A_717, %get3A_718, %get3A_719] {strides = array<i32>} : memref<16x50x32xf32, #tpu.memory_space<vmem>>, vector<16xf32>,
          %scatter3A_721 = arith.constant 0 : i32
          %scatter3A_722 = arith.constant 0 : i32
          %scatter3A_723 = arith.constant 0 : i32
          %scatter3A_724 = tpu.memref_slice %arg9[%add3A_712, %scatter3A_721, %scatter3A_722, %scatter3A_723] : memref<50x4x8x16xf32, #tpu.memory_space<vmem>> -> memref<1x4x8x16xf32, #tpu.memory_space<vmem>>
          %scatter3A_725 = tpu.memref_squeeze %scatter3A_724 : memref<1x4x8x16xf32, #tpu.memory_space<vmem>> -> memref<4x8x16xf32, #tpu.memory_space<vmem>>
          tpu.vector_store_idx %scatter3A_725[%select_n3A, %rem3A_31, %broadcast_in_dim3A], %get3A_716 : memref<4x8x16xf32, #tpu.memory_space<vmem>>[vector<16xi32>, vector<16xi32>, vector<16xi32>], vector<16xf32>,
          %scatter3A_726 = arith.constant 0 : i32
          %scatter3A_727 = arith.constant 0 : i32
          %scatter3A_728 = arith.constant 0 : i32
          %scatter3A_729 = tpu.memref_slice %arg9[%add3A_712, %scatter3A_726, %scatter3A_727, %scatter3A_728] : memref<50x4x8x16xf32, #tpu.memory_space<vmem>> -> memref<1x4x8x16xf32, #tpu.memory_space<vmem>>
          %scatter3A_730 = tpu.memref_squeeze %scatter3A_729 : memref<1x4x8x16xf32, #tpu.memory_space<vmem>> -> memref<4x8x16xf32, #tpu.memory_space<vmem>>
          tpu.vector_store_idx %scatter3A_730[%add3A_28, %rem3A_31, %broadcast_in_dim3A], %get3A_720 : memref<4x8x16xf32, #tpu.memory_space<vmem>>[vector<16xi32>, vector<16xi32>, vector<16xi32>], vector<16xf32>,
          %add3A_731 = arith.constant 9 : i32
          %add3A_732 = arith.addi %mul3A_552, %add3A_731 : i32
          %get3A_733 = arith.index_cast %scan3A_543 : i32 to index
          %get3A_734 = arith.index_cast %add3A_732 : i32 to index
          %get3A_735 = arith.constant 0 : index
          %get3A_736 = tpu.vector_load %arg7[%get3A_733, %get3A_734, %get3A_735] {strides = array<i32>} : memref<16x50x32xf32, #tpu.memory_space<vmem>>, vector<16xf32>,
          %get3A_737 = arith.index_cast %scan3A_543 : i32 to index
          %get3A_738 = arith.index_cast %add3A_732 : i32 to index
          %get3A_739 = arith.constant 16 : index
          %get3A_740 = tpu.vector_load %arg7[%get3A_737, %get3A_738, %get3A_739] {strides = array<i32>} : memref<16x50x32xf32, #tpu.memory_space<vmem>>, vector<16xf32>,
          %scatter3A_741 = arith.constant 0 : i32
          %scatter3A_742 = arith.constant 0 : i32
          %scatter3A_743 = arith.constant 0 : i32
          %scatter3A_744 = tpu.memref_slice %arg9[%add3A_732, %scatter3A_741, %scatter3A_742, %scatter3A_743] : memref<50x4x8x16xf32, #tpu.memory_space<vmem>> -> memref<1x4x8x16xf32, #tpu.memory_space<vmem>>
          %scatter3A_745 = tpu.memref_squeeze %scatter3A_744 : memref<1x4x8x16xf32, #tpu.memory_space<vmem>> -> memref<4x8x16xf32, #tpu.memory_space<vmem>>
          tpu.vector_store_idx %scatter3A_745[%select_n3A, %rem3A_31, %broadcast_in_dim3A], %get3A_736 : memref<4x8x16xf32, #tpu.memory_space<vmem>>[vector<16xi32>, vector<16xi32>, vector<16xi32>], vector<16xf32>,
          %scatter3A_746 = arith.constant 0 : i32
          %scatter3A_747 = arith.constant 0 : i32
          %scatter3A_748 = arith.constant 0 : i32
          %scatter3A_749 = tpu.memref_slice %arg9[%add3A_732, %scatter3A_746, %scatter3A_747, %scatter3A_748] : memref<50x4x8x16xf32, #tpu.memory_space<vmem>> -> memref<1x4x8x16xf32, #tpu.memory_space<vmem>>
          %scatter3A_750 = tpu.memref_squeeze %scatter3A_749 : memref<1x4x8x16xf32, #tpu.memory_space<vmem>> -> memref<4x8x16xf32, #tpu.memory_space<vmem>>
          tpu.vector_store_idx %scatter3A_750[%add3A_28, %rem3A_31, %broadcast_in_dim3A], %get3A_740 : memref<4x8x16xf32, #tpu.memory_space<vmem>>[vector<16xi32>, vector<16xi32>, vector<16xi32>], vector<16xf32>,
        }
        %scan3A_549 = arith.constant 5 : i32
      }
      %scan3A_481 = arith.constant 16 : i32
      %mul3A_482 = arith.constant 16 : i32
      %mul3A_483 = arith.muli %add3A_464, %mul3A_482 : i32
      %add3A_484 = arith.addi %mul3A_2, %mul3A_483 : i32
      %jit3A_485 = arith.constant 128 : i32
      %div3A_486 = arith.divsi %add3A_484, %jit3A_485 : i32
      %sign3A_487 = arith.constant 0 : i32
      %sign3A_488 = arith.cmpi sgt, %add3A_484, %sign3A_487 : i32
      %sign3A_489 = arith.extui %sign3A_488 : i1 to i32
      %sign3A_490 = arith.constant 0 : i32
      %sign3A_491 = arith.cmpi slt, %add3A_484, %sign3A_490 : i32
      %sign3A_492 = arith.extui %sign3A_491 : i1 to i32
      %sign3A_493 = arith.subi %sign3A_489, %sign3A_492 : i32
      %sign3A_494 = arith.constant 0 : i32
      %sign3A_495 = arith.cmpi sgt, %jit3A_485, %sign3A_494 : i32
      %sign3A_496 = arith.extui %sign3A_495 : i1 to i32
      %sign3A_497 = arith.constant 0 : i32
      %sign3A_498 = arith.cmpi slt, %jit3A_485, %sign3A_497 : i32
      %sign3A_499 = arith.extui %sign3A_498 : i1 to i32
      %sign3A_500 = arith.subi %sign3A_496, %sign3A_499 : i32
      %ne3A_501 = arith.cmpi ne, %sign3A_493, %sign3A_500 : i32
      %rem3A_502 = arith.remsi %add3A_484, %jit3A_485 : i32
      %ne3A_503 = arith.constant 0 : i32
      %ne3A_504 = arith.cmpi ne, %rem3A_502, %ne3A_503 : i32
      %and3A_505 = arith.andi %ne3A_501, %ne3A_504 : i1
      %sub3A_506 = arith.constant 1 : i32
      %sub3A_507 = arith.subi %div3A_486, %sub3A_506 : i32
      %select_n3A_508 = arith.select %and3A_505, %sub3A_507, %div3A_486 : i32
      %jit3A_509 = arith.constant 128 : i32
      %eq3A_510 = arith.constant 0 : i32
      %eq3A_511 = arith.cmpi eq, %jit3A_509, %eq3A_510 : i32
      %jit3A_512 = arith.constant 1 : i32
      %select_n3A_513 = arith.select %eq3A_511, %jit3A_512, %jit3A_509 : i32
      %rem3A_514 = arith.remsi %add3A_484, %select_n3A_513 : i32
      %ne3A_515 = arith.constant 0 : i32
      %ne3A_516 = arith.cmpi ne, %rem3A_514, %ne3A_515 : i32
      %lt3A_517 = arith.constant 0 : i32
      %lt3A_518 = arith.cmpi slt, %rem3A_514, %lt3A_517 : i32
      %lt3A_519 = arith.constant 0 : i32
      %lt3A_520 = arith.cmpi slt, %select_n3A_513, %lt3A_519 : i32
      %ne3A_521 = arith.xori %lt3A_518, %lt3A_520 : i1
      %and3A_522 = arith.andi %ne3A_521, %ne3A_516 : i1
      %add3A_523 = arith.addi %rem3A_514, %select_n3A_513 : i32
      %select_n3A_524 = arith.select %and3A_522, %add3A_523, %rem3A_514 : i32
      %dma_start3A_525 = arith.constant 0 : i32
      %dma_start3A_526 = arith.constant 0 : i32
      %dma_start3A_527 = arith.constant 0 : i32
      %dma_start3A_528 = tpu.memref_slice %arg4[%dma_start3A_525, %dma_start3A_526, %select_n3A_508, %dma_start3A_527, %select_n3A_524] : memref<50x4x128x8x128xf32, #tpu.memory_space<hbm>> -> memref<50x4x1x8x16xf32, #tpu.memory_space<hbm>>
      %dma_start3A_529 = tpu.memref_squeeze %dma_start3A_528 : memref<50x4x1x8x16xf32, #tpu.memory_space<hbm>> -> memref<50x4x8x16xf32, #tpu.memory_space<hbm>>
      %dma_start3A_530 = arith.constant 0 : i32
      %dma_start3A_531 = arith.constant 0 : i32
      %dma_start3A_532 = arith.constant 0 : i32
      %dma_start3A_533 = tpu.memref_slice %arg4[%dma_start3A_530, %dma_start3A_531, %select_n3A_508, %dma_start3A_532, %select_n3A_524] : memref<50x4x128x8x128xf32, #tpu.memory_space<hbm>> -> memref<50x4x1x8x16xf32, #tpu.memory_space<hbm>>
      %dma_start3A_534 = tpu.memref_squeeze %dma_start3A_533 : memref<50x4x1x8x16xf32, #tpu.memory_space<hbm>> -> memref<50x4x8x16xf32, #tpu.memory_space<hbm>>
      tpu.enqueue_dma source(%arg9 : memref<50x4x8x16xf32, #tpu.memory_space<vmem>>) target(%dma_start3A_534 : memref<50x4x8x16xf32, #tpu.memory_space<hbm>>) target_semaphore(%arg13 : memref<!tpu.dma_semaphore, #tpu.memory_space<semaphore_mem>>)
      %add3A_535 = arith.constant 2 : i32
      %add3A_536 = arith.addi %add3A_464, %add3A_535 : i32
      %scan3A_537 = arith.constant 0 : i32
      %scan3A_538 = arith.constant 0 : i32
      %scan3A_539 = arith.constant 16 : i32
      %scan3A_540 = arith.addi %scan3A_538, %scan3A_539 : i32
      %scan3A_541 = arith.constant 1 : i32
      scf.for %scan3A_543 = %scan3A_538 to %scan3A_540 step %scan3A_541  : i32 {
        %mul3A_544 = arith.constant 16 : i32
        %mul3A_545 = arith.muli %add3A_536, %mul3A_544 : i32
        %add3A_546 = arith.addi %mul3A_545, %scan3A_543 : i32
        %dma_start3A_547 = arith.constant 0 : i32
        %dma_start3A_548 = arith.constant 0 : i32
        %dma_start3A_549 = tpu.memref_slice %arg7[%scan3A_543, %dma_start3A_547, %dma_start3A_548] : memref<16x50x32xf32, #tpu.memory_space<vmem>> -> memref<1x50x32xf32, #tpu.memory_space<vmem>>
        %dma_start3A_550 = tpu.memref_squeeze %dma_start3A_549 : memref<1x50x32xf32, #tpu.memory_space<vmem>> -> memref<50x32xf32, #tpu.memory_space<vmem>>
        %dma_start3A_551 = arith.constant 0 : i32
        %dma_start3A_552 = tpu.memref_slice %arg5[%add3A_546, %dma_start3A_551] : memref<512x50xi32, #tpu.memory_space<vmem>> -> memref<1x50xi32, #tpu.memory_space<vmem>>
        %dma_start3A_553 = tpu.memref_squeeze %dma_start3A_552 : memref<1x50xi32, #tpu.memory_space<vmem>> -> memref<50xi32, #tpu.memory_space<vmem>>
        %dma_start3A_554 = arith.constant 0 : i32
        %dma_start3A_555 = arith.constant 0 : i32
        %dma_start3A_556 = tpu.memref_slice %arg2[%dma_start3A_554, %dma_start3A_555] : memref<1000000x32xf32, #tpu.memory_space<hbm>> -> memref<1000000x32xf32, #tpu.memory_space<hbm>>
        tpu.enqueue_indirect_dma source(%dma_start3A_556 : memref<1000000x32xf32, #tpu.memory_space<hbm>>) target(%dma_start3A_550 : memref<50x32xf32, #tpu.memory_space<vmem>>) offsets(%dma_start3A_553 : memref<50xi32, #tpu.memory_space<vmem>>) semaphore(%arg11 : memref<!tpu.dma_semaphore, #tpu.memory_space<semaphore_mem>>)
      }
      %scan3A_542 = arith.constant 16 : i32
    }
    %scan3A_48 = arith.constant 15 : i32
    %add3A_49 = arith.constant 448 : i32
    %add3A_50 = arith.addi %mul3A_2, %add3A_49 : i32
    %jit3A_51 = arith.constant 128 : i32
    %div3A_52 = arith.divsi %add3A_50, %jit3A_51 : i32
    %sign3A_53 = arith.constant 0 : i32
    %sign3A_54 = arith.cmpi sgt, %add3A_50, %sign3A_53 : i32
    %sign3A_55 = arith.extui %sign3A_54 : i1 to i32
    %sign3A_56 = arith.constant 0 : i32
    %sign3A_57 = arith.cmpi slt, %add3A_50, %sign3A_56 : i32
    %sign3A_58 = arith.extui %sign3A_57 : i1 to i32
    %sign3A_59 = arith.subi %sign3A_55, %sign3A_58 : i32
    %sign3A_60 = arith.constant 0 : i32
    %sign3A_61 = arith.cmpi sgt, %jit3A_51, %sign3A_60 : i32
    %sign3A_62 = arith.extui %sign3A_61 : i1 to i32
    %sign3A_63 = arith.constant 0 : i32
    %sign3A_64 = arith.cmpi slt, %jit3A_51, %sign3A_63 : i32
    %sign3A_65 = arith.extui %sign3A_64 : i1 to i32
    %sign3A_66 = arith.subi %sign3A_62, %sign3A_65 : i32
    %ne3A_67 = arith.cmpi ne, %sign3A_59, %sign3A_66 : i32
    %rem3A_68 = arith.remsi %add3A_50, %jit3A_51 : i32
    %ne3A_69 = arith.constant 0 : i32
    %ne3A_70 = arith.cmpi ne, %rem3A_68, %ne3A_69 : i32
    %and3A_71 = arith.andi %ne3A_67, %ne3A_70 : i1
    %sub3A_72 = arith.constant 1 : i32
    %sub3A_73 = arith.subi %div3A_52, %sub3A_72 : i32
    %select_n3A_74 = arith.select %and3A_71, %sub3A_73, %div3A_52 : i32
    %jit3A_75 = arith.constant 128 : i32
    %eq3A = arith.constant 0 : i32
    %eq3A_76 = arith.cmpi eq, %jit3A_75, %eq3A : i32
    %jit3A_77 = arith.constant 1 : i32
    %select_n3A_78 = arith.select %eq3A_76, %jit3A_77, %jit3A_75 : i32
    %rem3A_79 = arith.remsi %add3A_50, %select_n3A_78 : i32
    %ne3A_80 = arith.constant 0 : i32
    %ne3A_81 = arith.cmpi ne, %rem3A_79, %ne3A_80 : i32
    %lt3A = arith.constant 0 : i32
    %lt3A_82 = arith.cmpi slt, %rem3A_79, %lt3A : i32
    %lt3A_83 = arith.constant 0 : i32
    %lt3A_84 = arith.cmpi slt, %select_n3A_78, %lt3A_83 : i32
    %ne3A_85 = arith.xori %lt3A_82, %lt3A_84 : i1
    %and3A_86 = arith.andi %ne3A_85, %ne3A_81 : i1
    %add3A_87 = arith.addi %rem3A_79, %select_n3A_78 : i32
    %select_n3A_88 = arith.select %and3A_86, %add3A_87, %rem3A_79 : i32
    %dma_wait3A = arith.constant 0 : i32
    %dma_wait3A_89 = arith.constant 0 : i32
    %dma_wait3A_90 = arith.constant 0 : i32
    %dma_wait3A_91 = tpu.memref_slice %arg4[%dma_wait3A, %dma_wait3A_89, %select_n3A_74, %dma_wait3A_90, %select_n3A_88] : memref<50x4x128x8x128xf32, #tpu.memory_space<hbm>> -> memref<50x4x1x8x16xf32, #tpu.memory_space<hbm>>
    %dma_wait3A_92 = tpu.memref_squeeze %dma_wait3A_91 : memref<50x4x1x8x16xf32, #tpu.memory_space<hbm>> -> memref<50x4x8x16xf32, #tpu.memory_space<hbm>>
    %dma_wait3A_93 = arith.constant 0 : i32
    %dma_wait3A_94 = arith.constant 0 : i32
    %dma_wait3A_95 = arith.constant 0 : i32
    %dma_wait3A_96 = tpu.memref_slice %arg4[%dma_wait3A_93, %dma_wait3A_94, %select_n3A_74, %dma_wait3A_95, %select_n3A_88] : memref<50x4x128x8x128xf32, #tpu.memory_space<hbm>> -> memref<50x4x1x8x16xf32, #tpu.memory_space<hbm>>
    %dma_wait3A_97 = tpu.memref_squeeze %dma_wait3A_96 : memref<50x4x1x8x16xf32, #tpu.memory_space<hbm>> -> memref<50x4x8x16xf32, #tpu.memory_space<hbm>>
    tpu.wait_dma2 semaphore(%arg12 : memref<!tpu.dma_semaphore, #tpu.memory_space<semaphore_mem>>) src(%arg8 : memref<50x4x8x16xf32, #tpu.memory_space<vmem>>) dst(%dma_wait3A_97 : memref<50x4x8x16xf32, #tpu.memory_space<hbm>>)
    %scan3A_98 = arith.constant 0 : i32
    %scan3A_99 = arith.constant 0 : i32
    %scan3A_100 = arith.constant 16 : i32
    %scan3A_101 = arith.addi %scan3A_99, %scan3A_100 : i32
    %scan3A_102 = arith.constant 1 : i32
    scf.for %scan3A_381 = %scan3A_99 to %scan3A_101 step %scan3A_102  : i32 {
      %add3A_382 = arith.constant 480 : i32
      %add3A_383 = arith.addi %add3A_382, %scan3A_381 : i32
      %dma_wait3A_384 = arith.constant 0 : i32
      %dma_wait3A_385 = arith.constant 0 : i32
      %dma_wait3A_386 = tpu.memref_slice %arg6[%scan3A_381, %dma_wait3A_384, %dma_wait3A_385] : memref<16x50x32xf32, #tpu.memory_space<vmem>> -> memref<1x50x32xf32, #tpu.memory_space<vmem>>
      %dma_wait3A_387 = tpu.memref_squeeze %dma_wait3A_386 : memref<1x50x32xf32, #tpu.memory_space<vmem>> -> memref<50x32xf32, #tpu.memory_space<vmem>>
      %dma_wait3A_388 = arith.constant 0 : i32
      %dma_wait3A_389 = tpu.memref_slice %arg5[%add3A_383, %dma_wait3A_388] : memref<512x50xi32, #tpu.memory_space<vmem>> -> memref<1x50xi32, #tpu.memory_space<vmem>>
      %dma_wait3A_390 = tpu.memref_squeeze %dma_wait3A_389 : memref<1x50xi32, #tpu.memory_space<vmem>> -> memref<50xi32, #tpu.memory_space<vmem>>
      %dma_wait3A_391 = arith.constant 0 : i32
      %dma_wait3A_392 = arith.constant 0 : i32
      %dma_wait3A_393 = tpu.memref_slice %arg2[%dma_wait3A_391, %dma_wait3A_392] : memref<1000000x32xf32, #tpu.memory_space<hbm>> -> memref<1000000x32xf32, #tpu.memory_space<hbm>>
      tpu.wait_indirect_dma semaphore(%arg10 : memref<!tpu.dma_semaphore, #tpu.memory_space<semaphore_mem>>) src(%dma_wait3A_393 : memref<1000000x32xf32, #tpu.memory_space<hbm>>) dst(%dma_wait3A_387 : memref<50x32xf32, #tpu.memory_space<vmem>>)
    }
    %scan3A_103 = arith.constant 16 : i32
    %scan3A_104 = arith.constant 0 : i32
    %scan3A_105 = arith.constant 0 : i32
    %scan3A_106 = arith.constant 16 : i32
    %scan3A_107 = arith.addi %scan3A_105, %scan3A_106 : i32
    %scan3A_108 = arith.constant 1 : i32
    scf.for %scan3A_381 = %scan3A_105 to %scan3A_107 step %scan3A_108  : i32 {
      %broadcast_in_dim3A = vector.broadcast %scan3A_381 : i32 to vector<16xi32>
      %scan3A_382 = arith.constant 0 : i32
      %scan3A_383 = arith.constant 0 : i32
      %scan3A_384 = arith.constant 5 : i32
      %scan3A_385 = arith.addi %scan3A_383, %scan3A_384 : i32
      %scan3A_386 = arith.constant 1 : i32
      scf.for %scan3A_388 = %scan3A_383 to %scan3A_385 step %scan3A_386  : i32 {
        %mul3A_389 = arith.constant 10 : i32
        %mul3A_390 = arith.muli %scan3A_388, %mul3A_389 : i32
        %add3A_391 = arith.constant 0 : i32
        %add3A_392 = arith.addi %mul3A_390, %add3A_391 : i32
        %get3A = arith.index_cast %scan3A_381 : i32 to index
        %get3A_393 = arith.index_cast %add3A_392 : i32 to index
        %get3A_394 = arith.constant 0 : index
        %get3A_395 = tpu.vector_load %arg6[%get3A, %get3A_393, %get3A_394] {strides = array<i32>} : memref<16x50x32xf32, #tpu.memory_space<vmem>>, vector<16xf32>,
        %get3A_396 = arith.index_cast %scan3A_381 : i32 to index
        %get3A_397 = arith.index_cast %add3A_392 : i32 to index
        %get3A_398 = arith.constant 16 : index
        %get3A_399 = tpu.vector_load %arg6[%get3A_396, %get3A_397, %get3A_398] {strides = array<i32>} : memref<16x50x32xf32, #tpu.memory_space<vmem>>, vector<16xf32>,
        %scatter3A = arith.constant 0 : i32
        %scatter3A_400 = arith.constant 0 : i32
        %scatter3A_401 = arith.constant 0 : i32
        %scatter3A_402 = tpu.memref_slice %arg8[%add3A_392, %scatter3A, %scatter3A_400, %scatter3A_401] : memref<50x4x8x16xf32, #tpu.memory_space<vmem>> -> memref<1x4x8x16xf32, #tpu.memory_space<vmem>>
        %scatter3A_403 = tpu.memref_squeeze %scatter3A_402 : memref<1x4x8x16xf32, #tpu.memory_space<vmem>> -> memref<4x8x16xf32, #tpu.memory_space<vmem>>
        tpu.vector_store_idx %scatter3A_403[%select_n3A, %rem3A_31, %broadcast_in_dim3A], %get3A_395 : memref<4x8x16xf32, #tpu.memory_space<vmem>>[vector<16xi32>, vector<16xi32>, vector<16xi32>], vector<16xf32>,
        %scatter3A_404 = arith.constant 0 : i32
        %scatter3A_405 = arith.constant 0 : i32
        %scatter3A_406 = arith.constant 0 : i32
        %scatter3A_407 = tpu.memref_slice %arg8[%add3A_392, %scatter3A_404, %scatter3A_405, %scatter3A_406] : memref<50x4x8x16xf32, #tpu.memory_space<vmem>> -> memref<1x4x8x16xf32, #tpu.memory_space<vmem>>
        %scatter3A_408 = tpu.memref_squeeze %scatter3A_407 : memref<1x4x8x16xf32, #tpu.memory_space<vmem>> -> memref<4x8x16xf32, #tpu.memory_space<vmem>>
        tpu.vector_store_idx %scatter3A_408[%add3A_28, %rem3A_31, %broadcast_in_dim3A], %get3A_399 : memref<4x8x16xf32, #tpu.memory_space<vmem>>[vector<16xi32>, vector<16xi32>, vector<16xi32>], vector<16xf32>,
        %add3A_409 = arith.constant 1 : i32
        %add3A_410 = arith.addi %mul3A_390, %add3A_409 : i32
        %get3A_411 = arith.index_cast %scan3A_381 : i32 to index
        %get3A_412 = arith.index_cast %add3A_410 : i32 to index
        %get3A_413 = arith.constant 0 : index
        %get3A_414 = tpu.vector_load %arg6[%get3A_411, %get3A_412, %get3A_413] {strides = array<i32>} : memref<16x50x32xf32, #tpu.memory_space<vmem>>, vector<16xf32>,
        %get3A_415 = arith.index_cast %scan3A_381 : i32 to index
        %get3A_416 = arith.index_cast %add3A_410 : i32 to index
        %get3A_417 = arith.constant 16 : index
        %get3A_418 = tpu.vector_load %arg6[%get3A_415, %get3A_416, %get3A_417] {strides = array<i32>} : memref<16x50x32xf32, #tpu.memory_space<vmem>>, vector<16xf32>,
        %scatter3A_419 = arith.constant 0 : i32
        %scatter3A_420 = arith.constant 0 : i32
        %scatter3A_421 = arith.constant 0 : i32
        %scatter3A_422 = tpu.memref_slice %arg8[%add3A_410, %scatter3A_419, %scatter3A_420, %scatter3A_421] : memref<50x4x8x16xf32, #tpu.memory_space<vmem>> -> memref<1x4x8x16xf32, #tpu.memory_space<vmem>>
        %scatter3A_423 = tpu.memref_squeeze %scatter3A_422 : memref<1x4x8x16xf32, #tpu.memory_space<vmem>> -> memref<4x8x16xf32, #tpu.memory_space<vmem>>
        tpu.vector_store_idx %scatter3A_423[%select_n3A, %rem3A_31, %broadcast_in_dim3A], %get3A_414 : memref<4x8x16xf32, #tpu.memory_space<vmem>>[vector<16xi32>, vector<16xi32>, vector<16xi32>], vector<16xf32>,
        %scatter3A_424 = arith.constant 0 : i32
        %scatter3A_425 = arith.constant 0 : i32
        %scatter3A_426 = arith.constant 0 : i32
        %scatter3A_427 = tpu.memref_slice %arg8[%add3A_410, %scatter3A_424, %scatter3A_425, %scatter3A_426] : memref<50x4x8x16xf32, #tpu.memory_space<vmem>> -> memref<1x4x8x16xf32, #tpu.memory_space<vmem>>
        %scatter3A_428 = tpu.memref_squeeze %scatter3A_427 : memref<1x4x8x16xf32, #tpu.memory_space<vmem>> -> memref<4x8x16xf32, #tpu.memory_space<vmem>>
        tpu.vector_store_idx %scatter3A_428[%add3A_28, %rem3A_31, %broadcast_in_dim3A], %get3A_418 : memref<4x8x16xf32, #tpu.memory_space<vmem>>[vector<16xi32>, vector<16xi32>, vector<16xi32>], vector<16xf32>,
        %add3A_429 = arith.constant 2 : i32
        %add3A_430 = arith.addi %mul3A_390, %add3A_429 : i32
        %get3A_431 = arith.index_cast %scan3A_381 : i32 to index
        %get3A_432 = arith.index_cast %add3A_430 : i32 to index
        %get3A_433 = arith.constant 0 : index
        %get3A_434 = tpu.vector_load %arg6[%get3A_431, %get3A_432, %get3A_433] {strides = array<i32>} : memref<16x50x32xf32, #tpu.memory_space<vmem>>, vector<16xf32>,
        %get3A_435 = arith.index_cast %scan3A_381 : i32 to index
        %get3A_436 = arith.index_cast %add3A_430 : i32 to index
        %get3A_437 = arith.constant 16 : index
        %get3A_438 = tpu.vector_load %arg6[%get3A_435, %get3A_436, %get3A_437] {strides = array<i32>} : memref<16x50x32xf32, #tpu.memory_space<vmem>>, vector<16xf32>,
        %scatter3A_439 = arith.constant 0 : i32
        %scatter3A_440 = arith.constant 0 : i32
        %scatter3A_441 = arith.constant 0 : i32
        %scatter3A_442 = tpu.memref_slice %arg8[%add3A_430, %scatter3A_439, %scatter3A_440, %scatter3A_441] : memref<50x4x8x16xf32, #tpu.memory_space<vmem>> -> memref<1x4x8x16xf32, #tpu.memory_space<vmem>>
        %scatter3A_443 = tpu.memref_squeeze %scatter3A_442 : memref<1x4x8x16xf32, #tpu.memory_space<vmem>> -> memref<4x8x16xf32, #tpu.memory_space<vmem>>
        tpu.vector_store_idx %scatter3A_443[%select_n3A, %rem3A_31, %broadcast_in_dim3A], %get3A_434 : memref<4x8x16xf32, #tpu.memory_space<vmem>>[vector<16xi32>, vector<16xi32>, vector<16xi32>], vector<16xf32>,
        %scatter3A_444 = arith.constant 0 : i32
        %scatter3A_445 = arith.constant 0 : i32
        %scatter3A_446 = arith.constant 0 : i32
        %scatter3A_447 = tpu.memref_slice %arg8[%add3A_430, %scatter3A_444, %scatter3A_445, %scatter3A_446] : memref<50x4x8x16xf32, #tpu.memory_space<vmem>> -> memref<1x4x8x16xf32, #tpu.memory_space<vmem>>
        %scatter3A_448 = tpu.memref_squeeze %scatter3A_447 : memref<1x4x8x16xf32, #tpu.memory_space<vmem>> -> memref<4x8x16xf32, #tpu.memory_space<vmem>>
        tpu.vector_store_idx %scatter3A_448[%add3A_28, %rem3A_31, %broadcast_in_dim3A], %get3A_438 : memref<4x8x16xf32, #tpu.memory_space<vmem>>[vector<16xi32>, vector<16xi32>, vector<16xi32>], vector<16xf32>,
        %add3A_449 = arith.constant 3 : i32
        %add3A_450 = arith.addi %mul3A_390, %add3A_449 : i32
        %get3A_451 = arith.index_cast %scan3A_381 : i32 to index
        %get3A_452 = arith.index_cast %add3A_450 : i32 to index
        %get3A_453 = arith.constant 0 : index
        %get3A_454 = tpu.vector_load %arg6[%get3A_451, %get3A_452, %get3A_453] {strides = array<i32>} : memref<16x50x32xf32, #tpu.memory_space<vmem>>, vector<16xf32>,
        %get3A_455 = arith.index_cast %scan3A_381 : i32 to index
        %get3A_456 = arith.index_cast %add3A_450 : i32 to index
        %get3A_457 = arith.constant 16 : index
        %get3A_458 = tpu.vector_load %arg6[%get3A_455, %get3A_456, %get3A_457] {strides = array<i32>} : memref<16x50x32xf32, #tpu.memory_space<vmem>>, vector<16xf32>,
        %scatter3A_459 = arith.constant 0 : i32
        %scatter3A_460 = arith.constant 0 : i32
        %scatter3A_461 = arith.constant 0 : i32
        %scatter3A_462 = tpu.memref_slice %arg8[%add3A_450, %scatter3A_459, %scatter3A_460, %scatter3A_461] : memref<50x4x8x16xf32, #tpu.memory_space<vmem>> -> memref<1x4x8x16xf32, #tpu.memory_space<vmem>>
        %scatter3A_463 = tpu.memref_squeeze %scatter3A_462 : memref<1x4x8x16xf32, #tpu.memory_space<vmem>> -> memref<4x8x16xf32, #tpu.memory_space<vmem>>
        tpu.vector_store_idx %scatter3A_463[%select_n3A, %rem3A_31, %broadcast_in_dim3A], %get3A_454 : memref<4x8x16xf32, #tpu.memory_space<vmem>>[vector<16xi32>, vector<16xi32>, vector<16xi32>], vector<16xf32>,
        %scatter3A_464 = arith.constant 0 : i32
        %scatter3A_465 = arith.constant 0 : i32
        %scatter3A_466 = arith.constant 0 : i32
        %scatter3A_467 = tpu.memref_slice %arg8[%add3A_450, %scatter3A_464, %scatter3A_465, %scatter3A_466] : memref<50x4x8x16xf32, #tpu.memory_space<vmem>> -> memref<1x4x8x16xf32, #tpu.memory_space<vmem>>
        %scatter3A_468 = tpu.memref_squeeze %scatter3A_467 : memref<1x4x8x16xf32, #tpu.memory_space<vmem>> -> memref<4x8x16xf32, #tpu.memory_space<vmem>>
        tpu.vector_store_idx %scatter3A_468[%add3A_28, %rem3A_31, %broadcast_in_dim3A], %get3A_458 : memref<4x8x16xf32, #tpu.memory_space<vmem>>[vector<16xi32>, vector<16xi32>, vector<16xi32>], vector<16xf32>,
        %add3A_469 = arith.constant 4 : i32
        %add3A_470 = arith.addi %mul3A_390, %add3A_469 : i32
        %get3A_471 = arith.index_cast %scan3A_381 : i32 to index
        %get3A_472 = arith.index_cast %add3A_470 : i32 to index
        %get3A_473 = arith.constant 0 : index
        %get3A_474 = tpu.vector_load %arg6[%get3A_471, %get3A_472, %get3A_473] {strides = array<i32>} : memref<16x50x32xf32, #tpu.memory_space<vmem>>, vector<16xf32>,
        %get3A_475 = arith.index_cast %scan3A_381 : i32 to index
        %get3A_476 = arith.index_cast %add3A_470 : i32 to index
        %get3A_477 = arith.constant 16 : index
        %get3A_478 = tpu.vector_load %arg6[%get3A_475, %get3A_476, %get3A_477] {strides = array<i32>} : memref<16x50x32xf32, #tpu.memory_space<vmem>>, vector<16xf32>,
        %scatter3A_479 = arith.constant 0 : i32
        %scatter3A_480 = arith.constant 0 : i32
        %scatter3A_481 = arith.constant 0 : i32
        %scatter3A_482 = tpu.memref_slice %arg8[%add3A_470, %scatter3A_479, %scatter3A_480, %scatter3A_481] : memref<50x4x8x16xf32, #tpu.memory_space<vmem>> -> memref<1x4x8x16xf32, #tpu.memory_space<vmem>>
        %scatter3A_483 = tpu.memref_squeeze %scatter3A_482 : memref<1x4x8x16xf32, #tpu.memory_space<vmem>> -> memref<4x8x16xf32, #tpu.memory_space<vmem>>
        tpu.vector_store_idx %scatter3A_483[%select_n3A, %rem3A_31, %broadcast_in_dim3A], %get3A_474 : memref<4x8x16xf32, #tpu.memory_space<vmem>>[vector<16xi32>, vector<16xi32>, vector<16xi32>], vector<16xf32>,
        %scatter3A_484 = arith.constant 0 : i32
        %scatter3A_485 = arith.constant 0 : i32
        %scatter3A_486 = arith.constant 0 : i32
        %scatter3A_487 = tpu.memref_slice %arg8[%add3A_470, %scatter3A_484, %scatter3A_485, %scatter3A_486] : memref<50x4x8x16xf32, #tpu.memory_space<vmem>> -> memref<1x4x8x16xf32, #tpu.memory_space<vmem>>
        %scatter3A_488 = tpu.memref_squeeze %scatter3A_487 : memref<1x4x8x16xf32, #tpu.memory_space<vmem>> -> memref<4x8x16xf32, #tpu.memory_space<vmem>>
        tpu.vector_store_idx %scatter3A_488[%add3A_28, %rem3A_31, %broadcast_in_dim3A], %get3A_478 : memref<4x8x16xf32, #tpu.memory_space<vmem>>[vector<16xi32>, vector<16xi32>, vector<16xi32>], vector<16xf32>,
        %add3A_489 = arith.constant 5 : i32
        %add3A_490 = arith.addi %mul3A_390, %add3A_489 : i32
        %get3A_491 = arith.index_cast %scan3A_381 : i32 to index
        %get3A_492 = arith.index_cast %add3A_490 : i32 to index
        %get3A_493 = arith.constant 0 : index
        %get3A_494 = tpu.vector_load %arg6[%get3A_491, %get3A_492, %get3A_493] {strides = array<i32>} : memref<16x50x32xf32, #tpu.memory_space<vmem>>, vector<16xf32>,
        %get3A_495 = arith.index_cast %scan3A_381 : i32 to index
        %get3A_496 = arith.index_cast %add3A_490 : i32 to index
        %get3A_497 = arith.constant 16 : index
        %get3A_498 = tpu.vector_load %arg6[%get3A_495, %get3A_496, %get3A_497] {strides = array<i32>} : memref<16x50x32xf32, #tpu.memory_space<vmem>>, vector<16xf32>,
        %scatter3A_499 = arith.constant 0 : i32
        %scatter3A_500 = arith.constant 0 : i32
        %scatter3A_501 = arith.constant 0 : i32
        %scatter3A_502 = tpu.memref_slice %arg8[%add3A_490, %scatter3A_499, %scatter3A_500, %scatter3A_501] : memref<50x4x8x16xf32, #tpu.memory_space<vmem>> -> memref<1x4x8x16xf32, #tpu.memory_space<vmem>>
        %scatter3A_503 = tpu.memref_squeeze %scatter3A_502 : memref<1x4x8x16xf32, #tpu.memory_space<vmem>> -> memref<4x8x16xf32, #tpu.memory_space<vmem>>
        tpu.vector_store_idx %scatter3A_503[%select_n3A, %rem3A_31, %broadcast_in_dim3A], %get3A_494 : memref<4x8x16xf32, #tpu.memory_space<vmem>>[vector<16xi32>, vector<16xi32>, vector<16xi32>], vector<16xf32>,
        %scatter3A_504 = arith.constant 0 : i32
        %scatter3A_505 = arith.constant 0 : i32
        %scatter3A_506 = arith.constant 0 : i32
        %scatter3A_507 = tpu.memref_slice %arg8[%add3A_490, %scatter3A_504, %scatter3A_505, %scatter3A_506] : memref<50x4x8x16xf32, #tpu.memory_space<vmem>> -> memref<1x4x8x16xf32, #tpu.memory_space<vmem>>
        %scatter3A_508 = tpu.memref_squeeze %scatter3A_507 : memref<1x4x8x16xf32, #tpu.memory_space<vmem>> -> memref<4x8x16xf32, #tpu.memory_space<vmem>>
        tpu.vector_store_idx %scatter3A_508[%add3A_28, %rem3A_31, %broadcast_in_dim3A], %get3A_498 : memref<4x8x16xf32, #tpu.memory_space<vmem>>[vector<16xi32>, vector<16xi32>, vector<16xi32>], vector<16xf32>,
        %add3A_509 = arith.constant 6 : i32
        %add3A_510 = arith.addi %mul3A_390, %add3A_509 : i32
        %get3A_511 = arith.index_cast %scan3A_381 : i32 to index
        %get3A_512 = arith.index_cast %add3A_510 : i32 to index
        %get3A_513 = arith.constant 0 : index
        %get3A_514 = tpu.vector_load %arg6[%get3A_511, %get3A_512, %get3A_513] {strides = array<i32>} : memref<16x50x32xf32, #tpu.memory_space<vmem>>, vector<16xf32>,
        %get3A_515 = arith.index_cast %scan3A_381 : i32 to index
        %get3A_516 = arith.index_cast %add3A_510 : i32 to index
        %get3A_517 = arith.constant 16 : index
        %get3A_518 = tpu.vector_load %arg6[%get3A_515, %get3A_516, %get3A_517] {strides = array<i32>} : memref<16x50x32xf32, #tpu.memory_space<vmem>>, vector<16xf32>,
        %scatter3A_519 = arith.constant 0 : i32
        %scatter3A_520 = arith.constant 0 : i32
        %scatter3A_521 = arith.constant 0 : i32
        %scatter3A_522 = tpu.memref_slice %arg8[%add3A_510, %scatter3A_519, %scatter3A_520, %scatter3A_521] : memref<50x4x8x16xf32, #tpu.memory_space<vmem>> -> memref<1x4x8x16xf32, #tpu.memory_space<vmem>>
        %scatter3A_523 = tpu.memref_squeeze %scatter3A_522 : memref<1x4x8x16xf32, #tpu.memory_space<vmem>> -> memref<4x8x16xf32, #tpu.memory_space<vmem>>
        tpu.vector_store_idx %scatter3A_523[%select_n3A, %rem3A_31, %broadcast_in_dim3A], %get3A_514 : memref<4x8x16xf32, #tpu.memory_space<vmem>>[vector<16xi32>, vector<16xi32>, vector<16xi32>], vector<16xf32>,
        %scatter3A_524 = arith.constant 0 : i32
        %scatter3A_525 = arith.constant 0 : i32
        %scatter3A_526 = arith.constant 0 : i32
        %scatter3A_527 = tpu.memref_slice %arg8[%add3A_510, %scatter3A_524, %scatter3A_525, %scatter3A_526] : memref<50x4x8x16xf32, #tpu.memory_space<vmem>> -> memref<1x4x8x16xf32, #tpu.memory_space<vmem>>
        %scatter3A_528 = tpu.memref_squeeze %scatter3A_527 : memref<1x4x8x16xf32, #tpu.memory_space<vmem>> -> memref<4x8x16xf32, #tpu.memory_space<vmem>>
        tpu.vector_store_idx %scatter3A_528[%add3A_28, %rem3A_31, %broadcast_in_dim3A], %get3A_518 : memref<4x8x16xf32, #tpu.memory_space<vmem>>[vector<16xi32>, vector<16xi32>, vector<16xi32>], vector<16xf32>,
        %add3A_529 = arith.constant 7 : i32
        %add3A_530 = arith.addi %mul3A_390, %add3A_529 : i32
        %get3A_531 = arith.index_cast %scan3A_381 : i32 to index
        %get3A_532 = arith.index_cast %add3A_530 : i32 to index
        %get3A_533 = arith.constant 0 : index
        %get3A_534 = tpu.vector_load %arg6[%get3A_531, %get3A_532, %get3A_533] {strides = array<i32>} : memref<16x50x32xf32, #tpu.memory_space<vmem>>, vector<16xf32>,
        %get3A_535 = arith.index_cast %scan3A_381 : i32 to index
        %get3A_536 = arith.index_cast %add3A_530 : i32 to index
        %get3A_537 = arith.constant 16 : index
        %get3A_538 = tpu.vector_load %arg6[%get3A_535, %get3A_536, %get3A_537] {strides = array<i32>} : memref<16x50x32xf32, #tpu.memory_space<vmem>>, vector<16xf32>,
        %scatter3A_539 = arith.constant 0 : i32
        %scatter3A_540 = arith.constant 0 : i32
        %scatter3A_541 = arith.constant 0 : i32
        %scatter3A_542 = tpu.memref_slice %arg8[%add3A_530, %scatter3A_539, %scatter3A_540, %scatter3A_541] : memref<50x4x8x16xf32, #tpu.memory_space<vmem>> -> memref<1x4x8x16xf32, #tpu.memory_space<vmem>>
        %scatter3A_543 = tpu.memref_squeeze %scatter3A_542 : memref<1x4x8x16xf32, #tpu.memory_space<vmem>> -> memref<4x8x16xf32, #tpu.memory_space<vmem>>
        tpu.vector_store_idx %scatter3A_543[%select_n3A, %rem3A_31, %broadcast_in_dim3A], %get3A_534 : memref<4x8x16xf32, #tpu.memory_space<vmem>>[vector<16xi32>, vector<16xi32>, vector<16xi32>], vector<16xf32>,
        %scatter3A_544 = arith.constant 0 : i32
        %scatter3A_545 = arith.constant 0 : i32
        %scatter3A_546 = arith.constant 0 : i32
        %scatter3A_547 = tpu.memref_slice %arg8[%add3A_530, %scatter3A_544, %scatter3A_545, %scatter3A_546] : memref<50x4x8x16xf32, #tpu.memory_space<vmem>> -> memref<1x4x8x16xf32, #tpu.memory_space<vmem>>
        %scatter3A_548 = tpu.memref_squeeze %scatter3A_547 : memref<1x4x8x16xf32, #tpu.memory_space<vmem>> -> memref<4x8x16xf32, #tpu.memory_space<vmem>>
        tpu.vector_store_idx %scatter3A_548[%add3A_28, %rem3A_31, %broadcast_in_dim3A], %get3A_538 : memref<4x8x16xf32, #tpu.memory_space<vmem>>[vector<16xi32>, vector<16xi32>, vector<16xi32>], vector<16xf32>,
        %add3A_549 = arith.constant 8 : i32
        %add3A_550 = arith.addi %mul3A_390, %add3A_549 : i32
        %get3A_551 = arith.index_cast %scan3A_381 : i32 to index
        %get3A_552 = arith.index_cast %add3A_550 : i32 to index
        %get3A_553 = arith.constant 0 : index
        %get3A_554 = tpu.vector_load %arg6[%get3A_551, %get3A_552, %get3A_553] {strides = array<i32>} : memref<16x50x32xf32, #tpu.memory_space<vmem>>, vector<16xf32>,
        %get3A_555 = arith.index_cast %scan3A_381 : i32 to index
        %get3A_556 = arith.index_cast %add3A_550 : i32 to index
        %get3A_557 = arith.constant 16 : index
        %get3A_558 = tpu.vector_load %arg6[%get3A_555, %get3A_556, %get3A_557] {strides = array<i32>} : memref<16x50x32xf32, #tpu.memory_space<vmem>>, vector<16xf32>,
        %scatter3A_559 = arith.constant 0 : i32
        %scatter3A_560 = arith.constant 0 : i32
        %scatter3A_561 = arith.constant 0 : i32
        %scatter3A_562 = tpu.memref_slice %arg8[%add3A_550, %scatter3A_559, %scatter3A_560, %scatter3A_561] : memref<50x4x8x16xf32, #tpu.memory_space<vmem>> -> memref<1x4x8x16xf32, #tpu.memory_space<vmem>>
        %scatter3A_563 = tpu.memref_squeeze %scatter3A_562 : memref<1x4x8x16xf32, #tpu.memory_space<vmem>> -> memref<4x8x16xf32, #tpu.memory_space<vmem>>
        tpu.vector_store_idx %scatter3A_563[%select_n3A, %rem3A_31, %broadcast_in_dim3A], %get3A_554 : memref<4x8x16xf32, #tpu.memory_space<vmem>>[vector<16xi32>, vector<16xi32>, vector<16xi32>], vector<16xf32>,
        %scatter3A_564 = arith.constant 0 : i32
        %scatter3A_565 = arith.constant 0 : i32
        %scatter3A_566 = arith.constant 0 : i32
        %scatter3A_567 = tpu.memref_slice %arg8[%add3A_550, %scatter3A_564, %scatter3A_565, %scatter3A_566] : memref<50x4x8x16xf32, #tpu.memory_space<vmem>> -> memref<1x4x8x16xf32, #tpu.memory_space<vmem>>
        %scatter3A_568 = tpu.memref_squeeze %scatter3A_567 : memref<1x4x8x16xf32, #tpu.memory_space<vmem>> -> memref<4x8x16xf32, #tpu.memory_space<vmem>>
        tpu.vector_store_idx %scatter3A_568[%add3A_28, %rem3A_31, %broadcast_in_dim3A], %get3A_558 : memref<4x8x16xf32, #tpu.memory_space<vmem>>[vector<16xi32>, vector<16xi32>, vector<16xi32>], vector<16xf32>,
        %add3A_569 = arith.constant 9 : i32
        %add3A_570 = arith.addi %mul3A_390, %add3A_569 : i32
        %get3A_571 = arith.index_cast %scan3A_381 : i32 to index
        %get3A_572 = arith.index_cast %add3A_570 : i32 to index
        %get3A_573 = arith.constant 0 : index
        %get3A_574 = tpu.vector_load %arg6[%get3A_571, %get3A_572, %get3A_573] {strides = array<i32>} : memref<16x50x32xf32, #tpu.memory_space<vmem>>, vector<16xf32>,
        %get3A_575 = arith.index_cast %scan3A_381 : i32 to index
        %get3A_576 = arith.index_cast %add3A_570 : i32 to index
        %get3A_577 = arith.constant 16 : index
        %get3A_578 = tpu.vector_load %arg6[%get3A_575, %get3A_576, %get3A_577] {strides = array<i32>} : memref<16x50x32xf32, #tpu.memory_space<vmem>>, vector<16xf32>,
        %scatter3A_579 = arith.constant 0 : i32
        %scatter3A_580 = arith.constant 0 : i32
        %scatter3A_581 = arith.constant 0 : i32
        %scatter3A_582 = tpu.memref_slice %arg8[%add3A_570, %scatter3A_579, %scatter3A_580, %scatter3A_581] : memref<50x4x8x16xf32, #tpu.memory_space<vmem>> -> memref<1x4x8x16xf32, #tpu.memory_space<vmem>>
        %scatter3A_583 = tpu.memref_squeeze %scatter3A_582 : memref<1x4x8x16xf32, #tpu.memory_space<vmem>> -> memref<4x8x16xf32, #tpu.memory_space<vmem>>
        tpu.vector_store_idx %scatter3A_583[%select_n3A, %rem3A_31, %broadcast_in_dim3A], %get3A_574 : memref<4x8x16xf32, #tpu.memory_space<vmem>>[vector<16xi32>, vector<16xi32>, vector<16xi32>], vector<16xf32>,
        %scatter3A_584 = arith.constant 0 : i32
        %scatter3A_585 = arith.constant 0 : i32
        %scatter3A_586 = arith.constant 0 : i32
        %scatter3A_587 = tpu.memref_slice %arg8[%add3A_570, %scatter3A_584, %scatter3A_585, %scatter3A_586] : memref<50x4x8x16xf32, #tpu.memory_space<vmem>> -> memref<1x4x8x16xf32, #tpu.memory_space<vmem>>
        %scatter3A_588 = tpu.memref_squeeze %scatter3A_587 : memref<1x4x8x16xf32, #tpu.memory_space<vmem>> -> memref<4x8x16xf32, #tpu.memory_space<vmem>>
        tpu.vector_store_idx %scatter3A_588[%add3A_28, %rem3A_31, %broadcast_in_dim3A], %get3A_578 : memref<4x8x16xf32, #tpu.memory_space<vmem>>[vector<16xi32>, vector<16xi32>, vector<16xi32>], vector<16xf32>,
      }
      %scan3A_387 = arith.constant 5 : i32
    }
    %scan3A_109 = arith.constant 16 : i32
    %add3A_110 = arith.constant 480 : i32
    %add3A_111 = arith.addi %mul3A_2, %add3A_110 : i32
    %jit3A_112 = arith.constant 128 : i32
    %div3A_113 = arith.divsi %add3A_111, %jit3A_112 : i32
    %sign3A_114 = arith.constant 0 : i32
    %sign3A_115 = arith.cmpi sgt, %add3A_111, %sign3A_114 : i32
    %sign3A_116 = arith.extui %sign3A_115 : i1 to i32
    %sign3A_117 = arith.constant 0 : i32
    %sign3A_118 = arith.cmpi slt, %add3A_111, %sign3A_117 : i32
    %sign3A_119 = arith.extui %sign3A_118 : i1 to i32
    %sign3A_120 = arith.subi %sign3A_116, %sign3A_119 : i32
    %sign3A_121 = arith.constant 0 : i32
    %sign3A_122 = arith.cmpi sgt, %jit3A_112, %sign3A_121 : i32
    %sign3A_123 = arith.extui %sign3A_122 : i1 to i32
    %sign3A_124 = arith.constant 0 : i32
    %sign3A_125 = arith.cmpi slt, %jit3A_112, %sign3A_124 : i32
    %sign3A_126 = arith.extui %sign3A_125 : i1 to i32
    %sign3A_127 = arith.subi %sign3A_123, %sign3A_126 : i32
    %ne3A_128 = arith.cmpi ne, %sign3A_120, %sign3A_127 : i32
    %rem3A_129 = arith.remsi %add3A_111, %jit3A_112 : i32
    %ne3A_130 = arith.constant 0 : i32
    %ne3A_131 = arith.cmpi ne, %rem3A_129, %ne3A_130 : i32
    %and3A_132 = arith.andi %ne3A_128, %ne3A_131 : i1
    %sub3A_133 = arith.constant 1 : i32
    %sub3A_134 = arith.subi %div3A_113, %sub3A_133 : i32
    %select_n3A_135 = arith.select %and3A_132, %sub3A_134, %div3A_113 : i32
    %jit3A_136 = arith.constant 128 : i32
    %eq3A_137 = arith.constant 0 : i32
    %eq3A_138 = arith.cmpi eq, %jit3A_136, %eq3A_137 : i32
    %jit3A_139 = arith.constant 1 : i32
    %select_n3A_140 = arith.select %eq3A_138, %jit3A_139, %jit3A_136 : i32
    %rem3A_141 = arith.remsi %add3A_111, %select_n3A_140 : i32
    %ne3A_142 = arith.constant 0 : i32
    %ne3A_143 = arith.cmpi ne, %rem3A_141, %ne3A_142 : i32
    %lt3A_144 = arith.constant 0 : i32
    %lt3A_145 = arith.cmpi slt, %rem3A_141, %lt3A_144 : i32
    %lt3A_146 = arith.constant 0 : i32
    %lt3A_147 = arith.cmpi slt, %select_n3A_140, %lt3A_146 : i32
    %ne3A_148 = arith.xori %lt3A_145, %lt3A_147 : i1
    %and3A_149 = arith.andi %ne3A_148, %ne3A_143 : i1
    %add3A_150 = arith.addi %rem3A_141, %select_n3A_140 : i32
    %select_n3A_151 = arith.select %and3A_149, %add3A_150, %rem3A_141 : i32
    %dma_start3A = arith.constant 0 : i32
    %dma_start3A_152 = arith.constant 0 : i32
    %dma_start3A_153 = arith.constant 0 : i32
    %dma_start3A_154 = tpu.memref_slice %arg4[%dma_start3A, %dma_start3A_152, %select_n3A_135, %dma_start3A_153, %select_n3A_151] : memref<50x4x128x8x128xf32, #tpu.memory_space<hbm>> -> memref<50x4x1x8x16xf32, #tpu.memory_space<hbm>>
    %dma_start3A_155 = tpu.memref_squeeze %dma_start3A_154 : memref<50x4x1x8x16xf32, #tpu.memory_space<hbm>> -> memref<50x4x8x16xf32, #tpu.memory_space<hbm>>
    %dma_start3A_156 = arith.constant 0 : i32
    %dma_start3A_157 = arith.constant 0 : i32
    %dma_start3A_158 = arith.constant 0 : i32
    %dma_start3A_159 = tpu.memref_slice %arg4[%dma_start3A_156, %dma_start3A_157, %select_n3A_135, %dma_start3A_158, %select_n3A_151] : memref<50x4x128x8x128xf32, #tpu.memory_space<hbm>> -> memref<50x4x1x8x16xf32, #tpu.memory_space<hbm>>
    %dma_start3A_160 = tpu.memref_squeeze %dma_start3A_159 : memref<50x4x1x8x16xf32, #tpu.memory_space<hbm>> -> memref<50x4x8x16xf32, #tpu.memory_space<hbm>>
    tpu.enqueue_dma source(%arg8 : memref<50x4x8x16xf32, #tpu.memory_space<vmem>>) target(%dma_start3A_160 : memref<50x4x8x16xf32, #tpu.memory_space<hbm>>) target_semaphore(%arg12 : memref<!tpu.dma_semaphore, #tpu.memory_space<semaphore_mem>>)
    %add3A_161 = arith.constant 464 : i32
    %add3A_162 = arith.addi %mul3A_2, %add3A_161 : i32
    %jit3A_163 = arith.constant 128 : i32
    %div3A_164 = arith.divsi %add3A_162, %jit3A_163 : i32
    %sign3A_165 = arith.constant 0 : i32
    %sign3A_166 = arith.cmpi sgt, %add3A_162, %sign3A_165 : i32
    %sign3A_167 = arith.extui %sign3A_166 : i1 to i32
    %sign3A_168 = arith.constant 0 : i32
    %sign3A_169 = arith.cmpi slt, %add3A_162, %sign3A_168 : i32
    %sign3A_170 = arith.extui %sign3A_169 : i1 to i32
    %sign3A_171 = arith.subi %sign3A_167, %sign3A_170 : i32
    %sign3A_172 = arith.constant 0 : i32
    %sign3A_173 = arith.cmpi sgt, %jit3A_163, %sign3A_172 : i32
    %sign3A_174 = arith.extui %sign3A_173 : i1 to i32
    %sign3A_175 = arith.constant 0 : i32
    %sign3A_176 = arith.cmpi slt, %jit3A_163, %sign3A_175 : i32
    %sign3A_177 = arith.extui %sign3A_176 : i1 to i32
    %sign3A_178 = arith.subi %sign3A_174, %sign3A_177 : i32
    %ne3A_179 = arith.cmpi ne, %sign3A_171, %sign3A_178 : i32
    %rem3A_180 = arith.remsi %add3A_162, %jit3A_163 : i32
    %ne3A_181 = arith.constant 0 : i32
    %ne3A_182 = arith.cmpi ne, %rem3A_180, %ne3A_181 : i32
    %and3A_183 = arith.andi %ne3A_179, %ne3A_182 : i1
    %sub3A_184 = arith.constant 1 : i32
    %sub3A_185 = arith.subi %div3A_164, %sub3A_184 : i32
    %select_n3A_186 = arith.select %and3A_183, %sub3A_185, %div3A_164 : i32
    %jit3A_187 = arith.constant 128 : i32
    %eq3A_188 = arith.constant 0 : i32
    %eq3A_189 = arith.cmpi eq, %jit3A_187, %eq3A_188 : i32
    %jit3A_190 = arith.constant 1 : i32
    %select_n3A_191 = arith.select %eq3A_189, %jit3A_190, %jit3A_187 : i32
    %rem3A_192 = arith.remsi %add3A_162, %select_n3A_191 : i32
    %ne3A_193 = arith.constant 0 : i32
    %ne3A_194 = arith.cmpi ne, %rem3A_192, %ne3A_193 : i32
    %lt3A_195 = arith.constant 0 : i32
    %lt3A_196 = arith.cmpi slt, %rem3A_192, %lt3A_195 : i32
    %lt3A_197 = arith.constant 0 : i32
    %lt3A_198 = arith.cmpi slt, %select_n3A_191, %lt3A_197 : i32
    %ne3A_199 = arith.xori %lt3A_196, %lt3A_198 : i1
    %and3A_200 = arith.andi %ne3A_199, %ne3A_194 : i1
    %add3A_201 = arith.addi %rem3A_192, %select_n3A_191 : i32
    %select_n3A_202 = arith.select %and3A_200, %add3A_201, %rem3A_192 : i32
    %dma_wait3A_203 = arith.constant 0 : i32
    %dma_wait3A_204 = arith.constant 0 : i32
    %dma_wait3A_205 = arith.constant 0 : i32
    %dma_wait3A_206 = tpu.memref_slice %arg4[%dma_wait3A_203, %dma_wait3A_204, %select_n3A_186, %dma_wait3A_205, %select_n3A_202] : memref<50x4x128x8x128xf32, #tpu.memory_space<hbm>> -> memref<50x4x1x8x16xf32, #tpu.memory_space<hbm>>
    %dma_wait3A_207 = tpu.memref_squeeze %dma_wait3A_206 : memref<50x4x1x8x16xf32, #tpu.memory_space<hbm>> -> memref<50x4x8x16xf32, #tpu.memory_space<hbm>>
    %dma_wait3A_208 = arith.constant 0 : i32
    %dma_wait3A_209 = arith.constant 0 : i32
    %dma_wait3A_210 = arith.constant 0 : i32
    %dma_wait3A_211 = tpu.memref_slice %arg4[%dma_wait3A_208, %dma_wait3A_209, %select_n3A_186, %dma_wait3A_210, %select_n3A_202] : memref<50x4x128x8x128xf32, #tpu.memory_space<hbm>> -> memref<50x4x1x8x16xf32, #tpu.memory_space<hbm>>
    %dma_wait3A_212 = tpu.memref_squeeze %dma_wait3A_211 : memref<50x4x1x8x16xf32, #tpu.memory_space<hbm>> -> memref<50x4x8x16xf32, #tpu.memory_space<hbm>>
    tpu.wait_dma2 semaphore(%arg13 : memref<!tpu.dma_semaphore, #tpu.memory_space<semaphore_mem>>) src(%arg9 : memref<50x4x8x16xf32, #tpu.memory_space<vmem>>) dst(%dma_wait3A_212 : memref<50x4x8x16xf32, #tpu.memory_space<hbm>>)
    %scan3A_213 = arith.constant 0 : i32
    %scan3A_214 = arith.constant 0 : i32
    %scan3A_215 = arith.constant 16 : i32
    %scan3A_216 = arith.addi %scan3A_214, %scan3A_215 : i32
    %scan3A_217 = arith.constant 1 : i32
    scf.for %scan3A_381 = %scan3A_214 to %scan3A_216 step %scan3A_217  : i32 {
      %add3A_382 = arith.constant 496 : i32
      %add3A_383 = arith.addi %add3A_382, %scan3A_381 : i32
      %dma_wait3A_384 = arith.constant 0 : i32
      %dma_wait3A_385 = arith.constant 0 : i32
      %dma_wait3A_386 = tpu.memref_slice %arg7[%scan3A_381, %dma_wait3A_384, %dma_wait3A_385] : memref<16x50x32xf32, #tpu.memory_space<vmem>> -> memref<1x50x32xf32, #tpu.memory_space<vmem>>
      %dma_wait3A_387 = tpu.memref_squeeze %dma_wait3A_386 : memref<1x50x32xf32, #tpu.memory_space<vmem>> -> memref<50x32xf32, #tpu.memory_space<vmem>>
      %dma_wait3A_388 = arith.constant 0 : i32
      %dma_wait3A_389 = tpu.memref_slice %arg5[%add3A_383, %dma_wait3A_388] : memref<512x50xi32, #tpu.memory_space<vmem>> -> memref<1x50xi32, #tpu.memory_space<vmem>>
      %dma_wait3A_390 = tpu.memref_squeeze %dma_wait3A_389 : memref<1x50xi32, #tpu.memory_space<vmem>> -> memref<50xi32, #tpu.memory_space<vmem>>
      %dma_wait3A_391 = arith.constant 0 : i32
      %dma_wait3A_392 = arith.constant 0 : i32
      %dma_wait3A_393 = tpu.memref_slice %arg2[%dma_wait3A_391, %dma_wait3A_392] : memref<1000000x32xf32, #tpu.memory_space<hbm>> -> memref<1000000x32xf32, #tpu.memory_space<hbm>>
      tpu.wait_indirect_dma semaphore(%arg11 : memref<!tpu.dma_semaphore, #tpu.memory_space<semaphore_mem>>) src(%dma_wait3A_393 : memref<1000000x32xf32, #tpu.memory_space<hbm>>) dst(%dma_wait3A_387 : memref<50x32xf32, #tpu.memory_space<vmem>>)
    }
    %scan3A_218 = arith.constant 16 : i32
    %scan3A_219 = arith.constant 0 : i32
    %scan3A_220 = arith.constant 0 : i32
    %scan3A_221 = arith.constant 16 : i32
    %scan3A_222 = arith.addi %scan3A_220, %scan3A_221 : i32
    %scan3A_223 = arith.constant 1 : i32
    scf.for %scan3A_381 = %scan3A_220 to %scan3A_222 step %scan3A_223  : i32 {
      %broadcast_in_dim3A = vector.broadcast %scan3A_381 : i32 to vector<16xi32>
      %scan3A_382 = arith.constant 0 : i32
      %scan3A_383 = arith.constant 0 : i32
      %scan3A_384 = arith.constant 5 : i32
      %scan3A_385 = arith.addi %scan3A_383, %scan3A_384 : i32
      %scan3A_386 = arith.constant 1 : i32
      scf.for %scan3A_388 = %scan3A_383 to %scan3A_385 step %scan3A_386  : i32 {
        %mul3A_389 = arith.constant 10 : i32
        %mul3A_390 = arith.muli %scan3A_388, %mul3A_389 : i32
        %add3A_391 = arith.constant 0 : i32
        %add3A_392 = arith.addi %mul3A_390, %add3A_391 : i32
        %get3A = arith.index_cast %scan3A_381 : i32 to index
        %get3A_393 = arith.index_cast %add3A_392 : i32 to index
        %get3A_394 = arith.constant 0 : index
        %get3A_395 = tpu.vector_load %arg7[%get3A, %get3A_393, %get3A_394] {strides = array<i32>} : memref<16x50x32xf32, #tpu.memory_space<vmem>>, vector<16xf32>,
        %get3A_396 = arith.index_cast %scan3A_381 : i32 to index
        %get3A_397 = arith.index_cast %add3A_392 : i32 to index
        %get3A_398 = arith.constant 16 : index
        %get3A_399 = tpu.vector_load %arg7[%get3A_396, %get3A_397, %get3A_398] {strides = array<i32>} : memref<16x50x32xf32, #tpu.memory_space<vmem>>, vector<16xf32>,
        %scatter3A = arith.constant 0 : i32
        %scatter3A_400 = arith.constant 0 : i32
        %scatter3A_401 = arith.constant 0 : i32
        %scatter3A_402 = tpu.memref_slice %arg9[%add3A_392, %scatter3A, %scatter3A_400, %scatter3A_401] : memref<50x4x8x16xf32, #tpu.memory_space<vmem>> -> memref<1x4x8x16xf32, #tpu.memory_space<vmem>>
        %scatter3A_403 = tpu.memref_squeeze %scatter3A_402 : memref<1x4x8x16xf32, #tpu.memory_space<vmem>> -> memref<4x8x16xf32, #tpu.memory_space<vmem>>
        tpu.vector_store_idx %scatter3A_403[%select_n3A, %rem3A_31, %broadcast_in_dim3A], %get3A_395 : memref<4x8x16xf32, #tpu.memory_space<vmem>>[vector<16xi32>, vector<16xi32>, vector<16xi32>], vector<16xf32>,
        %scatter3A_404 = arith.constant 0 : i32
        %scatter3A_405 = arith.constant 0 : i32
        %scatter3A_406 = arith.constant 0 : i32
        %scatter3A_407 = tpu.memref_slice %arg9[%add3A_392, %scatter3A_404, %scatter3A_405, %scatter3A_406] : memref<50x4x8x16xf32, #tpu.memory_space<vmem>> -> memref<1x4x8x16xf32, #tpu.memory_space<vmem>>
        %scatter3A_408 = tpu.memref_squeeze %scatter3A_407 : memref<1x4x8x16xf32, #tpu.memory_space<vmem>> -> memref<4x8x16xf32, #tpu.memory_space<vmem>>
        tpu.vector_store_idx %scatter3A_408[%add3A_28, %rem3A_31, %broadcast_in_dim3A], %get3A_399 : memref<4x8x16xf32, #tpu.memory_space<vmem>>[vector<16xi32>, vector<16xi32>, vector<16xi32>], vector<16xf32>,
        %add3A_409 = arith.constant 1 : i32
        %add3A_410 = arith.addi %mul3A_390, %add3A_409 : i32
        %get3A_411 = arith.index_cast %scan3A_381 : i32 to index
        %get3A_412 = arith.index_cast %add3A_410 : i32 to index
        %get3A_413 = arith.constant 0 : index
        %get3A_414 = tpu.vector_load %arg7[%get3A_411, %get3A_412, %get3A_413] {strides = array<i32>} : memref<16x50x32xf32, #tpu.memory_space<vmem>>, vector<16xf32>,
        %get3A_415 = arith.index_cast %scan3A_381 : i32 to index
        %get3A_416 = arith.index_cast %add3A_410 : i32 to index
        %get3A_417 = arith.constant 16 : index
        %get3A_418 = tpu.vector_load %arg7[%get3A_415, %get3A_416, %get3A_417] {strides = array<i32>} : memref<16x50x32xf32, #tpu.memory_space<vmem>>, vector<16xf32>,
        %scatter3A_419 = arith.constant 0 : i32
        %scatter3A_420 = arith.constant 0 : i32
        %scatter3A_421 = arith.constant 0 : i32
        %scatter3A_422 = tpu.memref_slice %arg9[%add3A_410, %scatter3A_419, %scatter3A_420, %scatter3A_421] : memref<50x4x8x16xf32, #tpu.memory_space<vmem>> -> memref<1x4x8x16xf32, #tpu.memory_space<vmem>>
        %scatter3A_423 = tpu.memref_squeeze %scatter3A_422 : memref<1x4x8x16xf32, #tpu.memory_space<vmem>> -> memref<4x8x16xf32, #tpu.memory_space<vmem>>
        tpu.vector_store_idx %scatter3A_423[%select_n3A, %rem3A_31, %broadcast_in_dim3A], %get3A_414 : memref<4x8x16xf32, #tpu.memory_space<vmem>>[vector<16xi32>, vector<16xi32>, vector<16xi32>], vector<16xf32>,
        %scatter3A_424 = arith.constant 0 : i32
        %scatter3A_425 = arith.constant 0 : i32
        %scatter3A_426 = arith.constant 0 : i32
        %scatter3A_427 = tpu.memref_slice %arg9[%add3A_410, %scatter3A_424, %scatter3A_425, %scatter3A_426] : memref<50x4x8x16xf32, #tpu.memory_space<vmem>> -> memref<1x4x8x16xf32, #tpu.memory_space<vmem>>
        %scatter3A_428 = tpu.memref_squeeze %scatter3A_427 : memref<1x4x8x16xf32, #tpu.memory_space<vmem>> -> memref<4x8x16xf32, #tpu.memory_space<vmem>>
        tpu.vector_store_idx %scatter3A_428[%add3A_28, %rem3A_31, %broadcast_in_dim3A], %get3A_418 : memref<4x8x16xf32, #tpu.memory_space<vmem>>[vector<16xi32>, vector<16xi32>, vector<16xi32>], vector<16xf32>,
        %add3A_429 = arith.constant 2 : i32
        %add3A_430 = arith.addi %mul3A_390, %add3A_429 : i32
        %get3A_431 = arith.index_cast %scan3A_381 : i32 to index
        %get3A_432 = arith.index_cast %add3A_430 : i32 to index
        %get3A_433 = arith.constant 0 : index
        %get3A_434 = tpu.vector_load %arg7[%get3A_431, %get3A_432, %get3A_433] {strides = array<i32>} : memref<16x50x32xf32, #tpu.memory_space<vmem>>, vector<16xf32>,
        %get3A_435 = arith.index_cast %scan3A_381 : i32 to index
        %get3A_436 = arith.index_cast %add3A_430 : i32 to index
        %get3A_437 = arith.constant 16 : index
        %get3A_438 = tpu.vector_load %arg7[%get3A_435, %get3A_436, %get3A_437] {strides = array<i32>} : memref<16x50x32xf32, #tpu.memory_space<vmem>>, vector<16xf32>,
        %scatter3A_439 = arith.constant 0 : i32
        %scatter3A_440 = arith.constant 0 : i32
        %scatter3A_441 = arith.constant 0 : i32
        %scatter3A_442 = tpu.memref_slice %arg9[%add3A_430, %scatter3A_439, %scatter3A_440, %scatter3A_441] : memref<50x4x8x16xf32, #tpu.memory_space<vmem>> -> memref<1x4x8x16xf32, #tpu.memory_space<vmem>>
        %scatter3A_443 = tpu.memref_squeeze %scatter3A_442 : memref<1x4x8x16xf32, #tpu.memory_space<vmem>> -> memref<4x8x16xf32, #tpu.memory_space<vmem>>
        tpu.vector_store_idx %scatter3A_443[%select_n3A, %rem3A_31, %broadcast_in_dim3A], %get3A_434 : memref<4x8x16xf32, #tpu.memory_space<vmem>>[vector<16xi32>, vector<16xi32>, vector<16xi32>], vector<16xf32>,
        %scatter3A_444 = arith.constant 0 : i32
        %scatter3A_445 = arith.constant 0 : i32
        %scatter3A_446 = arith.constant 0 : i32
        %scatter3A_447 = tpu.memref_slice %arg9[%add3A_430, %scatter3A_444, %scatter3A_445, %scatter3A_446] : memref<50x4x8x16xf32, #tpu.memory_space<vmem>> -> memref<1x4x8x16xf32, #tpu.memory_space<vmem>>
        %scatter3A_448 = tpu.memref_squeeze %scatter3A_447 : memref<1x4x8x16xf32, #tpu.memory_space<vmem>> -> memref<4x8x16xf32, #tpu.memory_space<vmem>>
        tpu.vector_store_idx %scatter3A_448[%add3A_28, %rem3A_31, %broadcast_in_dim3A], %get3A_438 : memref<4x8x16xf32, #tpu.memory_space<vmem>>[vector<16xi32>, vector<16xi32>, vector<16xi32>], vector<16xf32>,
        %add3A_449 = arith.constant 3 : i32
        %add3A_450 = arith.addi %mul3A_390, %add3A_449 : i32
        %get3A_451 = arith.index_cast %scan3A_381 : i32 to index
        %get3A_452 = arith.index_cast %add3A_450 : i32 to index
        %get3A_453 = arith.constant 0 : index
        %get3A_454 = tpu.vector_load %arg7[%get3A_451, %get3A_452, %get3A_453] {strides = array<i32>} : memref<16x50x32xf32, #tpu.memory_space<vmem>>, vector<16xf32>,
        %get3A_455 = arith.index_cast %scan3A_381 : i32 to index
        %get3A_456 = arith.index_cast %add3A_450 : i32 to index
        %get3A_457 = arith.constant 16 : index
        %get3A_458 = tpu.vector_load %arg7[%get3A_455, %get3A_456, %get3A_457] {strides = array<i32>} : memref<16x50x32xf32, #tpu.memory_space<vmem>>, vector<16xf32>,
        %scatter3A_459 = arith.constant 0 : i32
        %scatter3A_460 = arith.constant 0 : i32
        %scatter3A_461 = arith.constant 0 : i32
        %scatter3A_462 = tpu.memref_slice %arg9[%add3A_450, %scatter3A_459, %scatter3A_460, %scatter3A_461] : memref<50x4x8x16xf32, #tpu.memory_space<vmem>> -> memref<1x4x8x16xf32, #tpu.memory_space<vmem>>
        %scatter3A_463 = tpu.memref_squeeze %scatter3A_462 : memref<1x4x8x16xf32, #tpu.memory_space<vmem>> -> memref<4x8x16xf32, #tpu.memory_space<vmem>>
        tpu.vector_store_idx %scatter3A_463[%select_n3A, %rem3A_31, %broadcast_in_dim3A], %get3A_454 : memref<4x8x16xf32, #tpu.memory_space<vmem>>[vector<16xi32>, vector<16xi32>, vector<16xi32>], vector<16xf32>,
        %scatter3A_464 = arith.constant 0 : i32
        %scatter3A_465 = arith.constant 0 : i32
        %scatter3A_466 = arith.constant 0 : i32
        %scatter3A_467 = tpu.memref_slice %arg9[%add3A_450, %scatter3A_464, %scatter3A_465, %scatter3A_466] : memref<50x4x8x16xf32, #tpu.memory_space<vmem>> -> memref<1x4x8x16xf32, #tpu.memory_space<vmem>>
        %scatter3A_468 = tpu.memref_squeeze %scatter3A_467 : memref<1x4x8x16xf32, #tpu.memory_space<vmem>> -> memref<4x8x16xf32, #tpu.memory_space<vmem>>
        tpu.vector_store_idx %scatter3A_468[%add3A_28, %rem3A_31, %broadcast_in_dim3A], %get3A_458 : memref<4x8x16xf32, #tpu.memory_space<vmem>>[vector<16xi32>, vector<16xi32>, vector<16xi32>], vector<16xf32>,
        %add3A_469 = arith.constant 4 : i32
        %add3A_470 = arith.addi %mul3A_390, %add3A_469 : i32
        %get3A_471 = arith.index_cast %scan3A_381 : i32 to index
        %get3A_472 = arith.index_cast %add3A_470 : i32 to index
        %get3A_473 = arith.constant 0 : index
        %get3A_474 = tpu.vector_load %arg7[%get3A_471, %get3A_472, %get3A_473] {strides = array<i32>} : memref<16x50x32xf32, #tpu.memory_space<vmem>>, vector<16xf32>,
        %get3A_475 = arith.index_cast %scan3A_381 : i32 to index
        %get3A_476 = arith.index_cast %add3A_470 : i32 to index
        %get3A_477 = arith.constant 16 : index
        %get3A_478 = tpu.vector_load %arg7[%get3A_475, %get3A_476, %get3A_477] {strides = array<i32>} : memref<16x50x32xf32, #tpu.memory_space<vmem>>, vector<16xf32>,
        %scatter3A_479 = arith.constant 0 : i32
        %scatter3A_480 = arith.constant 0 : i32
        %scatter3A_481 = arith.constant 0 : i32
        %scatter3A_482 = tpu.memref_slice %arg9[%add3A_470, %scatter3A_479, %scatter3A_480, %scatter3A_481] : memref<50x4x8x16xf32, #tpu.memory_space<vmem>> -> memref<1x4x8x16xf32, #tpu.memory_space<vmem>>
        %scatter3A_483 = tpu.memref_squeeze %scatter3A_482 : memref<1x4x8x16xf32, #tpu.memory_space<vmem>> -> memref<4x8x16xf32, #tpu.memory_space<vmem>>
        tpu.vector_store_idx %scatter3A_483[%select_n3A, %rem3A_31, %broadcast_in_dim3A], %get3A_474 : memref<4x8x16xf32, #tpu.memory_space<vmem>>[vector<16xi32>, vector<16xi32>, vector<16xi32>], vector<16xf32>,
        %scatter3A_484 = arith.constant 0 : i32
        %scatter3A_485 = arith.constant 0 : i32
        %scatter3A_486 = arith.constant 0 : i32
        %scatter3A_487 = tpu.memref_slice %arg9[%add3A_470, %scatter3A_484, %scatter3A_485, %scatter3A_486] : memref<50x4x8x16xf32, #tpu.memory_space<vmem>> -> memref<1x4x8x16xf32, #tpu.memory_space<vmem>>
        %scatter3A_488 = tpu.memref_squeeze %scatter3A_487 : memref<1x4x8x16xf32, #tpu.memory_space<vmem>> -> memref<4x8x16xf32, #tpu.memory_space<vmem>>
        tpu.vector_store_idx %scatter3A_488[%add3A_28, %rem3A_31, %broadcast_in_dim3A], %get3A_478 : memref<4x8x16xf32, #tpu.memory_space<vmem>>[vector<16xi32>, vector<16xi32>, vector<16xi32>], vector<16xf32>,
        %add3A_489 = arith.constant 5 : i32
        %add3A_490 = arith.addi %mul3A_390, %add3A_489 : i32
        %get3A_491 = arith.index_cast %scan3A_381 : i32 to index
        %get3A_492 = arith.index_cast %add3A_490 : i32 to index
        %get3A_493 = arith.constant 0 : index
        %get3A_494 = tpu.vector_load %arg7[%get3A_491, %get3A_492, %get3A_493] {strides = array<i32>} : memref<16x50x32xf32, #tpu.memory_space<vmem>>, vector<16xf32>,
        %get3A_495 = arith.index_cast %scan3A_381 : i32 to index
        %get3A_496 = arith.index_cast %add3A_490 : i32 to index
        %get3A_497 = arith.constant 16 : index
        %get3A_498 = tpu.vector_load %arg7[%get3A_495, %get3A_496, %get3A_497] {strides = array<i32>} : memref<16x50x32xf32, #tpu.memory_space<vmem>>, vector<16xf32>,
        %scatter3A_499 = arith.constant 0 : i32
        %scatter3A_500 = arith.constant 0 : i32
        %scatter3A_501 = arith.constant 0 : i32
        %scatter3A_502 = tpu.memref_slice %arg9[%add3A_490, %scatter3A_499, %scatter3A_500, %scatter3A_501] : memref<50x4x8x16xf32, #tpu.memory_space<vmem>> -> memref<1x4x8x16xf32, #tpu.memory_space<vmem>>
        %scatter3A_503 = tpu.memref_squeeze %scatter3A_502 : memref<1x4x8x16xf32, #tpu.memory_space<vmem>> -> memref<4x8x16xf32, #tpu.memory_space<vmem>>
        tpu.vector_store_idx %scatter3A_503[%select_n3A, %rem3A_31, %broadcast_in_dim3A], %get3A_494 : memref<4x8x16xf32, #tpu.memory_space<vmem>>[vector<16xi32>, vector<16xi32>, vector<16xi32>], vector<16xf32>,
        %scatter3A_504 = arith.constant 0 : i32
        %scatter3A_505 = arith.constant 0 : i32
        %scatter3A_506 = arith.constant 0 : i32
        %scatter3A_507 = tpu.memref_slice %arg9[%add3A_490, %scatter3A_504, %scatter3A_505, %scatter3A_506] : memref<50x4x8x16xf32, #tpu.memory_space<vmem>> -> memref<1x4x8x16xf32, #tpu.memory_space<vmem>>
        %scatter3A_508 = tpu.memref_squeeze %scatter3A_507 : memref<1x4x8x16xf32, #tpu.memory_space<vmem>> -> memref<4x8x16xf32, #tpu.memory_space<vmem>>
        tpu.vector_store_idx %scatter3A_508[%add3A_28, %rem3A_31, %broadcast_in_dim3A], %get3A_498 : memref<4x8x16xf32, #tpu.memory_space<vmem>>[vector<16xi32>, vector<16xi32>, vector<16xi32>], vector<16xf32>,
        %add3A_509 = arith.constant 6 : i32
        %add3A_510 = arith.addi %mul3A_390, %add3A_509 : i32
        %get3A_511 = arith.index_cast %scan3A_381 : i32 to index
        %get3A_512 = arith.index_cast %add3A_510 : i32 to index
        %get3A_513 = arith.constant 0 : index
        %get3A_514 = tpu.vector_load %arg7[%get3A_511, %get3A_512, %get3A_513] {strides = array<i32>} : memref<16x50x32xf32, #tpu.memory_space<vmem>>, vector<16xf32>,
        %get3A_515 = arith.index_cast %scan3A_381 : i32 to index
        %get3A_516 = arith.index_cast %add3A_510 : i32 to index
        %get3A_517 = arith.constant 16 : index
        %get3A_518 = tpu.vector_load %arg7[%get3A_515, %get3A_516, %get3A_517] {strides = array<i32>} : memref<16x50x32xf32, #tpu.memory_space<vmem>>, vector<16xf32>,
        %scatter3A_519 = arith.constant 0 : i32
        %scatter3A_520 = arith.constant 0 : i32
        %scatter3A_521 = arith.constant 0 : i32
        %scatter3A_522 = tpu.memref_slice %arg9[%add3A_510, %scatter3A_519, %scatter3A_520, %scatter3A_521] : memref<50x4x8x16xf32, #tpu.memory_space<vmem>> -> memref<1x4x8x16xf32, #tpu.memory_space<vmem>>
        %scatter3A_523 = tpu.memref_squeeze %scatter3A_522 : memref<1x4x8x16xf32, #tpu.memory_space<vmem>> -> memref<4x8x16xf32, #tpu.memory_space<vmem>>
        tpu.vector_store_idx %scatter3A_523[%select_n3A, %rem3A_31, %broadcast_in_dim3A], %get3A_514 : memref<4x8x16xf32, #tpu.memory_space<vmem>>[vector<16xi32>, vector<16xi32>, vector<16xi32>], vector<16xf32>,
        %scatter3A_524 = arith.constant 0 : i32
        %scatter3A_525 = arith.constant 0 : i32
        %scatter3A_526 = arith.constant 0 : i32
        %scatter3A_527 = tpu.memref_slice %arg9[%add3A_510, %scatter3A_524, %scatter3A_525, %scatter3A_526] : memref<50x4x8x16xf32, #tpu.memory_space<vmem>> -> memref<1x4x8x16xf32, #tpu.memory_space<vmem>>
        %scatter3A_528 = tpu.memref_squeeze %scatter3A_527 : memref<1x4x8x16xf32, #tpu.memory_space<vmem>> -> memref<4x8x16xf32, #tpu.memory_space<vmem>>
        tpu.vector_store_idx %scatter3A_528[%add3A_28, %rem3A_31, %broadcast_in_dim3A], %get3A_518 : memref<4x8x16xf32, #tpu.memory_space<vmem>>[vector<16xi32>, vector<16xi32>, vector<16xi32>], vector<16xf32>,
        %add3A_529 = arith.constant 7 : i32
        %add3A_530 = arith.addi %mul3A_390, %add3A_529 : i32
        %get3A_531 = arith.index_cast %scan3A_381 : i32 to index
        %get3A_532 = arith.index_cast %add3A_530 : i32 to index
        %get3A_533 = arith.constant 0 : index
        %get3A_534 = tpu.vector_load %arg7[%get3A_531, %get3A_532, %get3A_533] {strides = array<i32>} : memref<16x50x32xf32, #tpu.memory_space<vmem>>, vector<16xf32>,
        %get3A_535 = arith.index_cast %scan3A_381 : i32 to index
        %get3A_536 = arith.index_cast %add3A_530 : i32 to index
        %get3A_537 = arith.constant 16 : index
        %get3A_538 = tpu.vector_load %arg7[%get3A_535, %get3A_536, %get3A_537] {strides = array<i32>} : memref<16x50x32xf32, #tpu.memory_space<vmem>>, vector<16xf32>,
        %scatter3A_539 = arith.constant 0 : i32
        %scatter3A_540 = arith.constant 0 : i32
        %scatter3A_541 = arith.constant 0 : i32
        %scatter3A_542 = tpu.memref_slice %arg9[%add3A_530, %scatter3A_539, %scatter3A_540, %scatter3A_541] : memref<50x4x8x16xf32, #tpu.memory_space<vmem>> -> memref<1x4x8x16xf32, #tpu.memory_space<vmem>>
        %scatter3A_543 = tpu.memref_squeeze %scatter3A_542 : memref<1x4x8x16xf32, #tpu.memory_space<vmem>> -> memref<4x8x16xf32, #tpu.memory_space<vmem>>
        tpu.vector_store_idx %scatter3A_543[%select_n3A, %rem3A_31, %broadcast_in_dim3A], %get3A_534 : memref<4x8x16xf32, #tpu.memory_space<vmem>>[vector<16xi32>, vector<16xi32>, vector<16xi32>], vector<16xf32>,
        %scatter3A_544 = arith.constant 0 : i32
        %scatter3A_545 = arith.constant 0 : i32
        %scatter3A_546 = arith.constant 0 : i32
        %scatter3A_547 = tpu.memref_slice %arg9[%add3A_530, %scatter3A_544, %scatter3A_545, %scatter3A_546] : memref<50x4x8x16xf32, #tpu.memory_space<vmem>> -> memref<1x4x8x16xf32, #tpu.memory_space<vmem>>
        %scatter3A_548 = tpu.memref_squeeze %scatter3A_547 : memref<1x4x8x16xf32, #tpu.memory_space<vmem>> -> memref<4x8x16xf32, #tpu.memory_space<vmem>>
        tpu.vector_store_idx %scatter3A_548[%add3A_28, %rem3A_31, %broadcast_in_dim3A], %get3A_538 : memref<4x8x16xf32, #tpu.memory_space<vmem>>[vector<16xi32>, vector<16xi32>, vector<16xi32>], vector<16xf32>,
        %add3A_549 = arith.constant 8 : i32
        %add3A_550 = arith.addi %mul3A_390, %add3A_549 : i32
        %get3A_551 = arith.index_cast %scan3A_381 : i32 to index
        %get3A_552 = arith.index_cast %add3A_550 : i32 to index
        %get3A_553 = arith.constant 0 : index
        %get3A_554 = tpu.vector_load %arg7[%get3A_551, %get3A_552, %get3A_553] {strides = array<i32>} : memref<16x50x32xf32, #tpu.memory_space<vmem>>, vector<16xf32>,
        %get3A_555 = arith.index_cast %scan3A_381 : i32 to index
        %get3A_556 = arith.index_cast %add3A_550 : i32 to index
        %get3A_557 = arith.constant 16 : index
        %get3A_558 = tpu.vector_load %arg7[%get3A_555, %get3A_556, %get3A_557] {strides = array<i32>} : memref<16x50x32xf32, #tpu.memory_space<vmem>>, vector<16xf32>,
        %scatter3A_559 = arith.constant 0 : i32
        %scatter3A_560 = arith.constant 0 : i32
        %scatter3A_561 = arith.constant 0 : i32
        %scatter3A_562 = tpu.memref_slice %arg9[%add3A_550, %scatter3A_559, %scatter3A_560, %scatter3A_561] : memref<50x4x8x16xf32, #tpu.memory_space<vmem>> -> memref<1x4x8x16xf32, #tpu.memory_space<vmem>>
        %scatter3A_563 = tpu.memref_squeeze %scatter3A_562 : memref<1x4x8x16xf32, #tpu.memory_space<vmem>> -> memref<4x8x16xf32, #tpu.memory_space<vmem>>
        tpu.vector_store_idx %scatter3A_563[%select_n3A, %rem3A_31, %broadcast_in_dim3A], %get3A_554 : memref<4x8x16xf32, #tpu.memory_space<vmem>>[vector<16xi32>, vector<16xi32>, vector<16xi32>], vector<16xf32>,
        %scatter3A_564 = arith.constant 0 : i32
        %scatter3A_565 = arith.constant 0 : i32
        %scatter3A_566 = arith.constant 0 : i32
        %scatter3A_567 = tpu.memref_slice %arg9[%add3A_550, %scatter3A_564, %scatter3A_565, %scatter3A_566] : memref<50x4x8x16xf32, #tpu.memory_space<vmem>> -> memref<1x4x8x16xf32, #tpu.memory_space<vmem>>
        %scatter3A_568 = tpu.memref_squeeze %scatter3A_567 : memref<1x4x8x16xf32, #tpu.memory_space<vmem>> -> memref<4x8x16xf32, #tpu.memory_space<vmem>>
        tpu.vector_store_idx %scatter3A_568[%add3A_28, %rem3A_31, %broadcast_in_dim3A], %get3A_558 : memref<4x8x16xf32, #tpu.memory_space<vmem>>[vector<16xi32>, vector<16xi32>, vector<16xi32>], vector<16xf32>,
        %add3A_569 = arith.constant 9 : i32
        %add3A_570 = arith.addi %mul3A_390, %add3A_569 : i32
        %get3A_571 = arith.index_cast %scan3A_381 : i32 to index
        %get3A_572 = arith.index_cast %add3A_570 : i32 to index
        %get3A_573 = arith.constant 0 : index
        %get3A_574 = tpu.vector_load %arg7[%get3A_571, %get3A_572, %get3A_573] {strides = array<i32>} : memref<16x50x32xf32, #tpu.memory_space<vmem>>, vector<16xf32>,
        %get3A_575 = arith.index_cast %scan3A_381 : i32 to index
        %get3A_576 = arith.index_cast %add3A_570 : i32 to index
        %get3A_577 = arith.constant 16 : index
        %get3A_578 = tpu.vector_load %arg7[%get3A_575, %get3A_576, %get3A_577] {strides = array<i32>} : memref<16x50x32xf32, #tpu.memory_space<vmem>>, vector<16xf32>,
        %scatter3A_579 = arith.constant 0 : i32
        %scatter3A_580 = arith.constant 0 : i32
        %scatter3A_581 = arith.constant 0 : i32
        %scatter3A_582 = tpu.memref_slice %arg9[%add3A_570, %scatter3A_579, %scatter3A_580, %scatter3A_581] : memref<50x4x8x16xf32, #tpu.memory_space<vmem>> -> memref<1x4x8x16xf32, #tpu.memory_space<vmem>>
        %scatter3A_583 = tpu.memref_squeeze %scatter3A_582 : memref<1x4x8x16xf32, #tpu.memory_space<vmem>> -> memref<4x8x16xf32, #tpu.memory_space<vmem>>
        tpu.vector_store_idx %scatter3A_583[%select_n3A, %rem3A_31, %broadcast_in_dim3A], %get3A_574 : memref<4x8x16xf32, #tpu.memory_space<vmem>>[vector<16xi32>, vector<16xi32>, vector<16xi32>], vector<16xf32>,
        %scatter3A_584 = arith.constant 0 : i32
        %scatter3A_585 = arith.constant 0 : i32
        %scatter3A_586 = arith.constant 0 : i32
        %scatter3A_587 = tpu.memref_slice %arg9[%add3A_570, %scatter3A_584, %scatter3A_585, %scatter3A_586] : memref<50x4x8x16xf32, #tpu.memory_space<vmem>> -> memref<1x4x8x16xf32, #tpu.memory_space<vmem>>
        %scatter3A_588 = tpu.memref_squeeze %scatter3A_587 : memref<1x4x8x16xf32, #tpu.memory_space<vmem>> -> memref<4x8x16xf32, #tpu.memory_space<vmem>>
        tpu.vector_store_idx %scatter3A_588[%add3A_28, %rem3A_31, %broadcast_in_dim3A], %get3A_578 : memref<4x8x16xf32, #tpu.memory_space<vmem>>[vector<16xi32>, vector<16xi32>, vector<16xi32>], vector<16xf32>,
      }
      %scan3A_387 = arith.constant 5 : i32
    }
    %scan3A_224 = arith.constant 16 : i32
    %add3A_225 = arith.constant 496 : i32
    %add3A_226 = arith.addi %mul3A_2, %add3A_225 : i32
    %jit3A_227 = arith.constant 128 : i32
    %div3A_228 = arith.divsi %add3A_226, %jit3A_227 : i32
    %sign3A_229 = arith.constant 0 : i32
    %sign3A_230 = arith.cmpi sgt, %add3A_226, %sign3A_229 : i32
    %sign3A_231 = arith.extui %sign3A_230 : i1 to i32
    %sign3A_232 = arith.constant 0 : i32
    %sign3A_233 = arith.cmpi slt, %add3A_226, %sign3A_232 : i32
    %sign3A_234 = arith.extui %sign3A_233 : i1 to i32
    %sign3A_235 = arith.subi %sign3A_231, %sign3A_234 : i32
    %sign3A_236 = arith.constant 0 : i32
    %sign3A_237 = arith.cmpi sgt, %jit3A_227, %sign3A_236 : i32
    %sign3A_238 = arith.extui %sign3A_237 : i1 to i32
    %sign3A_239 = arith.constant 0 : i32
    %sign3A_240 = arith.cmpi slt, %jit3A_227, %sign3A_239 : i32
    %sign3A_241 = arith.extui %sign3A_240 : i1 to i32
    %sign3A_242 = arith.subi %sign3A_238, %sign3A_241 : i32
    %ne3A_243 = arith.cmpi ne, %sign3A_235, %sign3A_242 : i32
    %rem3A_244 = arith.remsi %add3A_226, %jit3A_227 : i32
    %ne3A_245 = arith.constant 0 : i32
    %ne3A_246 = arith.cmpi ne, %rem3A_244, %ne3A_245 : i32
    %and3A_247 = arith.andi %ne3A_243, %ne3A_246 : i1
    %sub3A_248 = arith.constant 1 : i32
    %sub3A_249 = arith.subi %div3A_228, %sub3A_248 : i32
    %select_n3A_250 = arith.select %and3A_247, %sub3A_249, %div3A_228 : i32
    %jit3A_251 = arith.constant 128 : i32
    %eq3A_252 = arith.constant 0 : i32
    %eq3A_253 = arith.cmpi eq, %jit3A_251, %eq3A_252 : i32
    %jit3A_254 = arith.constant 1 : i32
    %select_n3A_255 = arith.select %eq3A_253, %jit3A_254, %jit3A_251 : i32
    %rem3A_256 = arith.remsi %add3A_226, %select_n3A_255 : i32
    %ne3A_257 = arith.constant 0 : i32
    %ne3A_258 = arith.cmpi ne, %rem3A_256, %ne3A_257 : i32
    %lt3A_259 = arith.constant 0 : i32
    %lt3A_260 = arith.cmpi slt, %rem3A_256, %lt3A_259 : i32
    %lt3A_261 = arith.constant 0 : i32
    %lt3A_262 = arith.cmpi slt, %select_n3A_255, %lt3A_261 : i32
    %ne3A_263 = arith.xori %lt3A_260, %lt3A_262 : i1
    %and3A_264 = arith.andi %ne3A_263, %ne3A_258 : i1
    %add3A_265 = arith.addi %rem3A_256, %select_n3A_255 : i32
    %select_n3A_266 = arith.select %and3A_264, %add3A_265, %rem3A_256 : i32
    %dma_start3A_267 = arith.constant 0 : i32
    %dma_start3A_268 = arith.constant 0 : i32
    %dma_start3A_269 = arith.constant 0 : i32
    %dma_start3A_270 = tpu.memref_slice %arg4[%dma_start3A_267, %dma_start3A_268, %select_n3A_250, %dma_start3A_269, %select_n3A_266] : memref<50x4x128x8x128xf32, #tpu.memory_space<hbm>> -> memref<50x4x1x8x16xf32, #tpu.memory_space<hbm>>
    %dma_start3A_271 = tpu.memref_squeeze %dma_start3A_270 : memref<50x4x1x8x16xf32, #tpu.memory_space<hbm>> -> memref<50x4x8x16xf32, #tpu.memory_space<hbm>>
    %dma_start3A_272 = arith.constant 0 : i32
    %dma_start3A_273 = arith.constant 0 : i32
    %dma_start3A_274 = arith.constant 0 : i32
    %dma_start3A_275 = tpu.memref_slice %arg4[%dma_start3A_272, %dma_start3A_273, %select_n3A_250, %dma_start3A_274, %select_n3A_266] : memref<50x4x128x8x128xf32, #tpu.memory_space<hbm>> -> memref<50x4x1x8x16xf32, #tpu.memory_space<hbm>>
    %dma_start3A_276 = tpu.memref_squeeze %dma_start3A_275 : memref<50x4x1x8x16xf32, #tpu.memory_space<hbm>> -> memref<50x4x8x16xf32, #tpu.memory_space<hbm>>
    tpu.enqueue_dma source(%arg9 : memref<50x4x8x16xf32, #tpu.memory_space<vmem>>) target(%dma_start3A_276 : memref<50x4x8x16xf32, #tpu.memory_space<hbm>>) target_semaphore(%arg13 : memref<!tpu.dma_semaphore, #tpu.memory_space<semaphore_mem>>)
    %add3A_277 = arith.constant 480 : i32
    %add3A_278 = arith.addi %mul3A_2, %add3A_277 : i32
    %jit3A_279 = arith.constant 128 : i32
    %div3A_280 = arith.divsi %add3A_278, %jit3A_279 : i32
    %sign3A_281 = arith.constant 0 : i32
    %sign3A_282 = arith.cmpi sgt, %add3A_278, %sign3A_281 : i32
    %sign3A_283 = arith.extui %sign3A_282 : i1 to i32
    %sign3A_284 = arith.constant 0 : i32
    %sign3A_285 = arith.cmpi slt, %add3A_278, %sign3A_284 : i32
    %sign3A_286 = arith.extui %sign3A_285 : i1 to i32
    %sign3A_287 = arith.subi %sign3A_283, %sign3A_286 : i32
    %sign3A_288 = arith.constant 0 : i32
    %sign3A_289 = arith.cmpi sgt, %jit3A_279, %sign3A_288 : i32
    %sign3A_290 = arith.extui %sign3A_289 : i1 to i32
    %sign3A_291 = arith.constant 0 : i32
    %sign3A_292 = arith.cmpi slt, %jit3A_279, %sign3A_291 : i32
    %sign3A_293 = arith.extui %sign3A_292 : i1 to i32
    %sign3A_294 = arith.subi %sign3A_290, %sign3A_293 : i32
    %ne3A_295 = arith.cmpi ne, %sign3A_287, %sign3A_294 : i32
    %rem3A_296 = arith.remsi %add3A_278, %jit3A_279 : i32
    %ne3A_297 = arith.constant 0 : i32
    %ne3A_298 = arith.cmpi ne, %rem3A_296, %ne3A_297 : i32
    %and3A_299 = arith.andi %ne3A_295, %ne3A_298 : i1
    %sub3A_300 = arith.constant 1 : i32
    %sub3A_301 = arith.subi %div3A_280, %sub3A_300 : i32
    %select_n3A_302 = arith.select %and3A_299, %sub3A_301, %div3A_280 : i32
    %jit3A_303 = arith.constant 128 : i32
    %eq3A_304 = arith.constant 0 : i32
    %eq3A_305 = arith.cmpi eq, %jit3A_303, %eq3A_304 : i32
    %jit3A_306 = arith.constant 1 : i32
    %select_n3A_307 = arith.select %eq3A_305, %jit3A_306, %jit3A_303 : i32
    %rem3A_308 = arith.remsi %add3A_278, %select_n3A_307 : i32
    %ne3A_309 = arith.constant 0 : i32
    %ne3A_310 = arith.cmpi ne, %rem3A_308, %ne3A_309 : i32
    %lt3A_311 = arith.constant 0 : i32
    %lt3A_312 = arith.cmpi slt, %rem3A_308, %lt3A_311 : i32
    %lt3A_313 = arith.constant 0 : i32
    %lt3A_314 = arith.cmpi slt, %select_n3A_307, %lt3A_313 : i32
    %ne3A_315 = arith.xori %lt3A_312, %lt3A_314 : i1
    %and3A_316 = arith.andi %ne3A_315, %ne3A_310 : i1
    %add3A_317 = arith.addi %rem3A_308, %select_n3A_307 : i32
    %select_n3A_318 = arith.select %and3A_316, %add3A_317, %rem3A_308 : i32
    %dma_wait3A_319 = arith.constant 0 : i32
    %dma_wait3A_320 = arith.constant 0 : i32
    %dma_wait3A_321 = arith.constant 0 : i32
    %dma_wait3A_322 = tpu.memref_slice %arg4[%dma_wait3A_319, %dma_wait3A_320, %select_n3A_302, %dma_wait3A_321, %select_n3A_318] : memref<50x4x128x8x128xf32, #tpu.memory_space<hbm>> -> memref<50x4x1x8x16xf32, #tpu.memory_space<hbm>>
    %dma_wait3A_323 = tpu.memref_squeeze %dma_wait3A_322 : memref<50x4x1x8x16xf32, #tpu.memory_space<hbm>> -> memref<50x4x8x16xf32, #tpu.memory_space<hbm>>
    %dma_wait3A_324 = arith.constant 0 : i32
    %dma_wait3A_325 = arith.constant 0 : i32
    %dma_wait3A_326 = arith.constant 0 : i32
    %dma_wait3A_327 = tpu.memref_slice %arg4[%dma_wait3A_324, %dma_wait3A_325, %select_n3A_302, %dma_wait3A_326, %select_n3A_318] : memref<50x4x128x8x128xf32, #tpu.memory_space<hbm>> -> memref<50x4x1x8x16xf32, #tpu.memory_space<hbm>>
    %dma_wait3A_328 = tpu.memref_squeeze %dma_wait3A_327 : memref<50x4x1x8x16xf32, #tpu.memory_space<hbm>> -> memref<50x4x8x16xf32, #tpu.memory_space<hbm>>
    tpu.wait_dma2 semaphore(%arg12 : memref<!tpu.dma_semaphore, #tpu.memory_space<semaphore_mem>>) src(%arg8 : memref<50x4x8x16xf32, #tpu.memory_space<vmem>>) dst(%dma_wait3A_328 : memref<50x4x8x16xf32, #tpu.memory_space<hbm>>)
    %add3A_329 = arith.constant 496 : i32
    %add3A_330 = arith.addi %mul3A_2, %add3A_329 : i32
    %jit3A_331 = arith.constant 128 : i32
    %div3A_332 = arith.divsi %add3A_330, %jit3A_331 : i32
    %sign3A_333 = arith.constant 0 : i32
    %sign3A_334 = arith.cmpi sgt, %add3A_330, %sign3A_333 : i32
    %sign3A_335 = arith.extui %sign3A_334 : i1 to i32
    %sign3A_336 = arith.constant 0 : i32
    %sign3A_337 = arith.cmpi slt, %add3A_330, %sign3A_336 : i32
    %sign3A_338 = arith.extui %sign3A_337 : i1 to i32
    %sign3A_339 = arith.subi %sign3A_335, %sign3A_338 : i32
    %sign3A_340 = arith.constant 0 : i32
    %sign3A_341 = arith.cmpi sgt, %jit3A_331, %sign3A_340 : i32
    %sign3A_342 = arith.extui %sign3A_341 : i1 to i32
    %sign3A_343 = arith.constant 0 : i32
    %sign3A_344 = arith.cmpi slt, %jit3A_331, %sign3A_343 : i32
    %sign3A_345 = arith.extui %sign3A_344 : i1 to i32
    %sign3A_346 = arith.subi %sign3A_342, %sign3A_345 : i32
    %ne3A_347 = arith.cmpi ne, %sign3A_339, %sign3A_346 : i32
    %rem3A_348 = arith.remsi %add3A_330, %jit3A_331 : i32
    %ne3A_349 = arith.constant 0 : i32
    %ne3A_350 = arith.cmpi ne, %rem3A_348, %ne3A_349 : i32
    %and3A_351 = arith.andi %ne3A_347, %ne3A_350 : i1
    %sub3A_352 = arith.constant 1 : i32
    %sub3A_353 = arith.subi %div3A_332, %sub3A_352 : i32
    %select_n3A_354 = arith.select %and3A_351, %sub3A_353, %div3A_332 : i32
    %jit3A_355 = arith.constant 128 : i32
    %eq3A_356 = arith.constant 0 : i32
    %eq3A_357 = arith.cmpi eq, %jit3A_355, %eq3A_356 : i32
    %jit3A_358 = arith.constant 1 : i32
    %select_n3A_359 = arith.select %eq3A_357, %jit3A_358, %jit3A_355 : i32
    %rem3A_360 = arith.remsi %add3A_330, %select_n3A_359 : i32
    %ne3A_361 = arith.constant 0 : i32
    %ne3A_362 = arith.cmpi ne, %rem3A_360, %ne3A_361 : i32
    %lt3A_363 = arith.constant 0 : i32
    %lt3A_364 = arith.cmpi slt, %rem3A_360, %lt3A_363 : i32
    %lt3A_365 = arith.constant 0 : i32
    %lt3A_366 = arith.cmpi slt, %select_n3A_359, %lt3A_365 : i32
    %ne3A_367 = arith.xori %lt3A_364, %lt3A_366 : i1
    %and3A_368 = arith.andi %ne3A_367, %ne3A_362 : i1
    %add3A_369 = arith.addi %rem3A_360, %select_n3A_359 : i32
    %select_n3A_370 = arith.select %and3A_368, %add3A_369, %rem3A_360 : i32
    %dma_wait3A_371 = arith.constant 0 : i32
    %dma_wait3A_372 = arith.constant 0 : i32
    %dma_wait3A_373 = arith.constant 0 : i32
    %dma_wait3A_374 = tpu.memref_slice %arg4[%dma_wait3A_371, %dma_wait3A_372, %select_n3A_354, %dma_wait3A_373, %select_n3A_370] : memref<50x4x128x8x128xf32, #tpu.memory_space<hbm>> -> memref<50x4x1x8x16xf32, #tpu.memory_space<hbm>>
    %dma_wait3A_375 = tpu.memref_squeeze %dma_wait3A_374 : memref<50x4x1x8x16xf32, #tpu.memory_space<hbm>> -> memref<50x4x8x16xf32, #tpu.memory_space<hbm>>
    %dma_wait3A_376 = arith.constant 0 : i32
    %dma_wait3A_377 = arith.constant 0 : i32
    %dma_wait3A_378 = arith.constant 0 : i32
    %dma_wait3A_379 = tpu.memref_slice %arg4[%dma_wait3A_376, %dma_wait3A_377, %select_n3A_354, %dma_wait3A_378, %select_n3A_370] : memref<50x4x128x8x128xf32, #tpu.memory_space<hbm>> -> memref<50x4x1x8x16xf32, #tpu.memory_space<hbm>>
    %dma_wait3A_380 = tpu.memref_squeeze %dma_wait3A_379 : memref<50x4x1x8x16xf32, #tpu.memory_space<hbm>> -> memref<50x4x8x16xf32, #tpu.memory_space<hbm>>
    tpu.wait_dma2 semaphore(%arg13 : memref<!tpu.dma_semaphore, #tpu.memory_space<semaphore_mem>>) src(%arg9 : memref<50x4x8x16xf32, #tpu.memory_space<vmem>>) dst(%dma_wait3A_380 : memref<50x4x8x16xf32, #tpu.memory_space<hbm>>)
    return
  }
}

</mosaic_0001>

<sc_bundles>
// kernel: _gather_rows.3.cloned.1.call-start
scs
__scs_entry_jumppad:
0x0: {  	(pc) =	sbr.rel $0x88, $3  }
0x1: {  	(tag) =	ssettag $0x0;
	lr =	simm.s32 $0x1  }
0x2: {  	[smem:$0x3F9F] =	sst lr;
	_ =	strace $0xD0000000  }
0x3: {  	_ = 	snop  }
0x4: {  	_ = 	snop  }
0x5: {  	_ = 	snop  }
0x6: {  	_ = 	snop  }
0x7: {  	_ = 	snop  }
__scs_overlays_trampoline_lowered:
0x8: {  	[smem:$0x3FAE] =	sst s0  }
0x9: {  	[smem:$0x3FAF] =	sst s1  }
0xa: {  	[smem:$0x3FB0] =	sst s2  }
0xb: {  	[smem:$0x3FB1] =	sst s3  }
0xc: {  	[smem:$0x3FB2] =	sst s4  }
0xd: {  	[smem:$0x3FB3] =	sst s5  }
0xe: {  	[smem:$0x3FB4] =	sst s6  }
0xf: {  	[smem:$0x3FB5] =	sst s7  }
0x10: {  	[smem:$0x3FB6] =	sst s8  }
0x11: {  	[smem:$0x3FB7] =	sst s9;
	s0 =	simm.s32 @!p0 $0x0  }
0x12: {  	s1 =	sld [smem:$0x3F9D];
	s0 =	simm.s32 @p0 $0x1  }
0x13: {  	[smem:$0x3FB8] =	sst s0;
	s0 =	simm.s32 @!p1 $0x0  }
0x14: {  	s2 =	sld [smem:$0x3F9C];
	s0 =	simm.s32 @p1 $0x1  }
0x15: {  	[smem:$0x3FB9] =	sst s0;
	s0 =	simm.s32 @!p2 $0x0  }
0x16: {  	s3 =	sld [smem:$0x3FDB];
	s0 =	simm.s32 @p2 $0x1  }
0x17: {  	s4 =	simm.s32 $0x1BF5;
	[smem:$0x3FBB] =	sst s0  }
0x18: {  	s0 =	sld [smem:$0x3F9E];
	_ =	swait.ge [sflag:s4], $0x0  }
0x19: {  	s7 =	sld [smem:$0x3F9F]  }
0x1a: {  	s8 =	sadd.s32 $0xFFFFE003, lr  }
0x1b: {  	s9 =	sadd.s32 $0xFFFFFEF7, lr;
	s5 =	simm.s32 $0xFFFFFFFF;
	p2 =	slt.u32 s8, $0xFFFFF086  }
0x1c: {  	p1 =	slt.u32 s9, $0xF7A;
	s5 =	simm.s32 @!p2 $0x0  }
0x1d: {  	s5 =	simm.s32 @p1 $0x1;
	p0 =	seq.s32 s7, s2  }
0x1e: {  	s7 =	smul.u32 @!p0 $0xF7A, s2;
	p2 =	seq.s32 @!p0 s5, $0x0  }
0x1f: {  	s9 =	smul.u32 $0xF7A, s1;
	s8 =	simm.s32 @!p0 $0x1BF5;
	p2 =	por !p2, p0  }
0x20: {  	[sflag:s8] =	ssyncset.s32 @!p0 $0xFFFFF086;
	s6 =	sadd.s32 @!p0 s3, s7;
	s7 =	simm.s32 @!p0 $0x108  }
0x21: {  	s3 =	sadd.s32 s3, s9;
	s6 =	sadd.s32 @!p0 $0x88, s6;
	s7 =	simm.s32 @p2 $0x1082  }
0x22: {  	[simem:s7], [sflag:s8] =	dma.local @!p0 [hbm:s6], $0xF7A  }
0x23: {  	s9 =	sor.u32 $0xD0000000, s2;
	s6 =	simm.s32 $0x108;
	_ =	swait.ge @!p0 [sflag:s8], $0x0  }
0x24: {  	s3 =	sadd.s32 $0x88, s3;
	s6 =	simm.s32 @!p1 $0x1082;
	[sflag:s4] =	ssyncset.s32 $0xFFFFF086  }
0x25: {  	[simem:s6], [sflag:s4] =	dma.local [hbm:s3], $0xF7A  }
0x26: {  	[smem:$0x3F9F] =	sst s1;
	(tag) =	ssettag s2;
	_ =	strace s9  }
0x27: {  	s1 =	sld [smem:$0x3FAF]  }
0x28: {  	s2 =	sld [smem:$0x3FB0]  }
0x29: {  	s4 =	sld [smem:$0x3FB2]  }
0x2a: {  	p0 =	seq.s32 s5, $0x0;
	s5 =	sld [smem:$0x3FB3]  }
0x2b: {  	s6 =	sld [smem:$0x3FB4]  }
0x2c: {  	s7 =	sld [smem:$0x3FB5]  }
0x2d: {  	s3 =	simm.s32 $0x108;
	s8 =	sld [smem:$0x3FB6]  }
0x2e: {  	s3 =	simm.s32 @!p0 $0x1082;
	s9 =	sld [smem:$0x3FB7]  }
0x2f: {  	lr =	sadd.s32 s0, s3;
	s0 =	sld [smem:$0x3FAE]  }
0x30: {  	s3 =	sld [smem:$0x3FB1]  }
0x31: {  	[smem:$0x3FBA] =	sst s10  }
0x32: {  	s10 =	sld [smem:$0x3FB8];
	_ =	sdelay $0x3  }
0x33: {  	p0 =	seq.s32 s10, $0x1;
	s10 =	sld [smem:$0x3FBA];
	_ =	sdelay $0x3  }
0x34: {  	[smem:$0x3FBA] =	sst s10  }
0x35: {  	s10 =	sld [smem:$0x3FB9];
	_ =	sdelay $0x3  }
0x36: {  	p1 =	seq.s32 s10, $0x1;
	s10 =	sld [smem:$0x3FBA];
	_ =	sdelay $0x3  }
0x37: {  	[smem:$0x3FBA] =	sst s10  }
0x38: {  	s10 =	sld [smem:$0x3FBB]  }
0x39: {  	_ = 	snop;
	(pc) =	sbr.ind lr, $3  }
0x3a: {  	_ = 	snop  }
0x3b: {  	_ = 	snop  }
0x3c: {  	p2 =	seq.s32 s10, $0x1;
	s10 =	sld [smem:$0x3FBA]  }
0x3d: {  	_ =	shalt  }
0x3e: {  	_ =	shalt  }
0x3f: {  	_ =	shalt  }
0x40: {  	_ =	shalt  }
0x41: {  	_ =	shalt  }
0x42: {  	_ =	shalt  }
0x43: {  	_ =	shalt  }
0x44: {  	_ =	shalt  }
0x45: {  	_ =	shalt  }
0x46: {  	_ =	shalt  }
0x47: {  	_ =	shalt  }
0x48: {  	_ =	shalt  }
0x49: {  	_ =	shalt  }
0x4a: {  	_ =	shalt  }
0x4b: {  	_ =	shalt  }
0x4c: {  	_ =	shalt  }
0x4d: {  	_ =	shalt  }
0x4e: {  	_ =	shalt  }
0x4f: {  	_ =	shalt  }
0x50: {  	_ =	shalt  }
0x51: {  	_ =	shalt  }
0x52: {  	_ =	shalt  }
0x53: {  	_ =	shalt  }
0x54: {  	_ =	shalt  }
0x55: {  	_ =	shalt  }
0x56: {  	_ =	shalt  }
0x57: {  	_ =	shalt  }
0x58: {  	_ =	shalt  }
0x59: {  	_ =	shalt  }
0x5a: {  	_ =	shalt  }
0x5b: {  	_ =	shalt  }
0x5c: {  	_ =	shalt  }
0x5d: {  	_ =	shalt  }
0x5e: {  	_ =	shalt  }
0x5f: {  	_ =	shalt  }
0x60: {  	_ =	shalt  }
0x61: {  	_ =	shalt  }
0x62: {  	_ =	shalt  }
0x63: {  	_ =	shalt  }
0x64: {  	_ =	shalt  }
0x65: {  	_ =	shalt  }
0x66: {  	_ =	shalt  }
0x67: {  	_ =	shalt  }
0x68: {  	_ =	shalt  }
0x69: {  	_ =	shalt  }
0x6a: {  	_ =	shalt  }
0x6b: {  	_ =	shalt  }
0x6c: {  	_ =	shalt  }
0x6d: {  	_ =	shalt  }
0x6e: {  	_ =	shalt  }
0x6f: {  	_ =	shalt  }
0x70: {  	_ =	shalt  }
0x71: {  	_ =	shalt  }
0x72: {  	_ =	shalt  }
0x73: {  	_ =	shalt  }
0x74: {  	_ =	shalt  }
0x75: {  	_ =	shalt  }
0x76: {  	_ =	shalt  }
0x77: {  	_ =	shalt  }
0x78: {  	_ =	shalt  }
0x79: {  	_ =	shalt  }
0x7a: {  	_ =	shalt  }
0x7b: {  	_ =	shalt  }
0x7c: {  	_ =	shalt  }
0x7d: {  	_ =	shalt  }
0x7e: {  	_ =	shalt  }
0x7f: {  	_ =	shalt  }
0x80: {  	_ =	shalt  }
0x81: {  	_ =	shalt  }
0x82: {  	_ =	shalt  }
0x83: {  	_ =	shalt  }
0x84: {  	_ =	shalt  }
0x85: {  	_ =	shalt  }
0x86: {  	_ =	shalt  }
0x87: {  	_ =	shalt  }
.Lfunc_end0:
.L_simem_size_0:
called_computation_lowered:
.L_overlay_start_0:
0x88: {  	s2 =	sld [smem:$0x3FD9]  }
0x89: {  	s3 =	sld [smem:$0x3FFE];
	_ =	sdelay $0x1  }
0x8a: {  	s1 =	srdreg.scid  }
0x8b: {  	s0 =	sand.u32 $0x1, s1  }
0x8c: {  	s17 =	sshll.u32 s0, $0xA;
	s2 =	sadd.s32 s3, s2  }
0x8d: {  	s2 =	sadd.s32 s2, s17  }
0x8e: {  	[smem:$0x3FC6] =	sst s2  }
0x8f: {  	_ = 	snop  }
0x90: {  	s2 =	sld [smem:$0x3FD0];
	(tm) =	ssettm $0x1  }
0x91: {  	s18 =	sld [smem:$0x3FFB];
	_ =	sdelay $0x3  }
0x92: {  	_ =	strace s18  }
0x93: {  	s3 =	sld [smem:$0x3FFC];
	_ =	sdelay $0x3  }
0x94: {  	_ =	strace s3  }
0x95: {  	s3 =	sld [smem:$0x3FFD];
	_ =	sdelay $0x3  }
0x96: {  	_ =	strace s3  }
0x97: {  	_ =	strace $0x8FFFFFFF  }
0x98: {  	s19 =	sld [smem:$0x3FDB];
	_ =	sdelay $0x1  }
0x99: {  	s4 =	simm.s32 $_scs_section_size  }
0x9a: {  	s5 =	simm.s32 $_size__tile_overlayer_lowered;
	s6 =	simm.s32 $_tile_overlayer_lowered  }
0x9b: {  	s22 =	simm.s32 $0x1BFF;
	s21 =	sshll.u32 s6, $0x1;
	s3 =	sadd.s32 s4, s19  }
0x9c: {  	s7 =	simm.s32 $0x0;
	s20 =	sshll.u32 s5, $0x1;
	s5 =	sadd.s32 s21, s3  }
0x9d: {  	[timem:s7], [sflag:s22] =	dma.local [hbm:s5], s20  }
0x9e: {  	_ =	swait.ge [sflag:s22], s20  }
0x9f: {  	s4 =	ssub.s32 $0x0, s20;
	[sflag:s22] =	ssyncset.done $0x0  }
0xa0: {  	[sflag:s22] =	ssyncadd.s32 s4;
	_ =	sdelay $0x1  }
0xa1: {  	s23 =	simm.s32 $0x1B8B  }
0xa2: {  	_ =	swait.ge [sflag:s23], $0x1  }
0xa3: {  	[sflag:s23] =	ssyncset.done $0x0  }
0xa4: {  	s25 =	simm.s32 $0x1B8E;
	s24 =	sld [smem:$0x3FFE];
	[sflag:s23] =	ssyncadd.s32 $0xFFFFFFFF  }
0xa5: {  	s26 =	simm.s32 $execute0_lowered;
	[smem:$0x3FD2] =	sst s25  }
0xa6: {  	s5 =	sshll.u32 s26, $0x1;
	_ =	strace $0x80000046;
	[dreg:$0x1] =	wrdreg $0xFFFFFFFF  }
0xa7: {  	s28 =	simm.s32 $_size_execute0_lowered;
	s3 =	sadd.s32 s3, s5;
	[dreg:$0x0] =	wrdreg $0x0  }
0xa8: {  	s5 =	sshll.u32 s28, $0x1;
	[dreg:$0x2] =	wrdreg s3  }
0xa9: {  	[dreg:$0x3] =	wrdreg s5  }
0xaa: {  	[dreg:$0x4] =	wrdreg $0xC0  }
0xab: {  	_ =	task [dreg:s7], $0x5FFFF  }
0xac: {  	[dreg:$0x1] =	wrdreg $0xFFFFFFFF  }
0xad: {  	[dreg:$0x0] =	wrdreg $0x60  }
0xae: {  	[dreg:$0x2] =	wrdreg s24  }
0xaf: {  	[dreg:$0x3] =	wrdreg s2  }
0xb0: {  	[dreg:$0x4] =	wrdreg $0x9  }
0xb1: {  	_ =	task.clear_ibuf [dreg:s7], $0x5FFFF;
	_ =	strace $0x90000046  }
0xb2: {  	s29 =	simm.s32 $0x9;
	_ =	strace $0x80000048  }
0xb3: {  	_ =	swait.ge [sflag:s29], $0x1  }
0xb4: {  	[sflag:s29] =	ssyncadd.s32 $0xFFFFFFFF  }
0xb5: {  	_ =	strace $0x90000048  }
0xb6: {  	_ =	sfence  }
0xb7: {  	s30 =	sld [smem:$0x0];
	_ =	sdelay $0x2  }
0xb8: {  	s31 =	sshll.u32 s1, $0xD;
	s1 =	sshrl.u32 s1, $0x2  }
0xb9: {  	s3 =	sand.u32 $0x4000, s31;
	s1 =	sadd.s32 s1, s30  }
0xba: {  	s0 =	sor.u32 s3, s0;
	s1 =	sshll.u32 s1, $0x11  }
0xbb: {  	s0 =	sor.u32 s1, s0  }
0xbc: {  	s0 =	sadd.s32 $0x8F2B, s0  }
0xbd: {  	[sflag:s0] =	ssyncadd.remote.s32 $0x1  }
0xbe: {  	_ =	sfence.sel $0xFFFF  }
0xbf: {  	[dreg:$0x0] =	wrdreg $0xFFFFFFFF;
	(pc) =	sbr.abs _section_cstart, $3  }
0xc0: {  	[dreg:$0x1] =	wrdreg $0xFFFFFFFF  }
0xc1: {  	_ =	task.clear_ibuf [dreg:s7], $0x2FFFF;
	_ =	strace $0x9FFFFFFF  }
0xc2: {  	(tm) =	ssettm $0x7FFFFFFF  }
0xc3: {  	_ =	shalt  }
tec
execute0_lowered:
.L_overlay_start_1:
0x0: {  	(tag) =	ssettag $0x1  }
0x1: {  	s0 =	srdreg.scid;
	s1 =	rddreg [dreg:$0x0]  }
0x2: {  	s2 =	stileid.u32;
	s4 =	rddreg [dreg:$0x1]  }
0x3: {  	s5 =	simm.s32 $0x0;
	s0 =	sand.u32 $0x1, s0;
	s2 =	sshll.u32 s2, $0xA  }
0x4: {  	[smem:$0x7FF] =	sst s5;
	s28 =	sadd.s32 $0xF42A00, s1;
	s3 =	sshll.u32 s0, $0x9  }
0x5: {  	_ =	strace $0x80000047;
	s0 =	ssub.s32 $0x2, s0;
	s3 =	sor.u32 s3, s2  }
0x6: {  	s2 =	smul.u32 $0x7, s3;
	[dreg:$0x3] =	wrdreg s3;
	s3 =	sadd.s32 s3, s4  }
0x7: {  	[dreg:$0x4] =	wrdreg s28;
	s29 =	sshrl.u32 s0, $0x1;
	s30 =	sadd.s32 $0x18C, s3  }
0x8: {  	v0 =	vlaneseq.u32;
	s0 =	ssub.s32 s0, s29;
	s31 =	sadd.s32 $0x18E, s3;
	[dreg:$0x6] =	wrdreg s30  }
0x9: {  	v0 =	vmul.u32 $0x10, v0;
	s0 =	smax.u32 s0, $0x1;
	s1 =	sadd.s32 s2, s1;
	[dreg:$0x7] =	wrdreg s31  }
0xa: {  	[dreg:$0x8] =	wrdreg s0;
	s1 =	sadd.s32 $0x600, s1  }
0xb: {  	v1 =	vor.u32 $0x100, v0;
	s2 =	simm.s32 $0x0;
	[dreg:$0x5] =	wrdreg s1  }
.LBB2_1:
0xc: {  	[dreg:$0x9] =	wrdreg s2  }
0xd: {  	s24 =	simm.s32 $0x0;
	s17 =	rddreg [dreg:$0x5];
	s25 =	simm.s32 $0x5  }
0xe: {  	[tilespmem:s24], [sflag:$0x5] =	stream.linear.gather [hbm4b:s17+s24], $0x7000, $0x38;
	v63 =	vld [tilespmem:$0x0]  }
0xf: {  	_ =	swait.ge [sflag:s25], $0x7000  }
0x10: {  	s0 =	simm.s32 $0x32;
	[sflag:s25] =	ssyncset.done $0x0  }
0x11: {  	s1 =	simm.s32 $0x7000;
	s17 =	rddreg [dreg:$0x4];
	[sflag:s25] =	ssyncadd.s32 $0xFFFF9000  }
0x12: {  	[tilespmem:s1], [sflag:$0x1] =	stream.indirect.gather [hbm4b:s17+s0], $0x20, s24, s0, $0xb8;
	v63 =	vld [tilespmem:$0x0]  }
0x13: {  	s26 =	simm.s32 $0x38;
	s25 =	simm.s32 $0x7640  }
0x14: {  	[tilespmem:s25], [sflag:$0x1] =	stream.indirect.gather [hbm4b:s17+s0], $0x20, s26, s0, $0xb8;
	v63 =	vld [tilespmem:$0x0]  }
0x15: {  	s28 =	simm.s32 $0x70;
	s29 =	simm.s32 $0x7C80  }
0x16: {  	[tilespmem:s29], [sflag:$0x1] =	stream.indirect.gather [hbm4b:s17+s0], $0x20, s28, s0, $0xb8;
	v63 =	vld [tilespmem:$0x0]  }
0x17: {  	s30 =	simm.s32 $0xA8;
	s31 =	simm.s32 $0x82C0  }
0x18: {  	[tilespmem:s31], [sflag:$0x1] =	stream.indirect.gather [hbm4b:s17+s0], $0x20, s30, s0, $0xb8;
	v63 =	vld [tilespmem:$0x0]  }
0x19: {  	s2 =	simm.s32 $0xE0;
	s3 =	simm.s32 $0x8900  }
0x1a: {  	[tilespmem:s3], [sflag:$0x1] =	stream.indirect.gather [hbm4b:s17+s0], $0x20, s2, s0, $0xb8;
	v63 =	vld [tilespmem:$0x0]  }
0x1b: {  	s4 =	simm.s32 $0x118;
	s5 =	simm.s32 $0x8F40  }
0x1c: {  	[tilespmem:s5], [sflag:$0x1] =	stream.indirect.gather [hbm4b:s17+s0], $0x20, s4, s0, $0xb8;
	v63 =	vld [tilespmem:$0x0]  }
0x1d: {  	s6 =	simm.s32 $0x150;
	s7 =	simm.s32 $0x9580  }
0x1e: {  	[tilespmem:s7], [sflag:$0x1] =	stream.indirect.gather [hbm4b:s17+s0], $0x20, s6, s0, $0xb8;
	v63 =	vld [tilespmem:$0x0]  }
0x1f: {  	s8 =	simm.s32 $0x188;
	s9 =	simm.s32 $0x9BC0  }
0x20: {  	[tilespmem:s9], [sflag:$0x1] =	stream.indirect.gather [hbm4b:s17+s0], $0x20, s8, s0, $0xb8;
	v63 =	vld [tilespmem:$0x0]  }
0x21: {  	s10 =	simm.s32 $0x1C0;
	s11 =	simm.s32 $0xA200  }
0x22: {  	[tilespmem:s11], [sflag:$0x1] =	stream.indirect.gather [hbm4b:s17+s0], $0x20, s10, s0, $0xb8;
	v63 =	vld [tilespmem:$0x0]  }
0x23: {  	s12 =	simm.s32 $0x1F8;
	s13 =	simm.s32 $0xA840  }
0x24: {  	[tilespmem:s13], [sflag:$0x1] =	stream.indirect.gather [hbm4b:s17+s0], $0x20, s12, s0, $0xb8;
	v63 =	vld [tilespmem:$0x0]  }
0x25: {  	s14 =	simm.s32 $0x230;
	s15 =	simm.s32 $0xAE80  }
0x26: {  	[tilespmem:s15], [sflag:$0x1] =	stream.indirect.gather [hbm4b:s17+s0], $0x20, s14, s0, $0xb8;
	v63 =	vld [tilespmem:$0x0]  }
0x27: {  	s16 =	simm.s32 $0x268;
	s18 =	simm.s32 $0xB4C0  }
0x28: {  	[tilespmem:s18], [sflag:$0x1] =	stream.indirect.gather [hbm4b:s17+s0], $0x20, s16, s0, $0xb8;
	v63 =	vld [tilespmem:$0x0]  }
0x29: {  	s19 =	simm.s32 $0x2A0;
	s20 =	simm.s32 $0xBB00  }
0x2a: {  	[tilespmem:s20], [sflag:$0x1] =	stream.indirect.gather [hbm4b:s17+s0], $0x20, s19, s0, $0xb8;
	v63 =	vld [tilespmem:$0x0]  }
0x2b: {  	s21 =	simm.s32 $0x2D8;
	s22 =	simm.s32 $0xC140  }
0x2c: {  	[tilespmem:s22], [sflag:$0x1] =	stream.indirect.gather [hbm4b:s17+s0], $0x20, s21, s0, $0xb8;
	v63 =	vld [tilespmem:$0x0]  }
0x2d: {  	s23 =	simm.s32 $0x310;
	s24 =	simm.s32 $0xC780  }
0x2e: {  	[tilespmem:s24], [sflag:$0x1] =	stream.indirect.gather [hbm4b:s17+s0], $0x20, s23, s0, $0xb8;
	v63 =	vld [tilespmem:$0x0]  }
0x2f: {  	s25 =	simm.s32 $0x348;
	s26 =	simm.s32 $0xCDC0  }
0x30: {  	[tilespmem:s26], [sflag:$0x1] =	stream.indirect.gather [hbm4b:s17+s0], $0x20, s25, s0, $0xb8;
	v63 =	vld [tilespmem:$0x0]  }
0x31: {  	s28 =	simm.s32 $0x380;
	s29 =	simm.s32 $0xD400  }
0x32: {  	[tilespmem:s29], [sflag:$0x2] =	stream.indirect.gather [hbm4b:s17+s0], $0x20, s28, s0, $0xb8;
	v63 =	vld [tilespmem:$0x0]  }
0x33: {  	s30 =	simm.s32 $0x3B8;
	s31 =	simm.s32 $0xDA40  }
0x34: {  	[tilespmem:s31], [sflag:$0x2] =	stream.indirect.gather [hbm4b:s17+s0], $0x20, s30, s0, $0xb8;
	v63 =	vld [tilespmem:$0x0]  }
0x35: {  	s2 =	simm.s32 $0x3F0;
	s3 =	simm.s32 $0xE080  }
0x36: {  	[tilespmem:s3], [sflag:$0x2] =	stream.indirect.gather [hbm4b:s17+s0], $0x20, s2, s0, $0xb8;
	v63 =	vld [tilespmem:$0x0]  }
0x37: {  	s4 =	simm.s32 $0x428;
	s5 =	simm.s32 $0xE6C0  }
0x38: {  	[tilespmem:s5], [sflag:$0x2] =	stream.indirect.gather [hbm4b:s17+s0], $0x20, s4, s0, $0xb8;
	v63 =	vld [tilespmem:$0x0]  }
0x39: {  	s6 =	simm.s32 $0x460;
	s7 =	simm.s32 $0xED00  }
0x3a: {  	[tilespmem:s7], [sflag:$0x2] =	stream.indirect.gather [hbm4b:s17+s0], $0x20, s6, s0, $0xb8;
	v63 =	vld [tilespmem:$0x0]  }
0x3b: {  	s8 =	simm.s32 $0x498;
	s9 =	simm.s32 $0xF340  }
0x3c: {  	[tilespmem:s9], [sflag:$0x2] =	stream.indirect.gather [hbm4b:s17+s0], $0x20, s8, s0, $0xb8;
	v63 =	vld [tilespmem:$0x0]  }
0x3d: {  	s10 =	simm.s32 $0x4D0;
	s11 =	simm.s32 $0xF980  }
0x3e: {  	[tilespmem:s11], [sflag:$0x2] =	stream.indirect.gather [hbm4b:s17+s0], $0x20, s10, s0, $0xb8;
	v63 =	vld [tilespmem:$0x0]  }
0x3f: {  	s12 =	simm.s32 $0x508;
	s13 =	simm.s32 $0xFFC0  }
0x40: {  	[tilespmem:s13], [sflag:$0x2] =	stream.indirect.gather [hbm4b:s17+s0], $0x20, s12, s0, $0xb8;
	v63 =	vld [tilespmem:$0x0]  }
0x41: {  	s14 =	simm.s32 $0x540;
	s15 =	simm.s32 $0x10600  }
0x42: {  	[tilespmem:s15], [sflag:$0x2] =	stream.indirect.gather [hbm4b:s17+s0], $0x20, s14, s0, $0xb8;
	v63 =	vld [tilespmem:$0x0]  }
0x43: {  	s16 =	simm.s32 $0x578;
	s18 =	simm.s32 $0x10C40  }
0x44: {  	[tilespmem:s18], [sflag:$0x2] =	stream.indirect.gather [hbm4b:s17+s0], $0x20, s16, s0, $0xb8;
	v63 =	vld [tilespmem:$0x0]  }
0x45: {  	s19 =	simm.s32 $0x5B0;
	s20 =	simm.s32 $0x11280  }
0x46: {  	[tilespmem:s20], [sflag:$0x2] =	stream.indirect.gather [hbm4b:s17+s0], $0x20, s19, s0, $0xb8;
	v63 =	vld [tilespmem:$0x0]  }
0x47: {  	s21 =	simm.s32 $0x5E8;
	s22 =	simm.s32 $0x118C0  }
0x48: {  	[tilespmem:s22], [sflag:$0x2] =	stream.indirect.gather [hbm4b:s17+s0], $0x20, s21, s0, $0xb8;
	v63 =	vld [tilespmem:$0x0]  }
0x49: {  	s23 =	simm.s32 $0x620;
	s24 =	simm.s32 $0x11F00  }
0x4a: {  	[tilespmem:s24], [sflag:$0x2] =	stream.indirect.gather [hbm4b:s17+s0], $0x20, s23, s0, $0xb8;
	v63 =	vld [tilespmem:$0x0]  }
0x4b: {  	s25 =	simm.s32 $0x658;
	s26 =	simm.s32 $0x12540  }
0x4c: {  	[tilespmem:s26], [sflag:$0x2] =	stream.indirect.gather [hbm4b:s17+s0], $0x20, s25, s0, $0xb8;
	v63 =	vld [tilespmem:$0x0]  }
0x4d: {  	s28 =	simm.s32 $0x690;
	s29 =	simm.s32 $0x12B80  }
0x4e: {  	[tilespmem:s29], [sflag:$0x2] =	stream.indirect.gather [hbm4b:s17+s0], $0x20, s28, s0, $0xb8;
	v63 =	vld [tilespmem:$0x0]  }
0x4f: {  	s30 =	simm.s32 $0x6C8;
	s31 =	simm.s32 $0x131C0  }
0x50: {  	[tilespmem:s31], [sflag:$0x2] =	stream.indirect.gather [hbm4b:s17+s0], $0x20, s30, s0, $0xb8;
	v63 =	vld [tilespmem:$0x0]  }
0x51: {  	s0 =	simm.s32 $0x0  }
.LBB2_2:
0x52: {  	p0 =	seq.s32 s0, $0x0  }
0x53: {  	[dreg:$0xa] =	wrdreg s0;
	s1 =	simm.s32 @!p0 $0x3  }
0x54: {  	_ =	swait.ge @!p0 [sflag:s1], $0x6400  }
0x55: {  	[sflag:s1] =	ssyncset.done @!p0 $0x0  }
0x56: {  	s17 =	simm.s32 $0x1;
	[sflag:s1] =	ssyncadd.s32 @!p0 $0xFFFF9C00  }
0x57: {  	_ =	swait.ge [sflag:s17], $0x640  }
0x58: {  	[sflag:s17] =	ssyncset.done $0x0  }
0x59: {  	[sflag:s17] =	ssyncadd.s32 $0xFFFFF9C0  }
0x5a: {  	_ =	swait.ge [sflag:s17], $0x640  }
0x5b: {  	[sflag:s17] =	ssyncset.done $0x0  }
0x5c: {  	[sflag:s17] =	ssyncadd.s32 $0xFFFFF9C0  }
0x5d: {  	_ =	swait.ge [sflag:s17], $0x640  }
0x5e: {  	[sflag:s17] =	ssyncset.done $0x0  }
0x5f: {  	[sflag:s17] =	ssyncadd.s32 $0xFFFFF9C0  }
0x60: {  	_ =	swait.ge [sflag:s17], $0x640  }
0x61: {  	[sflag:s17] =	ssyncset.done $0x0  }
0x62: {  	[sflag:s17] =	ssyncadd.s32 $0xFFFFF9C0  }
0x63: {  	_ =	swait.ge [sflag:s17], $0x640  }
0x64: {  	[sflag:s17] =	ssyncset.done $0x0  }
0x65: {  	[sflag:s17] =	ssyncadd.s32 $0xFFFFF9C0  }
0x66: {  	_ =	swait.ge [sflag:s17], $0x640  }
0x67: {  	[sflag:s17] =	ssyncset.done $0x0  }
0x68: {  	[sflag:s17] =	ssyncadd.s32 $0xFFFFF9C0  }
0x69: {  	_ =	swait.ge [sflag:s17], $0x640  }
0x6a: {  	[sflag:s17] =	ssyncset.done $0x0  }
0x6b: {  	[sflag:s17] =	ssyncadd.s32 $0xFFFFF9C0  }
0x6c: {  	_ =	swait.ge [sflag:s17], $0x640  }
0x6d: {  	[sflag:s17] =	ssyncset.done $0x0  }
0x6e: {  	[sflag:s17] =	ssyncadd.s32 $0xFFFFF9C0  }
0x6f: {  	_ =	swait.ge [sflag:s17], $0x640  }
0x70: {  	[sflag:s17] =	ssyncset.done $0x0  }
0x71: {  	[sflag:s17] =	ssyncadd.s32 $0xFFFFF9C0  }
0x72: {  	_ =	swait.ge [sflag:s17], $0x640  }
0x73: {  	[sflag:s17] =	ssyncset.done $0x0  }
0x74: {  	[sflag:s17] =	ssyncadd.s32 $0xFFFFF9C0  }
0x75: {  	_ =	swait.ge [sflag:s17], $0x640  }
0x76: {  	[sflag:s17] =	ssyncset.done $0x0  }
0x77: {  	[sflag:s17] =	ssyncadd.s32 $0xFFFFF9C0  }
0x78: {  	_ =	swait.ge [sflag:s17], $0x640  }
0x79: {  	[sflag:s17] =	ssyncset.done $0x0  }
0x7a: {  	[sflag:s17] =	ssyncadd.s32 $0xFFFFF9C0  }
0x7b: {  	_ =	swait.ge [sflag:s17], $0x640  }
0x7c: {  	[sflag:s17] =	ssyncset.done $0x0  }
0x7d: {  	[sflag:s17] =	ssyncadd.s32 $0xFFFFF9C0  }
0x7e: {  	_ =	swait.ge [sflag:s17], $0x640  }
0x7f: {  	[sflag:s17] =	ssyncset.done $0x0  }
0x80: {  	[sflag:s17] =	ssyncadd.s32 $0xFFFFF9C0  }
0x81: {  	_ =	swait.ge [sflag:s17], $0x640  }
0x82: {  	s14 =	simm.s32 $0x0;
	[sflag:s17] =	ssyncset.done $0x0  }
0x83: {  	v2 =	vmov s14;
	[sflag:s17] =	ssyncadd.s32 $0xFFFFF9C0  }
0x84: {  	v2 =	vand.u32 $0xF, v2;
	_ =	swait.ge [sflag:s17], $0x640  }
0x85: {  	v2 =	vbroadcast v2, $0x0;
	[sflag:s17] =	ssyncset.done $0x0  }
0x86: {  	s1 =	simm.s32 $0x7320;
	[sflag:s17] =	ssyncadd.s32 $0xFFFFF9C0  }
0x87: {  	v3 =	vor.u32 v0, v2;
	v4 =	vld [tilespmem:s1+$0xFFFFFCE0]  }
0x88: {  	v2 =	vor.u32 v1, v2;
	v5 =	vld [tilespmem:s1+$0xFFFFFCF0];
	_ =	sdelay $0x2  }
0x89: {  	s13 =	simm.s32 $0x13800  }
0x8a: {  	[tilespmem:v3+s13+$0x0] =	vst.idx.msk $0xffff, v4  }
0x8b: {  	[tilespmem:v2+s13+$0x0] =	vst.idx.msk $0xffff, v5  }
0x8c: {  	v4 =	vld [tilespmem:s1+$0xFFFFFD00]  }
0x8d: {  	v5 =	vld [tilespmem:s1+$0xFFFFFD10];
	_ =	sdelay $0x2  }
0x8e: {  	s30 =	simm.s32 $0x13A00  }
0x8f: {  	[tilespmem:v3+s30+$0x0] =	vst.idx.msk $0xffff, v4  }
0x90: {  	[tilespmem:v2+s30+$0x0] =	vst.idx.msk $0xffff, v5  }
0x91: {  	v4 =	vld [tilespmem:s1+$0xFFFFFD20]  }
0x92: {  	v5 =	vld [tilespmem:s1+$0xFFFFFD30];
	_ =	sdelay $0x2  }
0x93: {  	s21 =	simm.s32 $0x13C00  }
0x94: {  	[tilespmem:v3+s21+$0x0] =	vst.idx.msk $0xffff, v4  }
0x95: {  	[tilespmem:v2+s21+$0x0] =	vst.idx.msk $0xffff, v5  }
0x96: {  	v4 =	vld [tilespmem:s1+$0xFFFFFD40]  }
0x97: {  	v5 =	vld [tilespmem:s1+$0xFFFFFD50];
	_ =	sdelay $0x2  }
0x98: {  	s7 =	simm.s32 $0x13E00  }
0x99: {  	[tilespmem:v3+s7+$0x0] =	vst.idx.msk $0xffff, v4  }
0x9a: {  	[tilespmem:v2+s7+$0x0] =	vst.idx.msk $0xffff, v5  }
0x9b: {  	v4 =	vld [tilespmem:s1+$0xFFFFFD60]  }
0x9c: {  	v5 =	vld [tilespmem:s1+$0xFFFFFD70];
	_ =	sdelay $0x2  }
0x9d: {  	s3 =	simm.s32 $0x14000  }
0x9e: {  	[tilespmem:v3+s3+$0x0] =	vst.idx.msk $0xffff, v4  }
0x9f: {  	[tilespmem:v2+s3+$0x0] =	vst.idx.msk $0xffff, v5  }
0xa0: {  	v4 =	vld [tilespmem:s1+$0xFFFFFD80]  }
0xa1: {  	v5 =	vld [tilespmem:s1+$0xFFFFFD90];
	_ =	sdelay $0x2  }
0xa2: {  	s8 =	simm.s32 $0x14200  }
0xa3: {  	[tilespmem:v3+s8+$0x0] =	vst.idx.msk $0xffff, v4  }
0xa4: {  	[tilespmem:v2+s8+$0x0] =	vst.idx.msk $0xffff, v5  }
0xa5: {  	v4 =	vld [tilespmem:s1+$0xFFFFFDA0]  }
0xa6: {  	v5 =	vld [tilespmem:s1+$0xFFFFFDB0];
	_ =	sdelay $0x2  }
0xa7: {  	s6 =	simm.s32 $0x14400  }
0xa8: {  	[tilespmem:v3+s6+$0x0] =	vst.idx.msk $0xffff, v4  }
0xa9: {  	[tilespmem:v2+s6+$0x0] =	vst.idx.msk $0xffff, v5  }
0xaa: {  	v4 =	vld [tilespmem:s1+$0xFFFFFDC0]  }
0xab: {  	v5 =	vld [tilespmem:s1+$0xFFFFFDD0];
	_ =	sdelay $0x2  }
0xac: {  	s9 =	simm.s32 $0x14600  }
0xad: {  	[tilespmem:v3+s9+$0x0] =	vst.idx.msk $0xffff, v4  }
0xae: {  	[tilespmem:v2+s9+$0x0] =	vst.idx.msk $0xffff, v5  }
0xaf: {  	v4 =	vld [tilespmem:s1+$0xFFFFFDE0]  }
0xb0: {  	v5 =	vld [tilespmem:s1+$0xFFFFFDF0];
	_ =	sdelay $0x2  }
0xb1: {  	s10 =	simm.s32 $0x14800  }
0xb2: {  	[tilespmem:v3+s10+$0x0] =	vst.idx.msk $0xffff, v4  }
0xb3: {  	[tilespmem:v2+s10+$0x0] =	vst.idx.msk $0xffff, v5  }
0xb4: {  	v4 =	vld [tilespmem:s1+$0xFFFFFE00]  }
0xb5: {  	v5 =	vld [tilespmem:s1+$0xFFFFFE10];
	_ =	sdelay $0x2  }
0xb6: {  	s12 =	simm.s32 $0x14A00  }
0xb7: {  	[tilespmem:v3+s12+$0x0] =	vst.idx.msk $0xffff, v4  }
0xb8: {  	[tilespmem:v2+s12+$0x0] =	vst.idx.msk $0xffff, v5  }
0xb9: {  	v4 =	vld [tilespmem:s1+$0xFFFFFE20]  }
0xba: {  	v5 =	vld [tilespmem:s1+$0xFFFFFE30];
	_ =	sdelay $0x2  }
0xbb: {  	s14 =	simm.s32 $0x14C00  }
0xbc: {  	[tilespmem:v3+s14+$0x0] =	vst.idx.msk $0xffff, v4  }
0xbd: {  	[tilespmem:v2+s14+$0x0] =	vst.idx.msk $0xffff, v5  }
0xbe: {  	v4 =	vld [tilespmem:s1+$0xFFFFFE40]  }
0xbf: {  	v5 =	vld [tilespmem:s1+$0xFFFFFE50];
	_ =	sdelay $0x2  }
0xc0: {  	s16 =	simm.s32 $0x14E00  }
0xc1: {  	[tilespmem:v3+s16+$0x0] =	vst.idx.msk $0xffff, v4  }
0xc2: {  	[tilespmem:v2+s16+$0x0] =	vst.idx.msk $0xffff, v5  }
0xc3: {  	v4 =	vld [tilespmem:s1+$0xFFFFFE60]  }
0xc4: {  	v5 =	vld [tilespmem:s1+$0xFFFFFE70];
	_ =	sdelay $0x2  }
0xc5: {  	s18 =	simm.s32 $0x15000  }
0xc6: {  	[tilespmem:v3+s18+$0x0] =	vst.idx.msk $0xffff, v4  }
0xc7: {  	[tilespmem:v2+s18+$0x0] =	vst.idx.msk $0xffff, v5  }
0xc8: {  	v4 =	vld [tilespmem:s1+$0xFFFFFE80]  }
0xc9: {  	v5 =	vld [tilespmem:s1+$0xFFFFFE90];
	_ =	sdelay $0x2  }
0xca: {  	s20 =	simm.s32 $0x15200  }
0xcb: {  	[tilespmem:v3+s20+$0x0] =	vst.idx.msk $0xffff, v4  }
0xcc: {  	[tilespmem:v2+s20+$0x0] =	vst.idx.msk $0xffff, v5  }
0xcd: {  	v4 =	vld [tilespmem:s1+$0xFFFFFEA0]  }
0xce: {  	v5 =	vld [tilespmem:s1+$0xFFFFFEB0];
	_ =	sdelay $0x2  }
0xcf: {  	s2 =	simm.s32 $0x15400  }
0xd0: {  	[tilespmem:v3+s2+$0x0] =	vst.idx.msk $0xffff, v4  }
0xd1: {  	[tilespmem:v2+s2+$0x0] =	vst.idx.msk $0xffff, v5  }
0xd2: {  	v4 =	vld [tilespmem:s1+$0xFFFFFEC0]  }
0xd3: {  	v5 =	vld [tilespmem:s1+$0xFFFFFED0];
	_ =	sdelay $0x2  }
0xd4: {  	s4 =	simm.s32 $0x15600  }
0xd5: {  	[tilespmem:v3+s4+$0x0] =	vst.idx.msk $0xffff, v4  }
0xd6: {  	[tilespmem:v2+s4+$0x0] =	vst.idx.msk $0xffff, v5  }
0xd7: {  	v4 =	vld [tilespmem:s1+$0xFFFFFEE0]  }
0xd8: {  	v5 =	vld [tilespmem:s1+$0xFFFFFEF0];
	_ =	sdelay $0x2  }
0xd9: {  	s11 =	simm.s32 $0x15800  }
0xda: {  	[tilespmem:v3+s11+$0x0] =	vst.idx.msk $0xffff, v4  }
0xdb: {  	[tilespmem:v2+s11+$0x0] =	vst.idx.msk $0xffff, v5  }
0xdc: {  	v4 =	vld [tilespmem:s1+$0xFFFFFF00]  }
0xdd: {  	v5 =	vld [tilespmem:s1+$0xFFFFFF10];
	_ =	sdelay $0x2  }
0xde: {  	s22 =	simm.s32 $0x15A00  }
0xdf: {  	[tilespmem:v3+s22+$0x0] =	vst.idx.msk $0xffff, v4  }
0xe0: {  	[tilespmem:v2+s22+$0x0] =	vst.idx.msk $0xffff, v5  }
0xe1: {  	v4 =	vld [tilespmem:s1+$0xFFFFFF20]  }
0xe2: {  	v5 =	vld [tilespmem:s1+$0xFFFFFF30];
	_ =	sdelay $0x2  }
0xe3: {  	s5 =	simm.s32 $0x15C00  }
0xe4: {  	[tilespmem:v3+s5+$0x0] =	vst.idx.msk $0xffff, v4  }
0xe5: {  	[tilespmem:v2+s5+$0x0] =	vst.idx.msk $0xffff, v5  }
0xe6: {  	v4 =	vld [tilespmem:s1+$0xFFFFFF40]  }
0xe7: {  	v5 =	vld [tilespmem:s1+$0xFFFFFF50];
	_ =	sdelay $0x2  }
0xe8: {  	s24 =	simm.s32 $0x15E00  }
0xe9: {  	[tilespmem:v3+s24+$0x0] =	vst.idx.msk $0xffff, v4  }
0xea: {  	[tilespmem:v2+s24+$0x0] =	vst.idx.msk $0xffff, v5  }
0xeb: {  	v4 =	vld [tilespmem:s1+$0xFFFFFF60]  }
0xec: {  	v5 =	vld [tilespmem:s1+$0xFFFFFF70];
	_ =	sdelay $0x2  }
0xed: {  	s26 =	simm.s32 $0x16000  }
0xee: {  	[tilespmem:v3+s26+$0x0] =	vst.idx.msk $0xffff, v4  }
0xef: {  	[tilespmem:v2+s26+$0x0] =	vst.idx.msk $0xffff, v5  }
0xf0: {  	v4 =	vld [tilespmem:s1+$0xFFFFFF80]  }
0xf1: {  	v5 =	vld [tilespmem:s1+$0xFFFFFF90];
	_ =	sdelay $0x2  }
0xf2: {  	s29 =	simm.s32 $0x16200  }
0xf3: {  	[tilespmem:v3+s29+$0x0] =	vst.idx.msk $0xffff, v4  }
0xf4: {  	[tilespmem:v2+s29+$0x0] =	vst.idx.msk $0xffff, v5  }
0xf5: {  	v4 =	vld [tilespmem:s1+$0xFFFFFFA0]  }
0xf6: {  	v5 =	vld [tilespmem:s1+$0xFFFFFFB0];
	_ =	sdelay $0x2  }
0xf7: {  	s31 =	simm.s32 $0x16400  }
0xf8: {  	[tilespmem:v3+s31+$0x0] =	vst.idx.msk $0xffff, v4  }
0xf9: {  	[tilespmem:v2+s31+$0x0] =	vst.idx.msk $0xffff, v5  }
0xfa: {  	v4 =	vld [tilespmem:s1+$0xFFFFFFC0]  }
0xfb: {  	v5 =	vld [tilespmem:s1+$0xFFFFFFD0];
	_ =	sdelay $0x2  }
0xfc: {  	s15 =	simm.s32 $0x16600  }
0xfd: {  	[tilespmem:v3+s15+$0x0] =	vst.idx.msk $0xffff, v4  }
0xfe: {  	[tilespmem:v2+s15+$0x0] =	vst.idx.msk $0xffff, v5  }
0xff: {  	v4 =	vld [tilespmem:s1+$0xFFFFFFE0]  }
0x100: {  	v5 =	vld [tilespmem:s1+$0xFFFFFFF0];
	_ =	sdelay $0x2  }
0x101: {  	s15 =	simm.s32 $0x16800  }
0x102: {  	[tilespmem:v3+s15+$0x0] =	vst.idx.msk $0xffff, v4  }
0x103: {  	[tilespmem:v2+s15+$0x0] =	vst.idx.msk $0xffff, v5  }
0x104: {  	v4 =	vld [tilespmem:s1+$0x0]  }
0x105: {  	v5 =	vld [tilespmem:s1+$0x10];
	_ =	sdelay $0x2  }
0x106: {  	s19 =	simm.s32 $0x16A00  }
0x107: {  	[tilespmem:v3+s19+$0x0] =	vst.idx.msk $0xffff, v4  }
0x108: {  	[tilespmem:v2+s19+$0x0] =	vst.idx.msk $0xffff, v5  }
0x109: {  	v4 =	vld [tilespmem:s1+$0x20]  }
0x10a: {  	v5 =	vld [tilespmem:s1+$0x30];
	_ =	sdelay $0x2  }
0x10b: {  	s23 =	simm.s32 $0x16C00  }
0x10c: {  	[tilespmem:v3+s23+$0x0] =	vst.idx.msk $0xffff, v4  }
0x10d: {  	[tilespmem:v2+s23+$0x0] =	vst.idx.msk $0xffff, v5  }
0x10e: {  	v4 =	vld [tilespmem:s1+$0x40]  }
0x10f: {  	v5 =	vld [tilespmem:s1+$0x50];
	_ =	sdelay $0x2  }
0x110: {  	s28 =	simm.s32 $0x16E00  }
0x111: {  	[tilespmem:v3+s28+$0x0] =	vst.idx.msk $0xffff, v4  }
0x112: {  	[tilespmem:v2+s28+$0x0] =	vst.idx.msk $0xffff, v5  }
0x113: {  	v4 =	vld [tilespmem:s1+$0x60]  }
0x114: {  	v5 =	vld [tilespmem:s1+$0x70];
	_ =	sdelay $0x2  }
0x115: {  	s17 =	simm.s32 $0x17000  }
0x116: {  	[tilespmem:v3+s17+$0x0] =	vst.idx.msk $0xffff, v4  }
0x117: {  	[tilespmem:v2+s17+$0x0] =	vst.idx.msk $0xffff, v5  }
0x118: {  	v4 =	vld [tilespmem:s1+$0x80]  }
0x119: {  	v5 =	vld [tilespmem:s1+$0x90];
	_ =	sdelay $0x2  }
0x11a: {  	s25 =	simm.s32 $0x17200  }
0x11b: {  	[tilespmem:v3+s25+$0x0] =	vst.idx.msk $0xffff, v4  }
0x11c: {  	[tilespmem:v2+s25+$0x0] =	vst.idx.msk $0xffff, v5  }
0x11d: {  	v4 =	vld [tilespmem:s1+$0xA0]  }
0x11e: {  	v5 =	vld [tilespmem:s1+$0xB0];
	_ =	sdelay $0x2  }
0x11f: {  	s17 =	simm.s32 $0x17400  }
0x120: {  	[tilespmem:v3+s17+$0x0] =	vst.idx.msk $0xffff, v4  }
0x121: {  	[tilespmem:v2+s17+$0x0] =	vst.idx.msk $0xffff, v5  }
0x122: {  	v4 =	vld [tilespmem:s1+$0xC0]  }
0x123: {  	v5 =	vld [tilespmem:s1+$0xD0];
	_ =	sdelay $0x2  }
0x124: {  	s25 =	simm.s32 $0x17600  }
0x125: {  	[tilespmem:v3+s25+$0x0] =	vst.idx.msk $0xffff, v4  }
0x126: {  	[tilespmem:v2+s25+$0x0] =	vst.idx.msk $0xffff, v5  }
0x127: {  	v4 =	vld [tilespmem:s1+$0xE0]  }
0x128: {  	v5 =	vld [tilespmem:s1+$0xF0];
	_ =	sdelay $0x2  }
0x129: {  	s17 =	simm.s32 $0x17800  }
0x12a: {  	[tilespmem:v3+s17+$0x0] =	vst.idx.msk $0xffff, v4  }
0x12b: {  	[tilespmem:v2+s17+$0x0] =	vst.idx.msk $0xffff, v5  }
0x12c: {  	v4 =	vld [tilespmem:s1+$0x100]  }
0x12d: {  	v5 =	vld [tilespmem:s1+$0x110];
	_ =	sdelay $0x2  }
0x12e: {  	s25 =	simm.s32 $0x17A00  }
0x12f: {  	[tilespmem:v3+s25+$0x0] =	vst.idx.msk $0xffff, v4  }
0x130: {  	[tilespmem:v2+s25+$0x0] =	vst.idx.msk $0xffff, v5  }
0x131: {  	v4 =	vld [tilespmem:s1+$0x120]  }
0x132: {  	v5 =	vld [tilespmem:s1+$0x130];
	_ =	sdelay $0x2  }
0x133: {  	s17 =	simm.s32 $0x17C00  }
0x134: {  	[tilespmem:v3+s17+$0x0] =	vst.idx.msk $0xffff, v4  }
0x135: {  	[tilespmem:v2+s17+$0x0] =	vst.idx.msk $0xffff, v5  }
0x136: {  	v4 =	vld [tilespmem:s1+$0x140]  }
0x137: {  	v5 =	vld [tilespmem:s1+$0x150];
	_ =	sdelay $0x2  }
0x138: {  	s25 =	simm.s32 $0x17E00  }
0x139: {  	[tilespmem:v3+s25+$0x0] =	vst.idx.msk $0xffff, v4  }
0x13a: {  	[tilespmem:v2+s25+$0x0] =	vst.idx.msk $0xffff, v5  }
0x13b: {  	v4 =	vld [tilespmem:s1+$0x160]  }
0x13c: {  	v5 =	vld [tilespmem:s1+$0x170];
	_ =	sdelay $0x2  }
0x13d: {  	s17 =	simm.s32 $0x18000  }
0x13e: {  	[tilespmem:v3+s17+$0x0] =	vst.idx.msk $0xffff, v4  }
0x13f: {  	[tilespmem:v2+s17+$0x0] =	vst.idx.msk $0xffff, v5  }
0x140: {  	v4 =	vld [tilespmem:s1+$0x180]  }
0x141: {  	v5 =	vld [tilespmem:s1+$0x190];
	_ =	sdelay $0x2  }
0x142: {  	s25 =	simm.s32 $0x18200  }
0x143: {  	[tilespmem:v3+s25+$0x0] =	vst.idx.msk $0xffff, v4  }
0x144: {  	[tilespmem:v2+s25+$0x0] =	vst.idx.msk $0xffff, v5  }
0x145: {  	v4 =	vld [tilespmem:s1+$0x1A0]  }
0x146: {  	v5 =	vld [tilespmem:s1+$0x1B0];
	_ =	sdelay $0x2  }
0x147: {  	s17 =	simm.s32 $0x18400  }
0x148: {  	[tilespmem:v3+s17+$0x0] =	vst.idx.msk $0xffff, v4  }
0x149: {  	[tilespmem:v2+s17+$0x0] =	vst.idx.msk $0xffff, v5  }
0x14a: {  	v4 =	vld [tilespmem:s1+$0x1C0]  }
0x14b: {  	v5 =	vld [tilespmem:s1+$0x1D0];
	_ =	sdelay $0x2  }
0x14c: {  	s25 =	simm.s32 $0x18600  }
0x14d: {  	[tilespmem:v3+s25+$0x0] =	vst.idx.msk $0xffff, v4  }
0x14e: {  	[tilespmem:v2+s25+$0x0] =	vst.idx.msk $0xffff, v5  }
0x14f: {  	v4 =	vld [tilespmem:s1+$0x1E0]  }
0x150: {  	v5 =	vld [tilespmem:s1+$0x1F0];
	_ =	sdelay $0x2  }
0x151: {  	s17 =	simm.s32 $0x18800  }
0x152: {  	[tilespmem:v3+s17+$0x0] =	vst.idx.msk $0xffff, v4  }
0x153: {  	[tilespmem:v2+s17+$0x0] =	vst.idx.msk $0xffff, v5  }
0x154: {  	v4 =	vld [tilespmem:s1+$0x200]  }
0x155: {  	v5 =	vld [tilespmem:s1+$0x210];
	_ =	sdelay $0x2  }
0x156: {  	s25 =	simm.s32 $0x18A00  }
0x157: {  	[tilespmem:v3+s25+$0x0] =	vst.idx.msk $0xffff, v4  }
0x158: {  	[tilespmem:v2+s25+$0x0] =	vst.idx.msk $0xffff, v5  }
0x159: {  	v4 =	vld [tilespmem:s1+$0x220]  }
0x15a: {  	v5 =	vld [tilespmem:s1+$0x230];
	_ =	sdelay $0x2  }
0x15b: {  	s17 =	simm.s32 $0x18C00  }
0x15c: {  	[tilespmem:v3+s17+$0x0] =	vst.idx.msk $0xffff, v4  }
0x15d: {  	[tilespmem:v2+s17+$0x0] =	vst.idx.msk $0xffff, v5  }
0x15e: {  	v4 =	vld [tilespmem:s1+$0x240]  }
0x15f: {  	v5 =	vld [tilespmem:s1+$0x250];
	_ =	sdelay $0x2  }
0x160: {  	s25 =	simm.s32 $0x18E00  }
0x161: {  	[tilespmem:v3+s25+$0x0] =	vst.idx.msk $0xffff, v4  }
0x162: {  	[tilespmem:v2+s25+$0x0] =	vst.idx.msk $0xffff, v5  }
0x163: {  	v4 =	vld [tilespmem:s1+$0x260]  }
0x164: {  	v5 =	vld [tilespmem:s1+$0x270];
	_ =	sdelay $0x2  }
0x165: {  	s17 =	simm.s32 $0x19000  }
0x166: {  	[tilespmem:v3+s17+$0x0] =	vst.idx.msk $0xffff, v4  }
0x167: {  	[tilespmem:v2+s17+$0x0] =	vst.idx.msk $0xffff, v5  }
0x168: {  	v4 =	vld [tilespmem:s1+$0x280]  }
0x169: {  	v5 =	vld [tilespmem:s1+$0x290];
	_ =	sdelay $0x2  }
0x16a: {  	s25 =	simm.s32 $0x19200  }
0x16b: {  	[tilespmem:v3+s25+$0x0] =	vst.idx.msk $0xffff, v4  }
0x16c: {  	[tilespmem:v2+s25+$0x0] =	vst.idx.msk $0xffff, v5  }
0x16d: {  	v4 =	vld [tilespmem:s1+$0x2A0]  }
0x16e: {  	v5 =	vld [tilespmem:s1+$0x2B0];
	_ =	sdelay $0x2  }
0x16f: {  	s17 =	simm.s32 $0x19400  }
0x170: {  	[tilespmem:v3+s17+$0x0] =	vst.idx.msk $0xffff, v4  }
0x171: {  	[tilespmem:v2+s17+$0x0] =	vst.idx.msk $0xffff, v5  }
0x172: {  	v4 =	vld [tilespmem:s1+$0x2C0]  }
0x173: {  	v5 =	vld [tilespmem:s1+$0x2D0];
	_ =	sdelay $0x2  }
0x174: {  	s25 =	simm.s32 $0x19600  }
0x175: {  	[tilespmem:v3+s25+$0x0] =	vst.idx.msk $0xffff, v4  }
0x176: {  	[tilespmem:v2+s25+$0x0] =	vst.idx.msk $0xffff, v5  }
0x177: {  	v4 =	vld [tilespmem:s1+$0x2E0]  }
0x178: {  	v5 =	vld [tilespmem:s1+$0x2F0];
	_ =	sdelay $0x2  }
0x179: {  	s0 =	simm.s32 $0x19800  }
0x17a: {  	[tilespmem:v3+s0+$0x0] =	vst.idx.msk $0xffff, v4  }
0x17b: {  	[tilespmem:v2+s0+$0x0] =	vst.idx.msk $0xffff, v5  }
0x17c: {  	v6 =	vld [tilespmem:s1+$0x300];
	_ =	sdelay $0x1  }
0x17d: {  	s25 =	simm.s32 $0x1;
	v5 =	vld [tilespmem:s1+$0x310]  }
0x17e: {  	v4 =	vmov s25  }
0x17f: {  	s25 =	simm.s32 $0x19A00;
	v4 =	vand.u32 $0xF, v4  }
0x180: {  	s17 =	simm.s32 $0x2;
	v4 =	vbroadcast v4, $0x0;
	[tilespmem:v3+s25+$0x0] =	vst.idx.msk $0xffff, v6  }
.LBB2_3:
0x181: {  	p1 =	sne.s32 s17, $0xF  }
0x182: {  	[tilespmem:v2+s25+$0x0] =	vst.idx.msk $0xffff, v5;
	s1 =	sadd.s32 $0x640, s1;
	s25 =	smov.u32 s17;
	s17 =	sadd.s32 $0x1, s17  }
0x183: {  	v3 =	vor.u32 v0, v4;
	v5 =	vld [tilespmem:s1+$0xFFFFFCE0]  }
0x184: {  	v2 =	vor.u32 v1, v4;
	v4 =	vld [tilespmem:s1+$0xFFFFFCF0];
	_ =	sdelay $0x3  }
0x185: {  	[tilespmem:v3+s13+$0x0] =	vst.idx.msk $0xffff, v5  }
0x186: {  	[tilespmem:v2+s13+$0x0] =	vst.idx.msk $0xffff, v4  }
0x187: {  	v4 =	vld [tilespmem:s1+$0xFFFFFD00]  }
0x188: {  	v5 =	vld [tilespmem:s1+$0xFFFFFD10];
	_ =	sdelay $0x3  }
0x189: {  	[tilespmem:v3+s30+$0x0] =	vst.idx.msk $0xffff, v4  }
0x18a: {  	[tilespmem:v2+s30+$0x0] =	vst.idx.msk $0xffff, v5  }
0x18b: {  	v4 =	vld [tilespmem:s1+$0xFFFFFD20]  }
0x18c: {  	v5 =	vld [tilespmem:s1+$0xFFFFFD30];
	_ =	sdelay $0x3  }
0x18d: {  	[tilespmem:v3+s21+$0x0] =	vst.idx.msk $0xffff, v4  }
0x18e: {  	[tilespmem:v2+s21+$0x0] =	vst.idx.msk $0xffff, v5  }
0x18f: {  	v4 =	vld [tilespmem:s1+$0xFFFFFD40]  }
0x190: {  	v5 =	vld [tilespmem:s1+$0xFFFFFD50];
	_ =	sdelay $0x3  }
0x191: {  	[tilespmem:v3+s7+$0x0] =	vst.idx.msk $0xffff, v4  }
0x192: {  	[tilespmem:v2+s7+$0x0] =	vst.idx.msk $0xffff, v5  }
0x193: {  	v4 =	vld [tilespmem:s1+$0xFFFFFD60]  }
0x194: {  	v5 =	vld [tilespmem:s1+$0xFFFFFD70];
	_ =	sdelay $0x3  }
0x195: {  	[tilespmem:v3+s3+$0x0] =	vst.idx.msk $0xffff, v4  }
0x196: {  	[tilespmem:v2+s3+$0x0] =	vst.idx.msk $0xffff, v5  }
0x197: {  	v4 =	vld [tilespmem:s1+$0xFFFFFD80]  }
0x198: {  	v5 =	vld [tilespmem:s1+$0xFFFFFD90];
	_ =	sdelay $0x3  }
0x199: {  	[tilespmem:v3+s8+$0x0] =	vst.idx.msk $0xffff, v4  }
0x19a: {  	[tilespmem:v2+s8+$0x0] =	vst.idx.msk $0xffff, v5  }
0x19b: {  	v4 =	vld [tilespmem:s1+$0xFFFFFDA0]  }
0x19c: {  	v5 =	vld [tilespmem:s1+$0xFFFFFDB0];
	_ =	sdelay $0x3  }
0x19d: {  	[tilespmem:v3+s6+$0x0] =	vst.idx.msk $0xffff, v4  }
0x19e: {  	[tilespmem:v2+s6+$0x0] =	vst.idx.msk $0xffff, v5  }
0x19f: {  	v4 =	vld [tilespmem:s1+$0xFFFFFDC0]  }
0x1a0: {  	v5 =	vld [tilespmem:s1+$0xFFFFFDD0];
	_ =	sdelay $0x3  }
0x1a1: {  	[tilespmem:v3+s9+$0x0] =	vst.idx.msk $0xffff, v4  }
0x1a2: {  	[tilespmem:v2+s9+$0x0] =	vst.idx.msk $0xffff, v5  }
0x1a3: {  	v4 =	vld [tilespmem:s1+$0xFFFFFDE0]  }
0x1a4: {  	v5 =	vld [tilespmem:s1+$0xFFFFFDF0];
	_ =	sdelay $0x3  }
0x1a5: {  	[tilespmem:v3+s10+$0x0] =	vst.idx.msk $0xffff, v4  }
0x1a6: {  	[tilespmem:v2+s10+$0x0] =	vst.idx.msk $0xffff, v5  }
0x1a7: {  	v4 =	vld [tilespmem:s1+$0xFFFFFE00]  }
0x1a8: {  	v5 =	vld [tilespmem:s1+$0xFFFFFE10];
	_ =	sdelay $0x3  }
0x1a9: {  	[tilespmem:v3+s12+$0x0] =	vst.idx.msk $0xffff, v4  }
0x1aa: {  	[tilespmem:v2+s12+$0x0] =	vst.idx.msk $0xffff, v5  }
0x1ab: {  	v4 =	vld [tilespmem:s1+$0xFFFFFE20]  }
0x1ac: {  	v5 =	vld [tilespmem:s1+$0xFFFFFE30];
	_ =	sdelay $0x3  }
0x1ad: {  	[tilespmem:v3+s14+$0x0] =	vst.idx.msk $0xffff, v4  }
0x1ae: {  	[tilespmem:v2+s14+$0x0] =	vst.idx.msk $0xffff, v5  }
0x1af: {  	v4 =	vld [tilespmem:s1+$0xFFFFFE40]  }
0x1b0: {  	v5 =	vld [tilespmem:s1+$0xFFFFFE50];
	_ =	sdelay $0x3  }
0x1b1: {  	[tilespmem:v3+s16+$0x0] =	vst.idx.msk $0xffff, v4  }
0x1b2: {  	[tilespmem:v2+s16+$0x0] =	vst.idx.msk $0xffff, v5  }
0x1b3: {  	v4 =	vld [tilespmem:s1+$0xFFFFFE60]  }
0x1b4: {  	v5 =	vld [tilespmem:s1+$0xFFFFFE70];
	_ =	sdelay $0x3  }
0x1b5: {  	[tilespmem:v3+s18+$0x0] =	vst.idx.msk $0xffff, v4  }
0x1b6: {  	[tilespmem:v2+s18+$0x0] =	vst.idx.msk $0xffff, v5  }
0x1b7: {  	v4 =	vld [tilespmem:s1+$0xFFFFFE80]  }
0x1b8: {  	v5 =	vld [tilespmem:s1+$0xFFFFFE90];
	_ =	sdelay $0x3  }
0x1b9: {  	[tilespmem:v3+s20+$0x0] =	vst.idx.msk $0xffff, v4  }
0x1ba: {  	[tilespmem:v2+s20+$0x0] =	vst.idx.msk $0xffff, v5  }
0x1bb: {  	v4 =	vld [tilespmem:s1+$0xFFFFFEA0]  }
0x1bc: {  	v5 =	vld [tilespmem:s1+$0xFFFFFEB0];
	_ =	sdelay $0x3  }
0x1bd: {  	[tilespmem:v3+s2+$0x0] =	vst.idx.msk $0xffff, v4  }
0x1be: {  	[tilespmem:v2+s2+$0x0] =	vst.idx.msk $0xffff, v5  }
0x1bf: {  	v4 =	vld [tilespmem:s1+$0xFFFFFEC0]  }
0x1c0: {  	v5 =	vld [tilespmem:s1+$0xFFFFFED0];
	_ =	sdelay $0x3  }
0x1c1: {  	[tilespmem:v3+s4+$0x0] =	vst.idx.msk $0xffff, v4  }
0x1c2: {  	[tilespmem:v2+s4+$0x0] =	vst.idx.msk $0xffff, v5  }
0x1c3: {  	v4 =	vld [tilespmem:s1+$0xFFFFFEE0]  }
0x1c4: {  	v5 =	vld [tilespmem:s1+$0xFFFFFEF0];
	_ =	sdelay $0x3  }
0x1c5: {  	[tilespmem:v3+s11+$0x0] =	vst.idx.msk $0xffff, v4  }
0x1c6: {  	[tilespmem:v2+s11+$0x0] =	vst.idx.msk $0xffff, v5  }
0x1c7: {  	v4 =	vld [tilespmem:s1+$0xFFFFFF00]  }
0x1c8: {  	v5 =	vld [tilespmem:s1+$0xFFFFFF10];
	_ =	sdelay $0x3  }
0x1c9: {  	[tilespmem:v3+s22+$0x0] =	vst.idx.msk $0xffff, v4  }
0x1ca: {  	[tilespmem:v2+s22+$0x0] =	vst.idx.msk $0xffff, v5  }
0x1cb: {  	v4 =	vld [tilespmem:s1+$0xFFFFFF20]  }
0x1cc: {  	v5 =	vld [tilespmem:s1+$0xFFFFFF30];
	_ =	sdelay $0x3  }
0x1cd: {  	[tilespmem:v3+s5+$0x0] =	vst.idx.msk $0xffff, v4  }
0x1ce: {  	[tilespmem:v2+s5+$0x0] =	vst.idx.msk $0xffff, v5  }
0x1cf: {  	v4 =	vld [tilespmem:s1+$0xFFFFFF40]  }
0x1d0: {  	v5 =	vld [tilespmem:s1+$0xFFFFFF50];
	_ =	sdelay $0x3  }
0x1d1: {  	[tilespmem:v3+s24+$0x0] =	vst.idx.msk $0xffff, v4  }
0x1d2: {  	[tilespmem:v2+s24+$0x0] =	vst.idx.msk $0xffff, v5  }
0x1d3: {  	v4 =	vld [tilespmem:s1+$0xFFFFFF60]  }
0x1d4: {  	v5 =	vld [tilespmem:s1+$0xFFFFFF70];
	_ =	sdelay $0x3  }
0x1d5: {  	[tilespmem:v3+s26+$0x0] =	vst.idx.msk $0xffff, v4  }
0x1d6: {  	[tilespmem:v2+s26+$0x0] =	vst.idx.msk $0xffff, v5  }
0x1d7: {  	v4 =	vld [tilespmem:s1+$0xFFFFFF80]  }
0x1d8: {  	v5 =	vld [tilespmem:s1+$0xFFFFFF90];
	_ =	sdelay $0x3  }
0x1d9: {  	[tilespmem:v3+s29+$0x0] =	vst.idx.msk $0xffff, v4  }
0x1da: {  	[tilespmem:v2+s29+$0x0] =	vst.idx.msk $0xffff, v5  }
0x1db: {  	v4 =	vld [tilespmem:s1+$0xFFFFFFA0]  }
0x1dc: {  	v5 =	vld [tilespmem:s1+$0xFFFFFFB0];
	_ =	sdelay $0x3  }
0x1dd: {  	[tilespmem:v3+s31+$0x0] =	vst.idx.msk $0xffff, v4  }
0x1de: {  	[tilespmem:v2+s31+$0x0] =	vst.idx.msk $0xffff, v5  }
0x1df: {  	v4 =	vld [tilespmem:s1+$0xFFFFFFC0]  }
0x1e0: {  	v5 =	vld [tilespmem:s1+$0xFFFFFFD0];
	_ =	sdelay $0x2  }
0x1e1: {  	s0 =	simm.s32 $0x16600  }
0x1e2: {  	[tilespmem:v3+s0+$0x0] =	vst.idx.msk $0xffff, v4  }
0x1e3: {  	[tilespmem:v2+s0+$0x0] =	vst.idx.msk $0xffff, v5  }
0x1e4: {  	v4 =	vld [tilespmem:s1+$0xFFFFFFE0]  }
0x1e5: {  	v5 =	vld [tilespmem:s1+$0xFFFFFFF0];
	_ =	sdelay $0x3  }
0x1e6: {  	[tilespmem:v3+s15+$0x0] =	vst.idx.msk $0xffff, v4  }
0x1e7: {  	[tilespmem:v2+s15+$0x0] =	vst.idx.msk $0xffff, v5  }
0x1e8: {  	v4 =	vld [tilespmem:s1+$0x0]  }
0x1e9: {  	v5 =	vld [tilespmem:s1+$0x10];
	_ =	sdelay $0x3  }
0x1ea: {  	[tilespmem:v3+s19+$0x0] =	vst.idx.msk $0xffff, v4  }
0x1eb: {  	[tilespmem:v2+s19+$0x0] =	vst.idx.msk $0xffff, v5  }
0x1ec: {  	v4 =	vld [tilespmem:s1+$0x20]  }
0x1ed: {  	v5 =	vld [tilespmem:s1+$0x30];
	_ =	sdelay $0x3  }
0x1ee: {  	[tilespmem:v3+s23+$0x0] =	vst.idx.msk $0xffff, v4  }
0x1ef: {  	[tilespmem:v2+s23+$0x0] =	vst.idx.msk $0xffff, v5  }
0x1f0: {  	v4 =	vld [tilespmem:s1+$0x40]  }
0x1f1: {  	v5 =	vld [tilespmem:s1+$0x50];
	_ =	sdelay $0x3  }
0x1f2: {  	[tilespmem:v3+s28+$0x0] =	vst.idx.msk $0xffff, v4  }
0x1f3: {  	[tilespmem:v2+s28+$0x0] =	vst.idx.msk $0xffff, v5  }
0x1f4: {  	v4 =	vld [tilespmem:s1+$0x60]  }
0x1f5: {  	v5 =	vld [tilespmem:s1+$0x70];
	_ =	sdelay $0x2  }
0x1f6: {  	s0 =	simm.s32 $0x17000  }
0x1f7: {  	[tilespmem:v3+s0+$0x0] =	vst.idx.msk $0xffff, v4  }
0x1f8: {  	[tilespmem:v2+s0+$0x0] =	vst.idx.msk $0xffff, v5  }
0x1f9: {  	v4 =	vld [tilespmem:s1+$0x80]  }
0x1fa: {  	v5 =	vld [tilespmem:s1+$0x90];
	_ =	sdelay $0x2  }
0x1fb: {  	s0 =	simm.s32 $0x17200  }
0x1fc: {  	[tilespmem:v3+s0+$0x0] =	vst.idx.msk $0xffff, v4  }
0x1fd: {  	[tilespmem:v2+s0+$0x0] =	vst.idx.msk $0xffff, v5  }
0x1fe: {  	v4 =	vld [tilespmem:s1+$0xA0]  }
0x1ff: {  	v5 =	vld [tilespmem:s1+$0xB0];
	_ =	sdelay $0x2  }
0x200: {  	s0 =	simm.s32 $0x17400  }
0x201: {  	[tilespmem:v3+s0+$0x0] =	vst.idx.msk $0xffff, v4  }
0x202: {  	[tilespmem:v2+s0+$0x0] =	vst.idx.msk $0xffff, v5  }
0x203: {  	v4 =	vld [tilespmem:s1+$0xC0]  }
0x204: {  	v5 =	vld [tilespmem:s1+$0xD0];
	_ =	sdelay $0x2  }
0x205: {  	s0 =	simm.s32 $0x17600  }
0x206: {  	[tilespmem:v3+s0+$0x0] =	vst.idx.msk $0xffff, v4  }
0x207: {  	[tilespmem:v2+s0+$0x0] =	vst.idx.msk $0xffff, v5  }
0x208: {  	v4 =	vld [tilespmem:s1+$0xE0]  }
0x209: {  	v5 =	vld [tilespmem:s1+$0xF0];
	_ =	sdelay $0x2  }
0x20a: {  	s0 =	simm.s32 $0x17800  }
0x20b: {  	[tilespmem:v3+s0+$0x0] =	vst.idx.msk $0xffff, v4  }
0x20c: {  	[tilespmem:v2+s0+$0x0] =	vst.idx.msk $0xffff, v5  }
0x20d: {  	v4 =	vld [tilespmem:s1+$0x100]  }
0x20e: {  	v5 =	vld [tilespmem:s1+$0x110];
	_ =	sdelay $0x2  }
0x20f: {  	s0 =	simm.s32 $0x17A00  }
0x210: {  	[tilespmem:v3+s0+$0x0] =	vst.idx.msk $0xffff, v4  }
0x211: {  	[tilespmem:v2+s0+$0x0] =	vst.idx.msk $0xffff, v5  }
0x212: {  	v4 =	vld [tilespmem:s1+$0x120]  }
0x213: {  	v5 =	vld [tilespmem:s1+$0x130];
	_ =	sdelay $0x2  }
0x214: {  	s0 =	simm.s32 $0x17C00  }
0x215: {  	[tilespmem:v3+s0+$0x0] =	vst.idx.msk $0xffff, v4  }
0x216: {  	[tilespmem:v2+s0+$0x0] =	vst.idx.msk $0xffff, v5  }
0x217: {  	v4 =	vld [tilespmem:s1+$0x140]  }
0x218: {  	v5 =	vld [tilespmem:s1+$0x150];
	_ =	sdelay $0x2  }
0x219: {  	s0 =	simm.s32 $0x17E00  }
0x21a: {  	[tilespmem:v3+s0+$0x0] =	vst.idx.msk $0xffff, v4  }
0x21b: {  	[tilespmem:v2+s0+$0x0] =	vst.idx.msk $0xffff, v5  }
0x21c: {  	v4 =	vld [tilespmem:s1+$0x160]  }
0x21d: {  	v5 =	vld [tilespmem:s1+$0x170];
	_ =	sdelay $0x2  }
0x21e: {  	s0 =	simm.s32 $0x18000  }
0x21f: {  	[tilespmem:v3+s0+$0x0] =	vst.idx.msk $0xffff, v4  }
0x220: {  	[tilespmem:v2+s0+$0x0] =	vst.idx.msk $0xffff, v5  }
0x221: {  	v4 =	vld [tilespmem:s1+$0x180]  }
0x222: {  	v5 =	vld [tilespmem:s1+$0x190];
	_ =	sdelay $0x2  }
0x223: {  	s0 =	simm.s32 $0x18200  }
0x224: {  	[tilespmem:v3+s0+$0x0] =	vst.idx.msk $0xffff, v4  }
0x225: {  	[tilespmem:v2+s0+$0x0] =	vst.idx.msk $0xffff, v5  }
0x226: {  	v4 =	vld [tilespmem:s1+$0x1A0]  }
0x227: {  	v5 =	vld [tilespmem:s1+$0x1B0];
	_ =	sdelay $0x2  }
0x228: {  	s0 =	simm.s32 $0x18400  }
0x229: {  	[tilespmem:v3+s0+$0x0] =	vst.idx.msk $0xffff, v4  }
0x22a: {  	[tilespmem:v2+s0+$0x0] =	vst.idx.msk $0xffff, v5  }
0x22b: {  	v4 =	vld [tilespmem:s1+$0x1C0]  }
0x22c: {  	v5 =	vld [tilespmem:s1+$0x1D0];
	_ =	sdelay $0x2  }
0x22d: {  	s0 =	simm.s32 $0x18600  }
0x22e: {  	[tilespmem:v3+s0+$0x0] =	vst.idx.msk $0xffff, v4  }
0x22f: {  	[tilespmem:v2+s0+$0x0] =	vst.idx.msk $0xffff, v5  }
0x230: {  	v4 =	vld [tilespmem:s1+$0x1E0]  }
0x231: {  	v5 =	vld [tilespmem:s1+$0x1F0];
	_ =	sdelay $0x2  }
0x232: {  	s0 =	simm.s32 $0x18800  }
0x233: {  	[tilespmem:v3+s0+$0x0] =	vst.idx.msk $0xffff, v4  }
0x234: {  	[tilespmem:v2+s0+$0x0] =	vst.idx.msk $0xffff, v5  }
0x235: {  	v4 =	vld [tilespmem:s1+$0x200]  }
0x236: {  	v5 =	vld [tilespmem:s1+$0x210];
	_ =	sdelay $0x2  }
0x237: {  	s0 =	simm.s32 $0x18A00  }
0x238: {  	[tilespmem:v3+s0+$0x0] =	vst.idx.msk $0xffff, v4  }
0x239: {  	[tilespmem:v2+s0+$0x0] =	vst.idx.msk $0xffff, v5  }
0x23a: {  	v4 =	vld [tilespmem:s1+$0x220]  }
0x23b: {  	v5 =	vld [tilespmem:s1+$0x230];
	_ =	sdelay $0x2  }
0x23c: {  	s0 =	simm.s32 $0x18C00  }
0x23d: {  	[tilespmem:v3+s0+$0x0] =	vst.idx.msk $0xffff, v4  }
0x23e: {  	[tilespmem:v2+s0+$0x0] =	vst.idx.msk $0xffff, v5  }
0x23f: {  	v4 =	vld [tilespmem:s1+$0x240]  }
0x240: {  	v5 =	vld [tilespmem:s1+$0x250];
	_ =	sdelay $0x2  }
0x241: {  	s0 =	simm.s32 $0x18E00  }
0x242: {  	[tilespmem:v3+s0+$0x0] =	vst.idx.msk $0xffff, v4  }
0x243: {  	[tilespmem:v2+s0+$0x0] =	vst.idx.msk $0xffff, v5  }
0x244: {  	v4 =	vld [tilespmem:s1+$0x260]  }
0x245: {  	v5 =	vld [tilespmem:s1+$0x270];
	_ =	sdelay $0x2  }
0x246: {  	s0 =	simm.s32 $0x19000  }
0x247: {  	[tilespmem:v3+s0+$0x0] =	vst.idx.msk $0xffff, v4  }
0x248: {  	[tilespmem:v2+s0+$0x0] =	vst.idx.msk $0xffff, v5  }
0x249: {  	v4 =	vld [tilespmem:s1+$0x280]  }
0x24a: {  	v5 =	vld [tilespmem:s1+$0x290];
	_ =	sdelay $0x2  }
0x24b: {  	s0 =	simm.s32 $0x19200  }
0x24c: {  	[tilespmem:v3+s0+$0x0] =	vst.idx.msk $0xffff, v4  }
0x24d: {  	[tilespmem:v2+s0+$0x0] =	vst.idx.msk $0xffff, v5  }
0x24e: {  	v4 =	vld [tilespmem:s1+$0x2A0]  }
0x24f: {  	v5 =	vld [tilespmem:s1+$0x2B0];
	_ =	sdelay $0x2  }
0x250: {  	s0 =	simm.s32 $0x19400  }
0x251: {  	[tilespmem:v3+s0+$0x0] =	vst.idx.msk $0xffff, v4  }
0x252: {  	[tilespmem:v2+s0+$0x0] =	vst.idx.msk $0xffff, v5  }
0x253: {  	v4 =	vld [tilespmem:s1+$0x2C0]  }
0x254: {  	v5 =	vld [tilespmem:s1+$0x2D0];
	_ =	sdelay $0x2  }
0x255: {  	s0 =	simm.s32 $0x19600  }
0x256: {  	[tilespmem:v3+s0+$0x0] =	vst.idx.msk $0xffff, v4  }
0x257: {  	[tilespmem:v2+s0+$0x0] =	vst.idx.msk $0xffff, v5  }
0x258: {  	v4 =	vld [tilespmem:s1+$0x2E0]  }
0x259: {  	v5 =	vld [tilespmem:s1+$0x2F0];
	_ =	sdelay $0x2  }
0x25a: {  	s0 =	simm.s32 $0x19800  }
0x25b: {  	[tilespmem:v3+s0+$0x0] =	vst.idx.msk $0xffff, v4  }
0x25c: {  	[tilespmem:v2+s0+$0x0] =	vst.idx.msk $0xffff, v5  }
0x25d: {  	v6 =	vld [tilespmem:s1+$0x300]  }
.Ltmp0:
0x25e: {  	v5 =	vld [tilespmem:s1+$0x310];
	(pc) =	sbr.rel @p1 .LBB2_3-.Ltmp0, $4  }
0x25f: {  	_ = 	snop  }
0x260: {  	v4 =	vmov s25;
	s25 =	simm.s32 $0x19A00  }
0x261: {  	v4 =	vand.u32 $0xF, v4  }
0x262: {  	v4 =	vbroadcast v4, $0x0;
	[tilespmem:v3+s25+$0x0] =	vst.idx.msk $0xffff, v6  }
0x263: {  	_ =	sdelay $0x3  }
0x264: {  	[tilespmem:v2+s25+$0x0] =	vst.idx.msk $0xffff, v5;
	s1 =	sadd.s32 $0x640, s1  }
0x265: {  	v2 =	vor.u32 v0, v4;
	v5 =	vld [tilespmem:s1+$0xFFFFFCE0]  }
0x266: {  	v3 =	vor.u32 v1, v4;
	v62 =	vld [tilespmem:s1+$0xFFFFFCF0];
	_ =	sdelay $0x3  }
0x267: {  	[tilespmem:v2+s13+$0x0] =	vst.idx.msk $0xffff, v5  }
0x268: {  	[tilespmem:v3+s13+$0x0] =	vst.idx.msk $0xffff, v62  }
0x269: {  	v4 =	vld [tilespmem:s1+$0xFFFFFD00]  }
0x26a: {  	v5 =	vld [tilespmem:s1+$0xFFFFFD10];
	_ =	sdelay $0x3  }
0x26b: {  	[tilespmem:v2+s30+$0x0] =	vst.idx.msk $0xffff, v4  }
0x26c: {  	[tilespmem:v3+s30+$0x0] =	vst.idx.msk $0xffff, v5  }
0x26d: {  	v4 =	vld [tilespmem:s1+$0xFFFFFD20]  }
0x26e: {  	v5 =	vld [tilespmem:s1+$0xFFFFFD30];
	_ =	sdelay $0x3  }
0x26f: {  	[tilespmem:v2+s21+$0x0] =	vst.idx.msk $0xffff, v4  }
0x270: {  	[tilespmem:v3+s21+$0x0] =	vst.idx.msk $0xffff, v5  }
0x271: {  	v4 =	vld [tilespmem:s1+$0xFFFFFD40]  }
0x272: {  	v5 =	vld [tilespmem:s1+$0xFFFFFD50];
	_ =	sdelay $0x3  }
0x273: {  	[tilespmem:v2+s7+$0x0] =	vst.idx.msk $0xffff, v4  }
0x274: {  	[tilespmem:v3+s7+$0x0] =	vst.idx.msk $0xffff, v5  }
0x275: {  	v4 =	vld [tilespmem:s1+$0xFFFFFD60]  }
0x276: {  	v5 =	vld [tilespmem:s1+$0xFFFFFD70];
	_ =	sdelay $0x3  }
0x277: {  	[tilespmem:v2+s3+$0x0] =	vst.idx.msk $0xffff, v4  }
0x278: {  	[tilespmem:v3+s3+$0x0] =	vst.idx.msk $0xffff, v5  }
0x279: {  	v4 =	vld [tilespmem:s1+$0xFFFFFD80]  }
0x27a: {  	v5 =	vld [tilespmem:s1+$0xFFFFFD90];
	_ =	sdelay $0x3  }
0x27b: {  	[tilespmem:v2+s8+$0x0] =	vst.idx.msk $0xffff, v4  }
0x27c: {  	[tilespmem:v3+s8+$0x0] =	vst.idx.msk $0xffff, v5  }
0x27d: {  	v4 =	vld [tilespmem:s1+$0xFFFFFDA0]  }
0x27e: {  	v5 =	vld [tilespmem:s1+$0xFFFFFDB0];
	_ =	sdelay $0x3  }
0x27f: {  	[tilespmem:v2+s6+$0x0] =	vst.idx.msk $0xffff, v4  }
0x280: {  	[tilespmem:v3+s6+$0x0] =	vst.idx.msk $0xffff, v5  }
0x281: {  	v4 =	vld [tilespmem:s1+$0xFFFFFDC0]  }
0x282: {  	v5 =	vld [tilespmem:s1+$0xFFFFFDD0];
	_ =	sdelay $0x3  }
0x283: {  	[tilespmem:v2+s9+$0x0] =	vst.idx.msk $0xffff, v4  }
0x284: {  	[tilespmem:v3+s9+$0x0] =	vst.idx.msk $0xffff, v5  }
0x285: {  	v4 =	vld [tilespmem:s1+$0xFFFFFDE0]  }
0x286: {  	v5 =	vld [tilespmem:s1+$0xFFFFFDF0];
	_ =	sdelay $0x3  }
0x287: {  	[tilespmem:v2+s10+$0x0] =	vst.idx.msk $0xffff, v4  }
0x288: {  	[tilespmem:v3+s10+$0x0] =	vst.idx.msk $0xffff, v5  }
0x289: {  	v4 =	vld [tilespmem:s1+$0xFFFFFE00]  }
0x28a: {  	v5 =	vld [tilespmem:s1+$0xFFFFFE10];
	_ =	sdelay $0x3  }
0x28b: {  	[tilespmem:v2+s12+$0x0] =	vst.idx.msk $0xffff, v4  }
0x28c: {  	[tilespmem:v3+s12+$0x0] =	vst.idx.msk $0xffff, v5  }
0x28d: {  	v4 =	vld [tilespmem:s1+$0xFFFFFE20]  }
0x28e: {  	v5 =	vld [tilespmem:s1+$0xFFFFFE30];
	_ =	sdelay $0x3  }
0x28f: {  	[tilespmem:v2+s14+$0x0] =	vst.idx.msk $0xffff, v4  }
0x290: {  	[tilespmem:v3+s14+$0x0] =	vst.idx.msk $0xffff, v5  }
0x291: {  	v4 =	vld [tilespmem:s1+$0xFFFFFE40]  }
0x292: {  	v5 =	vld [tilespmem:s1+$0xFFFFFE50];
	_ =	sdelay $0x3  }
0x293: {  	[tilespmem:v2+s16+$0x0] =	vst.idx.msk $0xffff, v4  }
0x294: {  	[tilespmem:v3+s16+$0x0] =	vst.idx.msk $0xffff, v5  }
0x295: {  	v4 =	vld [tilespmem:s1+$0xFFFFFE60]  }
0x296: {  	v5 =	vld [tilespmem:s1+$0xFFFFFE70];
	_ =	sdelay $0x3  }
0x297: {  	[tilespmem:v2+s18+$0x0] =	vst.idx.msk $0xffff, v4  }
0x298: {  	[tilespmem:v3+s18+$0x0] =	vst.idx.msk $0xffff, v5  }
0x299: {  	v4 =	vld [tilespmem:s1+$0xFFFFFE80]  }
0x29a: {  	v5 =	vld [tilespmem:s1+$0xFFFFFE90];
	_ =	sdelay $0x3  }
0x29b: {  	[tilespmem:v2+s20+$0x0] =	vst.idx.msk $0xffff, v4  }
0x29c: {  	[tilespmem:v3+s20+$0x0] =	vst.idx.msk $0xffff, v5  }
0x29d: {  	v4 =	vld [tilespmem:s1+$0xFFFFFEA0]  }
0x29e: {  	v5 =	vld [tilespmem:s1+$0xFFFFFEB0];
	_ =	sdelay $0x3  }
0x29f: {  	[tilespmem:v2+s2+$0x0] =	vst.idx.msk $0xffff, v4  }
0x2a0: {  	[tilespmem:v3+s2+$0x0] =	vst.idx.msk $0xffff, v5  }
0x2a1: {  	v4 =	vld [tilespmem:s1+$0xFFFFFEC0]  }
0x2a2: {  	v5 =	vld [tilespmem:s1+$0xFFFFFED0];
	_ =	sdelay $0x3  }
0x2a3: {  	[tilespmem:v2+s4+$0x0] =	vst.idx.msk $0xffff, v4  }
0x2a4: {  	[tilespmem:v3+s4+$0x0] =	vst.idx.msk $0xffff, v5  }
0x2a5: {  	v4 =	vld [tilespmem:s1+$0xFFFFFEE0]  }
0x2a6: {  	v5 =	vld [tilespmem:s1+$0xFFFFFEF0];
	_ =	sdelay $0x3  }
0x2a7: {  	[tilespmem:v2+s11+$0x0] =	vst.idx.msk $0xffff, v4  }
0x2a8: {  	[tilespmem:v3+s11+$0x0] =	vst.idx.msk $0xffff, v5  }
0x2a9: {  	v4 =	vld [tilespmem:s1+$0xFFFFFF00]  }
0x2aa: {  	v5 =	vld [tilespmem:s1+$0xFFFFFF10];
	_ =	sdelay $0x3  }
0x2ab: {  	[tilespmem:v2+s22+$0x0] =	vst.idx.msk $0xffff, v4  }
0x2ac: {  	[tilespmem:v3+s22+$0x0] =	vst.idx.msk $0xffff, v5  }
0x2ad: {  	v4 =	vld [tilespmem:s1+$0xFFFFFF20]  }
0x2ae: {  	v5 =	vld [tilespmem:s1+$0xFFFFFF30];
	_ =	sdelay $0x3  }
0x2af: {  	[tilespmem:v2+s5+$0x0] =	vst.idx.msk $0xffff, v4  }
0x2b0: {  	[tilespmem:v3+s5+$0x0] =	vst.idx.msk $0xffff, v5  }
0x2b1: {  	v4 =	vld [tilespmem:s1+$0xFFFFFF40]  }
0x2b2: {  	v5 =	vld [tilespmem:s1+$0xFFFFFF50];
	_ =	sdelay $0x3  }
0x2b3: {  	[tilespmem:v2+s24+$0x0] =	vst.idx.msk $0xffff, v4  }
0x2b4: {  	[tilespmem:v3+s24+$0x0] =	vst.idx.msk $0xffff, v5  }
0x2b5: {  	v4 =	vld [tilespmem:s1+$0xFFFFFF60]  }
0x2b6: {  	v5 =	vld [tilespmem:s1+$0xFFFFFF70];
	_ =	sdelay $0x3  }
0x2b7: {  	[tilespmem:v2+s26+$0x0] =	vst.idx.msk $0xffff, v4  }
0x2b8: {  	[tilespmem:v3+s26+$0x0] =	vst.idx.msk $0xffff, v5  }
0x2b9: {  	v4 =	vld [tilespmem:s1+$0xFFFFFF80]  }
0x2ba: {  	v5 =	vld [tilespmem:s1+$0xFFFFFF90];
	_ =	sdelay $0x3  }
0x2bb: {  	[tilespmem:v2+s29+$0x0] =	vst.idx.msk $0xffff, v4  }
0x2bc: {  	[tilespmem:v3+s29+$0x0] =	vst.idx.msk $0xffff, v5  }
0x2bd: {  	v4 =	vld [tilespmem:s1+$0xFFFFFFA0]  }
0x2be: {  	v5 =	vld [tilespmem:s1+$0xFFFFFFB0];
	_ =	sdelay $0x3  }
0x2bf: {  	[tilespmem:v2+s31+$0x0] =	vst.idx.msk $0xffff, v4  }
0x2c0: {  	[tilespmem:v3+s31+$0x0] =	vst.idx.msk $0xffff, v5  }
0x2c1: {  	v4 =	vld [tilespmem:s1+$0xFFFFFFC0]  }
0x2c2: {  	v5 =	vld [tilespmem:s1+$0xFFFFFFD0];
	_ =	sdelay $0x2  }
0x2c3: {  	s0 =	simm.s32 $0x16600  }
0x2c4: {  	[tilespmem:v2+s0+$0x0] =	vst.idx.msk $0xffff, v4  }
0x2c5: {  	[tilespmem:v3+s0+$0x0] =	vst.idx.msk $0xffff, v5  }
0x2c6: {  	v4 =	vld [tilespmem:s1+$0xFFFFFFE0]  }
0x2c7: {  	v5 =	vld [tilespmem:s1+$0xFFFFFFF0];
	_ =	sdelay $0x3  }
0x2c8: {  	[tilespmem:v2+s15+$0x0] =	vst.idx.msk $0xffff, v4  }
0x2c9: {  	[tilespmem:v3+s15+$0x0] =	vst.idx.msk $0xffff, v5  }
0x2ca: {  	v4 =	vld [tilespmem:s1+$0x0]  }
0x2cb: {  	v5 =	vld [tilespmem:s1+$0x10];
	_ =	sdelay $0x3  }
0x2cc: {  	[tilespmem:v2+s19+$0x0] =	vst.idx.msk $0xffff, v4  }
0x2cd: {  	[tilespmem:v3+s19+$0x0] =	vst.idx.msk $0xffff, v5  }
0x2ce: {  	v4 =	vld [tilespmem:s1+$0x20]  }
0x2cf: {  	v5 =	vld [tilespmem:s1+$0x30];
	_ =	sdelay $0x3  }
0x2d0: {  	[tilespmem:v2+s23+$0x0] =	vst.idx.msk $0xffff, v4  }
0x2d1: {  	[tilespmem:v3+s23+$0x0] =	vst.idx.msk $0xffff, v5  }
0x2d2: {  	v4 =	vld [tilespmem:s1+$0x40]  }
0x2d3: {  	v5 =	vld [tilespmem:s1+$0x50];
	_ =	sdelay $0x3  }
0x2d4: {  	[tilespmem:v2+s28+$0x0] =	vst.idx.msk $0xffff, v4  }
0x2d5: {  	[tilespmem:v3+s28+$0x0] =	vst.idx.msk $0xffff, v5  }
0x2d6: {  	v4 =	vld [tilespmem:s1+$0x60]  }
0x2d7: {  	v5 =	vld [tilespmem:s1+$0x70];
	_ =	sdelay $0x2  }
0x2d8: {  	s24 =	simm.s32 $0x17000  }
0x2d9: {  	[tilespmem:v2+s24+$0x0] =	vst.idx.msk $0xffff, v4  }
0x2da: {  	[tilespmem:v3+s24+$0x0] =	vst.idx.msk $0xffff, v5  }
0x2db: {  	v4 =	vld [tilespmem:s1+$0x80]  }
0x2dc: {  	v5 =	vld [tilespmem:s1+$0x90];
	_ =	sdelay $0x2  }
0x2dd: {  	s25 =	simm.s32 $0x17200  }
0x2de: {  	[tilespmem:v2+s25+$0x0] =	vst.idx.msk $0xffff, v4  }
0x2df: {  	[tilespmem:v3+s25+$0x0] =	vst.idx.msk $0xffff, v5  }
0x2e0: {  	v4 =	vld [tilespmem:s1+$0xA0]  }
0x2e1: {  	v5 =	vld [tilespmem:s1+$0xB0];
	_ =	sdelay $0x2  }
0x2e2: {  	s26 =	simm.s32 $0x17400  }
0x2e3: {  	[tilespmem:v2+s26+$0x0] =	vst.idx.msk $0xffff, v4  }
0x2e4: {  	[tilespmem:v3+s26+$0x0] =	vst.idx.msk $0xffff, v5  }
0x2e5: {  	v4 =	vld [tilespmem:s1+$0xC0]  }
0x2e6: {  	v5 =	vld [tilespmem:s1+$0xD0];
	_ =	sdelay $0x2  }
0x2e7: {  	s2 =	simm.s32 $0x17600  }
0x2e8: {  	[tilespmem:v2+s2+$0x0] =	vst.idx.msk $0xffff, v4  }
0x2e9: {  	[tilespmem:v3+s2+$0x0] =	vst.idx.msk $0xffff, v5  }
0x2ea: {  	v4 =	vld [tilespmem:s1+$0xE0]  }
0x2eb: {  	v5 =	vld [tilespmem:s1+$0xF0];
	_ =	sdelay $0x2  }
0x2ec: {  	s3 =	simm.s32 $0x17800  }
0x2ed: {  	[tilespmem:v2+s3+$0x0] =	vst.idx.msk $0xffff, v4  }
0x2ee: {  	[tilespmem:v3+s3+$0x0] =	vst.idx.msk $0xffff, v5  }
0x2ef: {  	v4 =	vld [tilespmem:s1+$0x100]  }
0x2f0: {  	v5 =	vld [tilespmem:s1+$0x110];
	_ =	sdelay $0x2  }
0x2f1: {  	s4 =	simm.s32 $0x17A00  }
0x2f2: {  	[tilespmem:v2+s4+$0x0] =	vst.idx.msk $0xffff, v4  }
0x2f3: {  	[tilespmem:v3+s4+$0x0] =	vst.idx.msk $0xffff, v5  }
0x2f4: {  	v4 =	vld [tilespmem:s1+$0x120]  }
0x2f5: {  	v5 =	vld [tilespmem:s1+$0x130];
	_ =	sdelay $0x2  }
0x2f6: {  	s5 =	simm.s32 $0x17C00  }
0x2f7: {  	[tilespmem:v2+s5+$0x0] =	vst.idx.msk $0xffff, v4  }
0x2f8: {  	[tilespmem:v3+s5+$0x0] =	vst.idx.msk $0xffff, v5  }
0x2f9: {  	v4 =	vld [tilespmem:s1+$0x140]  }
0x2fa: {  	v5 =	vld [tilespmem:s1+$0x150];
	_ =	sdelay $0x2  }
0x2fb: {  	s6 =	simm.s32 $0x17E00  }
0x2fc: {  	[tilespmem:v2+s6+$0x0] =	vst.idx.msk $0xffff, v4  }
0x2fd: {  	[tilespmem:v3+s6+$0x0] =	vst.idx.msk $0xffff, v5  }
0x2fe: {  	v4 =	vld [tilespmem:s1+$0x160]  }
0x2ff: {  	v5 =	vld [tilespmem:s1+$0x170];
	_ =	sdelay $0x2  }
0x300: {  	s7 =	simm.s32 $0x18000  }
0x301: {  	[tilespmem:v2+s7+$0x0] =	vst.idx.msk $0xffff, v4  }
0x302: {  	[tilespmem:v3+s7+$0x0] =	vst.idx.msk $0xffff, v5  }
0x303: {  	v4 =	vld [tilespmem:s1+$0x180]  }
0x304: {  	v5 =	vld [tilespmem:s1+$0x190];
	_ =	sdelay $0x2  }
0x305: {  	s8 =	simm.s32 $0x18200  }
0x306: {  	[tilespmem:v2+s8+$0x0] =	vst.idx.msk $0xffff, v4  }
0x307: {  	[tilespmem:v3+s8+$0x0] =	vst.idx.msk $0xffff, v5  }
0x308: {  	v4 =	vld [tilespmem:s1+$0x1A0]  }
0x309: {  	v5 =	vld [tilespmem:s1+$0x1B0];
	_ =	sdelay $0x2  }
0x30a: {  	s9 =	simm.s32 $0x18400  }
0x30b: {  	[tilespmem:v2+s9+$0x0] =	vst.idx.msk $0xffff, v4  }
0x30c: {  	[tilespmem:v3+s9+$0x0] =	vst.idx.msk $0xffff, v5  }
0x30d: {  	v4 =	vld [tilespmem:s1+$0x1C0]  }
0x30e: {  	v5 =	vld [tilespmem:s1+$0x1D0];
	_ =	sdelay $0x2  }
0x30f: {  	s10 =	simm.s32 $0x18600  }
0x310: {  	[tilespmem:v2+s10+$0x0] =	vst.idx.msk $0xffff, v4  }
0x311: {  	[tilespmem:v3+s10+$0x0] =	vst.idx.msk $0xffff, v5  }
0x312: {  	v4 =	vld [tilespmem:s1+$0x1E0]  }
0x313: {  	v5 =	vld [tilespmem:s1+$0x1F0];
	_ =	sdelay $0x2  }
0x314: {  	s11 =	simm.s32 $0x18800  }
0x315: {  	[tilespmem:v2+s11+$0x0] =	vst.idx.msk $0xffff, v4  }
0x316: {  	[tilespmem:v3+s11+$0x0] =	vst.idx.msk $0xffff, v5  }
0x317: {  	v4 =	vld [tilespmem:s1+$0x200]  }
0x318: {  	v5 =	vld [tilespmem:s1+$0x210];
	_ =	sdelay $0x2  }
0x319: {  	s12 =	simm.s32 $0x18A00  }
0x31a: {  	[tilespmem:v2+s12+$0x0] =	vst.idx.msk $0xffff, v4  }
0x31b: {  	[tilespmem:v3+s12+$0x0] =	vst.idx.msk $0xffff, v5  }
0x31c: {  	v4 =	vld [tilespmem:s1+$0x220]  }
0x31d: {  	v5 =	vld [tilespmem:s1+$0x230];
	_ =	sdelay $0x2  }
0x31e: {  	s13 =	simm.s32 $0x18C00  }
0x31f: {  	[tilespmem:v2+s13+$0x0] =	vst.idx.msk $0xffff, v4  }
0x320: {  	[tilespmem:v3+s13+$0x0] =	vst.idx.msk $0xffff, v5  }
0x321: {  	v4 =	vld [tilespmem:s1+$0x240]  }
0x322: {  	v5 =	vld [tilespmem:s1+$0x250];
	_ =	sdelay $0x2  }
0x323: {  	s14 =	simm.s32 $0x18E00  }
0x324: {  	[tilespmem:v2+s14+$0x0] =	vst.idx.msk $0xffff, v4  }
0x325: {  	[tilespmem:v3+s14+$0x0] =	vst.idx.msk $0xffff, v5  }
0x326: {  	v4 =	vld [tilespmem:s1+$0x260]  }
0x327: {  	v5 =	vld [tilespmem:s1+$0x270];
	_ =	sdelay $0x2  }
0x328: {  	s15 =	simm.s32 $0x19000  }
0x329: {  	[tilespmem:v2+s15+$0x0] =	vst.idx.msk $0xffff, v4  }
0x32a: {  	[tilespmem:v3+s15+$0x0] =	vst.idx.msk $0xffff, v5  }
0x32b: {  	v4 =	vld [tilespmem:s1+$0x280]  }
0x32c: {  	v5 =	vld [tilespmem:s1+$0x290];
	_ =	sdelay $0x2  }
0x32d: {  	s16 =	simm.s32 $0x19200  }
0x32e: {  	[tilespmem:v2+s16+$0x0] =	vst.idx.msk $0xffff, v4  }
0x32f: {  	[tilespmem:v3+s16+$0x0] =	vst.idx.msk $0xffff, v5  }
0x330: {  	v4 =	vld [tilespmem:s1+$0x2A0]  }
0x331: {  	v5 =	vld [tilespmem:s1+$0x2B0];
	_ =	sdelay $0x2  }
0x332: {  	s17 =	simm.s32 $0x19400  }
0x333: {  	[tilespmem:v2+s17+$0x0] =	vst.idx.msk $0xffff, v4  }
0x334: {  	[tilespmem:v3+s17+$0x0] =	vst.idx.msk $0xffff, v5  }
0x335: {  	v4 =	vld [tilespmem:s1+$0x2C0]  }
0x336: {  	v5 =	vld [tilespmem:s1+$0x2D0];
	_ =	sdelay $0x2  }
0x337: {  	s18 =	simm.s32 $0x19600  }
0x338: {  	s30 =	simm.s32 $0x1A000;
	s20 =	rddreg [dreg:$0x3];
	s29 =	simm.s32 $0x1A200;
	[tilespmem:v2+s18+$0x0] =	vst.idx.msk $0xffff, v4  }
0x339: {  	s31 =	simm.s32 $0x19E00;
	s0 =	simm.s32 $0x10;
	s19 =	simm.s32 $0x19A00;
	[tilespmem:v3+s18+$0x0] =	vst.idx.msk $0xffff, v5  }
0x33a: {  	s23 =	simm.s32 $0x19800;
	s28 =	simm.s32 $0x1A400;
	s25 =	rddreg [dreg:$0x1];
	v4 =	vld [tilespmem:s1+$0x2E0]  }
0x33b: {  	s26 =	simm.s32 $0x13800;
	s2 =	rddreg [dreg:$0xa];
	s3 =	simm.s32 $0x80;
	v5 =	vld [tilespmem:s1+$0x2F0]  }
0x33c: {  	s4 =	simm.s32 $0x1C800;
	s5 =	simm.s32 $0x1CA00;
	s6 =	simm.s32 $0x1CC00  }
0x33d: {  	s7 =	simm.s32 $0x1CE00;
	s8 =	simm.s32 $0x1C600;
	s17 =	sshll.u32 s2, $0x5  }
0x33e: {  	s9 =	simm.s32 $0x1C400;
	s21 =	sor.u32 s20, s17;
	s22 =	sand.u32 $0x60, s17  }
0x33f: {  	s10 =	simm.s32 $0x1C200;
	p1 =	seq.s32 s21, $0x0;
	p2 =	sne.s32 s22, $0x0;
	[tilespmem:v2+s23+$0x0] =	vst.idx.msk $0xffff, v4  }
0x340: {  	s11 =	simm.s32 $0x1C000;
	s12 =	simm.s32 $0x1BE00;
	p1 =	por !p1, !p2;
	[tilespmem:v3+s23+$0x0] =	vst.idx.msk $0xffff, v5  }
0x341: {  	s13 =	simm.s32 $0x1BC00;
	s17 =	simm.s32 $0x1;
	p1 =	por !p1, !p1;
	v4 =	vld [tilespmem:s1+$0x300]  }
0x342: {  	s14 =	simm.s32 $0x1BA00;
	s24 =	sshrl.u32 s21, $0x7;
	s17 =	simm.s32 @!p1 $0x0;
	v5 =	vld [tilespmem:s1+$0x310]  }
0x343: {  	s15 =	simm.s32 $0x1B800;
	s16 =	simm.s32 $0x1B600;
	s1 =	ssub.s32 s24, s17  }
0x344: {  	s20 =	simm.s32 $0x1B000;
	[dreg:$0xd] =	wrdreg s21;
	s1 =	sshll.u32 s1, $0xA  }
0x345: {  	[dreg:$0xc] =	wrdreg s22;
	s21 =	simm.s32 $0x1AE00;
	s1 =	sor.u32 s22, s1  }
0x346: {  	s18 =	simm.s32 $0x1B400;
	s23 =	simm.s32 $0x1AA00;
	s1 =	sshrl.u32 s1, $0x3;
	[tilespmem:v2+s19+$0x0] =	vst.idx.msk $0xffff, v4  }
0x347: {  	s17 =	simm.s32 $0x200;
	s24 =	simm.s32 $0x1A800;
	s1 =	sadd.s32 s25, s1;
	[tilespmem:v3+s19+$0x0] =	vst.idx.msk $0xffff, v5  }
0x348: {  	[hbm4b:s1+s0] =	stream.strided.scatter [tilespmem:s26], [sflag:$0x3], $0x80, s3, s0, $0x38;
	v63 =	vld [tilespmem:$0x0]  }
0x349: {  	s22 =	simm.s32 $0x1AC00;
	s19 =	simm.s32 $0x1B200;
	s26 =	simm.s32 $0x1A600  }
.LBB2_5:
0x34a: {  	p1 =	seq.s32 s17, $0x18E00  }
.Ltmp1:
0x34b: {  	_ = 	snop;
	(pc) =	sbr.rel @!p1 .LBB2_5-.Ltmp1, $4  }
0x34c: {  	_ = 	snop  }
0x34d: {  	s25 =	sshra.s32 s17, $0x2;
	s17 =	sadd.s32 $0x200, s17  }
0x34e: {  	s1 =	sadd.s32 $0x4000, s1;
	s25 =	sadd.s32 $0x13800, s25  }
0x34f: {  	[hbm4b:s1+s0] =	stream.strided.scatter [tilespmem:s25], [sflag:$0x3], $0x80, s3, s0, $0x38;
	v63 =	vld [tilespmem:$0x0]  }
0x350: {  	s1 =	smul.u32 $0x1C00, s2;
	_ =	sdelay $0x1  }
0x351: {  	s17 =	rddreg [dreg:$0x4];
	s0 =	sshra.s32 s1, $0x2  }
0x352: {  	s2 =	simm.s32 $0x32;
	s25 =	simm.s32 $0x7000;
	s1 =	sadd.s32 $0x700, s0  }
0x353: {  	[tilespmem:s25], [sflag:$0x1] =	stream.indirect.gather [hbm4b:s17+s2], $0x20, s1, s2, $0xb8;
	v63 =	vld [tilespmem:$0x0]  }
0x354: {  	s3 =	simm.s32 $0x7640;
	s25 =	sadd.s32 $0x738, s0  }
0x355: {  	[tilespmem:s3], [sflag:$0x1] =	stream.indirect.gather [hbm4b:s17+s2], $0x20, s25, s2, $0xb8;
	v63 =	vld [tilespmem:$0x0]  }
0x356: {  	s25 =	sadd.s32 $0x770, s0;
	s3 =	simm.s32 $0x7C80  }
0x357: {  	[tilespmem:s3], [sflag:$0x1] =	stream.indirect.gather [hbm4b:s17+s2], $0x20, s25, s2, $0xb8;
	v63 =	vld [tilespmem:$0x0]  }
0x358: {  	s25 =	sadd.s32 $0x7A8, s0;
	s3 =	simm.s32 $0x82C0  }
0x359: {  	[tilespmem:s3], [sflag:$0x1] =	stream.indirect.gather [hbm4b:s17+s2], $0x20, s25, s2, $0xb8;
	v63 =	vld [tilespmem:$0x0]  }
0x35a: {  	s25 =	sadd.s32 $0x7E0, s0;
	s3 =	simm.s32 $0x8900  }
0x35b: {  	[tilespmem:s3], [sflag:$0x1] =	stream.indirect.gather [hbm4b:s17+s2], $0x20, s25, s2, $0xb8;
	v63 =	vld [tilespmem:$0x0]  }
0x35c: {  	s25 =	sadd.s32 $0x818, s0;
	s3 =	simm.s32 $0x8F40  }
0x35d: {  	[tilespmem:s3], [sflag:$0x1] =	stream.indirect.gather [hbm4b:s17+s2], $0x20, s25, s2, $0xb8;
	v63 =	vld [tilespmem:$0x0]  }
0x35e: {  	s25 =	sadd.s32 $0x850, s0;
	s3 =	simm.s32 $0x9580  }
0x35f: {  	[tilespmem:s3], [sflag:$0x1] =	stream.indirect.gather [hbm4b:s17+s2], $0x20, s25, s2, $0xb8;
	v63 =	vld [tilespmem:$0x0]  }
0x360: {  	s25 =	sadd.s32 $0x888, s0;
	s3 =	simm.s32 $0x9BC0  }
0x361: {  	[tilespmem:s3], [sflag:$0x1] =	stream.indirect.gather [hbm4b:s17+s2], $0x20, s25, s2, $0xb8;
	v63 =	vld [tilespmem:$0x0]  }
0x362: {  	s25 =	sadd.s32 $0x8C0, s0;
	s3 =	simm.s32 $0xA200  }
0x363: {  	[tilespmem:s3], [sflag:$0x1] =	stream.indirect.gather [hbm4b:s17+s2], $0x20, s25, s2, $0xb8;
	v63 =	vld [tilespmem:$0x0]  }
0x364: {  	s25 =	sadd.s32 $0x8F8, s0;
	s3 =	simm.s32 $0xA840  }
0x365: {  	[tilespmem:s3], [sflag:$0x1] =	stream.indirect.gather [hbm4b:s17+s2], $0x20, s25, s2, $0xb8;
	v63 =	vld [tilespmem:$0x0]  }
0x366: {  	s25 =	sadd.s32 $0x930, s0;
	s3 =	simm.s32 $0xAE80  }
0x367: {  	[tilespmem:s3], [sflag:$0x1] =	stream.indirect.gather [hbm4b:s17+s2], $0x20, s25, s2, $0xb8;
	v63 =	vld [tilespmem:$0x0]  }
0x368: {  	s25 =	sadd.s32 $0x968, s0;
	s3 =	simm.s32 $0xB4C0  }
0x369: {  	[tilespmem:s3], [sflag:$0x1] =	stream.indirect.gather [hbm4b:s17+s2], $0x20, s25, s2, $0xb8;
	v63 =	vld [tilespmem:$0x0]  }
0x36a: {  	s25 =	sadd.s32 $0x9A0, s0;
	s3 =	simm.s32 $0xBB00  }
0x36b: {  	[tilespmem:s3], [sflag:$0x1] =	stream.indirect.gather [hbm4b:s17+s2], $0x20, s25, s2, $0xb8;
	v63 =	vld [tilespmem:$0x0]  }
0x36c: {  	s25 =	sadd.s32 $0x9D8, s0;
	s3 =	simm.s32 $0xC140  }
0x36d: {  	[tilespmem:s3], [sflag:$0x1] =	stream.indirect.gather [hbm4b:s17+s2], $0x20, s25, s2, $0xb8;
	v63 =	vld [tilespmem:$0x0]  }
0x36e: {  	[dreg:$0xb] =	wrdreg s0;
	s25 =	sadd.s32 $0xA10, s0;
	s3 =	simm.s32 $0xC780  }
0x36f: {  	[tilespmem:s3], [sflag:$0x1] =	stream.indirect.gather [hbm4b:s17+s2], $0x20, s25, s2, $0xb8;
	v63 =	vld [tilespmem:$0x0]  }
0x370: {  	s1 =	simm.s32 @!p0 $0x4;
	s25 =	sadd.s32 $0xA48, s0;
	s0 =	simm.s32 $0xCDC0  }
0x371: {  	[tilespmem:s0], [sflag:$0x1] =	stream.indirect.gather [hbm4b:s17+s2], $0x20, s25, s2, $0xb8;
	v63 =	vld [tilespmem:$0x0]  }
0x372: {  	_ =	swait.ge @!p0 [sflag:s1], $0x6400  }
0x373: {  	[sflag:s1] =	ssyncset.done @!p0 $0x0  }
0x374: {  	s3 =	simm.s32 $0x2;
	[sflag:s1] =	ssyncadd.s32 @!p0 $0xFFFF9C00  }
0x375: {  	_ =	swait.ge [sflag:s3], $0x640  }
0x376: {  	[sflag:s3] =	ssyncset.done $0x0  }
0x377: {  	[sflag:s3] =	ssyncadd.s32 $0xFFFFF9C0  }
0x378: {  	_ =	swait.ge [sflag:s3], $0x640  }
0x379: {  	[sflag:s3] =	ssyncset.done $0x0  }
0x37a: {  	[sflag:s3] =	ssyncadd.s32 $0xFFFFF9C0  }
0x37b: {  	_ =	swait.ge [sflag:s3], $0x640  }
0x37c: {  	[sflag:s3] =	ssyncset.done $0x0  }
0x37d: {  	[sflag:s3] =	ssyncadd.s32 $0xFFFFF9C0  }
0x37e: {  	_ =	swait.ge [sflag:s3], $0x640  }
0x37f: {  	[sflag:s3] =	ssyncset.done $0x0  }
0x380: {  	[sflag:s3] =	ssyncadd.s32 $0xFFFFF9C0  }
0x381: {  	_ =	swait.ge [sflag:s3], $0x640  }
0x382: {  	[sflag:s3] =	ssyncset.done $0x0  }
0x383: {  	[sflag:s3] =	ssyncadd.s32 $0xFFFFF9C0  }
0x384: {  	_ =	swait.ge [sflag:s3], $0x640  }
0x385: {  	[sflag:s3] =	ssyncset.done $0x0  }
0x386: {  	[sflag:s3] =	ssyncadd.s32 $0xFFFFF9C0  }
0x387: {  	_ =	swait.ge [sflag:s3], $0x640  }
0x388: {  	[sflag:s3] =	ssyncset.done $0x0  }
0x389: {  	[sflag:s3] =	ssyncadd.s32 $0xFFFFF9C0  }
0x38a: {  	_ =	swait.ge [sflag:s3], $0x640  }
0x38b: {  	[sflag:s3] =	ssyncset.done $0x0  }
0x38c: {  	[sflag:s3] =	ssyncadd.s32 $0xFFFFF9C0  }
0x38d: {  	_ =	swait.ge [sflag:s3], $0x640  }
0x38e: {  	[sflag:s3] =	ssyncset.done $0x0  }
0x38f: {  	[sflag:s3] =	ssyncadd.s32 $0xFFFFF9C0  }
0x390: {  	_ =	swait.ge [sflag:s3], $0x640  }
0x391: {  	[sflag:s3] =	ssyncset.done $0x0  }
0x392: {  	[sflag:s3] =	ssyncadd.s32 $0xFFFFF9C0  }
0x393: {  	_ =	swait.ge [sflag:s3], $0x640  }
0x394: {  	[sflag:s3] =	ssyncset.done $0x0  }
0x395: {  	[sflag:s3] =	ssyncadd.s32 $0xFFFFF9C0  }
0x396: {  	_ =	swait.ge [sflag:s3], $0x640  }
0x397: {  	[sflag:s3] =	ssyncset.done $0x0  }
0x398: {  	[sflag:s3] =	ssyncadd.s32 $0xFFFFF9C0  }
0x399: {  	_ =	swait.ge [sflag:s3], $0x640  }
0x39a: {  	[sflag:s3] =	ssyncset.done $0x0  }
0x39b: {  	[sflag:s3] =	ssyncadd.s32 $0xFFFFF9C0  }
0x39c: {  	_ =	swait.ge [sflag:s3], $0x640  }
0x39d: {  	[sflag:s3] =	ssyncset.done $0x0  }
0x39e: {  	[sflag:s3] =	ssyncadd.s32 $0xFFFFF9C0  }
0x39f: {  	_ =	swait.ge [sflag:s3], $0x640  }
0x3a0: {  	s2 =	simm.s32 $0x0;
	[sflag:s3] =	ssyncset.done $0x0  }
0x3a1: {  	v2 =	vmov s2;
	[sflag:s3] =	ssyncadd.s32 $0xFFFFF9C0  }
0x3a2: {  	v2 =	vand.u32 $0xF, v2;
	_ =	swait.ge [sflag:s3], $0x640  }
0x3a3: {  	v2 =	vbroadcast v2, $0x0;
	[sflag:s3] =	ssyncset.done $0x0  }
0x3a4: {  	s1 =	simm.s32 $0xD720;
	[sflag:s3] =	ssyncadd.s32 $0xFFFFF9C0  }
0x3a5: {  	v3 =	vor.u32 v0, v2;
	v4 =	vld [tilespmem:s1+$0xFFFFFCE0]  }
0x3a6: {  	v2 =	vor.u32 v1, v2;
	v5 =	vld [tilespmem:s1+$0xFFFFFCF0];
	_ =	sdelay $0x2  }
0x3a7: {  	s3 =	simm.s32 $0x19C00  }
0x3a8: {  	[tilespmem:v3+s3+$0x0] =	vst.idx.msk $0xffff, v4  }
0x3a9: {  	[tilespmem:v2+s3+$0x0] =	vst.idx.msk $0xffff, v5  }
0x3aa: {  	v4 =	vld [tilespmem:s1+$0xFFFFFD00]  }
0x3ab: {  	v5 =	vld [tilespmem:s1+$0xFFFFFD10];
	_ =	sdelay $0x3  }
0x3ac: {  	[tilespmem:v3+s31+$0x0] =	vst.idx.msk $0xffff, v4  }
0x3ad: {  	[tilespmem:v2+s31+$0x0] =	vst.idx.msk $0xffff, v5  }
0x3ae: {  	v4 =	vld [tilespmem:s1+$0xFFFFFD20]  }
0x3af: {  	v5 =	vld [tilespmem:s1+$0xFFFFFD30];
	_ =	sdelay $0x3  }
0x3b0: {  	[tilespmem:v3+s30+$0x0] =	vst.idx.msk $0xffff, v4  }
0x3b1: {  	[tilespmem:v2+s30+$0x0] =	vst.idx.msk $0xffff, v5  }
0x3b2: {  	v4 =	vld [tilespmem:s1+$0xFFFFFD40]  }
0x3b3: {  	v5 =	vld [tilespmem:s1+$0xFFFFFD50];
	_ =	sdelay $0x3  }
0x3b4: {  	[tilespmem:v3+s29+$0x0] =	vst.idx.msk $0xffff, v4  }
0x3b5: {  	[tilespmem:v2+s29+$0x0] =	vst.idx.msk $0xffff, v5  }
0x3b6: {  	v4 =	vld [tilespmem:s1+$0xFFFFFD60]  }
0x3b7: {  	v5 =	vld [tilespmem:s1+$0xFFFFFD70];
	_ =	sdelay $0x3  }
0x3b8: {  	[tilespmem:v3+s28+$0x0] =	vst.idx.msk $0xffff, v4  }
0x3b9: {  	[tilespmem:v2+s28+$0x0] =	vst.idx.msk $0xffff, v5  }
0x3ba: {  	v4 =	vld [tilespmem:s1+$0xFFFFFD80]  }
0x3bb: {  	v5 =	vld [tilespmem:s1+$0xFFFFFD90];
	_ =	sdelay $0x3  }
0x3bc: {  	[tilespmem:v3+s26+$0x0] =	vst.idx.msk $0xffff, v4  }
0x3bd: {  	[tilespmem:v2+s26+$0x0] =	vst.idx.msk $0xffff, v5  }
0x3be: {  	v4 =	vld [tilespmem:s1+$0xFFFFFDA0]  }
0x3bf: {  	v5 =	vld [tilespmem:s1+$0xFFFFFDB0];
	_ =	sdelay $0x3  }
0x3c0: {  	[tilespmem:v3+s24+$0x0] =	vst.idx.msk $0xffff, v4  }
0x3c1: {  	[tilespmem:v2+s24+$0x0] =	vst.idx.msk $0xffff, v5  }
0x3c2: {  	v4 =	vld [tilespmem:s1+$0xFFFFFDC0]  }
0x3c3: {  	v5 =	vld [tilespmem:s1+$0xFFFFFDD0];
	_ =	sdelay $0x3  }
0x3c4: {  	[tilespmem:v3+s23+$0x0] =	vst.idx.msk $0xffff, v4  }
0x3c5: {  	[tilespmem:v2+s23+$0x0] =	vst.idx.msk $0xffff, v5  }
0x3c6: {  	v4 =	vld [tilespmem:s1+$0xFFFFFDE0]  }
0x3c7: {  	v5 =	vld [tilespmem:s1+$0xFFFFFDF0];
	_ =	sdelay $0x3  }
0x3c8: {  	[tilespmem:v3+s22+$0x0] =	vst.idx.msk $0xffff, v4  }
0x3c9: {  	[tilespmem:v2+s22+$0x0] =	vst.idx.msk $0xffff, v5  }
0x3ca: {  	v4 =	vld [tilespmem:s1+$0xFFFFFE00]  }
0x3cb: {  	v5 =	vld [tilespmem:s1+$0xFFFFFE10];
	_ =	sdelay $0x3  }
0x3cc: {  	[tilespmem:v3+s21+$0x0] =	vst.idx.msk $0xffff, v4  }
0x3cd: {  	[tilespmem:v2+s21+$0x0] =	vst.idx.msk $0xffff, v5  }
0x3ce: {  	v4 =	vld [tilespmem:s1+$0xFFFFFE20]  }
0x3cf: {  	v5 =	vld [tilespmem:s1+$0xFFFFFE30];
	_ =	sdelay $0x3  }
0x3d0: {  	[tilespmem:v3+s20+$0x0] =	vst.idx.msk $0xffff, v4  }
0x3d1: {  	[tilespmem:v2+s20+$0x0] =	vst.idx.msk $0xffff, v5  }
0x3d2: {  	v4 =	vld [tilespmem:s1+$0xFFFFFE40]  }
0x3d3: {  	v5 =	vld [tilespmem:s1+$0xFFFFFE50];
	_ =	sdelay $0x3  }
0x3d4: {  	[tilespmem:v3+s19+$0x0] =	vst.idx.msk $0xffff, v4  }
0x3d5: {  	[tilespmem:v2+s19+$0x0] =	vst.idx.msk $0xffff, v5  }
0x3d6: {  	v4 =	vld [tilespmem:s1+$0xFFFFFE60]  }
0x3d7: {  	v5 =	vld [tilespmem:s1+$0xFFFFFE70];
	_ =	sdelay $0x3  }
0x3d8: {  	[tilespmem:v3+s18+$0x0] =	vst.idx.msk $0xffff, v4  }
0x3d9: {  	[tilespmem:v2+s18+$0x0] =	vst.idx.msk $0xffff, v5  }
0x3da: {  	v4 =	vld [tilespmem:s1+$0xFFFFFE80]  }
0x3db: {  	v5 =	vld [tilespmem:s1+$0xFFFFFE90];
	_ =	sdelay $0x3  }
0x3dc: {  	[tilespmem:v3+s16+$0x0] =	vst.idx.msk $0xffff, v4  }
0x3dd: {  	[tilespmem:v2+s16+$0x0] =	vst.idx.msk $0xffff, v5  }
0x3de: {  	v4 =	vld [tilespmem:s1+$0xFFFFFEA0]  }
0x3df: {  	v5 =	vld [tilespmem:s1+$0xFFFFFEB0];
	_ =	sdelay $0x3  }
0x3e0: {  	[tilespmem:v3+s15+$0x0] =	vst.idx.msk $0xffff, v4  }
0x3e1: {  	[tilespmem:v2+s15+$0x0] =	vst.idx.msk $0xffff, v5  }
0x3e2: {  	v4 =	vld [tilespmem:s1+$0xFFFFFEC0]  }
0x3e3: {  	v5 =	vld [tilespmem:s1+$0xFFFFFED0];
	_ =	sdelay $0x3  }
0x3e4: {  	[tilespmem:v3+s14+$0x0] =	vst.idx.msk $0xffff, v4  }
0x3e5: {  	[tilespmem:v2+s14+$0x0] =	vst.idx.msk $0xffff, v5  }
0x3e6: {  	v4 =	vld [tilespmem:s1+$0xFFFFFEE0]  }
0x3e7: {  	v5 =	vld [tilespmem:s1+$0xFFFFFEF0];
	_ =	sdelay $0x3  }
0x3e8: {  	[tilespmem:v3+s13+$0x0] =	vst.idx.msk $0xffff, v4  }
0x3e9: {  	[tilespmem:v2+s13+$0x0] =	vst.idx.msk $0xffff, v5  }
0x3ea: {  	v4 =	vld [tilespmem:s1+$0xFFFFFF00]  }
0x3eb: {  	v5 =	vld [tilespmem:s1+$0xFFFFFF10];
	_ =	sdelay $0x3  }
0x3ec: {  	[tilespmem:v3+s12+$0x0] =	vst.idx.msk $0xffff, v4  }
0x3ed: {  	[tilespmem:v2+s12+$0x0] =	vst.idx.msk $0xffff, v5  }
0x3ee: {  	v4 =	vld [tilespmem:s1+$0xFFFFFF20]  }
0x3ef: {  	v5 =	vld [tilespmem:s1+$0xFFFFFF30];
	_ =	sdelay $0x3  }
0x3f0: {  	[tilespmem:v3+s11+$0x0] =	vst.idx.msk $0xffff, v4  }
0x3f1: {  	[tilespmem:v2+s11+$0x0] =	vst.idx.msk $0xffff, v5  }
0x3f2: {  	v4 =	vld [tilespmem:s1+$0xFFFFFF40]  }
0x3f3: {  	v5 =	vld [tilespmem:s1+$0xFFFFFF50];
	_ =	sdelay $0x3  }
0x3f4: {  	[tilespmem:v3+s10+$0x0] =	vst.idx.msk $0xffff, v4  }
0x3f5: {  	[tilespmem:v2+s10+$0x0] =	vst.idx.msk $0xffff, v5  }
0x3f6: {  	v4 =	vld [tilespmem:s1+$0xFFFFFF60]  }
0x3f7: {  	v5 =	vld [tilespmem:s1+$0xFFFFFF70];
	_ =	sdelay $0x3  }
0x3f8: {  	[tilespmem:v3+s9+$0x0] =	vst.idx.msk $0xffff, v4  }
0x3f9: {  	[tilespmem:v2+s9+$0x0] =	vst.idx.msk $0xffff, v5  }
0x3fa: {  	v4 =	vld [tilespmem:s1+$0xFFFFFF80]  }
0x3fb: {  	v5 =	vld [tilespmem:s1+$0xFFFFFF90];
	_ =	sdelay $0x3  }
0x3fc: {  	[tilespmem:v3+s8+$0x0] =	vst.idx.msk $0xffff, v4  }
0x3fd: {  	[tilespmem:v2+s8+$0x0] =	vst.idx.msk $0xffff, v5  }
0x3fe: {  	v4 =	vld [tilespmem:s1+$0xFFFFFFA0]  }
0x3ff: {  	v5 =	vld [tilespmem:s1+$0xFFFFFFB0];
	_ =	sdelay $0x3  }
0x400: {  	[tilespmem:v3+s4+$0x0] =	vst.idx.msk $0xffff, v4  }
0x401: {  	[tilespmem:v2+s4+$0x0] =	vst.idx.msk $0xffff, v5  }
0x402: {  	v4 =	vld [tilespmem:s1+$0xFFFFFFC0]  }
0x403: {  	v5 =	vld [tilespmem:s1+$0xFFFFFFD0];
	_ =	sdelay $0x3  }
0x404: {  	[tilespmem:v3+s5+$0x0] =	vst.idx.msk $0xffff, v4  }
0x405: {  	[tilespmem:v2+s5+$0x0] =	vst.idx.msk $0xffff, v5  }
0x406: {  	v4 =	vld [tilespmem:s1+$0xFFFFFFE0]  }
0x407: {  	v5 =	vld [tilespmem:s1+$0xFFFFFFF0];
	_ =	sdelay $0x3  }
0x408: {  	[tilespmem:v3+s6+$0x0] =	vst.idx.msk $0xffff, v4  }
0x409: {  	[tilespmem:v2+s6+$0x0] =	vst.idx.msk $0xffff, v5  }
0x40a: {  	v4 =	vld [tilespmem:s1+$0x0]  }
0x40b: {  	v5 =	vld [tilespmem:s1+$0x10];
	_ =	sdelay $0x3  }
0x40c: {  	[tilespmem:v3+s7+$0x0] =	vst.idx.msk $0xffff, v4  }
0x40d: {  	[tilespmem:v2+s7+$0x0] =	vst.idx.msk $0xffff, v5  }
0x40e: {  	v4 =	vld [tilespmem:s1+$0x20]  }
0x40f: {  	v5 =	vld [tilespmem:s1+$0x30];
	_ =	sdelay $0x2  }
0x410: {  	s6 =	simm.s32 $0x1D000  }
0x411: {  	[tilespmem:v3+s6+$0x0] =	vst.idx.msk $0xffff, v4  }
0x412: {  	[tilespmem:v2+s6+$0x0] =	vst.idx.msk $0xffff, v5  }
0x413: {  	v4 =	vld [tilespmem:s1+$0x40]  }
0x414: {  	v5 =	vld [tilespmem:s1+$0x50];
	_ =	sdelay $0x2  }
0x415: {  	s7 =	simm.s32 $0x1D200  }
0x416: {  	[tilespmem:v3+s7+$0x0] =	vst.idx.msk $0xffff, v4  }
0x417: {  	[tilespmem:v2+s7+$0x0] =	vst.idx.msk $0xffff, v5  }
0x418: {  	v4 =	vld [tilespmem:s1+$0x60]  }
0x419: {  	v5 =	vld [tilespmem:s1+$0x70];
	_ =	sdelay $0x2  }
0x41a: {  	s31 =	simm.s32 $0x1D400  }
0x41b: {  	[tilespmem:v3+s31+$0x0] =	vst.idx.msk $0xffff, v4  }
0x41c: {  	[tilespmem:v2+s31+$0x0] =	vst.idx.msk $0xffff, v5  }
0x41d: {  	v4 =	vld [tilespmem:s1+$0x80]  }
0x41e: {  	v5 =	vld [tilespmem:s1+$0x90];
	_ =	sdelay $0x2  }
0x41f: {  	s30 =	simm.s32 $0x1D600  }
0x420: {  	[tilespmem:v3+s30+$0x0] =	vst.idx.msk $0xffff, v4  }
0x421: {  	[tilespmem:v2+s30+$0x0] =	vst.idx.msk $0xffff, v5  }
0x422: {  	v4 =	vld [tilespmem:s1+$0xA0]  }
0x423: {  	v5 =	vld [tilespmem:s1+$0xB0];
	_ =	sdelay $0x2  }
0x424: {  	s8 =	simm.s32 $0x1D800  }
0x425: {  	[tilespmem:v3+s8+$0x0] =	vst.idx.msk $0xffff, v4  }
0x426: {  	[tilespmem:v2+s8+$0x0] =	vst.idx.msk $0xffff, v5  }
0x427: {  	v4 =	vld [tilespmem:s1+$0xC0]  }
0x428: {  	v5 =	vld [tilespmem:s1+$0xD0];
	_ =	sdelay $0x2  }
0x429: {  	s9 =	simm.s32 $0x1DA00  }
0x42a: {  	[tilespmem:v3+s9+$0x0] =	vst.idx.msk $0xffff, v4  }
0x42b: {  	[tilespmem:v2+s9+$0x0] =	vst.idx.msk $0xffff, v5  }
0x42c: {  	v4 =	vld [tilespmem:s1+$0xE0]  }
0x42d: {  	v5 =	vld [tilespmem:s1+$0xF0];
	_ =	sdelay $0x2  }
0x42e: {  	s10 =	simm.s32 $0x1DC00  }
0x42f: {  	[tilespmem:v3+s10+$0x0] =	vst.idx.msk $0xffff, v4  }
0x430: {  	[tilespmem:v2+s10+$0x0] =	vst.idx.msk $0xffff, v5  }
0x431: {  	v4 =	vld [tilespmem:s1+$0x100]  }
0x432: {  	v5 =	vld [tilespmem:s1+$0x110];
	_ =	sdelay $0x2  }
0x433: {  	s11 =	simm.s32 $0x1DE00  }
0x434: {  	[tilespmem:v3+s11+$0x0] =	vst.idx.msk $0xffff, v4  }
0x435: {  	[tilespmem:v2+s11+$0x0] =	vst.idx.msk $0xffff, v5  }
0x436: {  	v4 =	vld [tilespmem:s1+$0x120]  }
0x437: {  	v5 =	vld [tilespmem:s1+$0x130];
	_ =	sdelay $0x2  }
0x438: {  	s12 =	simm.s32 $0x1E000  }
0x439: {  	[tilespmem:v3+s12+$0x0] =	vst.idx.msk $0xffff, v4  }
0x43a: {  	[tilespmem:v2+s12+$0x0] =	vst.idx.msk $0xffff, v5  }
0x43b: {  	v4 =	vld [tilespmem:s1+$0x140]  }
0x43c: {  	v5 =	vld [tilespmem:s1+$0x150];
	_ =	sdelay $0x2  }
0x43d: {  	s13 =	simm.s32 $0x1E200  }
0x43e: {  	[tilespmem:v3+s13+$0x0] =	vst.idx.msk $0xffff, v4  }
0x43f: {  	[tilespmem:v2+s13+$0x0] =	vst.idx.msk $0xffff, v5  }
0x440: {  	v4 =	vld [tilespmem:s1+$0x160]  }
0x441: {  	v5 =	vld [tilespmem:s1+$0x170];
	_ =	sdelay $0x2  }
0x442: {  	s14 =	simm.s32 $0x1E400  }
0x443: {  	[tilespmem:v3+s14+$0x0] =	vst.idx.msk $0xffff, v4  }
0x444: {  	[tilespmem:v2+s14+$0x0] =	vst.idx.msk $0xffff, v5  }
0x445: {  	v4 =	vld [tilespmem:s1+$0x180]  }
0x446: {  	v5 =	vld [tilespmem:s1+$0x190];
	_ =	sdelay $0x2  }
0x447: {  	s15 =	simm.s32 $0x1E600  }
0x448: {  	[tilespmem:v3+s15+$0x0] =	vst.idx.msk $0xffff, v4  }
0x449: {  	[tilespmem:v2+s15+$0x0] =	vst.idx.msk $0xffff, v5  }
0x44a: {  	v4 =	vld [tilespmem:s1+$0x1A0]  }
0x44b: {  	v5 =	vld [tilespmem:s1+$0x1B0];
	_ =	sdelay $0x2  }
0x44c: {  	s17 =	simm.s32 $0x1E800  }
0x44d: {  	[tilespmem:v3+s17+$0x0] =	vst.idx.msk $0xffff, v4  }
0x44e: {  	[tilespmem:v2+s17+$0x0] =	vst.idx.msk $0xffff, v5  }
0x44f: {  	v4 =	vld [tilespmem:s1+$0x1C0]  }
0x450: {  	v5 =	vld [tilespmem:s1+$0x1D0];
	_ =	sdelay $0x2  }
0x451: {  	s25 =	simm.s32 $0x1EA00  }
0x452: {  	[tilespmem:v3+s25+$0x0] =	vst.idx.msk $0xffff, v4  }
0x453: {  	[tilespmem:v2+s25+$0x0] =	vst.idx.msk $0xffff, v5  }
0x454: {  	v4 =	vld [tilespmem:s1+$0x1E0]  }
0x455: {  	v5 =	vld [tilespmem:s1+$0x1F0];
	_ =	sdelay $0x2  }
0x456: {  	s29 =	simm.s32 $0x1EC00  }
0x457: {  	[tilespmem:v3+s29+$0x0] =	vst.idx.msk $0xffff, v4  }
0x458: {  	[tilespmem:v2+s29+$0x0] =	vst.idx.msk $0xffff, v5  }
0x459: {  	v4 =	vld [tilespmem:s1+$0x200]  }
0x45a: {  	v5 =	vld [tilespmem:s1+$0x210];
	_ =	sdelay $0x2  }
0x45b: {  	s2 =	simm.s32 $0x1EE00  }
0x45c: {  	[tilespmem:v3+s2+$0x0] =	vst.idx.msk $0xffff, v4  }
0x45d: {  	[tilespmem:v2+s2+$0x0] =	vst.idx.msk $0xffff, v5  }
0x45e: {  	v4 =	vld [tilespmem:s1+$0x220]  }
0x45f: {  	v5 =	vld [tilespmem:s1+$0x230];
	_ =	sdelay $0x2  }
0x460: {  	s3 =	simm.s32 $0x1F000  }
0x461: {  	[tilespmem:v3+s3+$0x0] =	vst.idx.msk $0xffff, v4  }
0x462: {  	[tilespmem:v2+s3+$0x0] =	vst.idx.msk $0xffff, v5  }
0x463: {  	v4 =	vld [tilespmem:s1+$0x240]  }
0x464: {  	v5 =	vld [tilespmem:s1+$0x250];
	_ =	sdelay $0x2  }
0x465: {  	s4 =	simm.s32 $0x1F200  }
0x466: {  	[tilespmem:v3+s4+$0x0] =	vst.idx.msk $0xffff, v4  }
0x467: {  	[tilespmem:v2+s4+$0x0] =	vst.idx.msk $0xffff, v5  }
0x468: {  	v4 =	vld [tilespmem:s1+$0x260]  }
0x469: {  	v5 =	vld [tilespmem:s1+$0x270];
	_ =	sdelay $0x2  }
0x46a: {  	s5 =	simm.s32 $0x1F400  }
0x46b: {  	[tilespmem:v3+s5+$0x0] =	vst.idx.msk $0xffff, v4  }
0x46c: {  	[tilespmem:v2+s5+$0x0] =	vst.idx.msk $0xffff, v5  }
0x46d: {  	v4 =	vld [tilespmem:s1+$0x280]  }
0x46e: {  	v5 =	vld [tilespmem:s1+$0x290];
	_ =	sdelay $0x2  }
0x46f: {  	s6 =	simm.s32 $0x1F600  }
0x470: {  	[tilespmem:v3+s6+$0x0] =	vst.idx.msk $0xffff, v4  }
0x471: {  	[tilespmem:v2+s6+$0x0] =	vst.idx.msk $0xffff, v5  }
0x472: {  	v4 =	vld [tilespmem:s1+$0x2A0]  }
0x473: {  	v5 =	vld [tilespmem:s1+$0x2B0];
	_ =	sdelay $0x2  }
0x474: {  	s7 =	simm.s32 $0x1F800  }
0x475: {  	[tilespmem:v3+s7+$0x0] =	vst.idx.msk $0xffff, v4  }
0x476: {  	[tilespmem:v2+s7+$0x0] =	vst.idx.msk $0xffff, v5  }
0x477: {  	v4 =	vld [tilespmem:s1+$0x2C0]  }
0x478: {  	v5 =	vld [tilespmem:s1+$0x2D0];
	_ =	sdelay $0x2  }
0x479: {  	s17 =	simm.s32 $0x1FA00  }
0x47a: {  	[tilespmem:v3+s17+$0x0] =	vst.idx.msk $0xffff, v4  }
0x47b: {  	[tilespmem:v2+s17+$0x0] =	vst.idx.msk $0xffff, v5  }
0x47c: {  	v4 =	vld [tilespmem:s1+$0x2E0]  }
0x47d: {  	v5 =	vld [tilespmem:s1+$0x2F0];
	_ =	sdelay $0x1  }
0x47e: {  	s0 =	simm.s32 $0x1C600;
	s28 =	simm.s32 $0x19E00  }
0x47f: {  	s26 =	simm.s32 $0x1A000;
	s24 =	simm.s32 $0x1A200;
	s25 =	simm.s32 $0x1FC00  }
0x480: {  	s23 =	simm.s32 $0x1A400;
	s22 =	simm.s32 $0x1A600;
	s21 =	simm.s32 $0x1A800;
	[tilespmem:v3+s25+$0x0] =	vst.idx.msk $0xffff, v4  }
0x481: {  	s20 =	simm.s32 $0x1AA00;
	s19 =	simm.s32 $0x1AC00;
	s18 =	simm.s32 $0x1AE00;
	[tilespmem:v2+s25+$0x0] =	vst.idx.msk $0xffff, v5  }
0x482: {  	s16 =	simm.s32 $0x1B000;
	s8 =	simm.s32 $0x1C000;
	s9 =	simm.s32 $0x1BE00;
	v6 =	vld [tilespmem:s1+$0x300]  }
0x483: {  	s10 =	simm.s32 $0x1BC00;
	s11 =	simm.s32 $0x1BA00;
	s12 =	simm.s32 $0x1B800  }
0x484: {  	s13 =	simm.s32 $0x1B600;
	s14 =	simm.s32 $0x1B400;
	s29 =	simm.s32 $0x1;
	v5 =	vld [tilespmem:s1+$0x310]  }
0x485: {  	s15 =	simm.s32 $0x1B200;
	s2 =	simm.s32 $0x1C400;
	s3 =	simm.s32 $0x1C200;
	v4 =	vmov s29  }
0x486: {  	s4 =	simm.s32 $0x1C800;
	s5 =	simm.s32 $0x1CA00;
	v4 =	vand.u32 $0xF, v4;
	s25 =	simm.s32 $0x1FE00  }
0x487: {  	s6 =	simm.s32 $0x1CC00;
	s7 =	simm.s32 $0x1CE00;
	s17 =	simm.s32 $0x2;
	v4 =	vbroadcast v4, $0x0;
	[tilespmem:v3+s25+$0x0] =	vst.idx.msk $0xffff, v6  }
.LBB2_7:
0x488: {  	p0 =	sne.s32 s17, $0xF  }
0x489: {  	[tilespmem:v2+s25+$0x0] =	vst.idx.msk $0xffff, v5;
	s1 =	sadd.s32 $0x640, s1;
	s25 =	smov.u32 s17;
	s17 =	sadd.s32 $0x1, s17  }
0x48a: {  	v3 =	vor.u32 v0, v4;
	v5 =	vld [tilespmem:s1+$0xFFFFFCE0]  }
0x48b: {  	v2 =	vor.u32 v1, v4;
	v4 =	vld [tilespmem:s1+$0xFFFFFCF0];
	_ =	sdelay $0x2  }
0x48c: {  	s29 =	simm.s32 $0x19C00  }
0x48d: {  	[tilespmem:v3+s29+$0x0] =	vst.idx.msk $0xffff, v5  }
0x48e: {  	[tilespmem:v2+s29+$0x0] =	vst.idx.msk $0xffff, v4  }
0x48f: {  	v4 =	vld [tilespmem:s1+$0xFFFFFD00]  }
0x490: {  	v5 =	vld [tilespmem:s1+$0xFFFFFD10];
	_ =	sdelay $0x3  }
0x491: {  	[tilespmem:v3+s28+$0x0] =	vst.idx.msk $0xffff, v4  }
0x492: {  	[tilespmem:v2+s28+$0x0] =	vst.idx.msk $0xffff, v5  }
0x493: {  	v4 =	vld [tilespmem:s1+$0xFFFFFD20]  }
0x494: {  	v5 =	vld [tilespmem:s1+$0xFFFFFD30];
	_ =	sdelay $0x3  }
0x495: {  	[tilespmem:v3+s26+$0x0] =	vst.idx.msk $0xffff, v4  }
0x496: {  	[tilespmem:v2+s26+$0x0] =	vst.idx.msk $0xffff, v5  }
0x497: {  	v4 =	vld [tilespmem:s1+$0xFFFFFD40]  }
0x498: {  	v5 =	vld [tilespmem:s1+$0xFFFFFD50];
	_ =	sdelay $0x3  }
0x499: {  	[tilespmem:v3+s24+$0x0] =	vst.idx.msk $0xffff, v4  }
0x49a: {  	[tilespmem:v2+s24+$0x0] =	vst.idx.msk $0xffff, v5  }
0x49b: {  	v4 =	vld [tilespmem:s1+$0xFFFFFD60]  }
0x49c: {  	v5 =	vld [tilespmem:s1+$0xFFFFFD70];
	_ =	sdelay $0x3  }
0x49d: {  	[tilespmem:v3+s23+$0x0] =	vst.idx.msk $0xffff, v4  }
0x49e: {  	[tilespmem:v2+s23+$0x0] =	vst.idx.msk $0xffff, v5  }
0x49f: {  	v4 =	vld [tilespmem:s1+$0xFFFFFD80]  }
0x4a0: {  	v5 =	vld [tilespmem:s1+$0xFFFFFD90];
	_ =	sdelay $0x3  }
0x4a1: {  	[tilespmem:v3+s22+$0x0] =	vst.idx.msk $0xffff, v4  }
0x4a2: {  	[tilespmem:v2+s22+$0x0] =	vst.idx.msk $0xffff, v5  }
0x4a3: {  	v4 =	vld [tilespmem:s1+$0xFFFFFDA0]  }
0x4a4: {  	v5 =	vld [tilespmem:s1+$0xFFFFFDB0];
	_ =	sdelay $0x3  }
0x4a5: {  	[tilespmem:v3+s21+$0x0] =	vst.idx.msk $0xffff, v4  }
0x4a6: {  	[tilespmem:v2+s21+$0x0] =	vst.idx.msk $0xffff, v5  }
0x4a7: {  	v4 =	vld [tilespmem:s1+$0xFFFFFDC0]  }
0x4a8: {  	v5 =	vld [tilespmem:s1+$0xFFFFFDD0];
	_ =	sdelay $0x3  }
0x4a9: {  	[tilespmem:v3+s20+$0x0] =	vst.idx.msk $0xffff, v4  }
0x4aa: {  	[tilespmem:v2+s20+$0x0] =	vst.idx.msk $0xffff, v5  }
0x4ab: {  	v4 =	vld [tilespmem:s1+$0xFFFFFDE0]  }
0x4ac: {  	v5 =	vld [tilespmem:s1+$0xFFFFFDF0];
	_ =	sdelay $0x3  }
0x4ad: {  	[tilespmem:v3+s19+$0x0] =	vst.idx.msk $0xffff, v4  }
0x4ae: {  	[tilespmem:v2+s19+$0x0] =	vst.idx.msk $0xffff, v5  }
0x4af: {  	v4 =	vld [tilespmem:s1+$0xFFFFFE00]  }
0x4b0: {  	v5 =	vld [tilespmem:s1+$0xFFFFFE10];
	_ =	sdelay $0x3  }
0x4b1: {  	[tilespmem:v3+s18+$0x0] =	vst.idx.msk $0xffff, v4  }
0x4b2: {  	[tilespmem:v2+s18+$0x0] =	vst.idx.msk $0xffff, v5  }
0x4b3: {  	v4 =	vld [tilespmem:s1+$0xFFFFFE20]  }
0x4b4: {  	v5 =	vld [tilespmem:s1+$0xFFFFFE30];
	_ =	sdelay $0x3  }
0x4b5: {  	[tilespmem:v3+s16+$0x0] =	vst.idx.msk $0xffff, v4  }
0x4b6: {  	[tilespmem:v2+s16+$0x0] =	vst.idx.msk $0xffff, v5  }
0x4b7: {  	v4 =	vld [tilespmem:s1+$0xFFFFFE40]  }
0x4b8: {  	v5 =	vld [tilespmem:s1+$0xFFFFFE50];
	_ =	sdelay $0x3  }
0x4b9: {  	[tilespmem:v3+s15+$0x0] =	vst.idx.msk $0xffff, v4  }
0x4ba: {  	[tilespmem:v2+s15+$0x0] =	vst.idx.msk $0xffff, v5  }
0x4bb: {  	v4 =	vld [tilespmem:s1+$0xFFFFFE60]  }
0x4bc: {  	v5 =	vld [tilespmem:s1+$0xFFFFFE70];
	_ =	sdelay $0x3  }
0x4bd: {  	[tilespmem:v3+s14+$0x0] =	vst.idx.msk $0xffff, v4  }
0x4be: {  	[tilespmem:v2+s14+$0x0] =	vst.idx.msk $0xffff, v5  }
0x4bf: {  	v4 =	vld [tilespmem:s1+$0xFFFFFE80]  }
0x4c0: {  	v5 =	vld [tilespmem:s1+$0xFFFFFE90];
	_ =	sdelay $0x3  }
0x4c1: {  	[tilespmem:v3+s13+$0x0] =	vst.idx.msk $0xffff, v4  }
0x4c2: {  	[tilespmem:v2+s13+$0x0] =	vst.idx.msk $0xffff, v5  }
0x4c3: {  	v4 =	vld [tilespmem:s1+$0xFFFFFEA0]  }
0x4c4: {  	v5 =	vld [tilespmem:s1+$0xFFFFFEB0];
	_ =	sdelay $0x3  }
0x4c5: {  	[tilespmem:v3+s12+$0x0] =	vst.idx.msk $0xffff, v4  }
0x4c6: {  	[tilespmem:v2+s12+$0x0] =	vst.idx.msk $0xffff, v5  }
0x4c7: {  	v4 =	vld [tilespmem:s1+$0xFFFFFEC0]  }
0x4c8: {  	v5 =	vld [tilespmem:s1+$0xFFFFFED0];
	_ =	sdelay $0x3  }
0x4c9: {  	[tilespmem:v3+s11+$0x0] =	vst.idx.msk $0xffff, v4  }
0x4ca: {  	[tilespmem:v2+s11+$0x0] =	vst.idx.msk $0xffff, v5  }
0x4cb: {  	v4 =	vld [tilespmem:s1+$0xFFFFFEE0]  }
0x4cc: {  	v5 =	vld [tilespmem:s1+$0xFFFFFEF0];
	_ =	sdelay $0x3  }
0x4cd: {  	[tilespmem:v3+s10+$0x0] =	vst.idx.msk $0xffff, v4  }
0x4ce: {  	[tilespmem:v2+s10+$0x0] =	vst.idx.msk $0xffff, v5  }
0x4cf: {  	v4 =	vld [tilespmem:s1+$0xFFFFFF00]  }
0x4d0: {  	v5 =	vld [tilespmem:s1+$0xFFFFFF10];
	_ =	sdelay $0x3  }
0x4d1: {  	[tilespmem:v3+s9+$0x0] =	vst.idx.msk $0xffff, v4  }
0x4d2: {  	[tilespmem:v2+s9+$0x0] =	vst.idx.msk $0xffff, v5  }
0x4d3: {  	v4 =	vld [tilespmem:s1+$0xFFFFFF20]  }
0x4d4: {  	v5 =	vld [tilespmem:s1+$0xFFFFFF30];
	_ =	sdelay $0x3  }
0x4d5: {  	[tilespmem:v3+s8+$0x0] =	vst.idx.msk $0xffff, v4  }
0x4d6: {  	[tilespmem:v2+s8+$0x0] =	vst.idx.msk $0xffff, v5  }
0x4d7: {  	v4 =	vld [tilespmem:s1+$0xFFFFFF40]  }
0x4d8: {  	v5 =	vld [tilespmem:s1+$0xFFFFFF50];
	_ =	sdelay $0x3  }
0x4d9: {  	[tilespmem:v3+s3+$0x0] =	vst.idx.msk $0xffff, v4  }
0x4da: {  	[tilespmem:v2+s3+$0x0] =	vst.idx.msk $0xffff, v5  }
0x4db: {  	v4 =	vld [tilespmem:s1+$0xFFFFFF60]  }
0x4dc: {  	v5 =	vld [tilespmem:s1+$0xFFFFFF70];
	_ =	sdelay $0x3  }
0x4dd: {  	[tilespmem:v3+s2+$0x0] =	vst.idx.msk $0xffff, v4  }
0x4de: {  	[tilespmem:v2+s2+$0x0] =	vst.idx.msk $0xffff, v5  }
0x4df: {  	v4 =	vld [tilespmem:s1+$0xFFFFFF80]  }
0x4e0: {  	v5 =	vld [tilespmem:s1+$0xFFFFFF90];
	_ =	sdelay $0x3  }
0x4e1: {  	[tilespmem:v3+s0+$0x0] =	vst.idx.msk $0xffff, v4  }
0x4e2: {  	[tilespmem:v2+s0+$0x0] =	vst.idx.msk $0xffff, v5  }
0x4e3: {  	v4 =	vld [tilespmem:s1+$0xFFFFFFA0]  }
0x4e4: {  	v5 =	vld [tilespmem:s1+$0xFFFFFFB0];
	_ =	sdelay $0x3  }
0x4e5: {  	[tilespmem:v3+s4+$0x0] =	vst.idx.msk $0xffff, v4  }
0x4e6: {  	[tilespmem:v2+s4+$0x0] =	vst.idx.msk $0xffff, v5  }
0x4e7: {  	v4 =	vld [tilespmem:s1+$0xFFFFFFC0]  }
0x4e8: {  	v5 =	vld [tilespmem:s1+$0xFFFFFFD0];
	_ =	sdelay $0x3  }
0x4e9: {  	[tilespmem:v3+s5+$0x0] =	vst.idx.msk $0xffff, v4  }
0x4ea: {  	[tilespmem:v2+s5+$0x0] =	vst.idx.msk $0xffff, v5  }
0x4eb: {  	v4 =	vld [tilespmem:s1+$0xFFFFFFE0]  }
0x4ec: {  	v5 =	vld [tilespmem:s1+$0xFFFFFFF0];
	_ =	sdelay $0x3  }
0x4ed: {  	[tilespmem:v3+s6+$0x0] =	vst.idx.msk $0xffff, v4  }
0x4ee: {  	[tilespmem:v2+s6+$0x0] =	vst.idx.msk $0xffff, v5  }
0x4ef: {  	v4 =	vld [tilespmem:s1+$0x0]  }
0x4f0: {  	v5 =	vld [tilespmem:s1+$0x10];
	_ =	sdelay $0x3  }
0x4f1: {  	[tilespmem:v3+s7+$0x0] =	vst.idx.msk $0xffff, v4  }
0x4f2: {  	[tilespmem:v2+s7+$0x0] =	vst.idx.msk $0xffff, v5  }
0x4f3: {  	v4 =	vld [tilespmem:s1+$0x20]  }
0x4f4: {  	v5 =	vld [tilespmem:s1+$0x30];
	_ =	sdelay $0x2  }
0x4f5: {  	s29 =	simm.s32 $0x1D000  }
0x4f6: {  	[tilespmem:v3+s29+$0x0] =	vst.idx.msk $0xffff, v4  }
0x4f7: {  	[tilespmem:v2+s29+$0x0] =	vst.idx.msk $0xffff, v5  }
0x4f8: {  	v4 =	vld [tilespmem:s1+$0x40]  }
0x4f9: {  	v5 =	vld [tilespmem:s1+$0x50];
	_ =	sdelay $0x2  }
0x4fa: {  	s29 =	simm.s32 $0x1D200  }
0x4fb: {  	[tilespmem:v3+s29+$0x0] =	vst.idx.msk $0xffff, v4  }
0x4fc: {  	[tilespmem:v2+s29+$0x0] =	vst.idx.msk $0xffff, v5  }
0x4fd: {  	v4 =	vld [tilespmem:s1+$0x60]  }
0x4fe: {  	v5 =	vld [tilespmem:s1+$0x70];
	_ =	sdelay $0x3  }
0x4ff: {  	[tilespmem:v3+s31+$0x0] =	vst.idx.msk $0xffff, v4  }
0x500: {  	[tilespmem:v2+s31+$0x0] =	vst.idx.msk $0xffff, v5  }
0x501: {  	v4 =	vld [tilespmem:s1+$0x80]  }
0x502: {  	v5 =	vld [tilespmem:s1+$0x90];
	_ =	sdelay $0x3  }
0x503: {  	[tilespmem:v3+s30+$0x0] =	vst.idx.msk $0xffff, v4  }
0x504: {  	[tilespmem:v2+s30+$0x0] =	vst.idx.msk $0xffff, v5  }
0x505: {  	v4 =	vld [tilespmem:s1+$0xA0]  }
0x506: {  	v5 =	vld [tilespmem:s1+$0xB0];
	_ =	sdelay $0x2  }
0x507: {  	s29 =	simm.s32 $0x1D800  }
0x508: {  	[tilespmem:v3+s29+$0x0] =	vst.idx.msk $0xffff, v4  }
0x509: {  	[tilespmem:v2+s29+$0x0] =	vst.idx.msk $0xffff, v5  }
0x50a: {  	v4 =	vld [tilespmem:s1+$0xC0]  }
0x50b: {  	v5 =	vld [tilespmem:s1+$0xD0];
	_ =	sdelay $0x2  }
0x50c: {  	s29 =	simm.s32 $0x1DA00  }
0x50d: {  	[tilespmem:v3+s29+$0x0] =	vst.idx.msk $0xffff, v4  }
0x50e: {  	[tilespmem:v2+s29+$0x0] =	vst.idx.msk $0xffff, v5  }
0x50f: {  	v4 =	vld [tilespmem:s1+$0xE0]  }
0x510: {  	v5 =	vld [tilespmem:s1+$0xF0];
	_ =	sdelay $0x2  }
0x511: {  	s29 =	simm.s32 $0x1DC00  }
0x512: {  	[tilespmem:v3+s29+$0x0] =	vst.idx.msk $0xffff, v4  }
0x513: {  	[tilespmem:v2+s29+$0x0] =	vst.idx.msk $0xffff, v5  }
0x514: {  	v4 =	vld [tilespmem:s1+$0x100]  }
0x515: {  	v5 =	vld [tilespmem:s1+$0x110];
	_ =	sdelay $0x2  }
0x516: {  	s29 =	simm.s32 $0x1DE00  }
0x517: {  	[tilespmem:v3+s29+$0x0] =	vst.idx.msk $0xffff, v4  }
0x518: {  	[tilespmem:v2+s29+$0x0] =	vst.idx.msk $0xffff, v5  }
0x519: {  	v4 =	vld [tilespmem:s1+$0x120]  }
0x51a: {  	v5 =	vld [tilespmem:s1+$0x130];
	_ =	sdelay $0x2  }
0x51b: {  	s29 =	simm.s32 $0x1E000  }
0x51c: {  	[tilespmem:v3+s29+$0x0] =	vst.idx.msk $0xffff, v4  }
0x51d: {  	[tilespmem:v2+s29+$0x0] =	vst.idx.msk $0xffff, v5  }
0x51e: {  	v4 =	vld [tilespmem:s1+$0x140]  }
0x51f: {  	v5 =	vld [tilespmem:s1+$0x150];
	_ =	sdelay $0x2  }
0x520: {  	s29 =	simm.s32 $0x1E200  }
0x521: {  	[tilespmem:v3+s29+$0x0] =	vst.idx.msk $0xffff, v4  }
0x522: {  	[tilespmem:v2+s29+$0x0] =	vst.idx.msk $0xffff, v5  }
0x523: {  	v4 =	vld [tilespmem:s1+$0x160]  }
0x524: {  	v5 =	vld [tilespmem:s1+$0x170];
	_ =	sdelay $0x2  }
0x525: {  	s29 =	simm.s32 $0x1E400  }
0x526: {  	[tilespmem:v3+s29+$0x0] =	vst.idx.msk $0xffff, v4  }
0x527: {  	[tilespmem:v2+s29+$0x0] =	vst.idx.msk $0xffff, v5  }
0x528: {  	v4 =	vld [tilespmem:s1+$0x180]  }
0x529: {  	v5 =	vld [tilespmem:s1+$0x190];
	_ =	sdelay $0x2  }
0x52a: {  	s29 =	simm.s32 $0x1E600  }
0x52b: {  	[tilespmem:v3+s29+$0x0] =	vst.idx.msk $0xffff, v4  }
0x52c: {  	[tilespmem:v2+s29+$0x0] =	vst.idx.msk $0xffff, v5  }
0x52d: {  	v4 =	vld [tilespmem:s1+$0x1A0]  }
0x52e: {  	v5 =	vld [tilespmem:s1+$0x1B0];
	_ =	sdelay $0x2  }
0x52f: {  	s29 =	simm.s32 $0x1E800  }
0x530: {  	[tilespmem:v3+s29+$0x0] =	vst.idx.msk $0xffff, v4  }
0x531: {  	[tilespmem:v2+s29+$0x0] =	vst.idx.msk $0xffff, v5  }
0x532: {  	v4 =	vld [tilespmem:s1+$0x1C0]  }
0x533: {  	v5 =	vld [tilespmem:s1+$0x1D0];
	_ =	sdelay $0x2  }
0x534: {  	s29 =	simm.s32 $0x1EA00  }
0x535: {  	[tilespmem:v3+s29+$0x0] =	vst.idx.msk $0xffff, v4  }
0x536: {  	[tilespmem:v2+s29+$0x0] =	vst.idx.msk $0xffff, v5  }
0x537: {  	v4 =	vld [tilespmem:s1+$0x1E0]  }
0x538: {  	v5 =	vld [tilespmem:s1+$0x1F0];
	_ =	sdelay $0x2  }
0x539: {  	s29 =	simm.s32 $0x1EC00  }
0x53a: {  	[tilespmem:v3+s29+$0x0] =	vst.idx.msk $0xffff, v4  }
0x53b: {  	[tilespmem:v2+s29+$0x0] =	vst.idx.msk $0xffff, v5  }
0x53c: {  	v4 =	vld [tilespmem:s1+$0x200]  }
0x53d: {  	v5 =	vld [tilespmem:s1+$0x210];
	_ =	sdelay $0x2  }
0x53e: {  	s29 =	simm.s32 $0x1EE00  }
0x53f: {  	[tilespmem:v3+s29+$0x0] =	vst.idx.msk $0xffff, v4  }
0x540: {  	[tilespmem:v2+s29+$0x0] =	vst.idx.msk $0xffff, v5  }
0x541: {  	v4 =	vld [tilespmem:s1+$0x220]  }
0x542: {  	v5 =	vld [tilespmem:s1+$0x230];
	_ =	sdelay $0x2  }
0x543: {  	s29 =	simm.s32 $0x1F000  }
0x544: {  	[tilespmem:v3+s29+$0x0] =	vst.idx.msk $0xffff, v4  }
0x545: {  	[tilespmem:v2+s29+$0x0] =	vst.idx.msk $0xffff, v5  }
0x546: {  	v4 =	vld [tilespmem:s1+$0x240]  }
0x547: {  	v5 =	vld [tilespmem:s1+$0x250];
	_ =	sdelay $0x2  }
0x548: {  	s29 =	simm.s32 $0x1F200  }
0x549: {  	[tilespmem:v3+s29+$0x0] =	vst.idx.msk $0xffff, v4  }
0x54a: {  	[tilespmem:v2+s29+$0x0] =	vst.idx.msk $0xffff, v5  }
0x54b: {  	v4 =	vld [tilespmem:s1+$0x260]  }
0x54c: {  	v5 =	vld [tilespmem:s1+$0x270];
	_ =	sdelay $0x2  }
0x54d: {  	s29 =	simm.s32 $0x1F400  }
0x54e: {  	[tilespmem:v3+s29+$0x0] =	vst.idx.msk $0xffff, v4  }
0x54f: {  	[tilespmem:v2+s29+$0x0] =	vst.idx.msk $0xffff, v5  }
0x550: {  	v4 =	vld [tilespmem:s1+$0x280]  }
0x551: {  	v5 =	vld [tilespmem:s1+$0x290];
	_ =	sdelay $0x2  }
0x552: {  	s29 =	simm.s32 $0x1F600  }
0x553: {  	[tilespmem:v3+s29+$0x0] =	vst.idx.msk $0xffff, v4  }
0x554: {  	[tilespmem:v2+s29+$0x0] =	vst.idx.msk $0xffff, v5  }
0x555: {  	v4 =	vld [tilespmem:s1+$0x2A0]  }
0x556: {  	v5 =	vld [tilespmem:s1+$0x2B0];
	_ =	sdelay $0x2  }
0x557: {  	s29 =	simm.s32 $0x1F800  }
0x558: {  	[tilespmem:v3+s29+$0x0] =	vst.idx.msk $0xffff, v4  }
0x559: {  	[tilespmem:v2+s29+$0x0] =	vst.idx.msk $0xffff, v5  }
0x55a: {  	v4 =	vld [tilespmem:s1+$0x2C0]  }
0x55b: {  	v5 =	vld [tilespmem:s1+$0x2D0];
	_ =	sdelay $0x2  }
0x55c: {  	s29 =	simm.s32 $0x1FA00  }
0x55d: {  	[tilespmem:v3+s29+$0x0] =	vst.idx.msk $0xffff, v4  }
0x55e: {  	[tilespmem:v2+s29+$0x0] =	vst.idx.msk $0xffff, v5  }
0x55f: {  	v4 =	vld [tilespmem:s1+$0x2E0]  }
0x560: {  	v5 =	vld [tilespmem:s1+$0x2F0];
	_ =	sdelay $0x2  }
0x561: {  	s29 =	simm.s32 $0x1FC00  }
0x562: {  	[tilespmem:v3+s29+$0x0] =	vst.idx.msk $0xffff, v4  }
0x563: {  	[tilespmem:v2+s29+$0x0] =	vst.idx.msk $0xffff, v5  }
0x564: {  	v6 =	vld [tilespmem:s1+$0x300]  }
.Ltmp2:
0x565: {  	v5 =	vld [tilespmem:s1+$0x310];
	(pc) =	sbr.rel @p0 .LBB2_7-.Ltmp2, $4  }
0x566: {  	_ = 	snop  }
0x567: {  	v4 =	vmov s25;
	s25 =	simm.s32 $0x1FE00  }
0x568: {  	v4 =	vand.u32 $0xF, v4  }
0x569: {  	v4 =	vbroadcast v4, $0x0;
	[tilespmem:v3+s25+$0x0] =	vst.idx.msk $0xffff, v6  }
0x56a: {  	_ =	sdelay $0x3  }
0x56b: {  	[tilespmem:v2+s25+$0x0] =	vst.idx.msk $0xffff, v5;
	s1 =	sadd.s32 $0x640, s1  }
0x56c: {  	v2 =	vor.u32 v0, v4;
	v5 =	vld [tilespmem:s1+$0xFFFFFCE0]  }
0x56d: {  	v3 =	vor.u32 v1, v4;
	v62 =	vld [tilespmem:s1+$0xFFFFFCF0];
	_ =	sdelay $0x2  }
0x56e: {  	s17 =	simm.s32 $0x19C00  }
0x56f: {  	[tilespmem:v2+s17+$0x0] =	vst.idx.msk $0xffff, v5  }
0x570: {  	[tilespmem:v3+s17+$0x0] =	vst.idx.msk $0xffff, v62  }
0x571: {  	v4 =	vld [tilespmem:s1+$0xFFFFFD00]  }
0x572: {  	v5 =	vld [tilespmem:s1+$0xFFFFFD10];
	_ =	sdelay $0x3  }
0x573: {  	[tilespmem:v2+s28+$0x0] =	vst.idx.msk $0xffff, v4  }
0x574: {  	[tilespmem:v3+s28+$0x0] =	vst.idx.msk $0xffff, v5  }
0x575: {  	v4 =	vld [tilespmem:s1+$0xFFFFFD20]  }
0x576: {  	v5 =	vld [tilespmem:s1+$0xFFFFFD30];
	_ =	sdelay $0x3  }
0x577: {  	[tilespmem:v2+s26+$0x0] =	vst.idx.msk $0xffff, v4  }
0x578: {  	[tilespmem:v3+s26+$0x0] =	vst.idx.msk $0xffff, v5  }
0x579: {  	v4 =	vld [tilespmem:s1+$0xFFFFFD40]  }
0x57a: {  	v5 =	vld [tilespmem:s1+$0xFFFFFD50];
	_ =	sdelay $0x3  }
0x57b: {  	[tilespmem:v2+s24+$0x0] =	vst.idx.msk $0xffff, v4  }
0x57c: {  	[tilespmem:v3+s24+$0x0] =	vst.idx.msk $0xffff, v5  }
0x57d: {  	v4 =	vld [tilespmem:s1+$0xFFFFFD60]  }
0x57e: {  	v5 =	vld [tilespmem:s1+$0xFFFFFD70];
	_ =	sdelay $0x3  }
0x57f: {  	[tilespmem:v2+s23+$0x0] =	vst.idx.msk $0xffff, v4  }
0x580: {  	[tilespmem:v3+s23+$0x0] =	vst.idx.msk $0xffff, v5  }
0x581: {  	v4 =	vld [tilespmem:s1+$0xFFFFFD80]  }
0x582: {  	v5 =	vld [tilespmem:s1+$0xFFFFFD90];
	_ =	sdelay $0x3  }
0x583: {  	[tilespmem:v2+s22+$0x0] =	vst.idx.msk $0xffff, v4  }
0x584: {  	[tilespmem:v3+s22+$0x0] =	vst.idx.msk $0xffff, v5  }
0x585: {  	v4 =	vld [tilespmem:s1+$0xFFFFFDA0]  }
0x586: {  	v5 =	vld [tilespmem:s1+$0xFFFFFDB0];
	_ =	sdelay $0x3  }
0x587: {  	[tilespmem:v2+s21+$0x0] =	vst.idx.msk $0xffff, v4  }
0x588: {  	[tilespmem:v3+s21+$0x0] =	vst.idx.msk $0xffff, v5  }
0x589: {  	v4 =	vld [tilespmem:s1+$0xFFFFFDC0]  }
0x58a: {  	v5 =	vld [tilespmem:s1+$0xFFFFFDD0];
	_ =	sdelay $0x3  }
0x58b: {  	[tilespmem:v2+s20+$0x0] =	vst.idx.msk $0xffff, v4  }
0x58c: {  	[tilespmem:v3+s20+$0x0] =	vst.idx.msk $0xffff, v5  }
0x58d: {  	v4 =	vld [tilespmem:s1+$0xFFFFFDE0]  }
0x58e: {  	v5 =	vld [tilespmem:s1+$0xFFFFFDF0];
	_ =	sdelay $0x3  }
0x58f: {  	[tilespmem:v2+s19+$0x0] =	vst.idx.msk $0xffff, v4  }
0x590: {  	[tilespmem:v3+s19+$0x0] =	vst.idx.msk $0xffff, v5  }
0x591: {  	v4 =	vld [tilespmem:s1+$0xFFFFFE00]  }
0x592: {  	v5 =	vld [tilespmem:s1+$0xFFFFFE10];
	_ =	sdelay $0x3  }
0x593: {  	[tilespmem:v2+s18+$0x0] =	vst.idx.msk $0xffff, v4  }
0x594: {  	[tilespmem:v3+s18+$0x0] =	vst.idx.msk $0xffff, v5  }
0x595: {  	v4 =	vld [tilespmem:s1+$0xFFFFFE20]  }
0x596: {  	v5 =	vld [tilespmem:s1+$0xFFFFFE30];
	_ =	sdelay $0x3  }
0x597: {  	[tilespmem:v2+s16+$0x0] =	vst.idx.msk $0xffff, v4  }
0x598: {  	[tilespmem:v3+s16+$0x0] =	vst.idx.msk $0xffff, v5  }
0x599: {  	v4 =	vld [tilespmem:s1+$0xFFFFFE40]  }
0x59a: {  	v5 =	vld [tilespmem:s1+$0xFFFFFE50];
	_ =	sdelay $0x3  }
0x59b: {  	[tilespmem:v2+s15+$0x0] =	vst.idx.msk $0xffff, v4  }
0x59c: {  	[tilespmem:v3+s15+$0x0] =	vst.idx.msk $0xffff, v5  }
0x59d: {  	v4 =	vld [tilespmem:s1+$0xFFFFFE60]  }
0x59e: {  	v5 =	vld [tilespmem:s1+$0xFFFFFE70];
	_ =	sdelay $0x3  }
0x59f: {  	[tilespmem:v2+s14+$0x0] =	vst.idx.msk $0xffff, v4  }
0x5a0: {  	[tilespmem:v3+s14+$0x0] =	vst.idx.msk $0xffff, v5  }
0x5a1: {  	v4 =	vld [tilespmem:s1+$0xFFFFFE80]  }
0x5a2: {  	v5 =	vld [tilespmem:s1+$0xFFFFFE90];
	_ =	sdelay $0x3  }
0x5a3: {  	[tilespmem:v2+s13+$0x0] =	vst.idx.msk $0xffff, v4  }
0x5a4: {  	[tilespmem:v3+s13+$0x0] =	vst.idx.msk $0xffff, v5  }
0x5a5: {  	v4 =	vld [tilespmem:s1+$0xFFFFFEA0]  }
0x5a6: {  	v5 =	vld [tilespmem:s1+$0xFFFFFEB0];
	_ =	sdelay $0x3  }
0x5a7: {  	[tilespmem:v2+s12+$0x0] =	vst.idx.msk $0xffff, v4  }
0x5a8: {  	[tilespmem:v3+s12+$0x0] =	vst.idx.msk $0xffff, v5  }
0x5a9: {  	v4 =	vld [tilespmem:s1+$0xFFFFFEC0]  }
0x5aa: {  	v5 =	vld [tilespmem:s1+$0xFFFFFED0];
	_ =	sdelay $0x3  }
0x5ab: {  	[tilespmem:v2+s11+$0x0] =	vst.idx.msk $0xffff, v4  }
0x5ac: {  	[tilespmem:v3+s11+$0x0] =	vst.idx.msk $0xffff, v5  }
0x5ad: {  	v4 =	vld [tilespmem:s1+$0xFFFFFEE0]  }
0x5ae: {  	v5 =	vld [tilespmem:s1+$0xFFFFFEF0];
	_ =	sdelay $0x3  }
0x5af: {  	[tilespmem:v2+s10+$0x0] =	vst.idx.msk $0xffff, v4  }
0x5b0: {  	[tilespmem:v3+s10+$0x0] =	vst.idx.msk $0xffff, v5  }
0x5b1: {  	v4 =	vld [tilespmem:s1+$0xFFFFFF00]  }
0x5b2: {  	v5 =	vld [tilespmem:s1+$0xFFFFFF10];
	_ =	sdelay $0x3  }
0x5b3: {  	[tilespmem:v2+s9+$0x0] =	vst.idx.msk $0xffff, v4  }
0x5b4: {  	[tilespmem:v3+s9+$0x0] =	vst.idx.msk $0xffff, v5  }
0x5b5: {  	v4 =	vld [tilespmem:s1+$0xFFFFFF20]  }
0x5b6: {  	v5 =	vld [tilespmem:s1+$0xFFFFFF30];
	_ =	sdelay $0x3  }
0x5b7: {  	[tilespmem:v2+s8+$0x0] =	vst.idx.msk $0xffff, v4  }
0x5b8: {  	[tilespmem:v3+s8+$0x0] =	vst.idx.msk $0xffff, v5  }
0x5b9: {  	v4 =	vld [tilespmem:s1+$0xFFFFFF40]  }
0x5ba: {  	v5 =	vld [tilespmem:s1+$0xFFFFFF50];
	_ =	sdelay $0x3  }
0x5bb: {  	[tilespmem:v2+s3+$0x0] =	vst.idx.msk $0xffff, v4  }
0x5bc: {  	[tilespmem:v3+s3+$0x0] =	vst.idx.msk $0xffff, v5  }
0x5bd: {  	v4 =	vld [tilespmem:s1+$0xFFFFFF60]  }
0x5be: {  	v5 =	vld [tilespmem:s1+$0xFFFFFF70];
	_ =	sdelay $0x3  }
0x5bf: {  	[tilespmem:v2+s2+$0x0] =	vst.idx.msk $0xffff, v4  }
0x5c0: {  	[tilespmem:v3+s2+$0x0] =	vst.idx.msk $0xffff, v5  }
0x5c1: {  	v4 =	vld [tilespmem:s1+$0xFFFFFF80]  }
0x5c2: {  	v5 =	vld [tilespmem:s1+$0xFFFFFF90];
	_ =	sdelay $0x3  }
0x5c3: {  	[tilespmem:v2+s0+$0x0] =	vst.idx.msk $0xffff, v4  }
0x5c4: {  	[tilespmem:v3+s0+$0x0] =	vst.idx.msk $0xffff, v5  }
0x5c5: {  	v4 =	vld [tilespmem:s1+$0xFFFFFFA0]  }
0x5c6: {  	v5 =	vld [tilespmem:s1+$0xFFFFFFB0];
	_ =	sdelay $0x3  }
0x5c7: {  	[tilespmem:v2+s4+$0x0] =	vst.idx.msk $0xffff, v4  }
0x5c8: {  	[tilespmem:v3+s4+$0x0] =	vst.idx.msk $0xffff, v5  }
0x5c9: {  	v4 =	vld [tilespmem:s1+$0xFFFFFFC0]  }
0x5ca: {  	v5 =	vld [tilespmem:s1+$0xFFFFFFD0];
	_ =	sdelay $0x3  }
0x5cb: {  	[tilespmem:v2+s5+$0x0] =	vst.idx.msk $0xffff, v4  }
0x5cc: {  	[tilespmem:v3+s5+$0x0] =	vst.idx.msk $0xffff, v5  }
0x5cd: {  	v4 =	vld [tilespmem:s1+$0xFFFFFFE0]  }
0x5ce: {  	v5 =	vld [tilespmem:s1+$0xFFFFFFF0];
	_ =	sdelay $0x3  }
0x5cf: {  	[tilespmem:v2+s6+$0x0] =	vst.idx.msk $0xffff, v4  }
0x5d0: {  	[tilespmem:v3+s6+$0x0] =	vst.idx.msk $0xffff, v5  }
0x5d1: {  	v4 =	vld [tilespmem:s1+$0x0]  }
0x5d2: {  	v5 =	vld [tilespmem:s1+$0x10];
	_ =	sdelay $0x3  }
0x5d3: {  	[tilespmem:v2+s7+$0x0] =	vst.idx.msk $0xffff, v4  }
0x5d4: {  	[tilespmem:v3+s7+$0x0] =	vst.idx.msk $0xffff, v5  }
0x5d5: {  	v4 =	vld [tilespmem:s1+$0x20]  }
0x5d6: {  	v5 =	vld [tilespmem:s1+$0x30];
	_ =	sdelay $0x2  }
0x5d7: {  	s4 =	simm.s32 $0x1D000  }
0x5d8: {  	[tilespmem:v2+s4+$0x0] =	vst.idx.msk $0xffff, v4  }
0x5d9: {  	[tilespmem:v3+s4+$0x0] =	vst.idx.msk $0xffff, v5  }
0x5da: {  	v4 =	vld [tilespmem:s1+$0x40]  }
0x5db: {  	v5 =	vld [tilespmem:s1+$0x50];
	_ =	sdelay $0x2  }
0x5dc: {  	s5 =	simm.s32 $0x1D200  }
0x5dd: {  	[tilespmem:v2+s5+$0x0] =	vst.idx.msk $0xffff, v4  }
0x5de: {  	[tilespmem:v3+s5+$0x0] =	vst.idx.msk $0xffff, v5  }
0x5df: {  	v4 =	vld [tilespmem:s1+$0x60]  }
0x5e0: {  	v5 =	vld [tilespmem:s1+$0x70];
	_ =	sdelay $0x3  }
0x5e1: {  	[tilespmem:v2+s31+$0x0] =	vst.idx.msk $0xffff, v4  }
0x5e2: {  	[tilespmem:v3+s31+$0x0] =	vst.idx.msk $0xffff, v5  }
0x5e3: {  	v4 =	vld [tilespmem:s1+$0x80]  }
0x5e4: {  	v5 =	vld [tilespmem:s1+$0x90];
	_ =	sdelay $0x3  }
0x5e5: {  	[tilespmem:v2+s30+$0x0] =	vst.idx.msk $0xffff, v4  }
0x5e6: {  	[tilespmem:v3+s30+$0x0] =	vst.idx.msk $0xffff, v5  }
0x5e7: {  	v4 =	vld [tilespmem:s1+$0xA0]  }
0x5e8: {  	v5 =	vld [tilespmem:s1+$0xB0];
	_ =	sdelay $0x2  }
0x5e9: {  	s6 =	simm.s32 $0x1D800  }
0x5ea: {  	[tilespmem:v2+s6+$0x0] =	vst.idx.msk $0xffff, v4  }
0x5eb: {  	[tilespmem:v3+s6+$0x0] =	vst.idx.msk $0xffff, v5  }
0x5ec: {  	v4 =	vld [tilespmem:s1+$0xC0]  }
0x5ed: {  	v5 =	vld [tilespmem:s1+$0xD0];
	_ =	sdelay $0x2  }
0x5ee: {  	s7 =	simm.s32 $0x1DA00  }
0x5ef: {  	[tilespmem:v2+s7+$0x0] =	vst.idx.msk $0xffff, v4  }
0x5f0: {  	[tilespmem:v3+s7+$0x0] =	vst.idx.msk $0xffff, v5  }
0x5f1: {  	v4 =	vld [tilespmem:s1+$0xE0]  }
0x5f2: {  	v5 =	vld [tilespmem:s1+$0xF0];
	_ =	sdelay $0x2  }
0x5f3: {  	s8 =	simm.s32 $0x1DC00  }
0x5f4: {  	[tilespmem:v2+s8+$0x0] =	vst.idx.msk $0xffff, v4  }
0x5f5: {  	[tilespmem:v3+s8+$0x0] =	vst.idx.msk $0xffff, v5  }
0x5f6: {  	v4 =	vld [tilespmem:s1+$0x100]  }
0x5f7: {  	v5 =	vld [tilespmem:s1+$0x110];
	_ =	sdelay $0x2  }
0x5f8: {  	s9 =	simm.s32 $0x1DE00  }
0x5f9: {  	[tilespmem:v2+s9+$0x0] =	vst.idx.msk $0xffff, v4  }
0x5fa: {  	[tilespmem:v3+s9+$0x0] =	vst.idx.msk $0xffff, v5  }
0x5fb: {  	v4 =	vld [tilespmem:s1+$0x120]  }
0x5fc: {  	v5 =	vld [tilespmem:s1+$0x130];
	_ =	sdelay $0x2  }
0x5fd: {  	s10 =	simm.s32 $0x1E000  }
0x5fe: {  	[tilespmem:v2+s10+$0x0] =	vst.idx.msk $0xffff, v4  }
0x5ff: {  	[tilespmem:v3+s10+$0x0] =	vst.idx.msk $0xffff, v5  }
0x600: {  	v4 =	vld [tilespmem:s1+$0x140]  }
0x601: {  	v5 =	vld [tilespmem:s1+$0x150];
	_ =	sdelay $0x2  }
0x602: {  	s11 =	simm.s32 $0x1E200  }
0x603: {  	[tilespmem:v2+s11+$0x0] =	vst.idx.msk $0xffff, v4  }
0x604: {  	[tilespmem:v3+s11+$0x0] =	vst.idx.msk $0xffff, v5  }
0x605: {  	v4 =	vld [tilespmem:s1+$0x160]  }
0x606: {  	v5 =	vld [tilespmem:s1+$0x170];
	_ =	sdelay $0x2  }
0x607: {  	s12 =	simm.s32 $0x1E400  }
0x608: {  	[tilespmem:v2+s12+$0x0] =	vst.idx.msk $0xffff, v4  }
0x609: {  	[tilespmem:v3+s12+$0x0] =	vst.idx.msk $0xffff, v5  }
0x60a: {  	v4 =	vld [tilespmem:s1+$0x180]  }
0x60b: {  	v5 =	vld [tilespmem:s1+$0x190];
	_ =	sdelay $0x2  }
0x60c: {  	s13 =	simm.s32 $0x1E600  }
0x60d: {  	[tilespmem:v2+s13+$0x0] =	vst.idx.msk $0xffff, v4  }
0x60e: {  	[tilespmem:v3+s13+$0x0] =	vst.idx.msk $0xffff, v5  }
0x60f: {  	v4 =	vld [tilespmem:s1+$0x1A0]  }
0x610: {  	v5 =	vld [tilespmem:s1+$0x1B0];
	_ =	sdelay $0x2  }
0x611: {  	s14 =	simm.s32 $0x1E800  }
0x612: {  	[tilespmem:v2+s14+$0x0] =	vst.idx.msk $0xffff, v4  }
0x613: {  	[tilespmem:v3+s14+$0x0] =	vst.idx.msk $0xffff, v5  }
0x614: {  	v4 =	vld [tilespmem:s1+$0x1C0]  }
0x615: {  	v5 =	vld [tilespmem:s1+$0x1D0];
	_ =	sdelay $0x2  }
0x616: {  	s15 =	simm.s32 $0x1EA00  }
0x617: {  	[tilespmem:v2+s15+$0x0] =	vst.idx.msk $0xffff, v4  }
0x618: {  	[tilespmem:v3+s15+$0x0] =	vst.idx.msk $0xffff, v5  }
0x619: {  	v4 =	vld [tilespmem:s1+$0x1E0]  }
0x61a: {  	v5 =	vld [tilespmem:s1+$0x1F0];
	_ =	sdelay $0x2  }
0x61b: {  	s16 =	simm.s32 $0x1EC00  }
0x61c: {  	[tilespmem:v2+s16+$0x0] =	vst.idx.msk $0xffff, v4  }
0x61d: {  	[tilespmem:v3+s16+$0x0] =	vst.idx.msk $0xffff, v5  }
0x61e: {  	v4 =	vld [tilespmem:s1+$0x200]  }
0x61f: {  	v5 =	vld [tilespmem:s1+$0x210];
	_ =	sdelay $0x2  }
0x620: {  	s17 =	simm.s32 $0x1EE00  }
0x621: {  	[tilespmem:v2+s17+$0x0] =	vst.idx.msk $0xffff, v4  }
0x622: {  	[tilespmem:v3+s17+$0x0] =	vst.idx.msk $0xffff, v5  }
0x623: {  	v4 =	vld [tilespmem:s1+$0x220]  }
0x624: {  	v5 =	vld [tilespmem:s1+$0x230];
	_ =	sdelay $0x2  }
0x625: {  	s18 =	simm.s32 $0x1F000  }
0x626: {  	[tilespmem:v2+s18+$0x0] =	vst.idx.msk $0xffff, v4  }
0x627: {  	[tilespmem:v3+s18+$0x0] =	vst.idx.msk $0xffff, v5  }
0x628: {  	v4 =	vld [tilespmem:s1+$0x240]  }
0x629: {  	v5 =	vld [tilespmem:s1+$0x250];
	_ =	sdelay $0x2  }
0x62a: {  	s19 =	simm.s32 $0x1F200  }
0x62b: {  	[tilespmem:v2+s19+$0x0] =	vst.idx.msk $0xffff, v4  }
0x62c: {  	[tilespmem:v3+s19+$0x0] =	vst.idx.msk $0xffff, v5  }
0x62d: {  	v4 =	vld [tilespmem:s1+$0x260]  }
0x62e: {  	v5 =	vld [tilespmem:s1+$0x270];
	_ =	sdelay $0x2  }
0x62f: {  	s20 =	simm.s32 $0x1F400  }
0x630: {  	[tilespmem:v2+s20+$0x0] =	vst.idx.msk $0xffff, v4  }
0x631: {  	[tilespmem:v3+s20+$0x0] =	vst.idx.msk $0xffff, v5  }
0x632: {  	v4 =	vld [tilespmem:s1+$0x280]  }
0x633: {  	v5 =	vld [tilespmem:s1+$0x290];
	_ =	sdelay $0x2  }
0x634: {  	s21 =	simm.s32 $0x1F600  }
0x635: {  	[tilespmem:v2+s21+$0x0] =	vst.idx.msk $0xffff, v4  }
0x636: {  	[tilespmem:v3+s21+$0x0] =	vst.idx.msk $0xffff, v5  }
0x637: {  	v4 =	vld [tilespmem:s1+$0x2A0]  }
0x638: {  	v5 =	vld [tilespmem:s1+$0x2B0];
	_ =	sdelay $0x2  }
0x639: {  	s22 =	simm.s32 $0x1F800  }
0x63a: {  	[tilespmem:v2+s22+$0x0] =	vst.idx.msk $0xffff, v4  }
0x63b: {  	[tilespmem:v3+s22+$0x0] =	vst.idx.msk $0xffff, v5  }
0x63c: {  	v4 =	vld [tilespmem:s1+$0x2C0]  }
0x63d: {  	v5 =	vld [tilespmem:s1+$0x2D0];
	_ =	sdelay $0x2  }
0x63e: {  	s23 =	simm.s32 $0x1FA00  }
0x63f: {  	[tilespmem:v2+s23+$0x0] =	vst.idx.msk $0xffff, v4  }
0x640: {  	[tilespmem:v3+s23+$0x0] =	vst.idx.msk $0xffff, v5  }
0x641: {  	v4 =	vld [tilespmem:s1+$0x2E0]  }
0x642: {  	v5 =	vld [tilespmem:s1+$0x2F0];
	_ =	sdelay $0x2  }
0x643: {  	s24 =	simm.s32 $0x1FC00  }
0x644: {  	[tilespmem:v2+s24+$0x0] =	vst.idx.msk $0xffff, v4  }
0x645: {  	[tilespmem:v3+s24+$0x0] =	vst.idx.msk $0xffff, v5  }
0x646: {  	s26 =	rddreg [dreg:$0xd];
	v4 =	vld [tilespmem:s1+$0x300]  }
0x647: {  	s28 =	sshll.u32 s26, $0x3;
	v5 =	vld [tilespmem:s1+$0x310]  }
0x648: {  	s29 =	rddreg [dreg:$0xc];
	s1 =	sand.u32 $0x1FC00, s28  }
0x649: {  	s1 =	sor.u32 s1, s29  }
0x64a: {  	s3 =	simm.s32 $0x80;
	s30 =	rddreg [dreg:$0x1];
	s1 =	sshrl.u32 s1, $0x3  }
0x64b: {  	s2 =	simm.s32 $0x10;
	s0 =	rddreg [dreg:$0xa];
	s1 =	sadd.s32 s1, s30;
	[tilespmem:v2+s25+$0x0] =	vst.idx.msk $0xffff, v4  }
0x64c: {  	s31 =	simm.s32 $0x19C00;
	s17 =	simm.s32 $0x200;
	s1 =	sadd.s32 $0x2, s1;
	[tilespmem:v3+s25+$0x0] =	vst.idx.msk $0xffff, v5  }
0x64d: {  	[hbm4b:s1+s2] =	stream.strided.scatter [tilespmem:s31], [sflag:$0x4], $0x80, s3, s2, $0x38;
	v63 =	vld [tilespmem:$0x0]  }
.LBB2_9:
0x64e: {  	p0 =	seq.s32 s17, $0x18E00  }
.Ltmp3:
0x64f: {  	_ = 	snop;
	(pc) =	sbr.rel @!p0 .LBB2_9-.Ltmp3, $4  }
0x650: {  	_ = 	snop  }
0x651: {  	s25 =	sshra.s32 s17, $0x2;
	s17 =	sadd.s32 $0x200, s17  }
0x652: {  	s1 =	sadd.s32 $0x4000, s1;
	s25 =	sadd.s32 $0x19C00, s25  }
0x653: {  	[hbm4b:s1+s2] =	stream.strided.scatter [tilespmem:s25], [sflag:$0x4], $0x80, s3, s2, $0x38;
	v63 =	vld [tilespmem:$0x0]  }
0x654: {  	s2 =	rddreg [dreg:$0xb]  }
0x655: {  	s17 =	rddreg [dreg:$0x4]  }
0x656: {  	s3 =	simm.s32 $0x32;
	s25 =	simm.s32 $0xD400;
	s1 =	sadd.s32 $0xA80, s2  }
0x657: {  	[tilespmem:s25], [sflag:$0x2] =	stream.indirect.gather [hbm4b:s17+s3], $0x20, s1, s3, $0xb8;
	v63 =	vld [tilespmem:$0x0]  }
0x658: {  	s29 =	simm.s32 $0xDA40;
	s28 =	sadd.s32 $0xAB8, s2  }
0x659: {  	[tilespmem:s29], [sflag:$0x2] =	stream.indirect.gather [hbm4b:s17+s3], $0x20, s28, s3, $0xb8;
	v63 =	vld [tilespmem:$0x0]  }
0x65a: {  	s31 =	simm.s32 $0xE080;
	s30 =	sadd.s32 $0xAF0, s2  }
0x65b: {  	[tilespmem:s31], [sflag:$0x2] =	stream.indirect.gather [hbm4b:s17+s3], $0x20, s30, s3, $0xb8;
	v63 =	vld [tilespmem:$0x0]  }
0x65c: {  	s5 =	simm.s32 $0xE6C0;
	s4 =	sadd.s32 $0xB28, s2  }
0x65d: {  	[tilespmem:s5], [sflag:$0x2] =	stream.indirect.gather [hbm4b:s17+s3], $0x20, s4, s3, $0xb8;
	v63 =	vld [tilespmem:$0x0]  }
0x65e: {  	s7 =	simm.s32 $0xED00;
	s6 =	sadd.s32 $0xB60, s2  }
0x65f: {  	[tilespmem:s7], [sflag:$0x2] =	stream.indirect.gather [hbm4b:s17+s3], $0x20, s6, s3, $0xb8;
	v63 =	vld [tilespmem:$0x0]  }
0x660: {  	s9 =	simm.s32 $0xF340;
	s8 =	sadd.s32 $0xB98, s2  }
0x661: {  	[tilespmem:s9], [sflag:$0x2] =	stream.indirect.gather [hbm4b:s17+s3], $0x20, s8, s3, $0xb8;
	v63 =	vld [tilespmem:$0x0]  }
0x662: {  	s11 =	simm.s32 $0xF980;
	s10 =	sadd.s32 $0xBD0, s2  }
0x663: {  	[tilespmem:s11], [sflag:$0x2] =	stream.indirect.gather [hbm4b:s17+s3], $0x20, s10, s3, $0xb8;
	v63 =	vld [tilespmem:$0x0]  }
0x664: {  	s13 =	simm.s32 $0xFFC0;
	s12 =	sadd.s32 $0xC08, s2  }
0x665: {  	[tilespmem:s13], [sflag:$0x2] =	stream.indirect.gather [hbm4b:s17+s3], $0x20, s12, s3, $0xb8;
	v63 =	vld [tilespmem:$0x0]  }
0x666: {  	s15 =	simm.s32 $0x10600;
	s14 =	sadd.s32 $0xC40, s2  }
0x667: {  	[tilespmem:s15], [sflag:$0x2] =	stream.indirect.gather [hbm4b:s17+s3], $0x20, s14, s3, $0xb8;
	v63 =	vld [tilespmem:$0x0]  }
0x668: {  	s18 =	simm.s32 $0x10C40;
	s16 =	sadd.s32 $0xC78, s2  }
0x669: {  	[tilespmem:s18], [sflag:$0x2] =	stream.indirect.gather [hbm4b:s17+s3], $0x20, s16, s3, $0xb8;
	v63 =	vld [tilespmem:$0x0]  }
0x66a: {  	s20 =	simm.s32 $0x11280;
	s19 =	sadd.s32 $0xCB0, s2  }
0x66b: {  	[tilespmem:s20], [sflag:$0x2] =	stream.indirect.gather [hbm4b:s17+s3], $0x20, s19, s3, $0xb8;
	v63 =	vld [tilespmem:$0x0]  }
0x66c: {  	s22 =	simm.s32 $0x118C0;
	s21 =	sadd.s32 $0xCE8, s2  }
0x66d: {  	[tilespmem:s22], [sflag:$0x2] =	stream.indirect.gather [hbm4b:s17+s3], $0x20, s21, s3, $0xb8;
	v63 =	vld [tilespmem:$0x0]  }
0x66e: {  	s24 =	simm.s32 $0x11F00;
	s0 =	sadd.s32 $0x1, s0;
	s23 =	sadd.s32 $0xD20, s2  }
0x66f: {  	[tilespmem:s24], [sflag:$0x2] =	stream.indirect.gather [hbm4b:s17+s3], $0x20, s23, s3, $0xb8;
	v63 =	vld [tilespmem:$0x0]  }
0x670: {  	s26 =	simm.s32 $0x12540;
	p0 =	seq.s32 s0, $0xF;
	s25 =	sadd.s32 $0xD58, s2  }
0x671: {  	[tilespmem:s26], [sflag:$0x2] =	stream.indirect.gather [hbm4b:s17+s3], $0x20, s25, s3, $0xb8;
	v63 =	vld [tilespmem:$0x0]  }
.Ltmp4:
0x672: {  	_ = 	snop;
	(pc) =	sbr.rel @!p0 .LBB2_2-.Ltmp4, $4  }
0x673: {  	s28 =	sadd.s32 $0xD90, s2;
	s29 =	simm.s32 $0x12B80  }
0x674: {  	[tilespmem:s29], [sflag:$0x2] =	stream.indirect.gather [hbm4b:s17+s3], $0x20, s28, s3, $0xb8;
	v63 =	vld [tilespmem:$0x0]  }
0x675: {  	s30 =	sadd.s32 $0xDC8, s2;
	s31 =	simm.s32 $0x131C0  }
0x676: {  	[tilespmem:s31], [sflag:$0x2] =	stream.indirect.gather [hbm4b:s17+s3], $0x20, s30, s3, $0xb8;
	v63 =	vld [tilespmem:$0x0]  }
0x677: {  	s0 =	simm.s32 $0x3  }
0x678: {  	_ =	swait.ge [sflag:s0], $0x6400  }
0x679: {  	[sflag:s0] =	ssyncset.done $0x0  }
0x67a: {  	s17 =	simm.s32 $0x1;
	[sflag:s0] =	ssyncadd.s32 $0xFFFF9C00  }
0x67b: {  	_ =	swait.ge [sflag:s17], $0x640  }
0x67c: {  	[sflag:s17] =	ssyncset.done $0x0  }
0x67d: {  	[sflag:s17] =	ssyncadd.s32 $0xFFFFF9C0  }
0x67e: {  	_ =	swait.ge [sflag:s17], $0x640  }
0x67f: {  	[sflag:s17] =	ssyncset.done $0x0  }
0x680: {  	[sflag:s17] =	ssyncadd.s32 $0xFFFFF9C0  }
0x681: {  	_ =	swait.ge [sflag:s17], $0x640  }
0x682: {  	[sflag:s17] =	ssyncset.done $0x0  }
0x683: {  	[sflag:s17] =	ssyncadd.s32 $0xFFFFF9C0  }
0x684: {  	_ =	swait.ge [sflag:s17], $0x640  }
0x685: {  	[sflag:s17] =	ssyncset.done $0x0  }
0x686: {  	[sflag:s17] =	ssyncadd.s32 $0xFFFFF9C0  }
0x687: {  	_ =	swait.ge [sflag:s17], $0x640  }
0x688: {  	[sflag:s17] =	ssyncset.done $0x0  }
0x689: {  	[sflag:s17] =	ssyncadd.s32 $0xFFFFF9C0  }
0x68a: {  	_ =	swait.ge [sflag:s17], $0x640  }
0x68b: {  	[sflag:s17] =	ssyncset.done $0x0  }
0x68c: {  	[sflag:s17] =	ssyncadd.s32 $0xFFFFF9C0  }
0x68d: {  	_ =	swait.ge [sflag:s17], $0x640  }
0x68e: {  	[sflag:s17] =	ssyncset.done $0x0  }
0x68f: {  	[sflag:s17] =	ssyncadd.s32 $0xFFFFF9C0  }
0x690: {  	_ =	swait.ge [sflag:s17], $0x640  }
0x691: {  	[sflag:s17] =	ssyncset.done $0x0  }
0x692: {  	[sflag:s17] =	ssyncadd.s32 $0xFFFFF9C0  }
0x693: {  	_ =	swait.ge [sflag:s17], $0x640  }
0x694: {  	[sflag:s17] =	ssyncset.done $0x0  }
0x695: {  	[sflag:s17] =	ssyncadd.s32 $0xFFFFF9C0  }
0x696: {  	_ =	swait.ge [sflag:s17], $0x640  }
0x697: {  	[sflag:s17] =	ssyncset.done $0x0  }
0x698: {  	[sflag:s17] =	ssyncadd.s32 $0xFFFFF9C0  }
0x699: {  	_ =	swait.ge [sflag:s17], $0x640  }
0x69a: {  	[sflag:s17] =	ssyncset.done $0x0  }
0x69b: {  	[sflag:s17] =	ssyncadd.s32 $0xFFFFF9C0  }
0x69c: {  	_ =	swait.ge [sflag:s17], $0x640  }
0x69d: {  	[sflag:s17] =	ssyncset.done $0x0  }
0x69e: {  	[sflag:s17] =	ssyncadd.s32 $0xFFFFF9C0  }
0x69f: {  	_ =	swait.ge [sflag:s17], $0x640  }
0x6a0: {  	[sflag:s17] =	ssyncset.done $0x0  }
0x6a1: {  	[sflag:s17] =	ssyncadd.s32 $0xFFFFF9C0  }
0x6a2: {  	_ =	swait.ge [sflag:s17], $0x640  }
0x6a3: {  	[sflag:s17] =	ssyncset.done $0x0  }
0x6a4: {  	[sflag:s17] =	ssyncadd.s32 $0xFFFFF9C0  }
0x6a5: {  	_ =	swait.ge [sflag:s17], $0x640  }
0x6a6: {  	s1 =	simm.s32 $0x0;
	[sflag:s17] =	ssyncset.done $0x0  }
0x6a7: {  	v2 =	vmov s1;
	[sflag:s17] =	ssyncadd.s32 $0xFFFFF9C0  }
0x6a8: {  	v2 =	vand.u32 $0xF, v2;
	_ =	swait.ge [sflag:s17], $0x640  }
0x6a9: {  	v2 =	vbroadcast v2, $0x0;
	[sflag:s17] =	ssyncset.done $0x0  }
0x6aa: {  	s1 =	simm.s32 $0x7320;
	[sflag:s17] =	ssyncadd.s32 $0xFFFFF9C0  }
0x6ab: {  	v3 =	vor.u32 v0, v2;
	v4 =	vld [tilespmem:s1+$0xFFFFFCE0]  }
0x6ac: {  	v2 =	vor.u32 v1, v2;
	v5 =	vld [tilespmem:s1+$0xFFFFFCF0];
	_ =	sdelay $0x2  }
0x6ad: {  	s13 =	simm.s32 $0x13800  }
0x6ae: {  	[tilespmem:v3+s13+$0x0] =	vst.idx.msk $0xffff, v4  }
0x6af: {  	[tilespmem:v2+s13+$0x0] =	vst.idx.msk $0xffff, v5  }
0x6b0: {  	v4 =	vld [tilespmem:s1+$0xFFFFFD00]  }
0x6b1: {  	v5 =	vld [tilespmem:s1+$0xFFFFFD10];
	_ =	sdelay $0x2  }
0x6b2: {  	s30 =	simm.s32 $0x13A00  }
0x6b3: {  	[tilespmem:v3+s30+$0x0] =	vst.idx.msk $0xffff, v4  }
0x6b4: {  	[tilespmem:v2+s30+$0x0] =	vst.idx.msk $0xffff, v5  }
0x6b5: {  	v4 =	vld [tilespmem:s1+$0xFFFFFD20]  }
0x6b6: {  	v5 =	vld [tilespmem:s1+$0xFFFFFD30];
	_ =	sdelay $0x2  }
0x6b7: {  	s21 =	simm.s32 $0x13C00  }
0x6b8: {  	[tilespmem:v3+s21+$0x0] =	vst.idx.msk $0xffff, v4  }
0x6b9: {  	[tilespmem:v2+s21+$0x0] =	vst.idx.msk $0xffff, v5  }
0x6ba: {  	v4 =	vld [tilespmem:s1+$0xFFFFFD40]  }
0x6bb: {  	v5 =	vld [tilespmem:s1+$0xFFFFFD50];
	_ =	sdelay $0x2  }
0x6bc: {  	s7 =	simm.s32 $0x13E00  }
0x6bd: {  	[tilespmem:v3+s7+$0x0] =	vst.idx.msk $0xffff, v4  }
0x6be: {  	[tilespmem:v2+s7+$0x0] =	vst.idx.msk $0xffff, v5  }
0x6bf: {  	v4 =	vld [tilespmem:s1+$0xFFFFFD60]  }
0x6c0: {  	v5 =	vld [tilespmem:s1+$0xFFFFFD70];
	_ =	sdelay $0x2  }
0x6c1: {  	s3 =	simm.s32 $0x14000  }
0x6c2: {  	[tilespmem:v3+s3+$0x0] =	vst.idx.msk $0xffff, v4  }
0x6c3: {  	[tilespmem:v2+s3+$0x0] =	vst.idx.msk $0xffff, v5  }
0x6c4: {  	v4 =	vld [tilespmem:s1+$0xFFFFFD80]  }
0x6c5: {  	v5 =	vld [tilespmem:s1+$0xFFFFFD90];
	_ =	sdelay $0x2  }
0x6c6: {  	s8 =	simm.s32 $0x14200  }
0x6c7: {  	[tilespmem:v3+s8+$0x0] =	vst.idx.msk $0xffff, v4  }
0x6c8: {  	[tilespmem:v2+s8+$0x0] =	vst.idx.msk $0xffff, v5  }
0x6c9: {  	v4 =	vld [tilespmem:s1+$0xFFFFFDA0]  }
0x6ca: {  	v5 =	vld [tilespmem:s1+$0xFFFFFDB0];
	_ =	sdelay $0x2  }
0x6cb: {  	s6 =	simm.s32 $0x14400  }
0x6cc: {  	[tilespmem:v3+s6+$0x0] =	vst.idx.msk $0xffff, v4  }
0x6cd: {  	[tilespmem:v2+s6+$0x0] =	vst.idx.msk $0xffff, v5  }
0x6ce: {  	v4 =	vld [tilespmem:s1+$0xFFFFFDC0]  }
0x6cf: {  	v5 =	vld [tilespmem:s1+$0xFFFFFDD0];
	_ =	sdelay $0x2  }
0x6d0: {  	s9 =	simm.s32 $0x14600  }
0x6d1: {  	[tilespmem:v3+s9+$0x0] =	vst.idx.msk $0xffff, v4  }
0x6d2: {  	[tilespmem:v2+s9+$0x0] =	vst.idx.msk $0xffff, v5  }
0x6d3: {  	v4 =	vld [tilespmem:s1+$0xFFFFFDE0]  }
0x6d4: {  	v5 =	vld [tilespmem:s1+$0xFFFFFDF0];
	_ =	sdelay $0x2  }
0x6d5: {  	s10 =	simm.s32 $0x14800  }
0x6d6: {  	[tilespmem:v3+s10+$0x0] =	vst.idx.msk $0xffff, v4  }
0x6d7: {  	[tilespmem:v2+s10+$0x0] =	vst.idx.msk $0xffff, v5  }
0x6d8: {  	v4 =	vld [tilespmem:s1+$0xFFFFFE00]  }
0x6d9: {  	v5 =	vld [tilespmem:s1+$0xFFFFFE10];
	_ =	sdelay $0x2  }
0x6da: {  	s12 =	simm.s32 $0x14A00  }
0x6db: {  	[tilespmem:v3+s12+$0x0] =	vst.idx.msk $0xffff, v4  }
0x6dc: {  	[tilespmem:v2+s12+$0x0] =	vst.idx.msk $0xffff, v5  }
0x6dd: {  	v4 =	vld [tilespmem:s1+$0xFFFFFE20]  }
0x6de: {  	v5 =	vld [tilespmem:s1+$0xFFFFFE30];
	_ =	sdelay $0x2  }
0x6df: {  	s14 =	simm.s32 $0x14C00  }
0x6e0: {  	[tilespmem:v3+s14+$0x0] =	vst.idx.msk $0xffff, v4  }
0x6e1: {  	[tilespmem:v2+s14+$0x0] =	vst.idx.msk $0xffff, v5  }
0x6e2: {  	v4 =	vld [tilespmem:s1+$0xFFFFFE40]  }
0x6e3: {  	v5 =	vld [tilespmem:s1+$0xFFFFFE50];
	_ =	sdelay $0x2  }
0x6e4: {  	s16 =	simm.s32 $0x14E00  }
0x6e5: {  	[tilespmem:v3+s16+$0x0] =	vst.idx.msk $0xffff, v4  }
0x6e6: {  	[tilespmem:v2+s16+$0x0] =	vst.idx.msk $0xffff, v5  }
0x6e7: {  	v4 =	vld [tilespmem:s1+$0xFFFFFE60]  }
0x6e8: {  	v5 =	vld [tilespmem:s1+$0xFFFFFE70];
	_ =	sdelay $0x2  }
0x6e9: {  	s18 =	simm.s32 $0x15000  }
0x6ea: {  	[tilespmem:v3+s18+$0x0] =	vst.idx.msk $0xffff, v4  }
0x6eb: {  	[tilespmem:v2+s18+$0x0] =	vst.idx.msk $0xffff, v5  }
0x6ec: {  	v4 =	vld [tilespmem:s1+$0xFFFFFE80]  }
0x6ed: {  	v5 =	vld [tilespmem:s1+$0xFFFFFE90];
	_ =	sdelay $0x2  }
0x6ee: {  	s20 =	simm.s32 $0x15200  }
0x6ef: {  	[tilespmem:v3+s20+$0x0] =	vst.idx.msk $0xffff, v4  }
0x6f0: {  	[tilespmem:v2+s20+$0x0] =	vst.idx.msk $0xffff, v5  }
0x6f1: {  	v4 =	vld [tilespmem:s1+$0xFFFFFEA0]  }
0x6f2: {  	v5 =	vld [tilespmem:s1+$0xFFFFFEB0];
	_ =	sdelay $0x2  }
0x6f3: {  	s2 =	simm.s32 $0x15400  }
0x6f4: {  	[tilespmem:v3+s2+$0x0] =	vst.idx.msk $0xffff, v4  }
0x6f5: {  	[tilespmem:v2+s2+$0x0] =	vst.idx.msk $0xffff, v5  }
0x6f6: {  	v4 =	vld [tilespmem:s1+$0xFFFFFEC0]  }
0x6f7: {  	v5 =	vld [tilespmem:s1+$0xFFFFFED0];
	_ =	sdelay $0x2  }
0x6f8: {  	s4 =	simm.s32 $0x15600  }
0x6f9: {  	[tilespmem:v3+s4+$0x0] =	vst.idx.msk $0xffff, v4  }
0x6fa: {  	[tilespmem:v2+s4+$0x0] =	vst.idx.msk $0xffff, v5  }
0x6fb: {  	v4 =	vld [tilespmem:s1+$0xFFFFFEE0]  }
0x6fc: {  	v5 =	vld [tilespmem:s1+$0xFFFFFEF0];
	_ =	sdelay $0x2  }
0x6fd: {  	s11 =	simm.s32 $0x15800  }
0x6fe: {  	[tilespmem:v3+s11+$0x0] =	vst.idx.msk $0xffff, v4  }
0x6ff: {  	[tilespmem:v2+s11+$0x0] =	vst.idx.msk $0xffff, v5  }
0x700: {  	v4 =	vld [tilespmem:s1+$0xFFFFFF00]  }
0x701: {  	v5 =	vld [tilespmem:s1+$0xFFFFFF10];
	_ =	sdelay $0x2  }
0x702: {  	s22 =	simm.s32 $0x15A00  }
0x703: {  	[tilespmem:v3+s22+$0x0] =	vst.idx.msk $0xffff, v4  }
0x704: {  	[tilespmem:v2+s22+$0x0] =	vst.idx.msk $0xffff, v5  }
0x705: {  	v4 =	vld [tilespmem:s1+$0xFFFFFF20]  }
0x706: {  	v5 =	vld [tilespmem:s1+$0xFFFFFF30];
	_ =	sdelay $0x2  }
0x707: {  	s5 =	simm.s32 $0x15C00  }
0x708: {  	[tilespmem:v3+s5+$0x0] =	vst.idx.msk $0xffff, v4  }
0x709: {  	[tilespmem:v2+s5+$0x0] =	vst.idx.msk $0xffff, v5  }
0x70a: {  	v4 =	vld [tilespmem:s1+$0xFFFFFF40]  }
0x70b: {  	v5 =	vld [tilespmem:s1+$0xFFFFFF50];
	_ =	sdelay $0x2  }
0x70c: {  	s24 =	simm.s32 $0x15E00  }
0x70d: {  	[tilespmem:v3+s24+$0x0] =	vst.idx.msk $0xffff, v4  }
0x70e: {  	[tilespmem:v2+s24+$0x0] =	vst.idx.msk $0xffff, v5  }
0x70f: {  	v4 =	vld [tilespmem:s1+$0xFFFFFF60]  }
0x710: {  	v5 =	vld [tilespmem:s1+$0xFFFFFF70];
	_ =	sdelay $0x2  }
0x711: {  	s26 =	simm.s32 $0x16000  }
0x712: {  	[tilespmem:v3+s26+$0x0] =	vst.idx.msk $0xffff, v4  }
0x713: {  	[tilespmem:v2+s26+$0x0] =	vst.idx.msk $0xffff, v5  }
0x714: {  	v4 =	vld [tilespmem:s1+$0xFFFFFF80]  }
0x715: {  	v5 =	vld [tilespmem:s1+$0xFFFFFF90];
	_ =	sdelay $0x2  }
0x716: {  	s29 =	simm.s32 $0x16200  }
0x717: {  	[tilespmem:v3+s29+$0x0] =	vst.idx.msk $0xffff, v4  }
0x718: {  	[tilespmem:v2+s29+$0x0] =	vst.idx.msk $0xffff, v5  }
0x719: {  	v4 =	vld [tilespmem:s1+$0xFFFFFFA0]  }
0x71a: {  	v5 =	vld [tilespmem:s1+$0xFFFFFFB0];
	_ =	sdelay $0x2  }
0x71b: {  	s31 =	simm.s32 $0x16400  }
0x71c: {  	[tilespmem:v3+s31+$0x0] =	vst.idx.msk $0xffff, v4  }
0x71d: {  	[tilespmem:v2+s31+$0x0] =	vst.idx.msk $0xffff, v5  }
0x71e: {  	v4 =	vld [tilespmem:s1+$0xFFFFFFC0]  }
0x71f: {  	v5 =	vld [tilespmem:s1+$0xFFFFFFD0];
	_ =	sdelay $0x2  }
0x720: {  	s25 =	simm.s32 $0x16600  }
0x721: {  	[tilespmem:v3+s25+$0x0] =	vst.idx.msk $0xffff, v4  }
0x722: {  	[tilespmem:v2+s25+$0x0] =	vst.idx.msk $0xffff, v5  }
0x723: {  	v4 =	vld [tilespmem:s1+$0xFFFFFFE0]  }
0x724: {  	v5 =	vld [tilespmem:s1+$0xFFFFFFF0];
	_ =	sdelay $0x2  }
0x725: {  	s15 =	simm.s32 $0x16800  }
0x726: {  	[tilespmem:v3+s15+$0x0] =	vst.idx.msk $0xffff, v4  }
0x727: {  	[tilespmem:v2+s15+$0x0] =	vst.idx.msk $0xffff, v5  }
0x728: {  	v4 =	vld [tilespmem:s1+$0x0]  }
0x729: {  	v5 =	vld [tilespmem:s1+$0x10];
	_ =	sdelay $0x2  }
0x72a: {  	s19 =	simm.s32 $0x16A00  }
0x72b: {  	[tilespmem:v3+s19+$0x0] =	vst.idx.msk $0xffff, v4  }
0x72c: {  	[tilespmem:v2+s19+$0x0] =	vst.idx.msk $0xffff, v5  }
0x72d: {  	v4 =	vld [tilespmem:s1+$0x20]  }
0x72e: {  	v5 =	vld [tilespmem:s1+$0x30];
	_ =	sdelay $0x2  }
0x72f: {  	s23 =	simm.s32 $0x16C00  }
0x730: {  	[tilespmem:v3+s23+$0x0] =	vst.idx.msk $0xffff, v4  }
0x731: {  	[tilespmem:v2+s23+$0x0] =	vst.idx.msk $0xffff, v5  }
0x732: {  	v4 =	vld [tilespmem:s1+$0x40]  }
0x733: {  	v5 =	vld [tilespmem:s1+$0x50];
	_ =	sdelay $0x2  }
0x734: {  	s28 =	simm.s32 $0x16E00  }
0x735: {  	[tilespmem:v3+s28+$0x0] =	vst.idx.msk $0xffff, v4  }
0x736: {  	[tilespmem:v2+s28+$0x0] =	vst.idx.msk $0xffff, v5  }
0x737: {  	v4 =	vld [tilespmem:s1+$0x60]  }
0x738: {  	v5 =	vld [tilespmem:s1+$0x70];
	_ =	sdelay $0x2  }
0x739: {  	s0 =	simm.s32 $0x17000  }
0x73a: {  	[tilespmem:v3+s0+$0x0] =	vst.idx.msk $0xffff, v4  }
0x73b: {  	[tilespmem:v2+s0+$0x0] =	vst.idx.msk $0xffff, v5  }
0x73c: {  	v4 =	vld [tilespmem:s1+$0x80]  }
0x73d: {  	v5 =	vld [tilespmem:s1+$0x90];
	_ =	sdelay $0x2  }
0x73e: {  	s25 =	simm.s32 $0x17200  }
0x73f: {  	[tilespmem:v3+s25+$0x0] =	vst.idx.msk $0xffff, v4  }
0x740: {  	[tilespmem:v2+s25+$0x0] =	vst.idx.msk $0xffff, v5  }
0x741: {  	v4 =	vld [tilespmem:s1+$0xA0]  }
0x742: {  	v5 =	vld [tilespmem:s1+$0xB0];
	_ =	sdelay $0x2  }
0x743: {  	s17 =	simm.s32 $0x17400  }
0x744: {  	[tilespmem:v3+s17+$0x0] =	vst.idx.msk $0xffff, v4  }
0x745: {  	[tilespmem:v2+s17+$0x0] =	vst.idx.msk $0xffff, v5  }
0x746: {  	v4 =	vld [tilespmem:s1+$0xC0]  }
0x747: {  	v5 =	vld [tilespmem:s1+$0xD0];
	_ =	sdelay $0x2  }
0x748: {  	s25 =	simm.s32 $0x17600  }
0x749: {  	[tilespmem:v3+s25+$0x0] =	vst.idx.msk $0xffff, v4  }
0x74a: {  	[tilespmem:v2+s25+$0x0] =	vst.idx.msk $0xffff, v5  }
0x74b: {  	v4 =	vld [tilespmem:s1+$0xE0]  }
0x74c: {  	v5 =	vld [tilespmem:s1+$0xF0];
	_ =	sdelay $0x2  }
0x74d: {  	s17 =	simm.s32 $0x17800  }
0x74e: {  	[tilespmem:v3+s17+$0x0] =	vst.idx.msk $0xffff, v4  }
0x74f: {  	[tilespmem:v2+s17+$0x0] =	vst.idx.msk $0xffff, v5  }
0x750: {  	v4 =	vld [tilespmem:s1+$0x100]  }
0x751: {  	v5 =	vld [tilespmem:s1+$0x110];
	_ =	sdelay $0x2  }
0x752: {  	s25 =	simm.s32 $0x17A00  }
0x753: {  	[tilespmem:v3+s25+$0x0] =	vst.idx.msk $0xffff, v4  }
0x754: {  	[tilespmem:v2+s25+$0x0] =	vst.idx.msk $0xffff, v5  }
0x755: {  	v4 =	vld [tilespmem:s1+$0x120]  }
0x756: {  	v5 =	vld [tilespmem:s1+$0x130];
	_ =	sdelay $0x2  }
0x757: {  	s17 =	simm.s32 $0x17C00  }
0x758: {  	[tilespmem:v3+s17+$0x0] =	vst.idx.msk $0xffff, v4  }
0x759: {  	[tilespmem:v2+s17+$0x0] =	vst.idx.msk $0xffff, v5  }
0x75a: {  	v4 =	vld [tilespmem:s1+$0x140]  }
0x75b: {  	v5 =	vld [tilespmem:s1+$0x150];
	_ =	sdelay $0x2  }
0x75c: {  	s25 =	simm.s32 $0x17E00  }
0x75d: {  	[tilespmem:v3+s25+$0x0] =	vst.idx.msk $0xffff, v4  }
0x75e: {  	[tilespmem:v2+s25+$0x0] =	vst.idx.msk $0xffff, v5  }
0x75f: {  	v4 =	vld [tilespmem:s1+$0x160]  }
0x760: {  	v5 =	vld [tilespmem:s1+$0x170];
	_ =	sdelay $0x2  }
0x761: {  	s17 =	simm.s32 $0x18000  }
0x762: {  	[tilespmem:v3+s17+$0x0] =	vst.idx.msk $0xffff, v4  }
0x763: {  	[tilespmem:v2+s17+$0x0] =	vst.idx.msk $0xffff, v5  }
0x764: {  	v4 =	vld [tilespmem:s1+$0x180]  }
0x765: {  	v5 =	vld [tilespmem:s1+$0x190];
	_ =	sdelay $0x2  }
0x766: {  	s25 =	simm.s32 $0x18200  }
0x767: {  	[tilespmem:v3+s25+$0x0] =	vst.idx.msk $0xffff, v4  }
0x768: {  	[tilespmem:v2+s25+$0x0] =	vst.idx.msk $0xffff, v5  }
0x769: {  	v4 =	vld [tilespmem:s1+$0x1A0]  }
0x76a: {  	v5 =	vld [tilespmem:s1+$0x1B0];
	_ =	sdelay $0x2  }
0x76b: {  	s17 =	simm.s32 $0x18400  }
0x76c: {  	[tilespmem:v3+s17+$0x0] =	vst.idx.msk $0xffff, v4  }
0x76d: {  	[tilespmem:v2+s17+$0x0] =	vst.idx.msk $0xffff, v5  }
0x76e: {  	v4 =	vld [tilespmem:s1+$0x1C0]  }
0x76f: {  	v5 =	vld [tilespmem:s1+$0x1D0];
	_ =	sdelay $0x2  }
0x770: {  	s25 =	simm.s32 $0x18600  }
0x771: {  	[tilespmem:v3+s25+$0x0] =	vst.idx.msk $0xffff, v4  }
0x772: {  	[tilespmem:v2+s25+$0x0] =	vst.idx.msk $0xffff, v5  }
0x773: {  	v4 =	vld [tilespmem:s1+$0x1E0]  }
0x774: {  	v5 =	vld [tilespmem:s1+$0x1F0];
	_ =	sdelay $0x2  }
0x775: {  	s17 =	simm.s32 $0x18800  }
0x776: {  	[tilespmem:v3+s17+$0x0] =	vst.idx.msk $0xffff, v4  }
0x777: {  	[tilespmem:v2+s17+$0x0] =	vst.idx.msk $0xffff, v5  }
0x778: {  	v4 =	vld [tilespmem:s1+$0x200]  }
0x779: {  	v5 =	vld [tilespmem:s1+$0x210];
	_ =	sdelay $0x2  }
0x77a: {  	s25 =	simm.s32 $0x18A00  }
0x77b: {  	[tilespmem:v3+s25+$0x0] =	vst.idx.msk $0xffff, v4  }
0x77c: {  	[tilespmem:v2+s25+$0x0] =	vst.idx.msk $0xffff, v5  }
0x77d: {  	v4 =	vld [tilespmem:s1+$0x220]  }
0x77e: {  	v5 =	vld [tilespmem:s1+$0x230];
	_ =	sdelay $0x2  }
0x77f: {  	s17 =	simm.s32 $0x18C00  }
0x780: {  	[tilespmem:v3+s17+$0x0] =	vst.idx.msk $0xffff, v4  }
0x781: {  	[tilespmem:v2+s17+$0x0] =	vst.idx.msk $0xffff, v5  }
0x782: {  	v4 =	vld [tilespmem:s1+$0x240]  }
0x783: {  	v5 =	vld [tilespmem:s1+$0x250];
	_ =	sdelay $0x2  }
0x784: {  	s25 =	simm.s32 $0x18E00  }
0x785: {  	[tilespmem:v3+s25+$0x0] =	vst.idx.msk $0xffff, v4  }
0x786: {  	[tilespmem:v2+s25+$0x0] =	vst.idx.msk $0xffff, v5  }
0x787: {  	v4 =	vld [tilespmem:s1+$0x260]  }
0x788: {  	v5 =	vld [tilespmem:s1+$0x270];
	_ =	sdelay $0x2  }
0x789: {  	s17 =	simm.s32 $0x19000  }
0x78a: {  	[tilespmem:v3+s17+$0x0] =	vst.idx.msk $0xffff, v4  }
0x78b: {  	[tilespmem:v2+s17+$0x0] =	vst.idx.msk $0xffff, v5  }
0x78c: {  	v4 =	vld [tilespmem:s1+$0x280]  }
0x78d: {  	v5 =	vld [tilespmem:s1+$0x290];
	_ =	sdelay $0x2  }
0x78e: {  	s25 =	simm.s32 $0x19200  }
0x78f: {  	[tilespmem:v3+s25+$0x0] =	vst.idx.msk $0xffff, v4  }
0x790: {  	[tilespmem:v2+s25+$0x0] =	vst.idx.msk $0xffff, v5  }
0x791: {  	v4 =	vld [tilespmem:s1+$0x2A0]  }
0x792: {  	v5 =	vld [tilespmem:s1+$0x2B0];
	_ =	sdelay $0x2  }
0x793: {  	s17 =	simm.s32 $0x19400  }
0x794: {  	[tilespmem:v3+s17+$0x0] =	vst.idx.msk $0xffff, v4  }
0x795: {  	[tilespmem:v2+s17+$0x0] =	vst.idx.msk $0xffff, v5  }
0x796: {  	v4 =	vld [tilespmem:s1+$0x2C0]  }
0x797: {  	v5 =	vld [tilespmem:s1+$0x2D0];
	_ =	sdelay $0x2  }
0x798: {  	s25 =	simm.s32 $0x19600  }
0x799: {  	[tilespmem:v3+s25+$0x0] =	vst.idx.msk $0xffff, v4  }
0x79a: {  	[tilespmem:v2+s25+$0x0] =	vst.idx.msk $0xffff, v5  }
0x79b: {  	v4 =	vld [tilespmem:s1+$0x2E0]  }
0x79c: {  	v5 =	vld [tilespmem:s1+$0x2F0];
	_ =	sdelay $0x2  }
0x79d: {  	s17 =	simm.s32 $0x19800  }
0x79e: {  	[tilespmem:v3+s17+$0x0] =	vst.idx.msk $0xffff, v4  }
0x79f: {  	[tilespmem:v2+s17+$0x0] =	vst.idx.msk $0xffff, v5  }
0x7a0: {  	v6 =	vld [tilespmem:s1+$0x300];
	_ =	sdelay $0x1  }
0x7a1: {  	s25 =	simm.s32 $0x1;
	v5 =	vld [tilespmem:s1+$0x310]  }
0x7a2: {  	v4 =	vmov s25  }
0x7a3: {  	s25 =	simm.s32 $0x19A00;
	v4 =	vand.u32 $0xF, v4  }
0x7a4: {  	s17 =	simm.s32 $0x2;
	v4 =	vbroadcast v4, $0x0;
	[tilespmem:v3+s25+$0x0] =	vst.idx.msk $0xffff, v6  }
.LBB2_12:
0x7a5: {  	p0 =	sne.s32 s17, $0xF  }
0x7a6: {  	[tilespmem:v2+s25+$0x0] =	vst.idx.msk $0xffff, v5;
	s1 =	sadd.s32 $0x640, s1;
	s25 =	smov.u32 s17;
	s17 =	sadd.s32 $0x1, s17  }
0x7a7: {  	v3 =	vor.u32 v0, v4;
	v5 =	vld [tilespmem:s1+$0xFFFFFCE0]  }
0x7a8: {  	v2 =	vor.u32 v1, v4;
	v4 =	vld [tilespmem:s1+$0xFFFFFCF0];
	_ =	sdelay $0x3  }
0x7a9: {  	[tilespmem:v3+s13+$0x0] =	vst.idx.msk $0xffff, v5  }
0x7aa: {  	[tilespmem:v2+s13+$0x0] =	vst.idx.msk $0xffff, v4  }
0x7ab: {  	v4 =	vld [tilespmem:s1+$0xFFFFFD00]  }
0x7ac: {  	v5 =	vld [tilespmem:s1+$0xFFFFFD10];
	_ =	sdelay $0x3  }
0x7ad: {  	[tilespmem:v3+s30+$0x0] =	vst.idx.msk $0xffff, v4  }
0x7ae: {  	[tilespmem:v2+s30+$0x0] =	vst.idx.msk $0xffff, v5  }
0x7af: {  	v4 =	vld [tilespmem:s1+$0xFFFFFD20]  }
0x7b0: {  	v5 =	vld [tilespmem:s1+$0xFFFFFD30];
	_ =	sdelay $0x3  }
0x7b1: {  	[tilespmem:v3+s21+$0x0] =	vst.idx.msk $0xffff, v4  }
0x7b2: {  	[tilespmem:v2+s21+$0x0] =	vst.idx.msk $0xffff, v5  }
0x7b3: {  	v4 =	vld [tilespmem:s1+$0xFFFFFD40]  }
0x7b4: {  	v5 =	vld [tilespmem:s1+$0xFFFFFD50];
	_ =	sdelay $0x3  }
0x7b5: {  	[tilespmem:v3+s7+$0x0] =	vst.idx.msk $0xffff, v4  }
0x7b6: {  	[tilespmem:v2+s7+$0x0] =	vst.idx.msk $0xffff, v5  }
0x7b7: {  	v4 =	vld [tilespmem:s1+$0xFFFFFD60]  }
0x7b8: {  	v5 =	vld [tilespmem:s1+$0xFFFFFD70];
	_ =	sdelay $0x3  }
0x7b9: {  	[tilespmem:v3+s3+$0x0] =	vst.idx.msk $0xffff, v4  }
0x7ba: {  	[tilespmem:v2+s3+$0x0] =	vst.idx.msk $0xffff, v5  }
0x7bb: {  	v4 =	vld [tilespmem:s1+$0xFFFFFD80]  }
0x7bc: {  	v5 =	vld [tilespmem:s1+$0xFFFFFD90];
	_ =	sdelay $0x3  }
0x7bd: {  	[tilespmem:v3+s8+$0x0] =	vst.idx.msk $0xffff, v4  }
0x7be: {  	[tilespmem:v2+s8+$0x0] =	vst.idx.msk $0xffff, v5  }
0x7bf: {  	v4 =	vld [tilespmem:s1+$0xFFFFFDA0]  }
0x7c0: {  	v5 =	vld [tilespmem:s1+$0xFFFFFDB0];
	_ =	sdelay $0x3  }
0x7c1: {  	[tilespmem:v3+s6+$0x0] =	vst.idx.msk $0xffff, v4  }
0x7c2: {  	[tilespmem:v2+s6+$0x0] =	vst.idx.msk $0xffff, v5  }
0x7c3: {  	v4 =	vld [tilespmem:s1+$0xFFFFFDC0]  }
0x7c4: {  	v5 =	vld [tilespmem:s1+$0xFFFFFDD0];
	_ =	sdelay $0x3  }
0x7c5: {  	[tilespmem:v3+s9+$0x0] =	vst.idx.msk $0xffff, v4  }
0x7c6: {  	[tilespmem:v2+s9+$0x0] =	vst.idx.msk $0xffff, v5  }
0x7c7: {  	v4 =	vld [tilespmem:s1+$0xFFFFFDE0]  }
0x7c8: {  	v5 =	vld [tilespmem:s1+$0xFFFFFDF0];
	_ =	sdelay $0x3  }
0x7c9: {  	[tilespmem:v3+s10+$0x0] =	vst.idx.msk $0xffff, v4  }
0x7ca: {  	[tilespmem:v2+s10+$0x0] =	vst.idx.msk $0xffff, v5  }
0x7cb: {  	v4 =	vld [tilespmem:s1+$0xFFFFFE00]  }
0x7cc: {  	v5 =	vld [tilespmem:s1+$0xFFFFFE10];
	_ =	sdelay $0x3  }
0x7cd: {  	[tilespmem:v3+s12+$0x0] =	vst.idx.msk $0xffff, v4  }
0x7ce: {  	[tilespmem:v2+s12+$0x0] =	vst.idx.msk $0xffff, v5  }
0x7cf: {  	v4 =	vld [tilespmem:s1+$0xFFFFFE20]  }
0x7d0: {  	v5 =	vld [tilespmem:s1+$0xFFFFFE30];
	_ =	sdelay $0x3  }
0x7d1: {  	[tilespmem:v3+s14+$0x0] =	vst.idx.msk $0xffff, v4  }
0x7d2: {  	[tilespmem:v2+s14+$0x0] =	vst.idx.msk $0xffff, v5  }
0x7d3: {  	v4 =	vld [tilespmem:s1+$0xFFFFFE40]  }
0x7d4: {  	v5 =	vld [tilespmem:s1+$0xFFFFFE50];
	_ =	sdelay $0x3  }
0x7d5: {  	[tilespmem:v3+s16+$0x0] =	vst.idx.msk $0xffff, v4  }
0x7d6: {  	[tilespmem:v2+s16+$0x0] =	vst.idx.msk $0xffff, v5  }
0x7d7: {  	v4 =	vld [tilespmem:s1+$0xFFFFFE60]  }
0x7d8: {  	v5 =	vld [tilespmem:s1+$0xFFFFFE70];
	_ =	sdelay $0x3  }
0x7d9: {  	[tilespmem:v3+s18+$0x0] =	vst.idx.msk $0xffff, v4  }
0x7da: {  	[tilespmem:v2+s18+$0x0] =	vst.idx.msk $0xffff, v5  }
0x7db: {  	v4 =	vld [tilespmem:s1+$0xFFFFFE80]  }
0x7dc: {  	v5 =	vld [tilespmem:s1+$0xFFFFFE90];
	_ =	sdelay $0x3  }
0x7dd: {  	[tilespmem:v3+s20+$0x0] =	vst.idx.msk $0xffff, v4  }
0x7de: {  	[tilespmem:v2+s20+$0x0] =	vst.idx.msk $0xffff, v5  }
0x7df: {  	v4 =	vld [tilespmem:s1+$0xFFFFFEA0]  }
0x7e0: {  	v5 =	vld [tilespmem:s1+$0xFFFFFEB0];
	_ =	sdelay $0x3  }
0x7e1: {  	[tilespmem:v3+s2+$0x0] =	vst.idx.msk $0xffff, v4  }
0x7e2: {  	[tilespmem:v2+s2+$0x0] =	vst.idx.msk $0xffff, v5  }
0x7e3: {  	v4 =	vld [tilespmem:s1+$0xFFFFFEC0]  }
0x7e4: {  	v5 =	vld [tilespmem:s1+$0xFFFFFED0];
	_ =	sdelay $0x3  }
0x7e5: {  	[tilespmem:v3+s4+$0x0] =	vst.idx.msk $0xffff, v4  }
0x7e6: {  	[tilespmem:v2+s4+$0x0] =	vst.idx.msk $0xffff, v5  }
0x7e7: {  	v4 =	vld [tilespmem:s1+$0xFFFFFEE0]  }
0x7e8: {  	v5 =	vld [tilespmem:s1+$0xFFFFFEF0];
	_ =	sdelay $0x3  }
0x7e9: {  	[tilespmem:v3+s11+$0x0] =	vst.idx.msk $0xffff, v4  }
0x7ea: {  	[tilespmem:v2+s11+$0x0] =	vst.idx.msk $0xffff, v5  }
0x7eb: {  	v4 =	vld [tilespmem:s1+$0xFFFFFF00]  }
0x7ec: {  	v5 =	vld [tilespmem:s1+$0xFFFFFF10];
	_ =	sdelay $0x3  }
0x7ed: {  	[tilespmem:v3+s22+$0x0] =	vst.idx.msk $0xffff, v4  }
0x7ee: {  	[tilespmem:v2+s22+$0x0] =	vst.idx.msk $0xffff, v5  }
0x7ef: {  	v4 =	vld [tilespmem:s1+$0xFFFFFF20]  }
0x7f0: {  	v5 =	vld [tilespmem:s1+$0xFFFFFF30];
	_ =	sdelay $0x3  }
0x7f1: {  	[tilespmem:v3+s5+$0x0] =	vst.idx.msk $0xffff, v4  }
0x7f2: {  	[tilespmem:v2+s5+$0x0] =	vst.idx.msk $0xffff, v5  }
0x7f3: {  	v4 =	vld [tilespmem:s1+$0xFFFFFF40]  }
0x7f4: {  	v5 =	vld [tilespmem:s1+$0xFFFFFF50];
	_ =	sdelay $0x3  }
0x7f5: {  	[tilespmem:v3+s24+$0x0] =	vst.idx.msk $0xffff, v4  }
0x7f6: {  	[tilespmem:v2+s24+$0x0] =	vst.idx.msk $0xffff, v5  }
0x7f7: {  	v4 =	vld [tilespmem:s1+$0xFFFFFF60]  }
0x7f8: {  	v5 =	vld [tilespmem:s1+$0xFFFFFF70];
	_ =	sdelay $0x3  }
0x7f9: {  	[tilespmem:v3+s26+$0x0] =	vst.idx.msk $0xffff, v4  }
0x7fa: {  	[tilespmem:v2+s26+$0x0] =	vst.idx.msk $0xffff, v5  }
0x7fb: {  	v4 =	vld [tilespmem:s1+$0xFFFFFF80]  }
0x7fc: {  	v5 =	vld [tilespmem:s1+$0xFFFFFF90];
	_ =	sdelay $0x3  }
0x7fd: {  	[tilespmem:v3+s29+$0x0] =	vst.idx.msk $0xffff, v4  }
0x7fe: {  	[tilespmem:v2+s29+$0x0] =	vst.idx.msk $0xffff, v5  }
0x7ff: {  	v4 =	vld [tilespmem:s1+$0xFFFFFFA0]  }
0x800: {  	v5 =	vld [tilespmem:s1+$0xFFFFFFB0];
	_ =	sdelay $0x3  }
0x801: {  	[tilespmem:v3+s31+$0x0] =	vst.idx.msk $0xffff, v4  }
0x802: {  	[tilespmem:v2+s31+$0x0] =	vst.idx.msk $0xffff, v5  }
0x803: {  	v4 =	vld [tilespmem:s1+$0xFFFFFFC0]  }
0x804: {  	v5 =	vld [tilespmem:s1+$0xFFFFFFD0];
	_ =	sdelay $0x2  }
0x805: {  	s0 =	simm.s32 $0x16600  }
0x806: {  	[tilespmem:v3+s0+$0x0] =	vst.idx.msk $0xffff, v4  }
0x807: {  	[tilespmem:v2+s0+$0x0] =	vst.idx.msk $0xffff, v5  }
0x808: {  	v4 =	vld [tilespmem:s1+$0xFFFFFFE0]  }
0x809: {  	v5 =	vld [tilespmem:s1+$0xFFFFFFF0];
	_ =	sdelay $0x3  }
0x80a: {  	[tilespmem:v3+s15+$0x0] =	vst.idx.msk $0xffff, v4  }
0x80b: {  	[tilespmem:v2+s15+$0x0] =	vst.idx.msk $0xffff, v5  }
0x80c: {  	v4 =	vld [tilespmem:s1+$0x0]  }
0x80d: {  	v5 =	vld [tilespmem:s1+$0x10];
	_ =	sdelay $0x3  }
0x80e: {  	[tilespmem:v3+s19+$0x0] =	vst.idx.msk $0xffff, v4  }
0x80f: {  	[tilespmem:v2+s19+$0x0] =	vst.idx.msk $0xffff, v5  }
0x810: {  	v4 =	vld [tilespmem:s1+$0x20]  }
0x811: {  	v5 =	vld [tilespmem:s1+$0x30];
	_ =	sdelay $0x3  }
0x812: {  	[tilespmem:v3+s23+$0x0] =	vst.idx.msk $0xffff, v4  }
0x813: {  	[tilespmem:v2+s23+$0x0] =	vst.idx.msk $0xffff, v5  }
0x814: {  	v4 =	vld [tilespmem:s1+$0x40]  }
0x815: {  	v5 =	vld [tilespmem:s1+$0x50];
	_ =	sdelay $0x3  }
0x816: {  	[tilespmem:v3+s28+$0x0] =	vst.idx.msk $0xffff, v4  }
0x817: {  	[tilespmem:v2+s28+$0x0] =	vst.idx.msk $0xffff, v5  }
0x818: {  	v4 =	vld [tilespmem:s1+$0x60]  }
0x819: {  	v5 =	vld [tilespmem:s1+$0x70];
	_ =	sdelay $0x2  }
0x81a: {  	s0 =	simm.s32 $0x17000  }
0x81b: {  	[tilespmem:v3+s0+$0x0] =	vst.idx.msk $0xffff, v4  }
0x81c: {  	[tilespmem:v2+s0+$0x0] =	vst.idx.msk $0xffff, v5  }
0x81d: {  	v4 =	vld [tilespmem:s1+$0x80]  }
0x81e: {  	v5 =	vld [tilespmem:s1+$0x90];
	_ =	sdelay $0x2  }
0x81f: {  	s0 =	simm.s32 $0x17200  }
0x820: {  	[tilespmem:v3+s0+$0x0] =	vst.idx.msk $0xffff, v4  }
0x821: {  	[tilespmem:v2+s0+$0x0] =	vst.idx.msk $0xffff, v5  }
0x822: {  	v4 =	vld [tilespmem:s1+$0xA0]  }
0x823: {  	v5 =	vld [tilespmem:s1+$0xB0];
	_ =	sdelay $0x2  }
0x824: {  	s0 =	simm.s32 $0x17400  }
0x825: {  	[tilespmem:v3+s0+$0x0] =	vst.idx.msk $0xffff, v4  }
0x826: {  	[tilespmem:v2+s0+$0x0] =	vst.idx.msk $0xffff, v5  }
0x827: {  	v4 =	vld [tilespmem:s1+$0xC0]  }
0x828: {  	v5 =	vld [tilespmem:s1+$0xD0];
	_ =	sdelay $0x2  }
0x829: {  	s0 =	simm.s32 $0x17600  }
0x82a: {  	[tilespmem:v3+s0+$0x0] =	vst.idx.msk $0xffff, v4  }
0x82b: {  	[tilespmem:v2+s0+$0x0] =	vst.idx.msk $0xffff, v5  }
0x82c: {  	v4 =	vld [tilespmem:s1+$0xE0]  }
0x82d: {  	v5 =	vld [tilespmem:s1+$0xF0];
	_ =	sdelay $0x2  }
0x82e: {  	s0 =	simm.s32 $0x17800  }
0x82f: {  	[tilespmem:v3+s0+$0x0] =	vst.idx.msk $0xffff, v4  }
0x830: {  	[tilespmem:v2+s0+$0x0] =	vst.idx.msk $0xffff, v5  }
0x831: {  	v4 =	vld [tilespmem:s1+$0x100]  }
0x832: {  	v5 =	vld [tilespmem:s1+$0x110];
	_ =	sdelay $0x2  }
0x833: {  	s0 =	simm.s32 $0x17A00  }
0x834: {  	[tilespmem:v3+s0+$0x0] =	vst.idx.msk $0xffff, v4  }
0x835: {  	[tilespmem:v2+s0+$0x0] =	vst.idx.msk $0xffff, v5  }
0x836: {  	v4 =	vld [tilespmem:s1+$0x120]  }
0x837: {  	v5 =	vld [tilespmem:s1+$0x130];
	_ =	sdelay $0x2  }
0x838: {  	s0 =	simm.s32 $0x17C00  }
0x839: {  	[tilespmem:v3+s0+$0x0] =	vst.idx.msk $0xffff, v4  }
0x83a: {  	[tilespmem:v2+s0+$0x0] =	vst.idx.msk $0xffff, v5  }
0x83b: {  	v4 =	vld [tilespmem:s1+$0x140]  }
0x83c: {  	v5 =	vld [tilespmem:s1+$0x150];
	_ =	sdelay $0x2  }
0x83d: {  	s0 =	simm.s32 $0x17E00  }
0x83e: {  	[tilespmem:v3+s0+$0x0] =	vst.idx.msk $0xffff, v4  }
0x83f: {  	[tilespmem:v2+s0+$0x0] =	vst.idx.msk $0xffff, v5  }
0x840: {  	v4 =	vld [tilespmem:s1+$0x160]  }
0x841: {  	v5 =	vld [tilespmem:s1+$0x170];
	_ =	sdelay $0x2  }
0x842: {  	s0 =	simm.s32 $0x18000  }
0x843: {  	[tilespmem:v3+s0+$0x0] =	vst.idx.msk $0xffff, v4  }
0x844: {  	[tilespmem:v2+s0+$0x0] =	vst.idx.msk $0xffff, v5  }
0x845: {  	v4 =	vld [tilespmem:s1+$0x180]  }
0x846: {  	v5 =	vld [tilespmem:s1+$0x190];
	_ =	sdelay $0x2  }
0x847: {  	s0 =	simm.s32 $0x18200  }
0x848: {  	[tilespmem:v3+s0+$0x0] =	vst.idx.msk $0xffff, v4  }
0x849: {  	[tilespmem:v2+s0+$0x0] =	vst.idx.msk $0xffff, v5  }
0x84a: {  	v4 =	vld [tilespmem:s1+$0x1A0]  }
0x84b: {  	v5 =	vld [tilespmem:s1+$0x1B0];
	_ =	sdelay $0x2  }
0x84c: {  	s0 =	simm.s32 $0x18400  }
0x84d: {  	[tilespmem:v3+s0+$0x0] =	vst.idx.msk $0xffff, v4  }
0x84e: {  	[tilespmem:v2+s0+$0x0] =	vst.idx.msk $0xffff, v5  }
0x84f: {  	v4 =	vld [tilespmem:s1+$0x1C0]  }
0x850: {  	v5 =	vld [tilespmem:s1+$0x1D0];
	_ =	sdelay $0x2  }
0x851: {  	s0 =	simm.s32 $0x18600  }
0x852: {  	[tilespmem:v3+s0+$0x0] =	vst.idx.msk $0xffff, v4  }
0x853: {  	[tilespmem:v2+s0+$0x0] =	vst.idx.msk $0xffff, v5  }
0x854: {  	v4 =	vld [tilespmem:s1+$0x1E0]  }
0x855: {  	v5 =	vld [tilespmem:s1+$0x1F0];
	_ =	sdelay $0x2  }
0x856: {  	s0 =	simm.s32 $0x18800  }
0x857: {  	[tilespmem:v3+s0+$0x0] =	vst.idx.msk $0xffff, v4  }
0x858: {  	[tilespmem:v2+s0+$0x0] =	vst.idx.msk $0xffff, v5  }
0x859: {  	v4 =	vld [tilespmem:s1+$0x200]  }
0x85a: {  	v5 =	vld [tilespmem:s1+$0x210];
	_ =	sdelay $0x2  }
0x85b: {  	s0 =	simm.s32 $0x18A00  }
0x85c: {  	[tilespmem:v3+s0+$0x0] =	vst.idx.msk $0xffff, v4  }
0x85d: {  	[tilespmem:v2+s0+$0x0] =	vst.idx.msk $0xffff, v5  }
0x85e: {  	v4 =	vld [tilespmem:s1+$0x220]  }
0x85f: {  	v5 =	vld [tilespmem:s1+$0x230];
	_ =	sdelay $0x2  }
0x860: {  	s0 =	simm.s32 $0x18C00  }
0x861: {  	[tilespmem:v3+s0+$0x0] =	vst.idx.msk $0xffff, v4  }
0x862: {  	[tilespmem:v2+s0+$0x0] =	vst.idx.msk $0xffff, v5  }
0x863: {  	v4 =	vld [tilespmem:s1+$0x240]  }
0x864: {  	v5 =	vld [tilespmem:s1+$0x250];
	_ =	sdelay $0x2  }
0x865: {  	s0 =	simm.s32 $0x18E00  }
0x866: {  	[tilespmem:v3+s0+$0x0] =	vst.idx.msk $0xffff, v4  }
0x867: {  	[tilespmem:v2+s0+$0x0] =	vst.idx.msk $0xffff, v5  }
0x868: {  	v4 =	vld [tilespmem:s1+$0x260]  }
0x869: {  	v5 =	vld [tilespmem:s1+$0x270];
	_ =	sdelay $0x2  }
0x86a: {  	s0 =	simm.s32 $0x19000  }
0x86b: {  	[tilespmem:v3+s0+$0x0] =	vst.idx.msk $0xffff, v4  }
0x86c: {  	[tilespmem:v2+s0+$0x0] =	vst.idx.msk $0xffff, v5  }
0x86d: {  	v4 =	vld [tilespmem:s1+$0x280]  }
0x86e: {  	v5 =	vld [tilespmem:s1+$0x290];
	_ =	sdelay $0x2  }
0x86f: {  	s0 =	simm.s32 $0x19200  }
0x870: {  	[tilespmem:v3+s0+$0x0] =	vst.idx.msk $0xffff, v4  }
0x871: {  	[tilespmem:v2+s0+$0x0] =	vst.idx.msk $0xffff, v5  }
0x872: {  	v4 =	vld [tilespmem:s1+$0x2A0]  }
0x873: {  	v5 =	vld [tilespmem:s1+$0x2B0];
	_ =	sdelay $0x2  }
0x874: {  	s0 =	simm.s32 $0x19400  }
0x875: {  	[tilespmem:v3+s0+$0x0] =	vst.idx.msk $0xffff, v4  }
0x876: {  	[tilespmem:v2+s0+$0x0] =	vst.idx.msk $0xffff, v5  }
0x877: {  	v4 =	vld [tilespmem:s1+$0x2C0]  }
0x878: {  	v5 =	vld [tilespmem:s1+$0x2D0];
	_ =	sdelay $0x2  }
0x879: {  	s0 =	simm.s32 $0x19600  }
0x87a: {  	[tilespmem:v3+s0+$0x0] =	vst.idx.msk $0xffff, v4  }
0x87b: {  	[tilespmem:v2+s0+$0x0] =	vst.idx.msk $0xffff, v5  }
0x87c: {  	v4 =	vld [tilespmem:s1+$0x2E0]  }
0x87d: {  	v5 =	vld [tilespmem:s1+$0x2F0];
	_ =	sdelay $0x2  }
0x87e: {  	s0 =	simm.s32 $0x19800  }
0x87f: {  	[tilespmem:v3+s0+$0x0] =	vst.idx.msk $0xffff, v4  }
0x880: {  	[tilespmem:v2+s0+$0x0] =	vst.idx.msk $0xffff, v5  }
0x881: {  	v6 =	vld [tilespmem:s1+$0x300]  }
.Ltmp5:
0x882: {  	v5 =	vld [tilespmem:s1+$0x310];
	(pc) =	sbr.rel @p0 .LBB2_12-.Ltmp5, $4  }
0x883: {  	_ = 	snop  }
0x884: {  	v4 =	vmov s25;
	s25 =	simm.s32 $0x19A00  }
0x885: {  	v4 =	vand.u32 $0xF, v4  }
0x886: {  	v4 =	vbroadcast v4, $0x0;
	[tilespmem:v3+s25+$0x0] =	vst.idx.msk $0xffff, v6  }
0x887: {  	_ =	sdelay $0x3  }
0x888: {  	[tilespmem:v2+s25+$0x0] =	vst.idx.msk $0xffff, v5;
	s1 =	sadd.s32 $0x640, s1  }
0x889: {  	v2 =	vor.u32 v0, v4;
	v5 =	vld [tilespmem:s1+$0xFFFFFCE0]  }
0x88a: {  	v3 =	vor.u32 v1, v4;
	v62 =	vld [tilespmem:s1+$0xFFFFFCF0];
	_ =	sdelay $0x3  }
0x88b: {  	[tilespmem:v2+s13+$0x0] =	vst.idx.msk $0xffff, v5  }
0x88c: {  	[tilespmem:v3+s13+$0x0] =	vst.idx.msk $0xffff, v62  }
0x88d: {  	v4 =	vld [tilespmem:s1+$0xFFFFFD00]  }
0x88e: {  	v5 =	vld [tilespmem:s1+$0xFFFFFD10];
	_ =	sdelay $0x3  }
0x88f: {  	[tilespmem:v2+s30+$0x0] =	vst.idx.msk $0xffff, v4  }
0x890: {  	[tilespmem:v3+s30+$0x0] =	vst.idx.msk $0xffff, v5  }
0x891: {  	v4 =	vld [tilespmem:s1+$0xFFFFFD20]  }
0x892: {  	v5 =	vld [tilespmem:s1+$0xFFFFFD30];
	_ =	sdelay $0x3  }
0x893: {  	[tilespmem:v2+s21+$0x0] =	vst.idx.msk $0xffff, v4  }
0x894: {  	[tilespmem:v3+s21+$0x0] =	vst.idx.msk $0xffff, v5  }
0x895: {  	v4 =	vld [tilespmem:s1+$0xFFFFFD40]  }
0x896: {  	v5 =	vld [tilespmem:s1+$0xFFFFFD50];
	_ =	sdelay $0x3  }
0x897: {  	[tilespmem:v2+s7+$0x0] =	vst.idx.msk $0xffff, v4  }
0x898: {  	[tilespmem:v3+s7+$0x0] =	vst.idx.msk $0xffff, v5  }
0x899: {  	v4 =	vld [tilespmem:s1+$0xFFFFFD60]  }
0x89a: {  	v5 =	vld [tilespmem:s1+$0xFFFFFD70];
	_ =	sdelay $0x3  }
0x89b: {  	[tilespmem:v2+s3+$0x0] =	vst.idx.msk $0xffff, v4  }
0x89c: {  	[tilespmem:v3+s3+$0x0] =	vst.idx.msk $0xffff, v5  }
0x89d: {  	v4 =	vld [tilespmem:s1+$0xFFFFFD80]  }
0x89e: {  	v5 =	vld [tilespmem:s1+$0xFFFFFD90];
	_ =	sdelay $0x3  }
0x89f: {  	[tilespmem:v2+s8+$0x0] =	vst.idx.msk $0xffff, v4  }
0x8a0: {  	[tilespmem:v3+s8+$0x0] =	vst.idx.msk $0xffff, v5  }
0x8a1: {  	v4 =	vld [tilespmem:s1+$0xFFFFFDA0]  }
0x8a2: {  	v5 =	vld [tilespmem:s1+$0xFFFFFDB0];
	_ =	sdelay $0x3  }
0x8a3: {  	[tilespmem:v2+s6+$0x0] =	vst.idx.msk $0xffff, v4  }
0x8a4: {  	[tilespmem:v3+s6+$0x0] =	vst.idx.msk $0xffff, v5  }
0x8a5: {  	v4 =	vld [tilespmem:s1+$0xFFFFFDC0]  }
0x8a6: {  	v5 =	vld [tilespmem:s1+$0xFFFFFDD0];
	_ =	sdelay $0x3  }
0x8a7: {  	[tilespmem:v2+s9+$0x0] =	vst.idx.msk $0xffff, v4  }
0x8a8: {  	[tilespmem:v3+s9+$0x0] =	vst.idx.msk $0xffff, v5  }
0x8a9: {  	v4 =	vld [tilespmem:s1+$0xFFFFFDE0]  }
0x8aa: {  	v5 =	vld [tilespmem:s1+$0xFFFFFDF0];
	_ =	sdelay $0x3  }
0x8ab: {  	[tilespmem:v2+s10+$0x0] =	vst.idx.msk $0xffff, v4  }
0x8ac: {  	[tilespmem:v3+s10+$0x0] =	vst.idx.msk $0xffff, v5  }
0x8ad: {  	v4 =	vld [tilespmem:s1+$0xFFFFFE00]  }
0x8ae: {  	v5 =	vld [tilespmem:s1+$0xFFFFFE10];
	_ =	sdelay $0x3  }
0x8af: {  	[tilespmem:v2+s12+$0x0] =	vst.idx.msk $0xffff, v4  }
0x8b0: {  	[tilespmem:v3+s12+$0x0] =	vst.idx.msk $0xffff, v5  }
0x8b1: {  	v4 =	vld [tilespmem:s1+$0xFFFFFE20]  }
0x8b2: {  	v5 =	vld [tilespmem:s1+$0xFFFFFE30];
	_ =	sdelay $0x3  }
0x8b3: {  	[tilespmem:v2+s14+$0x0] =	vst.idx.msk $0xffff, v4  }
0x8b4: {  	[tilespmem:v3+s14+$0x0] =	vst.idx.msk $0xffff, v5  }
0x8b5: {  	v4 =	vld [tilespmem:s1+$0xFFFFFE40]  }
0x8b6: {  	v5 =	vld [tilespmem:s1+$0xFFFFFE50];
	_ =	sdelay $0x3  }
0x8b7: {  	[tilespmem:v2+s16+$0x0] =	vst.idx.msk $0xffff, v4  }
0x8b8: {  	[tilespmem:v3+s16+$0x0] =	vst.idx.msk $0xffff, v5  }
0x8b9: {  	v4 =	vld [tilespmem:s1+$0xFFFFFE60]  }
0x8ba: {  	v5 =	vld [tilespmem:s1+$0xFFFFFE70];
	_ =	sdelay $0x3  }
0x8bb: {  	[tilespmem:v2+s18+$0x0] =	vst.idx.msk $0xffff, v4  }
0x8bc: {  	[tilespmem:v3+s18+$0x0] =	vst.idx.msk $0xffff, v5  }
0x8bd: {  	v4 =	vld [tilespmem:s1+$0xFFFFFE80]  }
0x8be: {  	v5 =	vld [tilespmem:s1+$0xFFFFFE90];
	_ =	sdelay $0x3  }
0x8bf: {  	[tilespmem:v2+s20+$0x0] =	vst.idx.msk $0xffff, v4  }
0x8c0: {  	[tilespmem:v3+s20+$0x0] =	vst.idx.msk $0xffff, v5  }
0x8c1: {  	v4 =	vld [tilespmem:s1+$0xFFFFFEA0]  }
0x8c2: {  	v5 =	vld [tilespmem:s1+$0xFFFFFEB0];
	_ =	sdelay $0x3  }
0x8c3: {  	[tilespmem:v2+s2+$0x0] =	vst.idx.msk $0xffff, v4  }
0x8c4: {  	[tilespmem:v3+s2+$0x0] =	vst.idx.msk $0xffff, v5  }
0x8c5: {  	v4 =	vld [tilespmem:s1+$0xFFFFFEC0]  }
0x8c6: {  	v5 =	vld [tilespmem:s1+$0xFFFFFED0];
	_ =	sdelay $0x3  }
0x8c7: {  	[tilespmem:v2+s4+$0x0] =	vst.idx.msk $0xffff, v4  }
0x8c8: {  	[tilespmem:v3+s4+$0x0] =	vst.idx.msk $0xffff, v5  }
0x8c9: {  	v4 =	vld [tilespmem:s1+$0xFFFFFEE0]  }
0x8ca: {  	v5 =	vld [tilespmem:s1+$0xFFFFFEF0];
	_ =	sdelay $0x3  }
0x8cb: {  	[tilespmem:v2+s11+$0x0] =	vst.idx.msk $0xffff, v4  }
0x8cc: {  	[tilespmem:v3+s11+$0x0] =	vst.idx.msk $0xffff, v5  }
0x8cd: {  	v4 =	vld [tilespmem:s1+$0xFFFFFF00]  }
0x8ce: {  	v5 =	vld [tilespmem:s1+$0xFFFFFF10];
	_ =	sdelay $0x3  }
0x8cf: {  	[tilespmem:v2+s22+$0x0] =	vst.idx.msk $0xffff, v4  }
0x8d0: {  	[tilespmem:v3+s22+$0x0] =	vst.idx.msk $0xffff, v5  }
0x8d1: {  	v4 =	vld [tilespmem:s1+$0xFFFFFF20]  }
0x8d2: {  	v5 =	vld [tilespmem:s1+$0xFFFFFF30];
	_ =	sdelay $0x3  }
0x8d3: {  	[tilespmem:v2+s5+$0x0] =	vst.idx.msk $0xffff, v4  }
0x8d4: {  	[tilespmem:v3+s5+$0x0] =	vst.idx.msk $0xffff, v5  }
0x8d5: {  	v4 =	vld [tilespmem:s1+$0xFFFFFF40]  }
0x8d6: {  	v5 =	vld [tilespmem:s1+$0xFFFFFF50];
	_ =	sdelay $0x3  }
0x8d7: {  	[tilespmem:v2+s24+$0x0] =	vst.idx.msk $0xffff, v4  }
0x8d8: {  	[tilespmem:v3+s24+$0x0] =	vst.idx.msk $0xffff, v5  }
0x8d9: {  	v4 =	vld [tilespmem:s1+$0xFFFFFF60]  }
0x8da: {  	v5 =	vld [tilespmem:s1+$0xFFFFFF70];
	_ =	sdelay $0x3  }
0x8db: {  	[tilespmem:v2+s26+$0x0] =	vst.idx.msk $0xffff, v4  }
0x8dc: {  	[tilespmem:v3+s26+$0x0] =	vst.idx.msk $0xffff, v5  }
0x8dd: {  	v4 =	vld [tilespmem:s1+$0xFFFFFF80]  }
0x8de: {  	v5 =	vld [tilespmem:s1+$0xFFFFFF90];
	_ =	sdelay $0x3  }
0x8df: {  	[tilespmem:v2+s29+$0x0] =	vst.idx.msk $0xffff, v4  }
0x8e0: {  	[tilespmem:v3+s29+$0x0] =	vst.idx.msk $0xffff, v5  }
0x8e1: {  	v4 =	vld [tilespmem:s1+$0xFFFFFFA0]  }
0x8e2: {  	v5 =	vld [tilespmem:s1+$0xFFFFFFB0];
	_ =	sdelay $0x3  }
0x8e3: {  	[tilespmem:v2+s31+$0x0] =	vst.idx.msk $0xffff, v4  }
0x8e4: {  	[tilespmem:v3+s31+$0x0] =	vst.idx.msk $0xffff, v5  }
0x8e5: {  	v4 =	vld [tilespmem:s1+$0xFFFFFFC0]  }
0x8e6: {  	v5 =	vld [tilespmem:s1+$0xFFFFFFD0];
	_ =	sdelay $0x2  }
0x8e7: {  	s0 =	simm.s32 $0x16600  }
0x8e8: {  	[tilespmem:v2+s0+$0x0] =	vst.idx.msk $0xffff, v4  }
0x8e9: {  	[tilespmem:v3+s0+$0x0] =	vst.idx.msk $0xffff, v5  }
0x8ea: {  	v4 =	vld [tilespmem:s1+$0xFFFFFFE0]  }
0x8eb: {  	v5 =	vld [tilespmem:s1+$0xFFFFFFF0];
	_ =	sdelay $0x3  }
0x8ec: {  	[tilespmem:v2+s15+$0x0] =	vst.idx.msk $0xffff, v4  }
0x8ed: {  	[tilespmem:v3+s15+$0x0] =	vst.idx.msk $0xffff, v5  }
0x8ee: {  	v4 =	vld [tilespmem:s1+$0x0]  }
0x8ef: {  	v5 =	vld [tilespmem:s1+$0x10];
	_ =	sdelay $0x3  }
0x8f0: {  	[tilespmem:v2+s19+$0x0] =	vst.idx.msk $0xffff, v4  }
0x8f1: {  	[tilespmem:v3+s19+$0x0] =	vst.idx.msk $0xffff, v5  }
0x8f2: {  	v4 =	vld [tilespmem:s1+$0x20]  }
0x8f3: {  	v5 =	vld [tilespmem:s1+$0x30];
	_ =	sdelay $0x3  }
0x8f4: {  	[tilespmem:v2+s23+$0x0] =	vst.idx.msk $0xffff, v4  }
0x8f5: {  	[tilespmem:v3+s23+$0x0] =	vst.idx.msk $0xffff, v5  }
0x8f6: {  	v4 =	vld [tilespmem:s1+$0x40]  }
0x8f7: {  	v5 =	vld [tilespmem:s1+$0x50];
	_ =	sdelay $0x3  }
0x8f8: {  	[tilespmem:v2+s28+$0x0] =	vst.idx.msk $0xffff, v4  }
0x8f9: {  	[tilespmem:v3+s28+$0x0] =	vst.idx.msk $0xffff, v5  }
0x8fa: {  	v4 =	vld [tilespmem:s1+$0x60]  }
0x8fb: {  	v5 =	vld [tilespmem:s1+$0x70];
	_ =	sdelay $0x2  }
0x8fc: {  	s8 =	simm.s32 $0x17000  }
0x8fd: {  	[tilespmem:v2+s8+$0x0] =	vst.idx.msk $0xffff, v4  }
0x8fe: {  	[tilespmem:v3+s8+$0x0] =	vst.idx.msk $0xffff, v5  }
0x8ff: {  	v4 =	vld [tilespmem:s1+$0x80]  }
0x900: {  	v5 =	vld [tilespmem:s1+$0x90];
	_ =	sdelay $0x2  }
0x901: {  	s9 =	simm.s32 $0x17200  }
0x902: {  	[tilespmem:v2+s9+$0x0] =	vst.idx.msk $0xffff, v4  }
0x903: {  	[tilespmem:v3+s9+$0x0] =	vst.idx.msk $0xffff, v5  }
0x904: {  	v4 =	vld [tilespmem:s1+$0xA0]  }
0x905: {  	v5 =	vld [tilespmem:s1+$0xB0];
	_ =	sdelay $0x2  }
0x906: {  	s10 =	simm.s32 $0x17400  }
0x907: {  	[tilespmem:v2+s10+$0x0] =	vst.idx.msk $0xffff, v4  }
0x908: {  	[tilespmem:v3+s10+$0x0] =	vst.idx.msk $0xffff, v5  }
0x909: {  	v4 =	vld [tilespmem:s1+$0xC0]  }
0x90a: {  	v5 =	vld [tilespmem:s1+$0xD0];
	_ =	sdelay $0x2  }
0x90b: {  	s11 =	simm.s32 $0x17600  }
0x90c: {  	[tilespmem:v2+s11+$0x0] =	vst.idx.msk $0xffff, v4  }
0x90d: {  	[tilespmem:v3+s11+$0x0] =	vst.idx.msk $0xffff, v5  }
0x90e: {  	v4 =	vld [tilespmem:s1+$0xE0]  }
0x90f: {  	v5 =	vld [tilespmem:s1+$0xF0];
	_ =	sdelay $0x2  }
0x910: {  	s12 =	simm.s32 $0x17800  }
0x911: {  	[tilespmem:v2+s12+$0x0] =	vst.idx.msk $0xffff, v4  }
0x912: {  	[tilespmem:v3+s12+$0x0] =	vst.idx.msk $0xffff, v5  }
0x913: {  	v4 =	vld [tilespmem:s1+$0x100]  }
0x914: {  	v5 =	vld [tilespmem:s1+$0x110];
	_ =	sdelay $0x2  }
0x915: {  	s13 =	simm.s32 $0x17A00  }
0x916: {  	[tilespmem:v2+s13+$0x0] =	vst.idx.msk $0xffff, v4  }
0x917: {  	[tilespmem:v3+s13+$0x0] =	vst.idx.msk $0xffff, v5  }
0x918: {  	v4 =	vld [tilespmem:s1+$0x120]  }
0x919: {  	v5 =	vld [tilespmem:s1+$0x130];
	_ =	sdelay $0x2  }
0x91a: {  	s14 =	simm.s32 $0x17C00  }
0x91b: {  	[tilespmem:v2+s14+$0x0] =	vst.idx.msk $0xffff, v4  }
0x91c: {  	[tilespmem:v3+s14+$0x0] =	vst.idx.msk $0xffff, v5  }
0x91d: {  	v4 =	vld [tilespmem:s1+$0x140]  }
0x91e: {  	v5 =	vld [tilespmem:s1+$0x150];
	_ =	sdelay $0x2  }
0x91f: {  	s15 =	simm.s32 $0x17E00  }
0x920: {  	[tilespmem:v2+s15+$0x0] =	vst.idx.msk $0xffff, v4  }
0x921: {  	[tilespmem:v3+s15+$0x0] =	vst.idx.msk $0xffff, v5  }
0x922: {  	v4 =	vld [tilespmem:s1+$0x160]  }
0x923: {  	v5 =	vld [tilespmem:s1+$0x170];
	_ =	sdelay $0x2  }
0x924: {  	s16 =	simm.s32 $0x18000  }
0x925: {  	[tilespmem:v2+s16+$0x0] =	vst.idx.msk $0xffff, v4  }
0x926: {  	[tilespmem:v3+s16+$0x0] =	vst.idx.msk $0xffff, v5  }
0x927: {  	v4 =	vld [tilespmem:s1+$0x180]  }
0x928: {  	v5 =	vld [tilespmem:s1+$0x190];
	_ =	sdelay $0x2  }
0x929: {  	s17 =	simm.s32 $0x18200  }
0x92a: {  	[tilespmem:v2+s17+$0x0] =	vst.idx.msk $0xffff, v4  }
0x92b: {  	[tilespmem:v3+s17+$0x0] =	vst.idx.msk $0xffff, v5  }
0x92c: {  	v4 =	vld [tilespmem:s1+$0x1A0]  }
0x92d: {  	v5 =	vld [tilespmem:s1+$0x1B0];
	_ =	sdelay $0x2  }
0x92e: {  	s18 =	simm.s32 $0x18400  }
0x92f: {  	[tilespmem:v2+s18+$0x0] =	vst.idx.msk $0xffff, v4  }
0x930: {  	[tilespmem:v3+s18+$0x0] =	vst.idx.msk $0xffff, v5  }
0x931: {  	v4 =	vld [tilespmem:s1+$0x1C0]  }
0x932: {  	v5 =	vld [tilespmem:s1+$0x1D0];
	_ =	sdelay $0x2  }
0x933: {  	s19 =	simm.s32 $0x18600  }
0x934: {  	[tilespmem:v2+s19+$0x0] =	vst.idx.msk $0xffff, v4  }
0x935: {  	[tilespmem:v3+s19+$0x0] =	vst.idx.msk $0xffff, v5  }
0x936: {  	v4 =	vld [tilespmem:s1+$0x1E0]  }
0x937: {  	v5 =	vld [tilespmem:s1+$0x1F0];
	_ =	sdelay $0x2  }
0x938: {  	s20 =	simm.s32 $0x18800  }
0x939: {  	[tilespmem:v2+s20+$0x0] =	vst.idx.msk $0xffff, v4  }
0x93a: {  	[tilespmem:v3+s20+$0x0] =	vst.idx.msk $0xffff, v5  }
0x93b: {  	v4 =	vld [tilespmem:s1+$0x200]  }
0x93c: {  	v5 =	vld [tilespmem:s1+$0x210];
	_ =	sdelay $0x2  }
0x93d: {  	s21 =	simm.s32 $0x18A00  }
0x93e: {  	[tilespmem:v2+s21+$0x0] =	vst.idx.msk $0xffff, v4  }
0x93f: {  	[tilespmem:v3+s21+$0x0] =	vst.idx.msk $0xffff, v5  }
0x940: {  	v4 =	vld [tilespmem:s1+$0x220]  }
0x941: {  	v5 =	vld [tilespmem:s1+$0x230];
	_ =	sdelay $0x2  }
0x942: {  	s22 =	simm.s32 $0x18C00  }
0x943: {  	[tilespmem:v2+s22+$0x0] =	vst.idx.msk $0xffff, v4  }
0x944: {  	[tilespmem:v3+s22+$0x0] =	vst.idx.msk $0xffff, v5  }
0x945: {  	v4 =	vld [tilespmem:s1+$0x240]  }
0x946: {  	v5 =	vld [tilespmem:s1+$0x250];
	_ =	sdelay $0x2  }
0x947: {  	s23 =	simm.s32 $0x18E00  }
0x948: {  	[tilespmem:v2+s23+$0x0] =	vst.idx.msk $0xffff, v4  }
0x949: {  	[tilespmem:v3+s23+$0x0] =	vst.idx.msk $0xffff, v5  }
0x94a: {  	v4 =	vld [tilespmem:s1+$0x260]  }
0x94b: {  	v5 =	vld [tilespmem:s1+$0x270];
	_ =	sdelay $0x2  }
0x94c: {  	s24 =	simm.s32 $0x19000  }
0x94d: {  	[tilespmem:v2+s24+$0x0] =	vst.idx.msk $0xffff, v4  }
0x94e: {  	[tilespmem:v3+s24+$0x0] =	vst.idx.msk $0xffff, v5  }
0x94f: {  	v4 =	vld [tilespmem:s1+$0x280]  }
0x950: {  	v5 =	vld [tilespmem:s1+$0x290];
	_ =	sdelay $0x2  }
0x951: {  	s26 =	simm.s32 $0x19200  }
0x952: {  	[tilespmem:v2+s26+$0x0] =	vst.idx.msk $0xffff, v4  }
0x953: {  	[tilespmem:v3+s26+$0x0] =	vst.idx.msk $0xffff, v5  }
0x954: {  	v4 =	vld [tilespmem:s1+$0x2A0]  }
0x955: {  	v5 =	vld [tilespmem:s1+$0x2B0];
	_ =	sdelay $0x2  }
0x956: {  	s28 =	simm.s32 $0x19400  }
0x957: {  	[tilespmem:v2+s28+$0x0] =	vst.idx.msk $0xffff, v4  }
0x958: {  	[tilespmem:v3+s28+$0x0] =	vst.idx.msk $0xffff, v5  }
0x959: {  	v4 =	vld [tilespmem:s1+$0x2C0]  }
0x95a: {  	v5 =	vld [tilespmem:s1+$0x2D0];
	_ =	sdelay $0x2  }
0x95b: {  	s29 =	simm.s32 $0x19600  }
0x95c: {  	[tilespmem:v2+s29+$0x0] =	vst.idx.msk $0xffff, v4  }
0x95d: {  	[tilespmem:v3+s29+$0x0] =	vst.idx.msk $0xffff, v5  }
0x95e: {  	v4 =	vld [tilespmem:s1+$0x2E0]  }
0x95f: {  	v5 =	vld [tilespmem:s1+$0x2F0];
	_ =	sdelay $0x2  }
0x960: {  	s30 =	simm.s32 $0x19800  }
0x961: {  	[tilespmem:v2+s30+$0x0] =	vst.idx.msk $0xffff, v4  }
0x962: {  	[tilespmem:v3+s30+$0x0] =	vst.idx.msk $0xffff, v5  }
0x963: {  	v4 =	vld [tilespmem:s1+$0x300]  }
0x964: {  	v5 =	vld [tilespmem:s1+$0x310];
	_ =	sdelay $0x3  }
0x965: {  	s2 =	simm.s32 $0x80;
	s31 =	simm.s32 $0x13800;
	[tilespmem:v2+s25+$0x0] =	vst.idx.msk $0xffff, v4  }
0x966: {  	s0 =	simm.s32 $0x10;
	s17 =	rddreg [dreg:$0x6];
	s1 =	simm.s32 $0x200;
	[tilespmem:v3+s25+$0x0] =	vst.idx.msk $0xffff, v5  }
0x967: {  	[hbm4b:s17+s0] =	stream.strided.scatter [tilespmem:s31], [sflag:$0x3], $0x80, s2, s0, $0x38;
	v63 =	vld [tilespmem:$0x0]  }
.LBB2_14:
0x968: {  	p0 =	sne.s32 s1, $0x18E00  }
.Ltmp6:
0x969: {  	_ = 	snop;
	(pc) =	sbr.rel @p0 .LBB2_14-.Ltmp6, $4  }
0x96a: {  	_ = 	snop  }
0x96b: {  	s25 =	sshra.s32 s1, $0x2;
	s1 =	sadd.s32 $0x200, s1  }
0x96c: {  	s17 =	sadd.s32 $0x4000, s17;
	s25 =	sadd.s32 $0x13800, s25  }
0x96d: {  	[hbm4b:s17+s0] =	stream.strided.scatter [tilespmem:s25], [sflag:$0x3], $0x80, s2, s0, $0x38;
	v63 =	vld [tilespmem:$0x0]  }
0x96e: {  	s0 =	simm.s32 $0x4  }
0x96f: {  	_ =	swait.ge [sflag:s0], $0x6400  }
0x970: {  	[sflag:s0] =	ssyncset.done $0x0  }
0x971: {  	s3 =	simm.s32 $0x2;
	[sflag:s0] =	ssyncadd.s32 $0xFFFF9C00  }
0x972: {  	_ =	swait.ge [sflag:s3], $0x640  }
0x973: {  	[sflag:s3] =	ssyncset.done $0x0  }
0x974: {  	[sflag:s3] =	ssyncadd.s32 $0xFFFFF9C0  }
0x975: {  	_ =	swait.ge [sflag:s3], $0x640  }
0x976: {  	[sflag:s3] =	ssyncset.done $0x0  }
0x977: {  	[sflag:s3] =	ssyncadd.s32 $0xFFFFF9C0  }
0x978: {  	_ =	swait.ge [sflag:s3], $0x640  }
0x979: {  	[sflag:s3] =	ssyncset.done $0x0  }
0x97a: {  	[sflag:s3] =	ssyncadd.s32 $0xFFFFF9C0  }
0x97b: {  	_ =	swait.ge [sflag:s3], $0x640  }
0x97c: {  	[sflag:s3] =	ssyncset.done $0x0  }
0x97d: {  	[sflag:s3] =	ssyncadd.s32 $0xFFFFF9C0  }
0x97e: {  	_ =	swait.ge [sflag:s3], $0x640  }
0x97f: {  	[sflag:s3] =	ssyncset.done $0x0  }
0x980: {  	[sflag:s3] =	ssyncadd.s32 $0xFFFFF9C0  }
0x981: {  	_ =	swait.ge [sflag:s3], $0x640  }
0x982: {  	[sflag:s3] =	ssyncset.done $0x0  }
0x983: {  	[sflag:s3] =	ssyncadd.s32 $0xFFFFF9C0  }
0x984: {  	_ =	swait.ge [sflag:s3], $0x640  }
0x985: {  	[sflag:s3] =	ssyncset.done $0x0  }
0x986: {  	[sflag:s3] =	ssyncadd.s32 $0xFFFFF9C0  }
0x987: {  	_ =	swait.ge [sflag:s3], $0x640  }
0x988: {  	[sflag:s3] =	ssyncset.done $0x0  }
0x989: {  	[sflag:s3] =	ssyncadd.s32 $0xFFFFF9C0  }
0x98a: {  	_ =	swait.ge [sflag:s3], $0x640  }
0x98b: {  	[sflag:s3] =	ssyncset.done $0x0  }
0x98c: {  	[sflag:s3] =	ssyncadd.s32 $0xFFFFF9C0  }
0x98d: {  	_ =	swait.ge [sflag:s3], $0x640  }
0x98e: {  	[sflag:s3] =	ssyncset.done $0x0  }
0x98f: {  	[sflag:s3] =	ssyncadd.s32 $0xFFFFF9C0  }
0x990: {  	_ =	swait.ge [sflag:s3], $0x640  }
0x991: {  	[sflag:s3] =	ssyncset.done $0x0  }
0x992: {  	[sflag:s3] =	ssyncadd.s32 $0xFFFFF9C0  }
0x993: {  	_ =	swait.ge [sflag:s3], $0x640  }
0x994: {  	[sflag:s3] =	ssyncset.done $0x0  }
0x995: {  	[sflag:s3] =	ssyncadd.s32 $0xFFFFF9C0  }
0x996: {  	_ =	swait.ge [sflag:s3], $0x640  }
0x997: {  	[sflag:s3] =	ssyncset.done $0x0  }
0x998: {  	[sflag:s3] =	ssyncadd.s32 $0xFFFFF9C0  }
0x999: {  	_ =	swait.ge [sflag:s3], $0x640  }
0x99a: {  	[sflag:s3] =	ssyncset.done $0x0  }
0x99b: {  	[sflag:s3] =	ssyncadd.s32 $0xFFFFF9C0  }
0x99c: {  	_ =	swait.ge [sflag:s3], $0x640  }
0x99d: {  	s1 =	simm.s32 $0x0;
	[sflag:s3] =	ssyncset.done $0x0  }
0x99e: {  	v2 =	vmov s1;
	[sflag:s3] =	ssyncadd.s32 $0xFFFFF9C0  }
0x99f: {  	v2 =	vand.u32 $0xF, v2;
	_ =	swait.ge [sflag:s3], $0x640  }
0x9a0: {  	v2 =	vbroadcast v2, $0x0;
	[sflag:s3] =	ssyncset.done $0x0  }
0x9a1: {  	s1 =	simm.s32 $0xD720;
	[sflag:s3] =	ssyncadd.s32 $0xFFFFF9C0  }
0x9a2: {  	v3 =	vor.u32 v0, v2;
	v4 =	vld [tilespmem:s1+$0xFFFFFCE0]  }
0x9a3: {  	v2 =	vor.u32 v1, v2;
	v5 =	vld [tilespmem:s1+$0xFFFFFCF0];
	_ =	sdelay $0x2  }
0x9a4: {  	s3 =	simm.s32 $0x19C00  }
0x9a5: {  	[tilespmem:v3+s3+$0x0] =	vst.idx.msk $0xffff, v4  }
0x9a6: {  	[tilespmem:v2+s3+$0x0] =	vst.idx.msk $0xffff, v5  }
0x9a7: {  	v4 =	vld [tilespmem:s1+$0xFFFFFD00]  }
0x9a8: {  	v5 =	vld [tilespmem:s1+$0xFFFFFD10];
	_ =	sdelay $0x2  }
0x9a9: {  	s4 =	simm.s32 $0x19E00  }
0x9aa: {  	[tilespmem:v3+s4+$0x0] =	vst.idx.msk $0xffff, v4  }
0x9ab: {  	[tilespmem:v2+s4+$0x0] =	vst.idx.msk $0xffff, v5  }
0x9ac: {  	v4 =	vld [tilespmem:s1+$0xFFFFFD20]  }
0x9ad: {  	v5 =	vld [tilespmem:s1+$0xFFFFFD30];
	_ =	sdelay $0x2  }
0x9ae: {  	s5 =	simm.s32 $0x1A000  }
0x9af: {  	[tilespmem:v3+s5+$0x0] =	vst.idx.msk $0xffff, v4  }
0x9b0: {  	[tilespmem:v2+s5+$0x0] =	vst.idx.msk $0xffff, v5  }
0x9b1: {  	v4 =	vld [tilespmem:s1+$0xFFFFFD40]  }
0x9b2: {  	v5 =	vld [tilespmem:s1+$0xFFFFFD50];
	_ =	sdelay $0x2  }
0x9b3: {  	s6 =	simm.s32 $0x1A200  }
0x9b4: {  	[tilespmem:v3+s6+$0x0] =	vst.idx.msk $0xffff, v4  }
0x9b5: {  	[tilespmem:v2+s6+$0x0] =	vst.idx.msk $0xffff, v5  }
0x9b6: {  	v4 =	vld [tilespmem:s1+$0xFFFFFD60]  }
0x9b7: {  	v5 =	vld [tilespmem:s1+$0xFFFFFD70];
	_ =	sdelay $0x2  }
0x9b8: {  	s7 =	simm.s32 $0x1A400  }
0x9b9: {  	[tilespmem:v3+s7+$0x0] =	vst.idx.msk $0xffff, v4  }
0x9ba: {  	[tilespmem:v2+s7+$0x0] =	vst.idx.msk $0xffff, v5  }
0x9bb: {  	v4 =	vld [tilespmem:s1+$0xFFFFFD80]  }
0x9bc: {  	v5 =	vld [tilespmem:s1+$0xFFFFFD90];
	_ =	sdelay $0x2  }
0x9bd: {  	s8 =	simm.s32 $0x1A600  }
0x9be: {  	[tilespmem:v3+s8+$0x0] =	vst.idx.msk $0xffff, v4  }
0x9bf: {  	[tilespmem:v2+s8+$0x0] =	vst.idx.msk $0xffff, v5  }
0x9c0: {  	v4 =	vld [tilespmem:s1+$0xFFFFFDA0]  }
0x9c1: {  	v5 =	vld [tilespmem:s1+$0xFFFFFDB0];
	_ =	sdelay $0x2  }
0x9c2: {  	s9 =	simm.s32 $0x1A800  }
0x9c3: {  	[tilespmem:v3+s9+$0x0] =	vst.idx.msk $0xffff, v4  }
0x9c4: {  	[tilespmem:v2+s9+$0x0] =	vst.idx.msk $0xffff, v5  }
0x9c5: {  	v4 =	vld [tilespmem:s1+$0xFFFFFDC0]  }
0x9c6: {  	v5 =	vld [tilespmem:s1+$0xFFFFFDD0];
	_ =	sdelay $0x2  }
0x9c7: {  	s10 =	simm.s32 $0x1AA00  }
0x9c8: {  	[tilespmem:v3+s10+$0x0] =	vst.idx.msk $0xffff, v4  }
0x9c9: {  	[tilespmem:v2+s10+$0x0] =	vst.idx.msk $0xffff, v5  }
0x9ca: {  	v4 =	vld [tilespmem:s1+$0xFFFFFDE0]  }
0x9cb: {  	v5 =	vld [tilespmem:s1+$0xFFFFFDF0];
	_ =	sdelay $0x2  }
0x9cc: {  	s11 =	simm.s32 $0x1AC00  }
0x9cd: {  	[tilespmem:v3+s11+$0x0] =	vst.idx.msk $0xffff, v4  }
0x9ce: {  	[tilespmem:v2+s11+$0x0] =	vst.idx.msk $0xffff, v5  }
0x9cf: {  	v4 =	vld [tilespmem:s1+$0xFFFFFE00]  }
0x9d0: {  	v5 =	vld [tilespmem:s1+$0xFFFFFE10];
	_ =	sdelay $0x2  }
0x9d1: {  	s12 =	simm.s32 $0x1AE00  }
0x9d2: {  	[tilespmem:v3+s12+$0x0] =	vst.idx.msk $0xffff, v4  }
0x9d3: {  	[tilespmem:v2+s12+$0x0] =	vst.idx.msk $0xffff, v5  }
0x9d4: {  	v4 =	vld [tilespmem:s1+$0xFFFFFE20]  }
0x9d5: {  	v5 =	vld [tilespmem:s1+$0xFFFFFE30];
	_ =	sdelay $0x2  }
0x9d6: {  	s13 =	simm.s32 $0x1B000  }
0x9d7: {  	[tilespmem:v3+s13+$0x0] =	vst.idx.msk $0xffff, v4  }
0x9d8: {  	[tilespmem:v2+s13+$0x0] =	vst.idx.msk $0xffff, v5  }
0x9d9: {  	v4 =	vld [tilespmem:s1+$0xFFFFFE40]  }
0x9da: {  	v5 =	vld [tilespmem:s1+$0xFFFFFE50];
	_ =	sdelay $0x2  }
0x9db: {  	s14 =	simm.s32 $0x1B200  }
0x9dc: {  	[tilespmem:v3+s14+$0x0] =	vst.idx.msk $0xffff, v4  }
0x9dd: {  	[tilespmem:v2+s14+$0x0] =	vst.idx.msk $0xffff, v5  }
0x9de: {  	v4 =	vld [tilespmem:s1+$0xFFFFFE60]  }
0x9df: {  	v5 =	vld [tilespmem:s1+$0xFFFFFE70];
	_ =	sdelay $0x2  }
0x9e0: {  	s15 =	simm.s32 $0x1B400  }
0x9e1: {  	[tilespmem:v3+s15+$0x0] =	vst.idx.msk $0xffff, v4  }
0x9e2: {  	[tilespmem:v2+s15+$0x0] =	vst.idx.msk $0xffff, v5  }
0x9e3: {  	v4 =	vld [tilespmem:s1+$0xFFFFFE80]  }
0x9e4: {  	v5 =	vld [tilespmem:s1+$0xFFFFFE90];
	_ =	sdelay $0x2  }
0x9e5: {  	s16 =	simm.s32 $0x1B600  }
0x9e6: {  	[tilespmem:v3+s16+$0x0] =	vst.idx.msk $0xffff, v4  }
0x9e7: {  	[tilespmem:v2+s16+$0x0] =	vst.idx.msk $0xffff, v5  }
0x9e8: {  	v4 =	vld [tilespmem:s1+$0xFFFFFEA0]  }
0x9e9: {  	v5 =	vld [tilespmem:s1+$0xFFFFFEB0];
	_ =	sdelay $0x2  }
0x9ea: {  	s18 =	simm.s32 $0x1B800  }
0x9eb: {  	[tilespmem:v3+s18+$0x0] =	vst.idx.msk $0xffff, v4  }
0x9ec: {  	[tilespmem:v2+s18+$0x0] =	vst.idx.msk $0xffff, v5  }
0x9ed: {  	v4 =	vld [tilespmem:s1+$0xFFFFFEC0]  }
0x9ee: {  	v5 =	vld [tilespmem:s1+$0xFFFFFED0];
	_ =	sdelay $0x2  }
0x9ef: {  	s19 =	simm.s32 $0x1BA00  }
0x9f0: {  	[tilespmem:v3+s19+$0x0] =	vst.idx.msk $0xffff, v4  }
0x9f1: {  	[tilespmem:v2+s19+$0x0] =	vst.idx.msk $0xffff, v5  }
0x9f2: {  	v4 =	vld [tilespmem:s1+$0xFFFFFEE0]  }
0x9f3: {  	v5 =	vld [tilespmem:s1+$0xFFFFFEF0];
	_ =	sdelay $0x2  }
0x9f4: {  	s20 =	simm.s32 $0x1BC00  }
0x9f5: {  	[tilespmem:v3+s20+$0x0] =	vst.idx.msk $0xffff, v4  }
0x9f6: {  	[tilespmem:v2+s20+$0x0] =	vst.idx.msk $0xffff, v5  }
0x9f7: {  	v4 =	vld [tilespmem:s1+$0xFFFFFF00]  }
0x9f8: {  	v5 =	vld [tilespmem:s1+$0xFFFFFF10];
	_ =	sdelay $0x2  }
0x9f9: {  	s21 =	simm.s32 $0x1BE00  }
0x9fa: {  	[tilespmem:v3+s21+$0x0] =	vst.idx.msk $0xffff, v4  }
0x9fb: {  	[tilespmem:v2+s21+$0x0] =	vst.idx.msk $0xffff, v5  }
0x9fc: {  	v4 =	vld [tilespmem:s1+$0xFFFFFF20]  }
0x9fd: {  	v5 =	vld [tilespmem:s1+$0xFFFFFF30];
	_ =	sdelay $0x2  }
0x9fe: {  	s22 =	simm.s32 $0x1C000  }
0x9ff: {  	[tilespmem:v3+s22+$0x0] =	vst.idx.msk $0xffff, v4  }
0xa00: {  	[tilespmem:v2+s22+$0x0] =	vst.idx.msk $0xffff, v5  }
0xa01: {  	v4 =	vld [tilespmem:s1+$0xFFFFFF40]  }
0xa02: {  	v5 =	vld [tilespmem:s1+$0xFFFFFF50];
	_ =	sdelay $0x2  }
0xa03: {  	s23 =	simm.s32 $0x1C200  }
0xa04: {  	[tilespmem:v3+s23+$0x0] =	vst.idx.msk $0xffff, v4  }
0xa05: {  	[tilespmem:v2+s23+$0x0] =	vst.idx.msk $0xffff, v5  }
0xa06: {  	v4 =	vld [tilespmem:s1+$0xFFFFFF60]  }
0xa07: {  	v5 =	vld [tilespmem:s1+$0xFFFFFF70];
	_ =	sdelay $0x2  }
0xa08: {  	s24 =	simm.s32 $0x1C400  }
0xa09: {  	[tilespmem:v3+s24+$0x0] =	vst.idx.msk $0xffff, v4  }
0xa0a: {  	[tilespmem:v2+s24+$0x0] =	vst.idx.msk $0xffff, v5  }
0xa0b: {  	v4 =	vld [tilespmem:s1+$0xFFFFFF80]  }
0xa0c: {  	v5 =	vld [tilespmem:s1+$0xFFFFFF90];
	_ =	sdelay $0x2  }
0xa0d: {  	s26 =	simm.s32 $0x1C600  }
0xa0e: {  	[tilespmem:v3+s26+$0x0] =	vst.idx.msk $0xffff, v4  }
0xa0f: {  	[tilespmem:v2+s26+$0x0] =	vst.idx.msk $0xffff, v5  }
0xa10: {  	v4 =	vld [tilespmem:s1+$0xFFFFFFA0]  }
0xa11: {  	v5 =	vld [tilespmem:s1+$0xFFFFFFB0];
	_ =	sdelay $0x2  }
0xa12: {  	s28 =	simm.s32 $0x1C800  }
0xa13: {  	[tilespmem:v3+s28+$0x0] =	vst.idx.msk $0xffff, v4  }
0xa14: {  	[tilespmem:v2+s28+$0x0] =	vst.idx.msk $0xffff, v5  }
0xa15: {  	v4 =	vld [tilespmem:s1+$0xFFFFFFC0]  }
0xa16: {  	v5 =	vld [tilespmem:s1+$0xFFFFFFD0];
	_ =	sdelay $0x2  }
0xa17: {  	s29 =	simm.s32 $0x1CA00  }
0xa18: {  	[tilespmem:v3+s29+$0x0] =	vst.idx.msk $0xffff, v4  }
0xa19: {  	[tilespmem:v2+s29+$0x0] =	vst.idx.msk $0xffff, v5  }
0xa1a: {  	v4 =	vld [tilespmem:s1+$0xFFFFFFE0]  }
0xa1b: {  	v5 =	vld [tilespmem:s1+$0xFFFFFFF0];
	_ =	sdelay $0x2  }
0xa1c: {  	s30 =	simm.s32 $0x1CC00  }
0xa1d: {  	[tilespmem:v3+s30+$0x0] =	vst.idx.msk $0xffff, v4  }
0xa1e: {  	[tilespmem:v2+s30+$0x0] =	vst.idx.msk $0xffff, v5  }
0xa1f: {  	v4 =	vld [tilespmem:s1+$0x0]  }
0xa20: {  	v5 =	vld [tilespmem:s1+$0x10];
	_ =	sdelay $0x2  }
0xa21: {  	s31 =	simm.s32 $0x1CE00  }
0xa22: {  	[tilespmem:v3+s31+$0x0] =	vst.idx.msk $0xffff, v4  }
0xa23: {  	[tilespmem:v2+s31+$0x0] =	vst.idx.msk $0xffff, v5  }
0xa24: {  	v4 =	vld [tilespmem:s1+$0x20]  }
0xa25: {  	v5 =	vld [tilespmem:s1+$0x30];
	_ =	sdelay $0x2  }
0xa26: {  	s17 =	simm.s32 $0x1D000  }
0xa27: {  	[tilespmem:v3+s17+$0x0] =	vst.idx.msk $0xffff, v4  }
0xa28: {  	[tilespmem:v2+s17+$0x0] =	vst.idx.msk $0xffff, v5  }
0xa29: {  	v4 =	vld [tilespmem:s1+$0x40]  }
0xa2a: {  	v5 =	vld [tilespmem:s1+$0x50];
	_ =	sdelay $0x2  }
0xa2b: {  	s2 =	simm.s32 $0x1D200  }
0xa2c: {  	[tilespmem:v3+s2+$0x0] =	vst.idx.msk $0xffff, v4  }
0xa2d: {  	[tilespmem:v2+s2+$0x0] =	vst.idx.msk $0xffff, v5  }
0xa2e: {  	v4 =	vld [tilespmem:s1+$0x60]  }
0xa2f: {  	v5 =	vld [tilespmem:s1+$0x70];
	_ =	sdelay $0x2  }
0xa30: {  	s17 =	simm.s32 $0x1D400  }
0xa31: {  	[tilespmem:v3+s17+$0x0] =	vst.idx.msk $0xffff, v4  }
0xa32: {  	[tilespmem:v2+s17+$0x0] =	vst.idx.msk $0xffff, v5  }
0xa33: {  	v4 =	vld [tilespmem:s1+$0x80]  }
0xa34: {  	v5 =	vld [tilespmem:s1+$0x90];
	_ =	sdelay $0x2  }
0xa35: {  	s25 =	simm.s32 $0x1D600  }
0xa36: {  	[tilespmem:v3+s25+$0x0] =	vst.idx.msk $0xffff, v4  }
0xa37: {  	[tilespmem:v2+s25+$0x0] =	vst.idx.msk $0xffff, v5  }
0xa38: {  	v4 =	vld [tilespmem:s1+$0xA0]  }
0xa39: {  	v5 =	vld [tilespmem:s1+$0xB0];
	_ =	sdelay $0x2  }
0xa3a: {  	s17 =	simm.s32 $0x1D800  }
0xa3b: {  	[tilespmem:v3+s17+$0x0] =	vst.idx.msk $0xffff, v4  }
0xa3c: {  	[tilespmem:v2+s17+$0x0] =	vst.idx.msk $0xffff, v5  }
0xa3d: {  	v4 =	vld [tilespmem:s1+$0xC0]  }
0xa3e: {  	v5 =	vld [tilespmem:s1+$0xD0];
	_ =	sdelay $0x2  }
0xa3f: {  	s25 =	simm.s32 $0x1DA00  }
0xa40: {  	[tilespmem:v3+s25+$0x0] =	vst.idx.msk $0xffff, v4  }
0xa41: {  	[tilespmem:v2+s25+$0x0] =	vst.idx.msk $0xffff, v5  }
0xa42: {  	v4 =	vld [tilespmem:s1+$0xE0]  }
0xa43: {  	v5 =	vld [tilespmem:s1+$0xF0];
	_ =	sdelay $0x2  }
0xa44: {  	s17 =	simm.s32 $0x1DC00  }
0xa45: {  	[tilespmem:v3+s17+$0x0] =	vst.idx.msk $0xffff, v4  }
0xa46: {  	[tilespmem:v2+s17+$0x0] =	vst.idx.msk $0xffff, v5  }
0xa47: {  	v4 =	vld [tilespmem:s1+$0x100]  }
0xa48: {  	v5 =	vld [tilespmem:s1+$0x110];
	_ =	sdelay $0x2  }
0xa49: {  	s25 =	simm.s32 $0x1DE00  }
0xa4a: {  	[tilespmem:v3+s25+$0x0] =	vst.idx.msk $0xffff, v4  }
0xa4b: {  	[tilespmem:v2+s25+$0x0] =	vst.idx.msk $0xffff, v5  }
0xa4c: {  	v4 =	vld [tilespmem:s1+$0x120]  }
0xa4d: {  	v5 =	vld [tilespmem:s1+$0x130];
	_ =	sdelay $0x2  }
0xa4e: {  	s17 =	simm.s32 $0x1E000  }
0xa4f: {  	[tilespmem:v3+s17+$0x0] =	vst.idx.msk $0xffff, v4  }
0xa50: {  	[tilespmem:v2+s17+$0x0] =	vst.idx.msk $0xffff, v5  }
0xa51: {  	v4 =	vld [tilespmem:s1+$0x140]  }
0xa52: {  	v5 =	vld [tilespmem:s1+$0x150];
	_ =	sdelay $0x2  }
0xa53: {  	s25 =	simm.s32 $0x1E200  }
0xa54: {  	[tilespmem:v3+s25+$0x0] =	vst.idx.msk $0xffff, v4  }
0xa55: {  	[tilespmem:v2+s25+$0x0] =	vst.idx.msk $0xffff, v5  }
0xa56: {  	v4 =	vld [tilespmem:s1+$0x160]  }
0xa57: {  	v5 =	vld [tilespmem:s1+$0x170];
	_ =	sdelay $0x2  }
0xa58: {  	s17 =	simm.s32 $0x1E400  }
0xa59: {  	[tilespmem:v3+s17+$0x0] =	vst.idx.msk $0xffff, v4  }
0xa5a: {  	[tilespmem:v2+s17+$0x0] =	vst.idx.msk $0xffff, v5  }
0xa5b: {  	v4 =	vld [tilespmem:s1+$0x180]  }
0xa5c: {  	v5 =	vld [tilespmem:s1+$0x190];
	_ =	sdelay $0x2  }
0xa5d: {  	s25 =	simm.s32 $0x1E600  }
0xa5e: {  	[tilespmem:v3+s25+$0x0] =	vst.idx.msk $0xffff, v4  }
0xa5f: {  	[tilespmem:v2+s25+$0x0] =	vst.idx.msk $0xffff, v5  }
0xa60: {  	v4 =	vld [tilespmem:s1+$0x1A0]  }
0xa61: {  	v5 =	vld [tilespmem:s1+$0x1B0];
	_ =	sdelay $0x2  }
0xa62: {  	s17 =	simm.s32 $0x1E800  }
0xa63: {  	[tilespmem:v3+s17+$0x0] =	vst.idx.msk $0xffff, v4  }
0xa64: {  	[tilespmem:v2+s17+$0x0] =	vst.idx.msk $0xffff, v5  }
0xa65: {  	v4 =	vld [tilespmem:s1+$0x1C0]  }
0xa66: {  	v5 =	vld [tilespmem:s1+$0x1D0];
	_ =	sdelay $0x2  }
0xa67: {  	s25 =	simm.s32 $0x1EA00  }
0xa68: {  	[tilespmem:v3+s25+$0x0] =	vst.idx.msk $0xffff, v4  }
0xa69: {  	[tilespmem:v2+s25+$0x0] =	vst.idx.msk $0xffff, v5  }
0xa6a: {  	v4 =	vld [tilespmem:s1+$0x1E0]  }
0xa6b: {  	v5 =	vld [tilespmem:s1+$0x1F0];
	_ =	sdelay $0x2  }
0xa6c: {  	s17 =	simm.s32 $0x1EC00  }
0xa6d: {  	[tilespmem:v3+s17+$0x0] =	vst.idx.msk $0xffff, v4  }
0xa6e: {  	[tilespmem:v2+s17+$0x0] =	vst.idx.msk $0xffff, v5  }
0xa6f: {  	v4 =	vld [tilespmem:s1+$0x200]  }
0xa70: {  	v5 =	vld [tilespmem:s1+$0x210];
	_ =	sdelay $0x2  }
0xa71: {  	s25 =	simm.s32 $0x1EE00  }
0xa72: {  	[tilespmem:v3+s25+$0x0] =	vst.idx.msk $0xffff, v4  }
0xa73: {  	[tilespmem:v2+s25+$0x0] =	vst.idx.msk $0xffff, v5  }
0xa74: {  	v4 =	vld [tilespmem:s1+$0x220]  }
0xa75: {  	v5 =	vld [tilespmem:s1+$0x230];
	_ =	sdelay $0x2  }
0xa76: {  	s17 =	simm.s32 $0x1F000  }
0xa77: {  	[tilespmem:v3+s17+$0x0] =	vst.idx.msk $0xffff, v4  }
0xa78: {  	[tilespmem:v2+s17+$0x0] =	vst.idx.msk $0xffff, v5  }
0xa79: {  	v4 =	vld [tilespmem:s1+$0x240]  }
0xa7a: {  	v5 =	vld [tilespmem:s1+$0x250];
	_ =	sdelay $0x2  }
0xa7b: {  	s25 =	simm.s32 $0x1F200  }
0xa7c: {  	[tilespmem:v3+s25+$0x0] =	vst.idx.msk $0xffff, v4  }
0xa7d: {  	[tilespmem:v2+s25+$0x0] =	vst.idx.msk $0xffff, v5  }
0xa7e: {  	v4 =	vld [tilespmem:s1+$0x260]  }
0xa7f: {  	v5 =	vld [tilespmem:s1+$0x270];
	_ =	sdelay $0x2  }
0xa80: {  	s17 =	simm.s32 $0x1F400  }
0xa81: {  	[tilespmem:v3+s17+$0x0] =	vst.idx.msk $0xffff, v4  }
0xa82: {  	[tilespmem:v2+s17+$0x0] =	vst.idx.msk $0xffff, v5  }
0xa83: {  	v4 =	vld [tilespmem:s1+$0x280]  }
0xa84: {  	v5 =	vld [tilespmem:s1+$0x290];
	_ =	sdelay $0x2  }
0xa85: {  	s25 =	simm.s32 $0x1F600  }
0xa86: {  	[tilespmem:v3+s25+$0x0] =	vst.idx.msk $0xffff, v4  }
0xa87: {  	[tilespmem:v2+s25+$0x0] =	vst.idx.msk $0xffff, v5  }
0xa88: {  	v4 =	vld [tilespmem:s1+$0x2A0]  }
0xa89: {  	v5 =	vld [tilespmem:s1+$0x2B0];
	_ =	sdelay $0x2  }
0xa8a: {  	s17 =	simm.s32 $0x1F800  }
0xa8b: {  	[tilespmem:v3+s17+$0x0] =	vst.idx.msk $0xffff, v4  }
0xa8c: {  	[tilespmem:v2+s17+$0x0] =	vst.idx.msk $0xffff, v5  }
0xa8d: {  	v4 =	vld [tilespmem:s1+$0x2C0]  }
0xa8e: {  	v5 =	vld [tilespmem:s1+$0x2D0];
	_ =	sdelay $0x2  }
0xa8f: {  	s25 =	simm.s32 $0x1FA00  }
0xa90: {  	[tilespmem:v3+s25+$0x0] =	vst.idx.msk $0xffff, v4  }
0xa91: {  	[tilespmem:v2+s25+$0x0] =	vst.idx.msk $0xffff, v5  }
0xa92: {  	v4 =	vld [tilespmem:s1+$0x2E0]  }
0xa93: {  	v5 =	vld [tilespmem:s1+$0x2F0];
	_ =	sdelay $0x2  }
0xa94: {  	s17 =	simm.s32 $0x1FC00  }
0xa95: {  	[tilespmem:v3+s17+$0x0] =	vst.idx.msk $0xffff, v4  }
0xa96: {  	[tilespmem:v2+s17+$0x0] =	vst.idx.msk $0xffff, v5  }
0xa97: {  	v6 =	vld [tilespmem:s1+$0x300];
	_ =	sdelay $0x1  }
0xa98: {  	s25 =	simm.s32 $0x1;
	v5 =	vld [tilespmem:s1+$0x310]  }
0xa99: {  	v4 =	vmov s25  }
0xa9a: {  	s25 =	simm.s32 $0x1FE00;
	v4 =	vand.u32 $0xF, v4  }
0xa9b: {  	s17 =	simm.s32 $0x2;
	v4 =	vbroadcast v4, $0x0;
	[tilespmem:v3+s25+$0x0] =	vst.idx.msk $0xffff, v6  }
.LBB2_16:
0xa9c: {  	p0 =	sne.s32 s17, $0xF  }
0xa9d: {  	[tilespmem:v2+s25+$0x0] =	vst.idx.msk $0xffff, v5;
	s1 =	sadd.s32 $0x640, s1;
	s25 =	smov.u32 s17;
	s17 =	sadd.s32 $0x1, s17  }
0xa9e: {  	v3 =	vor.u32 v0, v4;
	v5 =	vld [tilespmem:s1+$0xFFFFFCE0]  }
0xa9f: {  	v2 =	vor.u32 v1, v4;
	v4 =	vld [tilespmem:s1+$0xFFFFFCF0];
	_ =	sdelay $0x3  }
0xaa0: {  	[tilespmem:v3+s3+$0x0] =	vst.idx.msk $0xffff, v5  }
0xaa1: {  	[tilespmem:v2+s3+$0x0] =	vst.idx.msk $0xffff, v4  }
0xaa2: {  	v4 =	vld [tilespmem:s1+$0xFFFFFD00]  }
0xaa3: {  	v5 =	vld [tilespmem:s1+$0xFFFFFD10];
	_ =	sdelay $0x3  }
0xaa4: {  	[tilespmem:v3+s4+$0x0] =	vst.idx.msk $0xffff, v4  }
0xaa5: {  	[tilespmem:v2+s4+$0x0] =	vst.idx.msk $0xffff, v5  }
0xaa6: {  	v4 =	vld [tilespmem:s1+$0xFFFFFD20]  }
0xaa7: {  	v5 =	vld [tilespmem:s1+$0xFFFFFD30];
	_ =	sdelay $0x3  }
0xaa8: {  	[tilespmem:v3+s5+$0x0] =	vst.idx.msk $0xffff, v4  }
0xaa9: {  	[tilespmem:v2+s5+$0x0] =	vst.idx.msk $0xffff, v5  }
0xaaa: {  	v4 =	vld [tilespmem:s1+$0xFFFFFD40]  }
0xaab: {  	v5 =	vld [tilespmem:s1+$0xFFFFFD50];
	_ =	sdelay $0x3  }
0xaac: {  	[tilespmem:v3+s6+$0x0] =	vst.idx.msk $0xffff, v4  }
0xaad: {  	[tilespmem:v2+s6+$0x0] =	vst.idx.msk $0xffff, v5  }
0xaae: {  	v4 =	vld [tilespmem:s1+$0xFFFFFD60]  }
0xaaf: {  	v5 =	vld [tilespmem:s1+$0xFFFFFD70];
	_ =	sdelay $0x3  }
0xab0: {  	[tilespmem:v3+s7+$0x0] =	vst.idx.msk $0xffff, v4  }
0xab1: {  	[tilespmem:v2+s7+$0x0] =	vst.idx.msk $0xffff, v5  }
0xab2: {  	v4 =	vld [tilespmem:s1+$0xFFFFFD80]  }
0xab3: {  	v5 =	vld [tilespmem:s1+$0xFFFFFD90];
	_ =	sdelay $0x3  }
0xab4: {  	[tilespmem:v3+s8+$0x0] =	vst.idx.msk $0xffff, v4  }
0xab5: {  	[tilespmem:v2+s8+$0x0] =	vst.idx.msk $0xffff, v5  }
0xab6: {  	v4 =	vld [tilespmem:s1+$0xFFFFFDA0]  }
0xab7: {  	v5 =	vld [tilespmem:s1+$0xFFFFFDB0];
	_ =	sdelay $0x3  }
0xab8: {  	[tilespmem:v3+s9+$0x0] =	vst.idx.msk $0xffff, v4  }
0xab9: {  	[tilespmem:v2+s9+$0x0] =	vst.idx.msk $0xffff, v5  }
0xaba: {  	v4 =	vld [tilespmem:s1+$0xFFFFFDC0]  }
0xabb: {  	v5 =	vld [tilespmem:s1+$0xFFFFFDD0];
	_ =	sdelay $0x3  }
0xabc: {  	[tilespmem:v3+s10+$0x0] =	vst.idx.msk $0xffff, v4  }
0xabd: {  	[tilespmem:v2+s10+$0x0] =	vst.idx.msk $0xffff, v5  }
0xabe: {  	v4 =	vld [tilespmem:s1+$0xFFFFFDE0]  }
0xabf: {  	v5 =	vld [tilespmem:s1+$0xFFFFFDF0];
	_ =	sdelay $0x3  }
0xac0: {  	[tilespmem:v3+s11+$0x0] =	vst.idx.msk $0xffff, v4  }
0xac1: {  	[tilespmem:v2+s11+$0x0] =	vst.idx.msk $0xffff, v5  }
0xac2: {  	v4 =	vld [tilespmem:s1+$0xFFFFFE00]  }
0xac3: {  	v5 =	vld [tilespmem:s1+$0xFFFFFE10];
	_ =	sdelay $0x3  }
0xac4: {  	[tilespmem:v3+s12+$0x0] =	vst.idx.msk $0xffff, v4  }
0xac5: {  	[tilespmem:v2+s12+$0x0] =	vst.idx.msk $0xffff, v5  }
0xac6: {  	v4 =	vld [tilespmem:s1+$0xFFFFFE20]  }
0xac7: {  	v5 =	vld [tilespmem:s1+$0xFFFFFE30];
	_ =	sdelay $0x3  }
0xac8: {  	[tilespmem:v3+s13+$0x0] =	vst.idx.msk $0xffff, v4  }
0xac9: {  	[tilespmem:v2+s13+$0x0] =	vst.idx.msk $0xffff, v5  }
0xaca: {  	v4 =	vld [tilespmem:s1+$0xFFFFFE40]  }
0xacb: {  	v5 =	vld [tilespmem:s1+$0xFFFFFE50];
	_ =	sdelay $0x3  }
0xacc: {  	[tilespmem:v3+s14+$0x0] =	vst.idx.msk $0xffff, v4  }
0xacd: {  	[tilespmem:v2+s14+$0x0] =	vst.idx.msk $0xffff, v5  }
0xace: {  	v4 =	vld [tilespmem:s1+$0xFFFFFE60]  }
0xacf: {  	v5 =	vld [tilespmem:s1+$0xFFFFFE70];
	_ =	sdelay $0x3  }
0xad0: {  	[tilespmem:v3+s15+$0x0] =	vst.idx.msk $0xffff, v4  }
0xad1: {  	[tilespmem:v2+s15+$0x0] =	vst.idx.msk $0xffff, v5  }
0xad2: {  	v4 =	vld [tilespmem:s1+$0xFFFFFE80]  }
0xad3: {  	v5 =	vld [tilespmem:s1+$0xFFFFFE90];
	_ =	sdelay $0x3  }
0xad4: {  	[tilespmem:v3+s16+$0x0] =	vst.idx.msk $0xffff, v4  }
0xad5: {  	[tilespmem:v2+s16+$0x0] =	vst.idx.msk $0xffff, v5  }
0xad6: {  	v4 =	vld [tilespmem:s1+$0xFFFFFEA0]  }
0xad7: {  	v5 =	vld [tilespmem:s1+$0xFFFFFEB0];
	_ =	sdelay $0x3  }
0xad8: {  	[tilespmem:v3+s18+$0x0] =	vst.idx.msk $0xffff, v4  }
0xad9: {  	[tilespmem:v2+s18+$0x0] =	vst.idx.msk $0xffff, v5  }
0xada: {  	v4 =	vld [tilespmem:s1+$0xFFFFFEC0]  }
0xadb: {  	v5 =	vld [tilespmem:s1+$0xFFFFFED0];
	_ =	sdelay $0x3  }
0xadc: {  	[tilespmem:v3+s19+$0x0] =	vst.idx.msk $0xffff, v4  }
0xadd: {  	[tilespmem:v2+s19+$0x0] =	vst.idx.msk $0xffff, v5  }
0xade: {  	v4 =	vld [tilespmem:s1+$0xFFFFFEE0]  }
0xadf: {  	v5 =	vld [tilespmem:s1+$0xFFFFFEF0];
	_ =	sdelay $0x3  }
0xae0: {  	[tilespmem:v3+s20+$0x0] =	vst.idx.msk $0xffff, v4  }
0xae1: {  	[tilespmem:v2+s20+$0x0] =	vst.idx.msk $0xffff, v5  }
0xae2: {  	v4 =	vld [tilespmem:s1+$0xFFFFFF00]  }
0xae3: {  	v5 =	vld [tilespmem:s1+$0xFFFFFF10];
	_ =	sdelay $0x3  }
0xae4: {  	[tilespmem:v3+s21+$0x0] =	vst.idx.msk $0xffff, v4  }
0xae5: {  	[tilespmem:v2+s21+$0x0] =	vst.idx.msk $0xffff, v5  }
0xae6: {  	v4 =	vld [tilespmem:s1+$0xFFFFFF20]  }
0xae7: {  	v5 =	vld [tilespmem:s1+$0xFFFFFF30];
	_ =	sdelay $0x3  }
0xae8: {  	[tilespmem:v3+s22+$0x0] =	vst.idx.msk $0xffff, v4  }
0xae9: {  	[tilespmem:v2+s22+$0x0] =	vst.idx.msk $0xffff, v5  }
0xaea: {  	v4 =	vld [tilespmem:s1+$0xFFFFFF40]  }
0xaeb: {  	v5 =	vld [tilespmem:s1+$0xFFFFFF50];
	_ =	sdelay $0x3  }
0xaec: {  	[tilespmem:v3+s23+$0x0] =	vst.idx.msk $0xffff, v4  }
0xaed: {  	[tilespmem:v2+s23+$0x0] =	vst.idx.msk $0xffff, v5  }
0xaee: {  	v4 =	vld [tilespmem:s1+$0xFFFFFF60]  }
0xaef: {  	v5 =	vld [tilespmem:s1+$0xFFFFFF70];
	_ =	sdelay $0x3  }
0xaf0: {  	[tilespmem:v3+s24+$0x0] =	vst.idx.msk $0xffff, v4  }
0xaf1: {  	[tilespmem:v2+s24+$0x0] =	vst.idx.msk $0xffff, v5  }
0xaf2: {  	v4 =	vld [tilespmem:s1+$0xFFFFFF80]  }
0xaf3: {  	v5 =	vld [tilespmem:s1+$0xFFFFFF90];
	_ =	sdelay $0x3  }
0xaf4: {  	[tilespmem:v3+s26+$0x0] =	vst.idx.msk $0xffff, v4  }
0xaf5: {  	[tilespmem:v2+s26+$0x0] =	vst.idx.msk $0xffff, v5  }
0xaf6: {  	v4 =	vld [tilespmem:s1+$0xFFFFFFA0]  }
0xaf7: {  	v5 =	vld [tilespmem:s1+$0xFFFFFFB0];
	_ =	sdelay $0x3  }
0xaf8: {  	[tilespmem:v3+s28+$0x0] =	vst.idx.msk $0xffff, v4  }
0xaf9: {  	[tilespmem:v2+s28+$0x0] =	vst.idx.msk $0xffff, v5  }
0xafa: {  	v4 =	vld [tilespmem:s1+$0xFFFFFFC0]  }
0xafb: {  	v5 =	vld [tilespmem:s1+$0xFFFFFFD0];
	_ =	sdelay $0x3  }
0xafc: {  	[tilespmem:v3+s29+$0x0] =	vst.idx.msk $0xffff, v4  }
0xafd: {  	[tilespmem:v2+s29+$0x0] =	vst.idx.msk $0xffff, v5  }
0xafe: {  	v4 =	vld [tilespmem:s1+$0xFFFFFFE0]  }
0xaff: {  	v5 =	vld [tilespmem:s1+$0xFFFFFFF0];
	_ =	sdelay $0x3  }
0xb00: {  	[tilespmem:v3+s30+$0x0] =	vst.idx.msk $0xffff, v4  }
0xb01: {  	[tilespmem:v2+s30+$0x0] =	vst.idx.msk $0xffff, v5  }
0xb02: {  	v4 =	vld [tilespmem:s1+$0x0]  }
0xb03: {  	v5 =	vld [tilespmem:s1+$0x10];
	_ =	sdelay $0x3  }
0xb04: {  	[tilespmem:v3+s31+$0x0] =	vst.idx.msk $0xffff, v4  }
0xb05: {  	[tilespmem:v2+s31+$0x0] =	vst.idx.msk $0xffff, v5  }
0xb06: {  	v4 =	vld [tilespmem:s1+$0x20]  }
0xb07: {  	v5 =	vld [tilespmem:s1+$0x30];
	_ =	sdelay $0x2  }
0xb08: {  	s0 =	simm.s32 $0x1D000  }
0xb09: {  	[tilespmem:v3+s0+$0x0] =	vst.idx.msk $0xffff, v4  }
0xb0a: {  	[tilespmem:v2+s0+$0x0] =	vst.idx.msk $0xffff, v5  }
0xb0b: {  	v4 =	vld [tilespmem:s1+$0x40]  }
0xb0c: {  	v5 =	vld [tilespmem:s1+$0x50];
	_ =	sdelay $0x3  }
0xb0d: {  	[tilespmem:v3+s2+$0x0] =	vst.idx.msk $0xffff, v4  }
0xb0e: {  	[tilespmem:v2+s2+$0x0] =	vst.idx.msk $0xffff, v5  }
0xb0f: {  	v4 =	vld [tilespmem:s1+$0x60]  }
0xb10: {  	v5 =	vld [tilespmem:s1+$0x70];
	_ =	sdelay $0x2  }
0xb11: {  	s0 =	simm.s32 $0x1D400  }
0xb12: {  	[tilespmem:v3+s0+$0x0] =	vst.idx.msk $0xffff, v4  }
0xb13: {  	[tilespmem:v2+s0+$0x0] =	vst.idx.msk $0xffff, v5  }
0xb14: {  	v4 =	vld [tilespmem:s1+$0x80]  }
0xb15: {  	v5 =	vld [tilespmem:s1+$0x90];
	_ =	sdelay $0x2  }
0xb16: {  	s0 =	simm.s32 $0x1D600  }
0xb17: {  	[tilespmem:v3+s0+$0x0] =	vst.idx.msk $0xffff, v4  }
0xb18: {  	[tilespmem:v2+s0+$0x0] =	vst.idx.msk $0xffff, v5  }
0xb19: {  	v4 =	vld [tilespmem:s1+$0xA0]  }
0xb1a: {  	v5 =	vld [tilespmem:s1+$0xB0];
	_ =	sdelay $0x2  }
0xb1b: {  	s0 =	simm.s32 $0x1D800  }
0xb1c: {  	[tilespmem:v3+s0+$0x0] =	vst.idx.msk $0xffff, v4  }
0xb1d: {  	[tilespmem:v2+s0+$0x0] =	vst.idx.msk $0xffff, v5  }
0xb1e: {  	v4 =	vld [tilespmem:s1+$0xC0]  }
0xb1f: {  	v5 =	vld [tilespmem:s1+$0xD0];
	_ =	sdelay $0x2  }
0xb20: {  	s0 =	simm.s32 $0x1DA00  }
0xb21: {  	[tilespmem:v3+s0+$0x0] =	vst.idx.msk $0xffff, v4  }
0xb22: {  	[tilespmem:v2+s0+$0x0] =	vst.idx.msk $0xffff, v5  }
0xb23: {  	v4 =	vld [tilespmem:s1+$0xE0]  }
0xb24: {  	v5 =	vld [tilespmem:s1+$0xF0];
	_ =	sdelay $0x2  }
0xb25: {  	s0 =	simm.s32 $0x1DC00  }
0xb26: {  	[tilespmem:v3+s0+$0x0] =	vst.idx.msk $0xffff, v4  }
0xb27: {  	[tilespmem:v2+s0+$0x0] =	vst.idx.msk $0xffff, v5  }
0xb28: {  	v4 =	vld [tilespmem:s1+$0x100]  }
0xb29: {  	v5 =	vld [tilespmem:s1+$0x110];
	_ =	sdelay $0x2  }
0xb2a: {  	s0 =	simm.s32 $0x1DE00  }
0xb2b: {  	[tilespmem:v3+s0+$0x0] =	vst.idx.msk $0xffff, v4  }
0xb2c: {  	[tilespmem:v2+s0+$0x0] =	vst.idx.msk $0xffff, v5  }
0xb2d: {  	v4 =	vld [tilespmem:s1+$0x120]  }
0xb2e: {  	v5 =	vld [tilespmem:s1+$0x130];
	_ =	sdelay $0x2  }
0xb2f: {  	s0 =	simm.s32 $0x1E000  }
0xb30: {  	[tilespmem:v3+s0+$0x0] =	vst.idx.msk $0xffff, v4  }
0xb31: {  	[tilespmem:v2+s0+$0x0] =	vst.idx.msk $0xffff, v5  }
0xb32: {  	v4 =	vld [tilespmem:s1+$0x140]  }
0xb33: {  	v5 =	vld [tilespmem:s1+$0x150];
	_ =	sdelay $0x2  }
0xb34: {  	s0 =	simm.s32 $0x1E200  }
0xb35: {  	[tilespmem:v3+s0+$0x0] =	vst.idx.msk $0xffff, v4  }
0xb36: {  	[tilespmem:v2+s0+$0x0] =	vst.idx.msk $0xffff, v5  }
0xb37: {  	v4 =	vld [tilespmem:s1+$0x160]  }
0xb38: {  	v5 =	vld [tilespmem:s1+$0x170];
	_ =	sdelay $0x2  }
0xb39: {  	s0 =	simm.s32 $0x1E400  }
0xb3a: {  	[tilespmem:v3+s0+$0x0] =	vst.idx.msk $0xffff, v4  }
0xb3b: {  	[tilespmem:v2+s0+$0x0] =	vst.idx.msk $0xffff, v5  }
0xb3c: {  	v4 =	vld [tilespmem:s1+$0x180]  }
0xb3d: {  	v5 =	vld [tilespmem:s1+$0x190];
	_ =	sdelay $0x2  }
0xb3e: {  	s0 =	simm.s32 $0x1E600  }
0xb3f: {  	[tilespmem:v3+s0+$0x0] =	vst.idx.msk $0xffff, v4  }
0xb40: {  	[tilespmem:v2+s0+$0x0] =	vst.idx.msk $0xffff, v5  }
0xb41: {  	v4 =	vld [tilespmem:s1+$0x1A0]  }
0xb42: {  	v5 =	vld [tilespmem:s1+$0x1B0];
	_ =	sdelay $0x2  }
0xb43: {  	s0 =	simm.s32 $0x1E800  }
0xb44: {  	[tilespmem:v3+s0+$0x0] =	vst.idx.msk $0xffff, v4  }
0xb45: {  	[tilespmem:v2+s0+$0x0] =	vst.idx.msk $0xffff, v5  }
0xb46: {  	v4 =	vld [tilespmem:s1+$0x1C0]  }
0xb47: {  	v5 =	vld [tilespmem:s1+$0x1D0];
	_ =	sdelay $0x2  }
0xb48: {  	s0 =	simm.s32 $0x1EA00  }
0xb49: {  	[tilespmem:v3+s0+$0x0] =	vst.idx.msk $0xffff, v4  }
0xb4a: {  	[tilespmem:v2+s0+$0x0] =	vst.idx.msk $0xffff, v5  }
0xb4b: {  	v4 =	vld [tilespmem:s1+$0x1E0]  }
0xb4c: {  	v5 =	vld [tilespmem:s1+$0x1F0];
	_ =	sdelay $0x2  }
0xb4d: {  	s0 =	simm.s32 $0x1EC00  }
0xb4e: {  	[tilespmem:v3+s0+$0x0] =	vst.idx.msk $0xffff, v4  }
0xb4f: {  	[tilespmem:v2+s0+$0x0] =	vst.idx.msk $0xffff, v5  }
0xb50: {  	v4 =	vld [tilespmem:s1+$0x200]  }
0xb51: {  	v5 =	vld [tilespmem:s1+$0x210];
	_ =	sdelay $0x2  }
0xb52: {  	s0 =	simm.s32 $0x1EE00  }
0xb53: {  	[tilespmem:v3+s0+$0x0] =	vst.idx.msk $0xffff, v4  }
0xb54: {  	[tilespmem:v2+s0+$0x0] =	vst.idx.msk $0xffff, v5  }
0xb55: {  	v4 =	vld [tilespmem:s1+$0x220]  }
0xb56: {  	v5 =	vld [tilespmem:s1+$0x230];
	_ =	sdelay $0x2  }
0xb57: {  	s0 =	simm.s32 $0x1F000  }
0xb58: {  	[tilespmem:v3+s0+$0x0] =	vst.idx.msk $0xffff, v4  }
0xb59: {  	[tilespmem:v2+s0+$0x0] =	vst.idx.msk $0xffff, v5  }
0xb5a: {  	v4 =	vld [tilespmem:s1+$0x240]  }
0xb5b: {  	v5 =	vld [tilespmem:s1+$0x250];
	_ =	sdelay $0x2  }
0xb5c: {  	s0 =	simm.s32 $0x1F200  }
0xb5d: {  	[tilespmem:v3+s0+$0x0] =	vst.idx.msk $0xffff, v4  }
0xb5e: {  	[tilespmem:v2+s0+$0x0] =	vst.idx.msk $0xffff, v5  }
0xb5f: {  	v4 =	vld [tilespmem:s1+$0x260]  }
0xb60: {  	v5 =	vld [tilespmem:s1+$0x270];
	_ =	sdelay $0x2  }
0xb61: {  	s0 =	simm.s32 $0x1F400  }
0xb62: {  	[tilespmem:v3+s0+$0x0] =	vst.idx.msk $0xffff, v4  }
0xb63: {  	[tilespmem:v2+s0+$0x0] =	vst.idx.msk $0xffff, v5  }
0xb64: {  	v4 =	vld [tilespmem:s1+$0x280]  }
0xb65: {  	v5 =	vld [tilespmem:s1+$0x290];
	_ =	sdelay $0x2  }
0xb66: {  	s0 =	simm.s32 $0x1F600  }
0xb67: {  	[tilespmem:v3+s0+$0x0] =	vst.idx.msk $0xffff, v4  }
0xb68: {  	[tilespmem:v2+s0+$0x0] =	vst.idx.msk $0xffff, v5  }
0xb69: {  	v4 =	vld [tilespmem:s1+$0x2A0]  }
0xb6a: {  	v5 =	vld [tilespmem:s1+$0x2B0];
	_ =	sdelay $0x2  }
0xb6b: {  	s0 =	simm.s32 $0x1F800  }
0xb6c: {  	[tilespmem:v3+s0+$0x0] =	vst.idx.msk $0xffff, v4  }
0xb6d: {  	[tilespmem:v2+s0+$0x0] =	vst.idx.msk $0xffff, v5  }
0xb6e: {  	v4 =	vld [tilespmem:s1+$0x2C0]  }
0xb6f: {  	v5 =	vld [tilespmem:s1+$0x2D0];
	_ =	sdelay $0x2  }
0xb70: {  	s0 =	simm.s32 $0x1FA00  }
0xb71: {  	[tilespmem:v3+s0+$0x0] =	vst.idx.msk $0xffff, v4  }
0xb72: {  	[tilespmem:v2+s0+$0x0] =	vst.idx.msk $0xffff, v5  }
0xb73: {  	v4 =	vld [tilespmem:s1+$0x2E0]  }
0xb74: {  	v5 =	vld [tilespmem:s1+$0x2F0];
	_ =	sdelay $0x2  }
0xb75: {  	s0 =	simm.s32 $0x1FC00  }
0xb76: {  	[tilespmem:v3+s0+$0x0] =	vst.idx.msk $0xffff, v4  }
0xb77: {  	[tilespmem:v2+s0+$0x0] =	vst.idx.msk $0xffff, v5  }
0xb78: {  	v6 =	vld [tilespmem:s1+$0x300]  }
.Ltmp7:
0xb79: {  	v5 =	vld [tilespmem:s1+$0x310];
	(pc) =	sbr.rel @p0 .LBB2_16-.Ltmp7, $4  }
0xb7a: {  	_ = 	snop  }
0xb7b: {  	v4 =	vmov s25;
	s25 =	simm.s32 $0x1FE00  }
0xb7c: {  	v4 =	vand.u32 $0xF, v4  }
0xb7d: {  	v4 =	vbroadcast v4, $0x0;
	[tilespmem:v3+s25+$0x0] =	vst.idx.msk $0xffff, v6  }
0xb7e: {  	_ =	sdelay $0x3  }
0xb7f: {  	[tilespmem:v2+s25+$0x0] =	vst.idx.msk $0xffff, v5;
	s1 =	sadd.s32 $0x640, s1  }
0xb80: {  	v2 =	vor.u32 v0, v4;
	v5 =	vld [tilespmem:s1+$0xFFFFFCE0]  }
0xb81: {  	v3 =	vor.u32 v1, v4;
	v62 =	vld [tilespmem:s1+$0xFFFFFCF0];
	_ =	sdelay $0x3  }
0xb82: {  	[tilespmem:v2+s3+$0x0] =	vst.idx.msk $0xffff, v5  }
0xb83: {  	[tilespmem:v3+s3+$0x0] =	vst.idx.msk $0xffff, v62  }
0xb84: {  	v4 =	vld [tilespmem:s1+$0xFFFFFD00]  }
0xb85: {  	v5 =	vld [tilespmem:s1+$0xFFFFFD10];
	_ =	sdelay $0x3  }
0xb86: {  	[tilespmem:v2+s4+$0x0] =	vst.idx.msk $0xffff, v4  }
0xb87: {  	[tilespmem:v3+s4+$0x0] =	vst.idx.msk $0xffff, v5  }
0xb88: {  	v4 =	vld [tilespmem:s1+$0xFFFFFD20]  }
0xb89: {  	v5 =	vld [tilespmem:s1+$0xFFFFFD30];
	_ =	sdelay $0x3  }
0xb8a: {  	[tilespmem:v2+s5+$0x0] =	vst.idx.msk $0xffff, v4  }
0xb8b: {  	[tilespmem:v3+s5+$0x0] =	vst.idx.msk $0xffff, v5  }
0xb8c: {  	v4 =	vld [tilespmem:s1+$0xFFFFFD40]  }
0xb8d: {  	v5 =	vld [tilespmem:s1+$0xFFFFFD50];
	_ =	sdelay $0x3  }
0xb8e: {  	[tilespmem:v2+s6+$0x0] =	vst.idx.msk $0xffff, v4  }
0xb8f: {  	[tilespmem:v3+s6+$0x0] =	vst.idx.msk $0xffff, v5  }
0xb90: {  	v4 =	vld [tilespmem:s1+$0xFFFFFD60]  }
0xb91: {  	v5 =	vld [tilespmem:s1+$0xFFFFFD70];
	_ =	sdelay $0x3  }
0xb92: {  	[tilespmem:v2+s7+$0x0] =	vst.idx.msk $0xffff, v4  }
0xb93: {  	[tilespmem:v3+s7+$0x0] =	vst.idx.msk $0xffff, v5  }
0xb94: {  	v4 =	vld [tilespmem:s1+$0xFFFFFD80]  }
0xb95: {  	v5 =	vld [tilespmem:s1+$0xFFFFFD90];
	_ =	sdelay $0x3  }
0xb96: {  	[tilespmem:v2+s8+$0x0] =	vst.idx.msk $0xffff, v4  }
0xb97: {  	[tilespmem:v3+s8+$0x0] =	vst.idx.msk $0xffff, v5  }
0xb98: {  	v4 =	vld [tilespmem:s1+$0xFFFFFDA0]  }
0xb99: {  	v5 =	vld [tilespmem:s1+$0xFFFFFDB0];
	_ =	sdelay $0x3  }
0xb9a: {  	[tilespmem:v2+s9+$0x0] =	vst.idx.msk $0xffff, v4  }
0xb9b: {  	[tilespmem:v3+s9+$0x0] =	vst.idx.msk $0xffff, v5  }
0xb9c: {  	v4 =	vld [tilespmem:s1+$0xFFFFFDC0]  }
0xb9d: {  	v5 =	vld [tilespmem:s1+$0xFFFFFDD0];
	_ =	sdelay $0x3  }
0xb9e: {  	[tilespmem:v2+s10+$0x0] =	vst.idx.msk $0xffff, v4  }
0xb9f: {  	[tilespmem:v3+s10+$0x0] =	vst.idx.msk $0xffff, v5  }
0xba0: {  	v4 =	vld [tilespmem:s1+$0xFFFFFDE0]  }
0xba1: {  	v5 =	vld [tilespmem:s1+$0xFFFFFDF0];
	_ =	sdelay $0x3  }
0xba2: {  	[tilespmem:v2+s11+$0x0] =	vst.idx.msk $0xffff, v4  }
0xba3: {  	[tilespmem:v3+s11+$0x0] =	vst.idx.msk $0xffff, v5  }
0xba4: {  	v4 =	vld [tilespmem:s1+$0xFFFFFE00]  }
0xba5: {  	v5 =	vld [tilespmem:s1+$0xFFFFFE10];
	_ =	sdelay $0x3  }
0xba6: {  	[tilespmem:v2+s12+$0x0] =	vst.idx.msk $0xffff, v4  }
0xba7: {  	[tilespmem:v3+s12+$0x0] =	vst.idx.msk $0xffff, v5  }
0xba8: {  	v4 =	vld [tilespmem:s1+$0xFFFFFE20]  }
0xba9: {  	v5 =	vld [tilespmem:s1+$0xFFFFFE30];
	_ =	sdelay $0x3  }
0xbaa: {  	[tilespmem:v2+s13+$0x0] =	vst.idx.msk $0xffff, v4  }
0xbab: {  	[tilespmem:v3+s13+$0x0] =	vst.idx.msk $0xffff, v5  }
0xbac: {  	v4 =	vld [tilespmem:s1+$0xFFFFFE40]  }
0xbad: {  	v5 =	vld [tilespmem:s1+$0xFFFFFE50];
	_ =	sdelay $0x3  }
0xbae: {  	[tilespmem:v2+s14+$0x0] =	vst.idx.msk $0xffff, v4  }
0xbaf: {  	[tilespmem:v3+s14+$0x0] =	vst.idx.msk $0xffff, v5  }
0xbb0: {  	v4 =	vld [tilespmem:s1+$0xFFFFFE60]  }
0xbb1: {  	v5 =	vld [tilespmem:s1+$0xFFFFFE70];
	_ =	sdelay $0x3  }
0xbb2: {  	[tilespmem:v2+s15+$0x0] =	vst.idx.msk $0xffff, v4  }
0xbb3: {  	[tilespmem:v3+s15+$0x0] =	vst.idx.msk $0xffff, v5  }
0xbb4: {  	v4 =	vld [tilespmem:s1+$0xFFFFFE80]  }
0xbb5: {  	v5 =	vld [tilespmem:s1+$0xFFFFFE90];
	_ =	sdelay $0x3  }
0xbb6: {  	[tilespmem:v2+s16+$0x0] =	vst.idx.msk $0xffff, v4  }
0xbb7: {  	[tilespmem:v3+s16+$0x0] =	vst.idx.msk $0xffff, v5  }
0xbb8: {  	v4 =	vld [tilespmem:s1+$0xFFFFFEA0]  }
0xbb9: {  	v5 =	vld [tilespmem:s1+$0xFFFFFEB0];
	_ =	sdelay $0x3  }
0xbba: {  	[tilespmem:v2+s18+$0x0] =	vst.idx.msk $0xffff, v4  }
0xbbb: {  	[tilespmem:v3+s18+$0x0] =	vst.idx.msk $0xffff, v5  }
0xbbc: {  	v4 =	vld [tilespmem:s1+$0xFFFFFEC0]  }
0xbbd: {  	v5 =	vld [tilespmem:s1+$0xFFFFFED0];
	_ =	sdelay $0x3  }
0xbbe: {  	[tilespmem:v2+s19+$0x0] =	vst.idx.msk $0xffff, v4  }
0xbbf: {  	[tilespmem:v3+s19+$0x0] =	vst.idx.msk $0xffff, v5  }
0xbc0: {  	v4 =	vld [tilespmem:s1+$0xFFFFFEE0]  }
0xbc1: {  	v5 =	vld [tilespmem:s1+$0xFFFFFEF0];
	_ =	sdelay $0x3  }
0xbc2: {  	[tilespmem:v2+s20+$0x0] =	vst.idx.msk $0xffff, v4  }
0xbc3: {  	[tilespmem:v3+s20+$0x0] =	vst.idx.msk $0xffff, v5  }
0xbc4: {  	v4 =	vld [tilespmem:s1+$0xFFFFFF00]  }
0xbc5: {  	v5 =	vld [tilespmem:s1+$0xFFFFFF10];
	_ =	sdelay $0x3  }
0xbc6: {  	[tilespmem:v2+s21+$0x0] =	vst.idx.msk $0xffff, v4  }
0xbc7: {  	[tilespmem:v3+s21+$0x0] =	vst.idx.msk $0xffff, v5  }
0xbc8: {  	v4 =	vld [tilespmem:s1+$0xFFFFFF20]  }
0xbc9: {  	v5 =	vld [tilespmem:s1+$0xFFFFFF30];
	_ =	sdelay $0x3  }
0xbca: {  	[tilespmem:v2+s22+$0x0] =	vst.idx.msk $0xffff, v4  }
0xbcb: {  	[tilespmem:v3+s22+$0x0] =	vst.idx.msk $0xffff, v5  }
0xbcc: {  	v4 =	vld [tilespmem:s1+$0xFFFFFF40]  }
0xbcd: {  	v5 =	vld [tilespmem:s1+$0xFFFFFF50];
	_ =	sdelay $0x3  }
0xbce: {  	[tilespmem:v2+s23+$0x0] =	vst.idx.msk $0xffff, v4  }
0xbcf: {  	[tilespmem:v3+s23+$0x0] =	vst.idx.msk $0xffff, v5  }
0xbd0: {  	v4 =	vld [tilespmem:s1+$0xFFFFFF60]  }
0xbd1: {  	v5 =	vld [tilespmem:s1+$0xFFFFFF70];
	_ =	sdelay $0x3  }
0xbd2: {  	[tilespmem:v2+s24+$0x0] =	vst.idx.msk $0xffff, v4  }
0xbd3: {  	[tilespmem:v3+s24+$0x0] =	vst.idx.msk $0xffff, v5  }
0xbd4: {  	v4 =	vld [tilespmem:s1+$0xFFFFFF80]  }
0xbd5: {  	v5 =	vld [tilespmem:s1+$0xFFFFFF90];
	_ =	sdelay $0x3  }
0xbd6: {  	[tilespmem:v2+s26+$0x0] =	vst.idx.msk $0xffff, v4  }
0xbd7: {  	[tilespmem:v3+s26+$0x0] =	vst.idx.msk $0xffff, v5  }
0xbd8: {  	v4 =	vld [tilespmem:s1+$0xFFFFFFA0]  }
0xbd9: {  	v5 =	vld [tilespmem:s1+$0xFFFFFFB0];
	_ =	sdelay $0x3  }
0xbda: {  	[tilespmem:v2+s28+$0x0] =	vst.idx.msk $0xffff, v4  }
0xbdb: {  	[tilespmem:v3+s28+$0x0] =	vst.idx.msk $0xffff, v5  }
0xbdc: {  	v4 =	vld [tilespmem:s1+$0xFFFFFFC0]  }
0xbdd: {  	v5 =	vld [tilespmem:s1+$0xFFFFFFD0];
	_ =	sdelay $0x3  }
0xbde: {  	[tilespmem:v2+s29+$0x0] =	vst.idx.msk $0xffff, v4  }
0xbdf: {  	[tilespmem:v3+s29+$0x0] =	vst.idx.msk $0xffff, v5  }
0xbe0: {  	v4 =	vld [tilespmem:s1+$0xFFFFFFE0]  }
0xbe1: {  	v5 =	vld [tilespmem:s1+$0xFFFFFFF0];
	_ =	sdelay $0x3  }
0xbe2: {  	[tilespmem:v2+s30+$0x0] =	vst.idx.msk $0xffff, v4  }
0xbe3: {  	[tilespmem:v3+s30+$0x0] =	vst.idx.msk $0xffff, v5  }
0xbe4: {  	v4 =	vld [tilespmem:s1+$0x0]  }
0xbe5: {  	v5 =	vld [tilespmem:s1+$0x10];
	_ =	sdelay $0x3  }
0xbe6: {  	[tilespmem:v2+s31+$0x0] =	vst.idx.msk $0xffff, v4  }
0xbe7: {  	[tilespmem:v3+s31+$0x0] =	vst.idx.msk $0xffff, v5  }
0xbe8: {  	v4 =	vld [tilespmem:s1+$0x20]  }
0xbe9: {  	v5 =	vld [tilespmem:s1+$0x30];
	_ =	sdelay $0x2  }
0xbea: {  	s0 =	simm.s32 $0x1D000  }
0xbeb: {  	[tilespmem:v2+s0+$0x0] =	vst.idx.msk $0xffff, v4  }
0xbec: {  	[tilespmem:v3+s0+$0x0] =	vst.idx.msk $0xffff, v5  }
0xbed: {  	v4 =	vld [tilespmem:s1+$0x40]  }
0xbee: {  	v5 =	vld [tilespmem:s1+$0x50];
	_ =	sdelay $0x3  }
0xbef: {  	[tilespmem:v2+s2+$0x0] =	vst.idx.msk $0xffff, v4  }
0xbf0: {  	[tilespmem:v3+s2+$0x0] =	vst.idx.msk $0xffff, v5  }
0xbf1: {  	v4 =	vld [tilespmem:s1+$0x60]  }
0xbf2: {  	v5 =	vld [tilespmem:s1+$0x70];
	_ =	sdelay $0x2  }
0xbf3: {  	s8 =	simm.s32 $0x1D400  }
0xbf4: {  	[tilespmem:v2+s8+$0x0] =	vst.idx.msk $0xffff, v4  }
0xbf5: {  	[tilespmem:v3+s8+$0x0] =	vst.idx.msk $0xffff, v5  }
0xbf6: {  	v4 =	vld [tilespmem:s1+$0x80]  }
0xbf7: {  	v5 =	vld [tilespmem:s1+$0x90];
	_ =	sdelay $0x2  }
0xbf8: {  	s9 =	simm.s32 $0x1D600  }
0xbf9: {  	[tilespmem:v2+s9+$0x0] =	vst.idx.msk $0xffff, v4  }
0xbfa: {  	[tilespmem:v3+s9+$0x0] =	vst.idx.msk $0xffff, v5  }
0xbfb: {  	v4 =	vld [tilespmem:s1+$0xA0]  }
0xbfc: {  	v5 =	vld [tilespmem:s1+$0xB0];
	_ =	sdelay $0x2  }
0xbfd: {  	s10 =	simm.s32 $0x1D800  }
0xbfe: {  	[tilespmem:v2+s10+$0x0] =	vst.idx.msk $0xffff, v4  }
0xbff: {  	[tilespmem:v3+s10+$0x0] =	vst.idx.msk $0xffff, v5  }
0xc00: {  	v4 =	vld [tilespmem:s1+$0xC0]  }
0xc01: {  	v5 =	vld [tilespmem:s1+$0xD0];
	_ =	sdelay $0x2  }
0xc02: {  	s11 =	simm.s32 $0x1DA00  }
0xc03: {  	[tilespmem:v2+s11+$0x0] =	vst.idx.msk $0xffff, v4  }
0xc04: {  	[tilespmem:v3+s11+$0x0] =	vst.idx.msk $0xffff, v5  }
0xc05: {  	v4 =	vld [tilespmem:s1+$0xE0]  }
0xc06: {  	v5 =	vld [tilespmem:s1+$0xF0];
	_ =	sdelay $0x2  }
0xc07: {  	s12 =	simm.s32 $0x1DC00  }
0xc08: {  	[tilespmem:v2+s12+$0x0] =	vst.idx.msk $0xffff, v4  }
0xc09: {  	[tilespmem:v3+s12+$0x0] =	vst.idx.msk $0xffff, v5  }
0xc0a: {  	v4 =	vld [tilespmem:s1+$0x100]  }
0xc0b: {  	v5 =	vld [tilespmem:s1+$0x110];
	_ =	sdelay $0x2  }
0xc0c: {  	s13 =	simm.s32 $0x1DE00  }
0xc0d: {  	[tilespmem:v2+s13+$0x0] =	vst.idx.msk $0xffff, v4  }
0xc0e: {  	[tilespmem:v3+s13+$0x0] =	vst.idx.msk $0xffff, v5  }
0xc0f: {  	v4 =	vld [tilespmem:s1+$0x120]  }
0xc10: {  	v5 =	vld [tilespmem:s1+$0x130];
	_ =	sdelay $0x2  }
0xc11: {  	s14 =	simm.s32 $0x1E000  }
0xc12: {  	[tilespmem:v2+s14+$0x0] =	vst.idx.msk $0xffff, v4  }
0xc13: {  	[tilespmem:v3+s14+$0x0] =	vst.idx.msk $0xffff, v5  }
0xc14: {  	v4 =	vld [tilespmem:s1+$0x140]  }
0xc15: {  	v5 =	vld [tilespmem:s1+$0x150];
	_ =	sdelay $0x2  }
0xc16: {  	s15 =	simm.s32 $0x1E200  }
0xc17: {  	[tilespmem:v2+s15+$0x0] =	vst.idx.msk $0xffff, v4  }
0xc18: {  	[tilespmem:v3+s15+$0x0] =	vst.idx.msk $0xffff, v5  }
0xc19: {  	v4 =	vld [tilespmem:s1+$0x160]  }
0xc1a: {  	v5 =	vld [tilespmem:s1+$0x170];
	_ =	sdelay $0x2  }
0xc1b: {  	s16 =	simm.s32 $0x1E400  }
0xc1c: {  	[tilespmem:v2+s16+$0x0] =	vst.idx.msk $0xffff, v4  }
0xc1d: {  	[tilespmem:v3+s16+$0x0] =	vst.idx.msk $0xffff, v5  }
0xc1e: {  	v4 =	vld [tilespmem:s1+$0x180]  }
0xc1f: {  	v5 =	vld [tilespmem:s1+$0x190];
	_ =	sdelay $0x2  }
0xc20: {  	s17 =	simm.s32 $0x1E600  }
0xc21: {  	[tilespmem:v2+s17+$0x0] =	vst.idx.msk $0xffff, v4  }
0xc22: {  	[tilespmem:v3+s17+$0x0] =	vst.idx.msk $0xffff, v5  }
0xc23: {  	v4 =	vld [tilespmem:s1+$0x1A0]  }
0xc24: {  	v5 =	vld [tilespmem:s1+$0x1B0];
	_ =	sdelay $0x2  }
0xc25: {  	s18 =	simm.s32 $0x1E800  }
0xc26: {  	[tilespmem:v2+s18+$0x0] =	vst.idx.msk $0xffff, v4  }
0xc27: {  	[tilespmem:v3+s18+$0x0] =	vst.idx.msk $0xffff, v5  }
0xc28: {  	v4 =	vld [tilespmem:s1+$0x1C0]  }
0xc29: {  	v5 =	vld [tilespmem:s1+$0x1D0];
	_ =	sdelay $0x2  }
0xc2a: {  	s19 =	simm.s32 $0x1EA00  }
0xc2b: {  	[tilespmem:v2+s19+$0x0] =	vst.idx.msk $0xffff, v4  }
0xc2c: {  	[tilespmem:v3+s19+$0x0] =	vst.idx.msk $0xffff, v5  }
0xc2d: {  	v4 =	vld [tilespmem:s1+$0x1E0]  }
0xc2e: {  	v5 =	vld [tilespmem:s1+$0x1F0];
	_ =	sdelay $0x2  }
0xc2f: {  	s20 =	simm.s32 $0x1EC00  }
0xc30: {  	[tilespmem:v2+s20+$0x0] =	vst.idx.msk $0xffff, v4  }
0xc31: {  	[tilespmem:v3+s20+$0x0] =	vst.idx.msk $0xffff, v5  }
0xc32: {  	v4 =	vld [tilespmem:s1+$0x200]  }
0xc33: {  	v5 =	vld [tilespmem:s1+$0x210];
	_ =	sdelay $0x2  }
0xc34: {  	s21 =	simm.s32 $0x1EE00  }
0xc35: {  	[tilespmem:v2+s21+$0x0] =	vst.idx.msk $0xffff, v4  }
0xc36: {  	[tilespmem:v3+s21+$0x0] =	vst.idx.msk $0xffff, v5  }
0xc37: {  	v4 =	vld [tilespmem:s1+$0x220]  }
0xc38: {  	v5 =	vld [tilespmem:s1+$0x230];
	_ =	sdelay $0x2  }
0xc39: {  	s22 =	simm.s32 $0x1F000  }
0xc3a: {  	[tilespmem:v2+s22+$0x0] =	vst.idx.msk $0xffff, v4  }
0xc3b: {  	[tilespmem:v3+s22+$0x0] =	vst.idx.msk $0xffff, v5  }
0xc3c: {  	v4 =	vld [tilespmem:s1+$0x240]  }
0xc3d: {  	v5 =	vld [tilespmem:s1+$0x250];
	_ =	sdelay $0x2  }
0xc3e: {  	s23 =	simm.s32 $0x1F200  }
0xc3f: {  	[tilespmem:v2+s23+$0x0] =	vst.idx.msk $0xffff, v4  }
0xc40: {  	[tilespmem:v3+s23+$0x0] =	vst.idx.msk $0xffff, v5  }
0xc41: {  	v4 =	vld [tilespmem:s1+$0x260]  }
0xc42: {  	v5 =	vld [tilespmem:s1+$0x270];
	_ =	sdelay $0x2  }
0xc43: {  	s24 =	simm.s32 $0x1F400  }
0xc44: {  	[tilespmem:v2+s24+$0x0] =	vst.idx.msk $0xffff, v4  }
0xc45: {  	[tilespmem:v3+s24+$0x0] =	vst.idx.msk $0xffff, v5  }
0xc46: {  	v4 =	vld [tilespmem:s1+$0x280]  }
0xc47: {  	v5 =	vld [tilespmem:s1+$0x290];
	_ =	sdelay $0x2  }
0xc48: {  	s26 =	simm.s32 $0x1F600  }
0xc49: {  	[tilespmem:v2+s26+$0x0] =	vst.idx.msk $0xffff, v4  }
0xc4a: {  	[tilespmem:v3+s26+$0x0] =	vst.idx.msk $0xffff, v5  }
0xc4b: {  	v4 =	vld [tilespmem:s1+$0x2A0]  }
0xc4c: {  	v5 =	vld [tilespmem:s1+$0x2B0];
	_ =	sdelay $0x2  }
0xc4d: {  	s28 =	simm.s32 $0x1F800  }
0xc4e: {  	[tilespmem:v2+s28+$0x0] =	vst.idx.msk $0xffff, v4  }
0xc4f: {  	[tilespmem:v3+s28+$0x0] =	vst.idx.msk $0xffff, v5  }
0xc50: {  	v4 =	vld [tilespmem:s1+$0x2C0]  }
0xc51: {  	v5 =	vld [tilespmem:s1+$0x2D0];
	_ =	sdelay $0x2  }
0xc52: {  	s29 =	simm.s32 $0x1FA00  }
0xc53: {  	[tilespmem:v2+s29+$0x0] =	vst.idx.msk $0xffff, v4  }
0xc54: {  	[tilespmem:v3+s29+$0x0] =	vst.idx.msk $0xffff, v5  }
0xc55: {  	v4 =	vld [tilespmem:s1+$0x2E0]  }
0xc56: {  	v5 =	vld [tilespmem:s1+$0x2F0];
	_ =	sdelay $0x2  }
0xc57: {  	s30 =	simm.s32 $0x1FC00  }
0xc58: {  	[tilespmem:v2+s30+$0x0] =	vst.idx.msk $0xffff, v4  }
0xc59: {  	[tilespmem:v3+s30+$0x0] =	vst.idx.msk $0xffff, v5  }
0xc5a: {  	v4 =	vld [tilespmem:s1+$0x300]  }
0xc5b: {  	v5 =	vld [tilespmem:s1+$0x310];
	_ =	sdelay $0x3  }
0xc5c: {  	s31 =	simm.s32 $0x19C00;
	s0 =	simm.s32 $0x10;
	[tilespmem:v2+s25+$0x0] =	vst.idx.msk $0xffff, v4  }
0xc5d: {  	s2 =	simm.s32 $0x80;
	s17 =	rddreg [dreg:$0x7];
	s1 =	simm.s32 $0x200;
	[tilespmem:v3+s25+$0x0] =	vst.idx.msk $0xffff, v5  }
0xc5e: {  	[hbm4b:s17+s0] =	stream.strided.scatter [tilespmem:s31], [sflag:$0x4], $0x80, s2, s0, $0x38;
	v63 =	vld [tilespmem:$0x0]  }
.LBB2_18:
0xc5f: {  	p0 =	sne.s32 s1, $0x18E00  }
.Ltmp8:
0xc60: {  	_ = 	snop;
	(pc) =	sbr.rel @p0 .LBB2_18-.Ltmp8, $4  }
0xc61: {  	_ = 	snop  }
0xc62: {  	s25 =	sshra.s32 s1, $0x2;
	s1 =	sadd.s32 $0x200, s1  }
0xc63: {  	s17 =	sadd.s32 $0x4000, s17;
	s25 =	sadd.s32 $0x19C00, s25  }
0xc64: {  	[hbm4b:s17+s0] =	stream.strided.scatter [tilespmem:s25], [sflag:$0x4], $0x80, s2, s0, $0x38;
	v63 =	vld [tilespmem:$0x0]  }
0xc65: {  	s0 =	simm.s32 $0x3  }
0xc66: {  	_ =	swait.ge [sflag:s0], $0x6400  }
0xc67: {  	[sflag:s0] =	ssyncset.done $0x0  }
0xc68: {  	s31 =	simm.s32 $0x4;
	[sflag:s0] =	ssyncadd.s32 $0xFFFF9C00  }
0xc69: {  	_ =	swait.ge [sflag:s31], $0x6400  }
0xc6a: {  	s2 =	rddreg [dreg:$0x9]  }
0xc6b: {  	s1 =	rddreg [dreg:$0x8];
	s2 =	sadd.s32 $0x1, s2  }
0xc6c: {  	p0 =	sne.s32 s2, s1  }
.Ltmp9:
0xc6d: {  	_ = 	snop;
	(pc) =	sbr.rel @p0 .LBB2_1-.Ltmp9, $3  }
0xc6e: {  	_ =	sdelay $0x1  }
0xc6f: {  	[sflag:s31] =	ssyncset.done $0x0  }
0xc70: {  	[sflag:s31] =	ssyncadd.s32 $0xFFFF9C00  }
0xc71: {  	_ =	sfence.sel $0x180000  }
0xc72: {  	[bflag:$0x0] =	sbarrier.arrive $0xFFFF  }
0xc73: {  	_ =	strace $0x90000047  }
0xc74: {  	s0 =	stileid.u32;
	[bflag:$0x2] =	sbarrier.arrive $0xFFFF  }
0xc75: {  	p0 =	sne.s32 s0, $0x0;
	s0 =	rddreg [dreg:$0x2]  }
0xc76: {  	s0 =	sadd.s32 @!p0 $0x100000, s0  }
0xc77: {  	[sflag:s0] =	ssyncadd.tile.s32 @!p0 $0x1;
	_ =	shalt  }
.Lfunc_end2:
_tile_overlayer_lowered:
.L_overlay_start_2:
0xc78: {  	(tag) =	ssettag $0x2  }
0xc79: {  	s0 =	rddreg [dreg:$0x0];
	s2 =	stileid.u32  }
0xc7a: {  	s1 =	rddreg [dreg:$0x1];
	p0 =	sne.s32 s2, $0x0  }
0xc7b: {  	s3 =	rddreg [dreg:$0x2];
	[bflag:$0x3] =	sbarrier.arrive $0xFFFF;
	s2 =	simm.s32 @!p0 $0x1C05  }
0xc7c: {  	[timem:s3], [sflag:s2] =	dma.local @!p0 [hbm:s0], s1  }
0xc7d: {  	s0 =	simm.s32 @!p0 $0x5  }
0xc7e: {  	_ =	swait.ge @!p0 [sflag:s0], s1  }
0xc7f: {  	s1 =	ssub.s32 @!p0 $0x0, s1;
	[sflag:s0] =	ssyncset.done @!p0 $0x0  }
0xc80: {  	[sflag:s0] =	ssyncadd.s32 @!p0 s1  }
0xc81: {  	[bflag:$0x3] =	sbarrier.arrive $0xFFFF  }
0xc82: {  	_ =	shalt  }

</sc_bundles>
